<compile_context>
chip_gen: v7x
topology: tpu7x:2x2x1
jax: 0.10.2.dev20260603
libtpu: 0.0.44.dev20260713+nightly
codegen_flags: <defaults>
</compile_context>

<pallas_src>
import functools

import jax
import jax.numpy as jnp
from jax import lax
from jax.experimental import pallas as pl
from jax.experimental.pallas import tpu as pltpu
from jax.experimental.pallas import tpu_sc as plsc

B = 128
V = 100000
K = 50
KRAW = 64
OUT = 80
CAP = 2048
UNR = 25
BLK = 10
NW = 32
RPW = B // NW
TEMP = 0.8
P_TOP = 0.95
NEG = float("-inf")
IMAX = 0x7FFFFFFF


def _sc_extract_body(x_hbm, ov_hbm, oi_hbm, data_v, vals_c, idx_c, u_c,
                     stage_v, stage_i):
    wid = lax.axis_index("s") * 2 + lax.axis_index("c")
    iota16 = lax.iota(jnp.int32, 16)
    neg16 = jnp.full((16,), NEG, jnp.float32)

    lane15 = jnp.full((16,), 15, jnp.int32)

    def slow_scan(off, base, t):
        cv = jnp.zeros((16,), jnp.int32) + jnp.minimum(off, CAP - 16)
        for w in range(BLK):
            b2 = base + w * 16
            v = data_v[pl.ds(b2, 16)]
            m = v >= t
            mi = m.astype(jnp.int32)
            pos = plsc.cumsum(mi)
            tgt = jnp.minimum(cv + pos - mi, CAP - 1)
            plsc.store_scatter(vals_c, [tgt], v, mask=m)
            plsc.store_scatter(idx_c, [tgt], iota16 + b2, mask=m)
            cv = cv + jnp.take(pos, lane15)

    def do_row(r, _):
        row = wid * RPW + r
        pltpu.sync_copy(x_hbm.at[pl.ds(row * V, V)], data_v)

        def top4_body(g, t):
            t1, t2, t3, t4 = t
            x = data_v[pl.ds(g * (16 * UNR), 16)]
            for w in range(1, UNR):
                x = jnp.maximum(x, data_v[pl.ds(g * (16 * UNR) + w * 16, 16)])
            t4 = jnp.maximum(t4, jnp.minimum(x, t3))
            t3 = jnp.maximum(t3, jnp.minimum(x, t2))
            t2 = jnp.maximum(t2, jnp.minimum(x, t1))
            t1 = jnp.maximum(t1, x)
            return t1, t2, t3, t4

        _, _, _, t4 = plsc.parallel_loop(
            0, V // (16 * UNR), unroll=2,
            carry=(neg16, neg16, neg16, neg16))(top4_body)
        t = jnp.min(t4)

        def blk_body(b, carry):
            cnt, psum, pbase = carry

            def run_slow(c, pbase=pbase, psum=psum):
                slow_scan(c, pbase, t)
                return c + psum

            cnt = lax.cond(psum > 0, run_slow, lambda c: c, cnt)
            base = b * BLK * 16
            acc = (data_v[pl.ds(base, 16)] >= t).astype(jnp.int32)
            for w in range(1, BLK):
                acc = acc + (data_v[pl.ds(base + w * 16, 16)] >=
                             t).astype(jnp.int32)
            nhit = jnp.sum(acc)
            return cnt, nhit, base

        cnt, psum, pbase = lax.fori_loop(
            0, V // (16 * BLK), blk_body,
            (jnp.int32(0), jnp.int32(0), jnp.int32(0)))

        def run_slow_tail(c):
            slow_scan(c, pbase, t)
            return c + psum

        cnt = lax.cond(psum > 0, run_slow_tail, lambda c: c, cnt)
        cnt = jnp.minimum(cnt, jnp.int32(CAP))
        nv = (cnt + 15) // 16

        def mono_body(j, _):
            x = vals_c[pl.ds(j * 16, 16)]
            b = plsc.bitcast(x + jnp.float32(0.0), jnp.int32)
            u = b ^ (lax.shift_right_arithmetic(b, 31) & jnp.int32(IMAX))
            valid = (j * 16 + iota16) < cnt
            u_c[pl.ds(j * 16, 16)] = jnp.where(valid, u,
                                               jnp.int32(-IMAX - 1))
            return 0

        lax.fori_loop(0, nv, mono_body, 0)

        tb = jnp.int32(0)
        for bit in range(31, -1, -1):
            cand = tb | (jnp.int32(1) << bit)
            probe = cand ^ jnp.int32(-IMAX - 1)

            def cnt_body(j, c, probe=probe):
                u = u_c[pl.ds(j * 16, 16)]
                return c + jnp.sum((u >= probe).astype(jnp.int32))

            c = lax.fori_loop(0, nv, cnt_body, jnp.int32(0))
            tb = jnp.where(c >= KRAW, cand, tb)
        t64 = tb ^ jnp.int32(-IMAX - 1)

        for jj in range(OUT // 16):
            stage_v[pl.ds(jj * 16, 16)] = neg16
            stage_i[pl.ds(jj * 16, 16)] = jnp.full((16,), IMAX, jnp.int32)

        def fcompact(j, oc):
            x = vals_c[pl.ds(j * 16, 16)]
            ix = idx_c[pl.ds(j * 16, 16)]
            u = u_c[pl.ds(j * 16, 16)]
            m = u >= t64
            s = jnp.sum(m.astype(jnp.int32))

            def do_store():
                plsc.store_compressed(stage_v.at[pl.ds(oc, 16)], x, mask=m)
                plsc.store_compressed(stage_i.at[pl.ds(oc, 16)], ix, mask=m)

            pl.when(oc + s <= OUT)(do_store)
            return oc + s

        lax.fori_loop(0, nv, fcompact, jnp.int32(0))

        pltpu.sync_copy(stage_v, ov_hbm.at[pl.ds(row * OUT, OUT)])
        pltpu.sync_copy(stage_i, oi_hbm.at[pl.ds(row * OUT, OUT)])
        return 0

    lax.fori_loop(0, RPW, do_row, 0)


@jax.jit
def _sc_extract(flat_logits):
    mesh = plsc.VectorSubcoreMesh(core_axis_name="c", subcore_axis_name="s")
    run = pl.kernel(
        _sc_extract_body,
        out_type=[
            jax.ShapeDtypeStruct((B * OUT,), jnp.float32),
            jax.ShapeDtypeStruct((B * OUT,), jnp.int32),
        ],
        mesh=mesh,
        compiler_params=pltpu.CompilerParams(needs_layout_passes=False,
                                             use_tc_tiling_on_sc=True),
        scratch_types=[
            pltpu.VMEM((V,), jnp.float32),
            pltpu.VMEM((CAP,), jnp.float32),
            pltpu.VMEM((CAP,), jnp.int32),
            pltpu.VMEM((CAP,), jnp.int32),
            pltpu.VMEM((OUT,), jnp.float32),
            pltpu.VMEM((OUT,), jnp.int32),
        ],
    )
    return run(flat_logits)


def _tc_final_body(vals_ref, idx_ref, tok_ref, lp_ref):
    v = vals_ref[...]
    ix = idx_ref[...]
    valid = v > NEG
    vs = v / jnp.float32(TEMP)

    sgc = jnp.zeros((B, OUT), jnp.int32)
    for j in range(OUT):
        vj = jnp.broadcast_to(vs[:, j:j + 1], (B, OUT))
        sgc = sgc + (vj > vs).astype(jnp.int32)
    keep_k = valid & (sgc < K)

    vk = jnp.where(keep_k, vs, NEG)
    M = jnp.max(vk, axis=1, keepdims=True)
    e = jnp.where(keep_k, jnp.exp(vk - M), 0.0)
    denom = jnp.sum(e, axis=1, keepdims=True)
    p = e / denom

    cum = jnp.zeros((B, OUT), jnp.float32)
    nb = jnp.zeros((B, OUT), jnp.float32)
    for j in range(OUT):
        vj = jnp.broadcast_to(vs[:, j:j + 1], (B, OUT))
        ij = jnp.broadcast_to(ix[:, j:j + 1], (B, OUT))
        pj = jnp.broadcast_to(p[:, j:j + 1], (B, OUT))
        gt = vj > vs
        eq = vj == vs
        prec = gt | (eq & (ij <= ix))
        sb = gt | (eq & (ij < ix))
        cum = cum + jnp.where(prec, pj, 0.0)
        nb = nb + jnp.where(sb, pj, 0.0)
    remove = (cum > jnp.float32(P_TOP)) & (nb > 0.0)
    keep = keep_k & ~remove

    brow = lax.broadcasted_iota(jnp.int32, (B, OUT), 0)
    flat = brow * V + jnp.where(valid, ix, 0)
    ks0 = jnp.uint32(0)
    ks1 = jnp.uint32(42)
    ks2 = ks0 ^ ks1 ^ jnp.uint32(0x1BD11BDA)
    x0 = jnp.zeros((B, OUT), jnp.uint32) + ks0
    x1 = flat.astype(jnp.uint32) + ks1
    rots = ((13, 15, 26, 6), (17, 29, 16, 24))

    def rounds(x0, x1, rr):
        for r in rr:
            x0 = x0 + x1
            x1 = (x1 << jnp.uint32(r)) | (x1 >> jnp.uint32(32 - r))
            x1 = x1 ^ x0
        return x0, x1

    x0, x1 = rounds(x0, x1, rots[0])
    x0 = x0 + ks1
    x1 = x1 + ks2 + jnp.uint32(1)
    x0, x1 = rounds(x0, x1, rots[1])
    x0 = x0 + ks2
    x1 = x1 + ks0 + jnp.uint32(2)
    x0, x1 = rounds(x0, x1, rots[0])
    x0 = x0 + ks0
    x1 = x1 + ks1 + jnp.uint32(3)
    x0, x1 = rounds(x0, x1, rots[1])
    x0 = x0 + ks1
    x1 = x1 + ks2 + jnp.uint32(4)
    x0, x1 = rounds(x0, x1, rots[0])
    x0 = x0 + ks2
    x1 = x1 + ks0 + jnp.uint32(5)
    bits = x0 ^ x1

    fb = (bits >> jnp.uint32(9)) | jnp.uint32(0x3F800000)
    fl = lax.bitcast_convert_type(fb, jnp.float32) - jnp.float32(1.0)
    tiny = jnp.float32(1.1754943508222875e-38)
    u = jnp.maximum(tiny, fl * (jnp.float32(1.0) - tiny) + tiny)
    g = -jnp.log(-jnp.log(u))

    score = jnp.where(keep, vk + g, NEG)
    smax = jnp.max(score, axis=1, keepdims=True)
    lane = lax.broadcasted_iota(jnp.int32, (B, OUT), 1)
    winlane = jnp.min(jnp.where(score == smax, lane, IMAX), axis=1,
                      keepdims=True)
    iswin = lane == winlane
    tok = jnp.sum(jnp.where(iswin, ix, 0), axis=1, keepdims=True)

    e2 = jnp.where(keep, jnp.exp(vk - M), 0.0)
    den2 = jnp.sum(e2, axis=1, keepdims=True)
    pw = jnp.sum(jnp.where(iswin, e2 / den2, 0.0), axis=1, keepdims=True)

    tok_ref[...] = tok
    lp_ref[...] = jnp.log(pw)


@jax.jit
def _tc_final(cand_vals, cand_idx):
    return pl.pallas_call(
        _tc_final_body,
        out_shape=[
            jax.ShapeDtypeStruct((B, 1), jnp.int32),
            jax.ShapeDtypeStruct((B, 1), jnp.float32),
        ],
    )(cand_vals, cand_idx)


def kernel(logits, top_k):
    del top_k
    cv_flat, ci_flat = _sc_extract(logits.reshape(-1))
    cand_vals = cv_flat.reshape(B, OUT)
    cand_idx = ci_flat.reshape(B, OUT)
    tok, lp = _tc_final(cand_vals, cand_idx)
    return tok.reshape(B), lp

# --- scband reference (transcript-rebuilt; emitter-appended) ---
"""Pipeline reference for scband-llm-22351009809300 (READ-ONLY COPY).

The authoritative reference and input builder live on the scoring server;
editing this copy changes nothing except your own understanding.
"""

import jax, jax.numpy as jnp
import numpy as np

TEMPERATURE = 0.8
TOP_P = 0.95


def setup_inputs(seed: int = 0) -> dict:
    key = jax.random.key(seed)
    logits = jax.random.normal(key, (128, 100000), dtype=jnp.float32) * 3.0
    return {"logits": logits, "top_k": 50}


def _filter_logits(logits, top_k):
    # temperature scaling
    logits = logits / TEMPERATURE
    B, V = logits.shape
    neg_inf = jnp.full_like(logits, -jnp.inf)
    # top-k filtering (same as _top_k_logits in the torch module)
    vals, _ = jax.lax.top_k(logits, 50)
    kth_index = jnp.broadcast_to(jnp.asarray(top_k - 1, dtype=jnp.int32), (B, 1))
    min_values = jnp.take_along_axis(vals, kth_index, axis=1)
    logits = jnp.where(logits < min_values, neg_inf, logits)
    # top-p (nucleus) filtering (same as _top_p_logits in the torch module)
    order = jnp.argsort(-logits, axis=-1)  # descending sort indices
    sorted_logits = jnp.take_along_axis(logits, order, axis=-1)
    cumulative_probs = jnp.cumsum(jax.nn.softmax(sorted_logits, axis=-1), axis=-1)
    remove_sorted = cumulative_probs > TOP_P
    remove_sorted = remove_sorted.at[:, 0].set(False)
    rows = jnp.arange(B)[:, None]
    # scatter mask back to original vocab order
    indices_to_remove = jnp.zeros_like(remove_sorted).at[rows, order].set(remove_sorted)
    logits = jnp.where(indices_to_remove, neg_inf, logits)
    return logits


def reference(logits, top_k):
    filtered = _filter_logits(logits, top_k)
    probs = jax.nn.softmax(filtered, axis=-1)
    # multinomial sample (do_sample=True) with a fixed key for determinism
    sample_key = jax.random.key(42)
    next_token = jax.random.categorical(sample_key, filtered, axis=-1)
    gathered = jnp.take_along_axis(probs, next_token[:, None], axis=1)
    logprob = jnp.log(gathered)
    return next_token, logprob

if __name__ == "__main__":
    import jax
    _d = setup_inputs()
    print(jax.jit(kernel)(*tuple(_d.values())))

</pallas_src>

<mosaic_0001>
#map = affine_map<(d0, d1) -> (0)>
module attributes {stable_mosaic.version = 14 : i64} {
  func.func @_sc_extract_body(%arg0: i32, %arg1: i32, %arg2: memref<12800000xf32, #tpu.memory_space<hbm>>, %arg3: memref<10240xf32, #tpu.memory_space<hbm>>, %arg4: memref<10240xi32, #tpu.memory_space<hbm>>, %arg5: memref<100000xf32, #tpu.memory_space<vmem>>, %arg6: memref<2048xf32, #tpu.memory_space<vmem>>, %arg7: memref<2048xi32, #tpu.memory_space<vmem>>, %arg8: memref<2048xi32, #tpu.memory_space<vmem>>, %arg9: memref<80xf32, #tpu.memory_space<vmem>>, %arg10: memref<80xi32, #tpu.memory_space<vmem>>) attributes {dimension_semantics = [#tpu.dimension_semantics<core_parallel>, #tpu.dimension_semantics<subcore_parallel>], iteration_bounds = array<i64: 2, 16>, scalar_prefetch = 0 : i64, scratch_operands = 6 : i64, tpu.core_type = #tpu.core_type<sc_vector_subcore>, window_params = [{transform_indices = #map}, {transform_indices = #map}, {transform_indices = #map}]} {
    %mul3A = arith.constant 2 : i32
    %mul3A_0 = arith.muli %arg1, %mul3A : i32
    %add3A = arith.addi %mul3A_0, %arg0 : i32
    %iota3A = tpu.iota {dimensions = array<i32: 0>} : vector<16xi32>
    %broadcast_in_dim3A = arith.constant 0xFF800000 : f32
    %broadcast_in_dim3A_1 = vector.broadcast %broadcast_in_dim3A : f32 to vector<16xf32>
    %broadcast_in_dim3A_2 = arith.constant 15 : i32
    %broadcast_in_dim3A_3 = vector.broadcast %broadcast_in_dim3A_2 : i32 to vector<16xi32>
    %scan3A = arith.constant 0 : i32
    %scan3A_4 = arith.constant 0 : i32
    %scan3A_5 = arith.constant 4 : i32
    %scan3A_6 = arith.addi %scan3A_4, %scan3A_5 : i32
    %scan3A_7 = arith.constant 1 : i32
    %scan3A_8 = scf.for %scan3A_10 = %scan3A_4 to %scan3A_6 step %scan3A_7 iter_args(%scan3A_11 = %scan3A) -> (i32)  : i32 {
      %mul3A_12 = arith.constant 4 : i32
      %mul3A_13 = arith.muli %add3A, %mul3A_12 : i32
      %add3A_14 = arith.addi %mul3A_13, %scan3A_10 : i32
      %mul3A_15 = arith.constant 100000 : i32
      %mul3A_16 = arith.muli %add3A_14, %mul3A_15 : i32
      "tpu.region"() ({
        %run_scoped3A = tpu.sem_alloc : memref<!tpu.dma_semaphore, #tpu.memory_space<semaphore_mem>>
        %dma_start3A = tpu.memref_slice %arg2[%mul3A_16] : memref<12800000xf32, #tpu.memory_space<hbm>> -> memref<100000xf32, #tpu.memory_space<hbm>>
        %dma_start3A_783 = tpu.memref_slice %arg2[%mul3A_16] : memref<12800000xf32, #tpu.memory_space<hbm>> -> memref<100000xf32, #tpu.memory_space<hbm>>
        tpu.enqueue_dma source(%dma_start3A_783 : memref<100000xf32, #tpu.memory_space<hbm>>) target(%arg5 : memref<100000xf32, #tpu.memory_space<vmem>>) target_semaphore(%run_scoped3A : memref<!tpu.dma_semaphore, #tpu.memory_space<semaphore_mem>>)
        %dma_wait3A = tpu.memref_slice %arg2[%mul3A_16] : memref<12800000xf32, #tpu.memory_space<hbm>> -> memref<100000xf32, #tpu.memory_space<hbm>>
        %dma_wait3A_784 = tpu.memref_slice %arg2[%mul3A_16] : memref<12800000xf32, #tpu.memory_space<hbm>> -> memref<100000xf32, #tpu.memory_space<hbm>>
        tpu.wait_dma2 semaphore(%run_scoped3A : memref<!tpu.dma_semaphore, #tpu.memory_space<semaphore_mem>>) src(%dma_wait3A_784 : memref<100000xf32, #tpu.memory_space<hbm>>) dst(%arg5 : memref<100000xf32, #tpu.memory_space<vmem>>)
        tpu.yield
      }) : () -> ()
      %parallel_loop3A = arith.constant 0 : i32
      %parallel_loop3A_17 = arith.constant 250 : i32
      %parallel_loop3A_18 = arith.constant 1 : i32
      %parallel_loop3A_19:4 = scf.for %parallel_loop3A_783 = %parallel_loop3A to %parallel_loop3A_17 step %parallel_loop3A_18 iter_args(%parallel_loop3A_784 = %broadcast_in_dim3A_1, %parallel_loop3A_785 = %broadcast_in_dim3A_1, %parallel_loop3A_786 = %broadcast_in_dim3A_1, %parallel_loop3A_787 = %broadcast_in_dim3A_1) -> (vector<16xf32>, vector<16xf32>, vector<16xf32>, vector<16xf32>)  : i32 {
        %parallel_loop3A_788 = arith.constant 400 : i32
        %parallel_loop3A_789 = arith.muli %parallel_loop3A_783, %parallel_loop3A_788 : i32
        %parallel_loop3A_790 = arith.index_cast %parallel_loop3A_789 : i32 to index
        %parallel_loop3A_791 = tpu.vector_load %arg5[%parallel_loop3A_790] {strides = array<i32>} : memref<100000xf32, #tpu.memory_space<vmem>>, vector<16xf32>,
        %parallel_loop3A_792 = arith.constant 400 : i32
        %parallel_loop3A_793 = arith.muli %parallel_loop3A_783, %parallel_loop3A_792 : i32
        %parallel_loop3A_794 = arith.constant 16 : i32
        %parallel_loop3A_795 = arith.addi %parallel_loop3A_793, %parallel_loop3A_794 : i32
        %parallel_loop3A_796 = arith.index_cast %parallel_loop3A_795 : i32 to index
        %parallel_loop3A_797 = tpu.vector_load %arg5[%parallel_loop3A_796] {strides = array<i32>} : memref<100000xf32, #tpu.memory_space<vmem>>, vector<16xf32>,
        %parallel_loop3A_798 = arith.maximumf %parallel_loop3A_791, %parallel_loop3A_797 : vector<16xf32>
        %parallel_loop3A_799 = arith.constant 400 : i32
        %parallel_loop3A_800 = arith.muli %parallel_loop3A_783, %parallel_loop3A_799 : i32
        %parallel_loop3A_801 = arith.constant 32 : i32
        %parallel_loop3A_802 = arith.addi %parallel_loop3A_800, %parallel_loop3A_801 : i32
        %parallel_loop3A_803 = arith.index_cast %parallel_loop3A_802 : i32 to index
        %parallel_loop3A_804 = tpu.vector_load %arg5[%parallel_loop3A_803] {strides = array<i32>} : memref<100000xf32, #tpu.memory_space<vmem>>, vector<16xf32>,
        %parallel_loop3A_805 = arith.maximumf %parallel_loop3A_798, %parallel_loop3A_804 : vector<16xf32>
        %parallel_loop3A_806 = arith.constant 400 : i32
        %parallel_loop3A_807 = arith.muli %parallel_loop3A_783, %parallel_loop3A_806 : i32
        %parallel_loop3A_808 = arith.constant 48 : i32
        %parallel_loop3A_809 = arith.addi %parallel_loop3A_807, %parallel_loop3A_808 : i32
        %parallel_loop3A_810 = arith.index_cast %parallel_loop3A_809 : i32 to index
        %parallel_loop3A_811 = tpu.vector_load %arg5[%parallel_loop3A_810] {strides = array<i32>} : memref<100000xf32, #tpu.memory_space<vmem>>, vector<16xf32>,
        %parallel_loop3A_812 = arith.maximumf %parallel_loop3A_805, %parallel_loop3A_811 : vector<16xf32>
        %parallel_loop3A_813 = arith.constant 400 : i32
        %parallel_loop3A_814 = arith.muli %parallel_loop3A_783, %parallel_loop3A_813 : i32
        %parallel_loop3A_815 = arith.constant 64 : i32
        %parallel_loop3A_816 = arith.addi %parallel_loop3A_814, %parallel_loop3A_815 : i32
        %parallel_loop3A_817 = arith.index_cast %parallel_loop3A_816 : i32 to index
        %parallel_loop3A_818 = tpu.vector_load %arg5[%parallel_loop3A_817] {strides = array<i32>} : memref<100000xf32, #tpu.memory_space<vmem>>, vector<16xf32>,
        %parallel_loop3A_819 = arith.maximumf %parallel_loop3A_812, %parallel_loop3A_818 : vector<16xf32>
        %parallel_loop3A_820 = arith.constant 400 : i32
        %parallel_loop3A_821 = arith.muli %parallel_loop3A_783, %parallel_loop3A_820 : i32
        %parallel_loop3A_822 = arith.constant 80 : i32
        %parallel_loop3A_823 = arith.addi %parallel_loop3A_821, %parallel_loop3A_822 : i32
        %parallel_loop3A_824 = arith.index_cast %parallel_loop3A_823 : i32 to index
        %parallel_loop3A_825 = tpu.vector_load %arg5[%parallel_loop3A_824] {strides = array<i32>} : memref<100000xf32, #tpu.memory_space<vmem>>, vector<16xf32>,
        %parallel_loop3A_826 = arith.maximumf %parallel_loop3A_819, %parallel_loop3A_825 : vector<16xf32>
        %parallel_loop3A_827 = arith.constant 400 : i32
        %parallel_loop3A_828 = arith.muli %parallel_loop3A_783, %parallel_loop3A_827 : i32
        %parallel_loop3A_829 = arith.constant 96 : i32
        %parallel_loop3A_830 = arith.addi %parallel_loop3A_828, %parallel_loop3A_829 : i32
        %parallel_loop3A_831 = arith.index_cast %parallel_loop3A_830 : i32 to index
        %parallel_loop3A_832 = tpu.vector_load %arg5[%parallel_loop3A_831] {strides = array<i32>} : memref<100000xf32, #tpu.memory_space<vmem>>, vector<16xf32>,
        %parallel_loop3A_833 = arith.maximumf %parallel_loop3A_826, %parallel_loop3A_832 : vector<16xf32>
        %parallel_loop3A_834 = arith.constant 400 : i32
        %parallel_loop3A_835 = arith.muli %parallel_loop3A_783, %parallel_loop3A_834 : i32
        %parallel_loop3A_836 = arith.constant 112 : i32
        %parallel_loop3A_837 = arith.addi %parallel_loop3A_835, %parallel_loop3A_836 : i32
        %parallel_loop3A_838 = arith.index_cast %parallel_loop3A_837 : i32 to index
        %parallel_loop3A_839 = tpu.vector_load %arg5[%parallel_loop3A_838] {strides = array<i32>} : memref<100000xf32, #tpu.memory_space<vmem>>, vector<16xf32>,
        %parallel_loop3A_840 = arith.maximumf %parallel_loop3A_833, %parallel_loop3A_839 : vector<16xf32>
        %parallel_loop3A_841 = arith.constant 400 : i32
        %parallel_loop3A_842 = arith.muli %parallel_loop3A_783, %parallel_loop3A_841 : i32
        %parallel_loop3A_843 = arith.constant 128 : i32
        %parallel_loop3A_844 = arith.addi %parallel_loop3A_842, %parallel_loop3A_843 : i32
        %parallel_loop3A_845 = arith.index_cast %parallel_loop3A_844 : i32 to index
        %parallel_loop3A_846 = tpu.vector_load %arg5[%parallel_loop3A_845] {strides = array<i32>} : memref<100000xf32, #tpu.memory_space<vmem>>, vector<16xf32>,
        %parallel_loop3A_847 = arith.maximumf %parallel_loop3A_840, %parallel_loop3A_846 : vector<16xf32>
        %parallel_loop3A_848 = arith.constant 400 : i32
        %parallel_loop3A_849 = arith.muli %parallel_loop3A_783, %parallel_loop3A_848 : i32
        %parallel_loop3A_850 = arith.constant 144 : i32
        %parallel_loop3A_851 = arith.addi %parallel_loop3A_849, %parallel_loop3A_850 : i32
        %parallel_loop3A_852 = arith.index_cast %parallel_loop3A_851 : i32 to index
        %parallel_loop3A_853 = tpu.vector_load %arg5[%parallel_loop3A_852] {strides = array<i32>} : memref<100000xf32, #tpu.memory_space<vmem>>, vector<16xf32>,
        %parallel_loop3A_854 = arith.maximumf %parallel_loop3A_847, %parallel_loop3A_853 : vector<16xf32>
        %parallel_loop3A_855 = arith.constant 400 : i32
        %parallel_loop3A_856 = arith.muli %parallel_loop3A_783, %parallel_loop3A_855 : i32
        %parallel_loop3A_857 = arith.constant 160 : i32
        %parallel_loop3A_858 = arith.addi %parallel_loop3A_856, %parallel_loop3A_857 : i32
        %parallel_loop3A_859 = arith.index_cast %parallel_loop3A_858 : i32 to index
        %parallel_loop3A_860 = tpu.vector_load %arg5[%parallel_loop3A_859] {strides = array<i32>} : memref<100000xf32, #tpu.memory_space<vmem>>, vector<16xf32>,
        %parallel_loop3A_861 = arith.maximumf %parallel_loop3A_854, %parallel_loop3A_860 : vector<16xf32>
        %parallel_loop3A_862 = arith.constant 400 : i32
        %parallel_loop3A_863 = arith.muli %parallel_loop3A_783, %parallel_loop3A_862 : i32
        %parallel_loop3A_864 = arith.constant 176 : i32
        %parallel_loop3A_865 = arith.addi %parallel_loop3A_863, %parallel_loop3A_864 : i32
        %parallel_loop3A_866 = arith.index_cast %parallel_loop3A_865 : i32 to index
        %parallel_loop3A_867 = tpu.vector_load %arg5[%parallel_loop3A_866] {strides = array<i32>} : memref<100000xf32, #tpu.memory_space<vmem>>, vector<16xf32>,
        %parallel_loop3A_868 = arith.maximumf %parallel_loop3A_861, %parallel_loop3A_867 : vector<16xf32>
        %parallel_loop3A_869 = arith.constant 400 : i32
        %parallel_loop3A_870 = arith.muli %parallel_loop3A_783, %parallel_loop3A_869 : i32
        %parallel_loop3A_871 = arith.constant 192 : i32
        %parallel_loop3A_872 = arith.addi %parallel_loop3A_870, %parallel_loop3A_871 : i32
        %parallel_loop3A_873 = arith.index_cast %parallel_loop3A_872 : i32 to index
        %parallel_loop3A_874 = tpu.vector_load %arg5[%parallel_loop3A_873] {strides = array<i32>} : memref<100000xf32, #tpu.memory_space<vmem>>, vector<16xf32>,
        %parallel_loop3A_875 = arith.maximumf %parallel_loop3A_868, %parallel_loop3A_874 : vector<16xf32>
        %parallel_loop3A_876 = arith.constant 400 : i32
        %parallel_loop3A_877 = arith.muli %parallel_loop3A_783, %parallel_loop3A_876 : i32
        %parallel_loop3A_878 = arith.constant 208 : i32
        %parallel_loop3A_879 = arith.addi %parallel_loop3A_877, %parallel_loop3A_878 : i32
        %parallel_loop3A_880 = arith.index_cast %parallel_loop3A_879 : i32 to index
        %parallel_loop3A_881 = tpu.vector_load %arg5[%parallel_loop3A_880] {strides = array<i32>} : memref<100000xf32, #tpu.memory_space<vmem>>, vector<16xf32>,
        %parallel_loop3A_882 = arith.maximumf %parallel_loop3A_875, %parallel_loop3A_881 : vector<16xf32>
        %parallel_loop3A_883 = arith.constant 400 : i32
        %parallel_loop3A_884 = arith.muli %parallel_loop3A_783, %parallel_loop3A_883 : i32
        %parallel_loop3A_885 = arith.constant 224 : i32
        %parallel_loop3A_886 = arith.addi %parallel_loop3A_884, %parallel_loop3A_885 : i32
        %parallel_loop3A_887 = arith.index_cast %parallel_loop3A_886 : i32 to index
        %parallel_loop3A_888 = tpu.vector_load %arg5[%parallel_loop3A_887] {strides = array<i32>} : memref<100000xf32, #tpu.memory_space<vmem>>, vector<16xf32>,
        %parallel_loop3A_889 = arith.maximumf %parallel_loop3A_882, %parallel_loop3A_888 : vector<16xf32>
        %parallel_loop3A_890 = arith.constant 400 : i32
        %parallel_loop3A_891 = arith.muli %parallel_loop3A_783, %parallel_loop3A_890 : i32
        %parallel_loop3A_892 = arith.constant 240 : i32
        %parallel_loop3A_893 = arith.addi %parallel_loop3A_891, %parallel_loop3A_892 : i32
        %parallel_loop3A_894 = arith.index_cast %parallel_loop3A_893 : i32 to index
        %parallel_loop3A_895 = tpu.vector_load %arg5[%parallel_loop3A_894] {strides = array<i32>} : memref<100000xf32, #tpu.memory_space<vmem>>, vector<16xf32>,
        %parallel_loop3A_896 = arith.maximumf %parallel_loop3A_889, %parallel_loop3A_895 : vector<16xf32>
        %parallel_loop3A_897 = arith.constant 400 : i32
        %parallel_loop3A_898 = arith.muli %parallel_loop3A_783, %parallel_loop3A_897 : i32
        %parallel_loop3A_899 = arith.constant 256 : i32
        %parallel_loop3A_900 = arith.addi %parallel_loop3A_898, %parallel_loop3A_899 : i32
        %parallel_loop3A_901 = arith.index_cast %parallel_loop3A_900 : i32 to index
        %parallel_loop3A_902 = tpu.vector_load %arg5[%parallel_loop3A_901] {strides = array<i32>} : memref<100000xf32, #tpu.memory_space<vmem>>, vector<16xf32>,
        %parallel_loop3A_903 = arith.maximumf %parallel_loop3A_896, %parallel_loop3A_902 : vector<16xf32>
        %parallel_loop3A_904 = arith.constant 400 : i32
        %parallel_loop3A_905 = arith.muli %parallel_loop3A_783, %parallel_loop3A_904 : i32
        %parallel_loop3A_906 = arith.constant 272 : i32
        %parallel_loop3A_907 = arith.addi %parallel_loop3A_905, %parallel_loop3A_906 : i32
        %parallel_loop3A_908 = arith.index_cast %parallel_loop3A_907 : i32 to index
        %parallel_loop3A_909 = tpu.vector_load %arg5[%parallel_loop3A_908] {strides = array<i32>} : memref<100000xf32, #tpu.memory_space<vmem>>, vector<16xf32>,
        %parallel_loop3A_910 = arith.maximumf %parallel_loop3A_903, %parallel_loop3A_909 : vector<16xf32>
        %parallel_loop3A_911 = arith.constant 400 : i32
        %parallel_loop3A_912 = arith.muli %parallel_loop3A_783, %parallel_loop3A_911 : i32
        %parallel_loop3A_913 = arith.constant 288 : i32
        %parallel_loop3A_914 = arith.addi %parallel_loop3A_912, %parallel_loop3A_913 : i32
        %parallel_loop3A_915 = arith.index_cast %parallel_loop3A_914 : i32 to index
        %parallel_loop3A_916 = tpu.vector_load %arg5[%parallel_loop3A_915] {strides = array<i32>} : memref<100000xf32, #tpu.memory_space<vmem>>, vector<16xf32>,
        %parallel_loop3A_917 = arith.maximumf %parallel_loop3A_910, %parallel_loop3A_916 : vector<16xf32>
        %parallel_loop3A_918 = arith.constant 400 : i32
        %parallel_loop3A_919 = arith.muli %parallel_loop3A_783, %parallel_loop3A_918 : i32
        %parallel_loop3A_920 = arith.constant 304 : i32
        %parallel_loop3A_921 = arith.addi %parallel_loop3A_919, %parallel_loop3A_920 : i32
        %parallel_loop3A_922 = arith.index_cast %parallel_loop3A_921 : i32 to index
        %parallel_loop3A_923 = tpu.vector_load %arg5[%parallel_loop3A_922] {strides = array<i32>} : memref<100000xf32, #tpu.memory_space<vmem>>, vector<16xf32>,
        %parallel_loop3A_924 = arith.maximumf %parallel_loop3A_917, %parallel_loop3A_923 : vector<16xf32>
        %parallel_loop3A_925 = arith.constant 400 : i32
        %parallel_loop3A_926 = arith.muli %parallel_loop3A_783, %parallel_loop3A_925 : i32
        %parallel_loop3A_927 = arith.constant 320 : i32
        %parallel_loop3A_928 = arith.addi %parallel_loop3A_926, %parallel_loop3A_927 : i32
        %parallel_loop3A_929 = arith.index_cast %parallel_loop3A_928 : i32 to index
        %parallel_loop3A_930 = tpu.vector_load %arg5[%parallel_loop3A_929] {strides = array<i32>} : memref<100000xf32, #tpu.memory_space<vmem>>, vector<16xf32>,
        %parallel_loop3A_931 = arith.maximumf %parallel_loop3A_924, %parallel_loop3A_930 : vector<16xf32>
        %parallel_loop3A_932 = arith.constant 400 : i32
        %parallel_loop3A_933 = arith.muli %parallel_loop3A_783, %parallel_loop3A_932 : i32
        %parallel_loop3A_934 = arith.constant 336 : i32
        %parallel_loop3A_935 = arith.addi %parallel_loop3A_933, %parallel_loop3A_934 : i32
        %parallel_loop3A_936 = arith.index_cast %parallel_loop3A_935 : i32 to index
        %parallel_loop3A_937 = tpu.vector_load %arg5[%parallel_loop3A_936] {strides = array<i32>} : memref<100000xf32, #tpu.memory_space<vmem>>, vector<16xf32>,
        %parallel_loop3A_938 = arith.maximumf %parallel_loop3A_931, %parallel_loop3A_937 : vector<16xf32>
        %parallel_loop3A_939 = arith.constant 400 : i32
        %parallel_loop3A_940 = arith.muli %parallel_loop3A_783, %parallel_loop3A_939 : i32
        %parallel_loop3A_941 = arith.constant 352 : i32
        %parallel_loop3A_942 = arith.addi %parallel_loop3A_940, %parallel_loop3A_941 : i32
        %parallel_loop3A_943 = arith.index_cast %parallel_loop3A_942 : i32 to index
        %parallel_loop3A_944 = tpu.vector_load %arg5[%parallel_loop3A_943] {strides = array<i32>} : memref<100000xf32, #tpu.memory_space<vmem>>, vector<16xf32>,
        %parallel_loop3A_945 = arith.maximumf %parallel_loop3A_938, %parallel_loop3A_944 : vector<16xf32>
        %parallel_loop3A_946 = arith.constant 400 : i32
        %parallel_loop3A_947 = arith.muli %parallel_loop3A_783, %parallel_loop3A_946 : i32
        %parallel_loop3A_948 = arith.constant 368 : i32
        %parallel_loop3A_949 = arith.addi %parallel_loop3A_947, %parallel_loop3A_948 : i32
        %parallel_loop3A_950 = arith.index_cast %parallel_loop3A_949 : i32 to index
        %parallel_loop3A_951 = tpu.vector_load %arg5[%parallel_loop3A_950] {strides = array<i32>} : memref<100000xf32, #tpu.memory_space<vmem>>, vector<16xf32>,
        %parallel_loop3A_952 = arith.maximumf %parallel_loop3A_945, %parallel_loop3A_951 : vector<16xf32>
        %parallel_loop3A_953 = arith.constant 400 : i32
        %parallel_loop3A_954 = arith.muli %parallel_loop3A_783, %parallel_loop3A_953 : i32
        %parallel_loop3A_955 = arith.constant 384 : i32
        %parallel_loop3A_956 = arith.addi %parallel_loop3A_954, %parallel_loop3A_955 : i32
        %parallel_loop3A_957 = arith.index_cast %parallel_loop3A_956 : i32 to index
        %parallel_loop3A_958 = tpu.vector_load %arg5[%parallel_loop3A_957] {strides = array<i32>} : memref<100000xf32, #tpu.memory_space<vmem>>, vector<16xf32>,
        %parallel_loop3A_959 = arith.maximumf %parallel_loop3A_952, %parallel_loop3A_958 : vector<16xf32>
        %parallel_loop3A_960 = arith.minimumf %parallel_loop3A_959, %parallel_loop3A_786 : vector<16xf32>
        %parallel_loop3A_961 = arith.maximumf %parallel_loop3A_787, %parallel_loop3A_960 : vector<16xf32>
        %parallel_loop3A_962 = arith.minimumf %parallel_loop3A_959, %parallel_loop3A_785 : vector<16xf32>
        %parallel_loop3A_963 = arith.maximumf %parallel_loop3A_786, %parallel_loop3A_962 : vector<16xf32>
        %parallel_loop3A_964 = arith.minimumf %parallel_loop3A_959, %parallel_loop3A_784 : vector<16xf32>
        %parallel_loop3A_965 = arith.maximumf %parallel_loop3A_785, %parallel_loop3A_964 : vector<16xf32>
        %parallel_loop3A_966 = arith.maximumf %parallel_loop3A_784, %parallel_loop3A_959 : vector<16xf32>
        scf.yield %parallel_loop3A_966, %parallel_loop3A_965, %parallel_loop3A_963, %parallel_loop3A_961 : vector<16xf32>, vector<16xf32>, vector<16xf32>, vector<16xf32>
      } {sc.loop_unroll_factor = 2 : i64, sc.parallel_access}
      %reduce_min3A = arith.constant true
      %reduce_min3A_20 = vector.broadcast %reduce_min3A : i1 to vector<16xi1>
      %reduce_min3A_21 = tpu.scan <min>, %parallel_loop3A_19#3 masked %reduce_min3A_20 : vector<16xf32>, vector<16xi1> -> vector<16xf32>
      %reduce_min3A_22 = vector.extract %reduce_min3A_21[15] : f32 from vector<16xf32>
      %scan3A_23 = arith.constant 0 : i32
      %scan3A_24 = arith.constant 0 : i32
      %scan3A_25 = arith.constant 0 : i32
      %scan3A_26 = arith.constant 0 : i32
      %scan3A_27 = arith.constant 625 : i32
      %scan3A_28 = arith.addi %scan3A_26, %scan3A_27 : i32
      %scan3A_29 = arith.constant 1 : i32
      %scan3A_30:3 = scf.for %scan3A_783 = %scan3A_26 to %scan3A_28 step %scan3A_29 iter_args(%scan3A_784 = %scan3A_23, %scan3A_785 = %scan3A_24, %scan3A_786 = %scan3A_25) -> (i32, i32, i32)  : i32 {
        %gt3A_787 = arith.constant 0 : i32
        %gt3A_788 = arith.cmpi sgt, %scan3A_785, %gt3A_787 : i32
        %convert_element_type3A_789 = arith.extui %gt3A_788 : i1 to i32
        %cond3A_790 = arith.constant 0 : i32
        %cond3A_791 = arith.cmpi ne, %convert_element_type3A_789, %cond3A_790 : i32
        %cond3A_792 = scf.if %cond3A_791 -> (i32) {
          %broadcast_in_dim3A_876 = arith.constant 0 : i32
          %broadcast_in_dim3A_877 = vector.broadcast %broadcast_in_dim3A_876 : i32 to vector<16xi32>
          %min3A_878 = arith.constant 2032 : i32
          %min3A_879 = arith.minsi %scan3A_784, %min3A_878 : i32
          %add3A_880 = vector.broadcast %min3A_879 : i32 to vector<16xi32>
          %add3A_881 = arith.addi %broadcast_in_dim3A_877, %add3A_880 : vector<16xi32>
          %add3A_882 = arith.constant 0 : i32
          %add3A_883 = arith.addi %scan3A_786, %add3A_882 : i32
          %get3A_884 = arith.index_cast %add3A_883 : i32 to index
          %get3A_885 = tpu.vector_load %arg5[%get3A_884] {strides = array<i32>} : memref<100000xf32, #tpu.memory_space<vmem>>, vector<16xf32>,
          %ge3A_886 = vector.broadcast %reduce_min3A_22 : f32 to vector<16xf32>
          %ge3A_887 = arith.cmpf oge, %get3A_885, %ge3A_886 : vector<16xf32>
          %convert_element_type3A_888 = arith.extui %ge3A_887 : vector<16xi1> to vector<16xi32>
          %broadcast_in_dim3A_889 = arith.constant true
          %broadcast_in_dim3A_890 = vector.broadcast %broadcast_in_dim3A_889 : i1 to vector<16xi1>
          %masked_cumsum3A = tpu.scan <sum>, %convert_element_type3A_888 masked %broadcast_in_dim3A_890 : vector<16xi32>, vector<16xi1> -> vector<16xi32>
          %add3A_891 = arith.addi %add3A_881, %masked_cumsum3A : vector<16xi32>
          %sub3A_892 = arith.subi %add3A_891, %convert_element_type3A_888 : vector<16xi32>
          %min3A_893 = arith.constant 2047 : i32
          %min3A_894 = vector.broadcast %min3A_893 : i32 to vector<16xi32>
          %min3A_895 = arith.minsi %sub3A_892, %min3A_894 : vector<16xi32>
          tpu.vector_store_idx %arg6[%min3A_895], %get3A_885 masked %ge3A_887 : memref<2048xf32, #tpu.memory_space<vmem>>[vector<16xi32>], vector<16xf32>, vector<16xi1>
          %add3A_896 = vector.broadcast %add3A_883 : i32 to vector<16xi32>
          %add3A_897 = arith.addi %iota3A, %add3A_896 : vector<16xi32>
          tpu.vector_store_idx %arg7[%min3A_895], %add3A_897 masked %ge3A_887 : memref<2048xi32, #tpu.memory_space<vmem>>[vector<16xi32>], vector<16xi32>, vector<16xi1>
          %lt3A = arith.constant 0 : i32
          %lt3A_898 = vector.broadcast %lt3A : i32 to vector<16xi32>
          %lt3A_899 = arith.cmpi slt, %broadcast_in_dim3A_3, %lt3A_898 : vector<16xi32>
          %add3A_900 = arith.constant 16 : i32
          %add3A_901 = vector.broadcast %add3A_900 : i32 to vector<16xi32>
          %add3A_902 = arith.addi %broadcast_in_dim3A_3, %add3A_901 : vector<16xi32>
          %select_n3A_903 = arith.select %lt3A_899, %add3A_902, %broadcast_in_dim3A_3 : vector<16xi1>, vector<16xi32>
          %broadcast_in_dim3A_904 = vector.shape_cast %select_n3A_903 : vector<16xi32> to vector<16x1xi32>
          %gather3A = vector.shape_cast %broadcast_in_dim3A_904 : vector<16x1xi32> to vector<16xi32>
          %gather3A_905 = tpu.dynamic_gather %masked_cumsum3A[%gather3A] in [0] : vector<16xi32>, vector<16xi32> -> vector<16xi32>
          %add3A_906 = arith.addi %add3A_881, %gather3A_905 : vector<16xi32>
          %add3A_907 = arith.constant 16 : i32
          %add3A_908 = arith.addi %scan3A_786, %add3A_907 : i32
          %get3A_909 = arith.index_cast %add3A_908 : i32 to index
          %get3A_910 = tpu.vector_load %arg5[%get3A_909] {strides = array<i32>} : memref<100000xf32, #tpu.memory_space<vmem>>, vector<16xf32>,
          %ge3A_911 = vector.broadcast %reduce_min3A_22 : f32 to vector<16xf32>
          %ge3A_912 = arith.cmpf oge, %get3A_910, %ge3A_911 : vector<16xf32>
          %convert_element_type3A_913 = arith.extui %ge3A_912 : vector<16xi1> to vector<16xi32>
          %broadcast_in_dim3A_914 = arith.constant true
          %broadcast_in_dim3A_915 = vector.broadcast %broadcast_in_dim3A_914 : i1 to vector<16xi1>
          %masked_cumsum3A_916 = tpu.scan <sum>, %convert_element_type3A_913 masked %broadcast_in_dim3A_915 : vector<16xi32>, vector<16xi1> -> vector<16xi32>
          %add3A_917 = arith.addi %add3A_906, %masked_cumsum3A_916 : vector<16xi32>
          %sub3A_918 = arith.subi %add3A_917, %convert_element_type3A_913 : vector<16xi32>
          %min3A_919 = arith.constant 2047 : i32
          %min3A_920 = vector.broadcast %min3A_919 : i32 to vector<16xi32>
          %min3A_921 = arith.minsi %sub3A_918, %min3A_920 : vector<16xi32>
          tpu.vector_store_idx %arg6[%min3A_921], %get3A_910 masked %ge3A_912 : memref<2048xf32, #tpu.memory_space<vmem>>[vector<16xi32>], vector<16xf32>, vector<16xi1>
          %add3A_922 = vector.broadcast %add3A_908 : i32 to vector<16xi32>
          %add3A_923 = arith.addi %iota3A, %add3A_922 : vector<16xi32>
          tpu.vector_store_idx %arg7[%min3A_921], %add3A_923 masked %ge3A_912 : memref<2048xi32, #tpu.memory_space<vmem>>[vector<16xi32>], vector<16xi32>, vector<16xi1>
          %lt3A_924 = arith.constant 0 : i32
          %lt3A_925 = vector.broadcast %lt3A_924 : i32 to vector<16xi32>
          %lt3A_926 = arith.cmpi slt, %broadcast_in_dim3A_3, %lt3A_925 : vector<16xi32>
          %add3A_927 = arith.constant 16 : i32
          %add3A_928 = vector.broadcast %add3A_927 : i32 to vector<16xi32>
          %add3A_929 = arith.addi %broadcast_in_dim3A_3, %add3A_928 : vector<16xi32>
          %select_n3A_930 = arith.select %lt3A_926, %add3A_929, %broadcast_in_dim3A_3 : vector<16xi1>, vector<16xi32>
          %broadcast_in_dim3A_931 = vector.shape_cast %select_n3A_930 : vector<16xi32> to vector<16x1xi32>
          %gather3A_932 = vector.shape_cast %broadcast_in_dim3A_931 : vector<16x1xi32> to vector<16xi32>
          %gather3A_933 = tpu.dynamic_gather %masked_cumsum3A_916[%gather3A_932] in [0] : vector<16xi32>, vector<16xi32> -> vector<16xi32>
          %add3A_934 = arith.addi %add3A_906, %gather3A_933 : vector<16xi32>
          %add3A_935 = arith.constant 32 : i32
          %add3A_936 = arith.addi %scan3A_786, %add3A_935 : i32
          %get3A_937 = arith.index_cast %add3A_936 : i32 to index
          %get3A_938 = tpu.vector_load %arg5[%get3A_937] {strides = array<i32>} : memref<100000xf32, #tpu.memory_space<vmem>>, vector<16xf32>,
          %ge3A_939 = vector.broadcast %reduce_min3A_22 : f32 to vector<16xf32>
          %ge3A_940 = arith.cmpf oge, %get3A_938, %ge3A_939 : vector<16xf32>
          %convert_element_type3A_941 = arith.extui %ge3A_940 : vector<16xi1> to vector<16xi32>
          %broadcast_in_dim3A_942 = arith.constant true
          %broadcast_in_dim3A_943 = vector.broadcast %broadcast_in_dim3A_942 : i1 to vector<16xi1>
          %masked_cumsum3A_944 = tpu.scan <sum>, %convert_element_type3A_941 masked %broadcast_in_dim3A_943 : vector<16xi32>, vector<16xi1> -> vector<16xi32>
          %add3A_945 = arith.addi %add3A_934, %masked_cumsum3A_944 : vector<16xi32>
          %sub3A_946 = arith.subi %add3A_945, %convert_element_type3A_941 : vector<16xi32>
          %min3A_947 = arith.constant 2047 : i32
          %min3A_948 = vector.broadcast %min3A_947 : i32 to vector<16xi32>
          %min3A_949 = arith.minsi %sub3A_946, %min3A_948 : vector<16xi32>
          tpu.vector_store_idx %arg6[%min3A_949], %get3A_938 masked %ge3A_940 : memref<2048xf32, #tpu.memory_space<vmem>>[vector<16xi32>], vector<16xf32>, vector<16xi1>
          %add3A_950 = vector.broadcast %add3A_936 : i32 to vector<16xi32>
          %add3A_951 = arith.addi %iota3A, %add3A_950 : vector<16xi32>
          tpu.vector_store_idx %arg7[%min3A_949], %add3A_951 masked %ge3A_940 : memref<2048xi32, #tpu.memory_space<vmem>>[vector<16xi32>], vector<16xi32>, vector<16xi1>
          %lt3A_952 = arith.constant 0 : i32
          %lt3A_953 = vector.broadcast %lt3A_952 : i32 to vector<16xi32>
          %lt3A_954 = arith.cmpi slt, %broadcast_in_dim3A_3, %lt3A_953 : vector<16xi32>
          %add3A_955 = arith.constant 16 : i32
          %add3A_956 = vector.broadcast %add3A_955 : i32 to vector<16xi32>
          %add3A_957 = arith.addi %broadcast_in_dim3A_3, %add3A_956 : vector<16xi32>
          %select_n3A_958 = arith.select %lt3A_954, %add3A_957, %broadcast_in_dim3A_3 : vector<16xi1>, vector<16xi32>
          %broadcast_in_dim3A_959 = vector.shape_cast %select_n3A_958 : vector<16xi32> to vector<16x1xi32>
          %gather3A_960 = vector.shape_cast %broadcast_in_dim3A_959 : vector<16x1xi32> to vector<16xi32>
          %gather3A_961 = tpu.dynamic_gather %masked_cumsum3A_944[%gather3A_960] in [0] : vector<16xi32>, vector<16xi32> -> vector<16xi32>
          %add3A_962 = arith.addi %add3A_934, %gather3A_961 : vector<16xi32>
          %add3A_963 = arith.constant 48 : i32
          %add3A_964 = arith.addi %scan3A_786, %add3A_963 : i32
          %get3A_965 = arith.index_cast %add3A_964 : i32 to index
          %get3A_966 = tpu.vector_load %arg5[%get3A_965] {strides = array<i32>} : memref<100000xf32, #tpu.memory_space<vmem>>, vector<16xf32>,
          %ge3A_967 = vector.broadcast %reduce_min3A_22 : f32 to vector<16xf32>
          %ge3A_968 = arith.cmpf oge, %get3A_966, %ge3A_967 : vector<16xf32>
          %convert_element_type3A_969 = arith.extui %ge3A_968 : vector<16xi1> to vector<16xi32>
          %broadcast_in_dim3A_970 = arith.constant true
          %broadcast_in_dim3A_971 = vector.broadcast %broadcast_in_dim3A_970 : i1 to vector<16xi1>
          %masked_cumsum3A_972 = tpu.scan <sum>, %convert_element_type3A_969 masked %broadcast_in_dim3A_971 : vector<16xi32>, vector<16xi1> -> vector<16xi32>
          %add3A_973 = arith.addi %add3A_962, %masked_cumsum3A_972 : vector<16xi32>
          %sub3A_974 = arith.subi %add3A_973, %convert_element_type3A_969 : vector<16xi32>
          %min3A_975 = arith.constant 2047 : i32
          %min3A_976 = vector.broadcast %min3A_975 : i32 to vector<16xi32>
          %min3A_977 = arith.minsi %sub3A_974, %min3A_976 : vector<16xi32>
          tpu.vector_store_idx %arg6[%min3A_977], %get3A_966 masked %ge3A_968 : memref<2048xf32, #tpu.memory_space<vmem>>[vector<16xi32>], vector<16xf32>, vector<16xi1>
          %add3A_978 = vector.broadcast %add3A_964 : i32 to vector<16xi32>
          %add3A_979 = arith.addi %iota3A, %add3A_978 : vector<16xi32>
          tpu.vector_store_idx %arg7[%min3A_977], %add3A_979 masked %ge3A_968 : memref<2048xi32, #tpu.memory_space<vmem>>[vector<16xi32>], vector<16xi32>, vector<16xi1>
          %lt3A_980 = arith.constant 0 : i32
          %lt3A_981 = vector.broadcast %lt3A_980 : i32 to vector<16xi32>
          %lt3A_982 = arith.cmpi slt, %broadcast_in_dim3A_3, %lt3A_981 : vector<16xi32>
          %add3A_983 = arith.constant 16 : i32
          %add3A_984 = vector.broadcast %add3A_983 : i32 to vector<16xi32>
          %add3A_985 = arith.addi %broadcast_in_dim3A_3, %add3A_984 : vector<16xi32>
          %select_n3A_986 = arith.select %lt3A_982, %add3A_985, %broadcast_in_dim3A_3 : vector<16xi1>, vector<16xi32>
          %broadcast_in_dim3A_987 = vector.shape_cast %select_n3A_986 : vector<16xi32> to vector<16x1xi32>
          %gather3A_988 = vector.shape_cast %broadcast_in_dim3A_987 : vector<16x1xi32> to vector<16xi32>
          %gather3A_989 = tpu.dynamic_gather %masked_cumsum3A_972[%gather3A_988] in [0] : vector<16xi32>, vector<16xi32> -> vector<16xi32>
          %add3A_990 = arith.addi %add3A_962, %gather3A_989 : vector<16xi32>
          %add3A_991 = arith.constant 64 : i32
          %add3A_992 = arith.addi %scan3A_786, %add3A_991 : i32
          %get3A_993 = arith.index_cast %add3A_992 : i32 to index
          %get3A_994 = tpu.vector_load %arg5[%get3A_993] {strides = array<i32>} : memref<100000xf32, #tpu.memory_space<vmem>>, vector<16xf32>,
          %ge3A_995 = vector.broadcast %reduce_min3A_22 : f32 to vector<16xf32>
          %ge3A_996 = arith.cmpf oge, %get3A_994, %ge3A_995 : vector<16xf32>
          %convert_element_type3A_997 = arith.extui %ge3A_996 : vector<16xi1> to vector<16xi32>
          %broadcast_in_dim3A_998 = arith.constant true
          %broadcast_in_dim3A_999 = vector.broadcast %broadcast_in_dim3A_998 : i1 to vector<16xi1>
          %masked_cumsum3A_1000 = tpu.scan <sum>, %convert_element_type3A_997 masked %broadcast_in_dim3A_999 : vector<16xi32>, vector<16xi1> -> vector<16xi32>
          %add3A_1001 = arith.addi %add3A_990, %masked_cumsum3A_1000 : vector<16xi32>
          %sub3A_1002 = arith.subi %add3A_1001, %convert_element_type3A_997 : vector<16xi32>
          %min3A_1003 = arith.constant 2047 : i32
          %min3A_1004 = vector.broadcast %min3A_1003 : i32 to vector<16xi32>
          %min3A_1005 = arith.minsi %sub3A_1002, %min3A_1004 : vector<16xi32>
          tpu.vector_store_idx %arg6[%min3A_1005], %get3A_994 masked %ge3A_996 : memref<2048xf32, #tpu.memory_space<vmem>>[vector<16xi32>], vector<16xf32>, vector<16xi1>
          %add3A_1006 = vector.broadcast %add3A_992 : i32 to vector<16xi32>
          %add3A_1007 = arith.addi %iota3A, %add3A_1006 : vector<16xi32>
          tpu.vector_store_idx %arg7[%min3A_1005], %add3A_1007 masked %ge3A_996 : memref<2048xi32, #tpu.memory_space<vmem>>[vector<16xi32>], vector<16xi32>, vector<16xi1>
          %lt3A_1008 = arith.constant 0 : i32
          %lt3A_1009 = vector.broadcast %lt3A_1008 : i32 to vector<16xi32>
          %lt3A_1010 = arith.cmpi slt, %broadcast_in_dim3A_3, %lt3A_1009 : vector<16xi32>
          %add3A_1011 = arith.constant 16 : i32
          %add3A_1012 = vector.broadcast %add3A_1011 : i32 to vector<16xi32>
          %add3A_1013 = arith.addi %broadcast_in_dim3A_3, %add3A_1012 : vector<16xi32>
          %select_n3A_1014 = arith.select %lt3A_1010, %add3A_1013, %broadcast_in_dim3A_3 : vector<16xi1>, vector<16xi32>
          %broadcast_in_dim3A_1015 = vector.shape_cast %select_n3A_1014 : vector<16xi32> to vector<16x1xi32>
          %gather3A_1016 = vector.shape_cast %broadcast_in_dim3A_1015 : vector<16x1xi32> to vector<16xi32>
          %gather3A_1017 = tpu.dynamic_gather %masked_cumsum3A_1000[%gather3A_1016] in [0] : vector<16xi32>, vector<16xi32> -> vector<16xi32>
          %add3A_1018 = arith.addi %add3A_990, %gather3A_1017 : vector<16xi32>
          %add3A_1019 = arith.constant 80 : i32
          %add3A_1020 = arith.addi %scan3A_786, %add3A_1019 : i32
          %get3A_1021 = arith.index_cast %add3A_1020 : i32 to index
          %get3A_1022 = tpu.vector_load %arg5[%get3A_1021] {strides = array<i32>} : memref<100000xf32, #tpu.memory_space<vmem>>, vector<16xf32>,
          %ge3A_1023 = vector.broadcast %reduce_min3A_22 : f32 to vector<16xf32>
          %ge3A_1024 = arith.cmpf oge, %get3A_1022, %ge3A_1023 : vector<16xf32>
          %convert_element_type3A_1025 = arith.extui %ge3A_1024 : vector<16xi1> to vector<16xi32>
          %broadcast_in_dim3A_1026 = arith.constant true
          %broadcast_in_dim3A_1027 = vector.broadcast %broadcast_in_dim3A_1026 : i1 to vector<16xi1>
          %masked_cumsum3A_1028 = tpu.scan <sum>, %convert_element_type3A_1025 masked %broadcast_in_dim3A_1027 : vector<16xi32>, vector<16xi1> -> vector<16xi32>
          %add3A_1029 = arith.addi %add3A_1018, %masked_cumsum3A_1028 : vector<16xi32>
          %sub3A_1030 = arith.subi %add3A_1029, %convert_element_type3A_1025 : vector<16xi32>
          %min3A_1031 = arith.constant 2047 : i32
          %min3A_1032 = vector.broadcast %min3A_1031 : i32 to vector<16xi32>
          %min3A_1033 = arith.minsi %sub3A_1030, %min3A_1032 : vector<16xi32>
          tpu.vector_store_idx %arg6[%min3A_1033], %get3A_1022 masked %ge3A_1024 : memref<2048xf32, #tpu.memory_space<vmem>>[vector<16xi32>], vector<16xf32>, vector<16xi1>
          %add3A_1034 = vector.broadcast %add3A_1020 : i32 to vector<16xi32>
          %add3A_1035 = arith.addi %iota3A, %add3A_1034 : vector<16xi32>
          tpu.vector_store_idx %arg7[%min3A_1033], %add3A_1035 masked %ge3A_1024 : memref<2048xi32, #tpu.memory_space<vmem>>[vector<16xi32>], vector<16xi32>, vector<16xi1>
          %lt3A_1036 = arith.constant 0 : i32
          %lt3A_1037 = vector.broadcast %lt3A_1036 : i32 to vector<16xi32>
          %lt3A_1038 = arith.cmpi slt, %broadcast_in_dim3A_3, %lt3A_1037 : vector<16xi32>
          %add3A_1039 = arith.constant 16 : i32
          %add3A_1040 = vector.broadcast %add3A_1039 : i32 to vector<16xi32>
          %add3A_1041 = arith.addi %broadcast_in_dim3A_3, %add3A_1040 : vector<16xi32>
          %select_n3A_1042 = arith.select %lt3A_1038, %add3A_1041, %broadcast_in_dim3A_3 : vector<16xi1>, vector<16xi32>
          %broadcast_in_dim3A_1043 = vector.shape_cast %select_n3A_1042 : vector<16xi32> to vector<16x1xi32>
          %gather3A_1044 = vector.shape_cast %broadcast_in_dim3A_1043 : vector<16x1xi32> to vector<16xi32>
          %gather3A_1045 = tpu.dynamic_gather %masked_cumsum3A_1028[%gather3A_1044] in [0] : vector<16xi32>, vector<16xi32> -> vector<16xi32>
          %add3A_1046 = arith.addi %add3A_1018, %gather3A_1045 : vector<16xi32>
          %add3A_1047 = arith.constant 96 : i32
          %add3A_1048 = arith.addi %scan3A_786, %add3A_1047 : i32
          %get3A_1049 = arith.index_cast %add3A_1048 : i32 to index
          %get3A_1050 = tpu.vector_load %arg5[%get3A_1049] {strides = array<i32>} : memref<100000xf32, #tpu.memory_space<vmem>>, vector<16xf32>,
          %ge3A_1051 = vector.broadcast %reduce_min3A_22 : f32 to vector<16xf32>
          %ge3A_1052 = arith.cmpf oge, %get3A_1050, %ge3A_1051 : vector<16xf32>
          %convert_element_type3A_1053 = arith.extui %ge3A_1052 : vector<16xi1> to vector<16xi32>
          %broadcast_in_dim3A_1054 = arith.constant true
          %broadcast_in_dim3A_1055 = vector.broadcast %broadcast_in_dim3A_1054 : i1 to vector<16xi1>
          %masked_cumsum3A_1056 = tpu.scan <sum>, %convert_element_type3A_1053 masked %broadcast_in_dim3A_1055 : vector<16xi32>, vector<16xi1> -> vector<16xi32>
          %add3A_1057 = arith.addi %add3A_1046, %masked_cumsum3A_1056 : vector<16xi32>
          %sub3A_1058 = arith.subi %add3A_1057, %convert_element_type3A_1053 : vector<16xi32>
          %min3A_1059 = arith.constant 2047 : i32
          %min3A_1060 = vector.broadcast %min3A_1059 : i32 to vector<16xi32>
          %min3A_1061 = arith.minsi %sub3A_1058, %min3A_1060 : vector<16xi32>
          tpu.vector_store_idx %arg6[%min3A_1061], %get3A_1050 masked %ge3A_1052 : memref<2048xf32, #tpu.memory_space<vmem>>[vector<16xi32>], vector<16xf32>, vector<16xi1>
          %add3A_1062 = vector.broadcast %add3A_1048 : i32 to vector<16xi32>
          %add3A_1063 = arith.addi %iota3A, %add3A_1062 : vector<16xi32>
          tpu.vector_store_idx %arg7[%min3A_1061], %add3A_1063 masked %ge3A_1052 : memref<2048xi32, #tpu.memory_space<vmem>>[vector<16xi32>], vector<16xi32>, vector<16xi1>
          %lt3A_1064 = arith.constant 0 : i32
          %lt3A_1065 = vector.broadcast %lt3A_1064 : i32 to vector<16xi32>
          %lt3A_1066 = arith.cmpi slt, %broadcast_in_dim3A_3, %lt3A_1065 : vector<16xi32>
          %add3A_1067 = arith.constant 16 : i32
          %add3A_1068 = vector.broadcast %add3A_1067 : i32 to vector<16xi32>
          %add3A_1069 = arith.addi %broadcast_in_dim3A_3, %add3A_1068 : vector<16xi32>
          %select_n3A_1070 = arith.select %lt3A_1066, %add3A_1069, %broadcast_in_dim3A_3 : vector<16xi1>, vector<16xi32>
          %broadcast_in_dim3A_1071 = vector.shape_cast %select_n3A_1070 : vector<16xi32> to vector<16x1xi32>
          %gather3A_1072 = vector.shape_cast %broadcast_in_dim3A_1071 : vector<16x1xi32> to vector<16xi32>
          %gather3A_1073 = tpu.dynamic_gather %masked_cumsum3A_1056[%gather3A_1072] in [0] : vector<16xi32>, vector<16xi32> -> vector<16xi32>
          %add3A_1074 = arith.addi %add3A_1046, %gather3A_1073 : vector<16xi32>
          %add3A_1075 = arith.constant 112 : i32
          %add3A_1076 = arith.addi %scan3A_786, %add3A_1075 : i32
          %get3A_1077 = arith.index_cast %add3A_1076 : i32 to index
          %get3A_1078 = tpu.vector_load %arg5[%get3A_1077] {strides = array<i32>} : memref<100000xf32, #tpu.memory_space<vmem>>, vector<16xf32>,
          %ge3A_1079 = vector.broadcast %reduce_min3A_22 : f32 to vector<16xf32>
          %ge3A_1080 = arith.cmpf oge, %get3A_1078, %ge3A_1079 : vector<16xf32>
          %convert_element_type3A_1081 = arith.extui %ge3A_1080 : vector<16xi1> to vector<16xi32>
          %broadcast_in_dim3A_1082 = arith.constant true
          %broadcast_in_dim3A_1083 = vector.broadcast %broadcast_in_dim3A_1082 : i1 to vector<16xi1>
          %masked_cumsum3A_1084 = tpu.scan <sum>, %convert_element_type3A_1081 masked %broadcast_in_dim3A_1083 : vector<16xi32>, vector<16xi1> -> vector<16xi32>
          %add3A_1085 = arith.addi %add3A_1074, %masked_cumsum3A_1084 : vector<16xi32>
          %sub3A_1086 = arith.subi %add3A_1085, %convert_element_type3A_1081 : vector<16xi32>
          %min3A_1087 = arith.constant 2047 : i32
          %min3A_1088 = vector.broadcast %min3A_1087 : i32 to vector<16xi32>
          %min3A_1089 = arith.minsi %sub3A_1086, %min3A_1088 : vector<16xi32>
          tpu.vector_store_idx %arg6[%min3A_1089], %get3A_1078 masked %ge3A_1080 : memref<2048xf32, #tpu.memory_space<vmem>>[vector<16xi32>], vector<16xf32>, vector<16xi1>
          %add3A_1090 = vector.broadcast %add3A_1076 : i32 to vector<16xi32>
          %add3A_1091 = arith.addi %iota3A, %add3A_1090 : vector<16xi32>
          tpu.vector_store_idx %arg7[%min3A_1089], %add3A_1091 masked %ge3A_1080 : memref<2048xi32, #tpu.memory_space<vmem>>[vector<16xi32>], vector<16xi32>, vector<16xi1>
          %lt3A_1092 = arith.constant 0 : i32
          %lt3A_1093 = vector.broadcast %lt3A_1092 : i32 to vector<16xi32>
          %lt3A_1094 = arith.cmpi slt, %broadcast_in_dim3A_3, %lt3A_1093 : vector<16xi32>
          %add3A_1095 = arith.constant 16 : i32
          %add3A_1096 = vector.broadcast %add3A_1095 : i32 to vector<16xi32>
          %add3A_1097 = arith.addi %broadcast_in_dim3A_3, %add3A_1096 : vector<16xi32>
          %select_n3A_1098 = arith.select %lt3A_1094, %add3A_1097, %broadcast_in_dim3A_3 : vector<16xi1>, vector<16xi32>
          %broadcast_in_dim3A_1099 = vector.shape_cast %select_n3A_1098 : vector<16xi32> to vector<16x1xi32>
          %gather3A_1100 = vector.shape_cast %broadcast_in_dim3A_1099 : vector<16x1xi32> to vector<16xi32>
          %gather3A_1101 = tpu.dynamic_gather %masked_cumsum3A_1084[%gather3A_1100] in [0] : vector<16xi32>, vector<16xi32> -> vector<16xi32>
          %add3A_1102 = arith.addi %add3A_1074, %gather3A_1101 : vector<16xi32>
          %add3A_1103 = arith.constant 128 : i32
          %add3A_1104 = arith.addi %scan3A_786, %add3A_1103 : i32
          %get3A_1105 = arith.index_cast %add3A_1104 : i32 to index
          %get3A_1106 = tpu.vector_load %arg5[%get3A_1105] {strides = array<i32>} : memref<100000xf32, #tpu.memory_space<vmem>>, vector<16xf32>,
          %ge3A_1107 = vector.broadcast %reduce_min3A_22 : f32 to vector<16xf32>
          %ge3A_1108 = arith.cmpf oge, %get3A_1106, %ge3A_1107 : vector<16xf32>
          %convert_element_type3A_1109 = arith.extui %ge3A_1108 : vector<16xi1> to vector<16xi32>
          %broadcast_in_dim3A_1110 = arith.constant true
          %broadcast_in_dim3A_1111 = vector.broadcast %broadcast_in_dim3A_1110 : i1 to vector<16xi1>
          %masked_cumsum3A_1112 = tpu.scan <sum>, %convert_element_type3A_1109 masked %broadcast_in_dim3A_1111 : vector<16xi32>, vector<16xi1> -> vector<16xi32>
          %add3A_1113 = arith.addi %add3A_1102, %masked_cumsum3A_1112 : vector<16xi32>
          %sub3A_1114 = arith.subi %add3A_1113, %convert_element_type3A_1109 : vector<16xi32>
          %min3A_1115 = arith.constant 2047 : i32
          %min3A_1116 = vector.broadcast %min3A_1115 : i32 to vector<16xi32>
          %min3A_1117 = arith.minsi %sub3A_1114, %min3A_1116 : vector<16xi32>
          tpu.vector_store_idx %arg6[%min3A_1117], %get3A_1106 masked %ge3A_1108 : memref<2048xf32, #tpu.memory_space<vmem>>[vector<16xi32>], vector<16xf32>, vector<16xi1>
          %add3A_1118 = vector.broadcast %add3A_1104 : i32 to vector<16xi32>
          %add3A_1119 = arith.addi %iota3A, %add3A_1118 : vector<16xi32>
          tpu.vector_store_idx %arg7[%min3A_1117], %add3A_1119 masked %ge3A_1108 : memref<2048xi32, #tpu.memory_space<vmem>>[vector<16xi32>], vector<16xi32>, vector<16xi1>
          %lt3A_1120 = arith.constant 0 : i32
          %lt3A_1121 = vector.broadcast %lt3A_1120 : i32 to vector<16xi32>
          %lt3A_1122 = arith.cmpi slt, %broadcast_in_dim3A_3, %lt3A_1121 : vector<16xi32>
          %add3A_1123 = arith.constant 16 : i32
          %add3A_1124 = vector.broadcast %add3A_1123 : i32 to vector<16xi32>
          %add3A_1125 = arith.addi %broadcast_in_dim3A_3, %add3A_1124 : vector<16xi32>
          %select_n3A_1126 = arith.select %lt3A_1122, %add3A_1125, %broadcast_in_dim3A_3 : vector<16xi1>, vector<16xi32>
          %broadcast_in_dim3A_1127 = vector.shape_cast %select_n3A_1126 : vector<16xi32> to vector<16x1xi32>
          %gather3A_1128 = vector.shape_cast %broadcast_in_dim3A_1127 : vector<16x1xi32> to vector<16xi32>
          %gather3A_1129 = tpu.dynamic_gather %masked_cumsum3A_1112[%gather3A_1128] in [0] : vector<16xi32>, vector<16xi32> -> vector<16xi32>
          %add3A_1130 = arith.addi %add3A_1102, %gather3A_1129 : vector<16xi32>
          %add3A_1131 = arith.constant 144 : i32
          %add3A_1132 = arith.addi %scan3A_786, %add3A_1131 : i32
          %get3A_1133 = arith.index_cast %add3A_1132 : i32 to index
          %get3A_1134 = tpu.vector_load %arg5[%get3A_1133] {strides = array<i32>} : memref<100000xf32, #tpu.memory_space<vmem>>, vector<16xf32>,
          %ge3A_1135 = vector.broadcast %reduce_min3A_22 : f32 to vector<16xf32>
          %ge3A_1136 = arith.cmpf oge, %get3A_1134, %ge3A_1135 : vector<16xf32>
          %convert_element_type3A_1137 = arith.extui %ge3A_1136 : vector<16xi1> to vector<16xi32>
          %broadcast_in_dim3A_1138 = arith.constant true
          %broadcast_in_dim3A_1139 = vector.broadcast %broadcast_in_dim3A_1138 : i1 to vector<16xi1>
          %masked_cumsum3A_1140 = tpu.scan <sum>, %convert_element_type3A_1137 masked %broadcast_in_dim3A_1139 : vector<16xi32>, vector<16xi1> -> vector<16xi32>
          %add3A_1141 = arith.addi %add3A_1130, %masked_cumsum3A_1140 : vector<16xi32>
          %sub3A_1142 = arith.subi %add3A_1141, %convert_element_type3A_1137 : vector<16xi32>
          %min3A_1143 = arith.constant 2047 : i32
          %min3A_1144 = vector.broadcast %min3A_1143 : i32 to vector<16xi32>
          %min3A_1145 = arith.minsi %sub3A_1142, %min3A_1144 : vector<16xi32>
          tpu.vector_store_idx %arg6[%min3A_1145], %get3A_1134 masked %ge3A_1136 : memref<2048xf32, #tpu.memory_space<vmem>>[vector<16xi32>], vector<16xf32>, vector<16xi1>
          %add3A_1146 = vector.broadcast %add3A_1132 : i32 to vector<16xi32>
          %add3A_1147 = arith.addi %iota3A, %add3A_1146 : vector<16xi32>
          tpu.vector_store_idx %arg7[%min3A_1145], %add3A_1147 masked %ge3A_1136 : memref<2048xi32, #tpu.memory_space<vmem>>[vector<16xi32>], vector<16xi32>, vector<16xi1>
          %lt3A_1148 = arith.constant 0 : i32
          %lt3A_1149 = vector.broadcast %lt3A_1148 : i32 to vector<16xi32>
          %lt3A_1150 = arith.cmpi slt, %broadcast_in_dim3A_3, %lt3A_1149 : vector<16xi32>
          %add3A_1151 = arith.constant 16 : i32
          %add3A_1152 = vector.broadcast %add3A_1151 : i32 to vector<16xi32>
          %add3A_1153 = arith.addi %broadcast_in_dim3A_3, %add3A_1152 : vector<16xi32>
          %select_n3A_1154 = arith.select %lt3A_1150, %add3A_1153, %broadcast_in_dim3A_3 : vector<16xi1>, vector<16xi32>
          %broadcast_in_dim3A_1155 = vector.shape_cast %select_n3A_1154 : vector<16xi32> to vector<16x1xi32>
          %gather3A_1156 = vector.shape_cast %broadcast_in_dim3A_1155 : vector<16x1xi32> to vector<16xi32>
          %gather3A_1157 = tpu.dynamic_gather %masked_cumsum3A_1140[%gather3A_1156] in [0] : vector<16xi32>, vector<16xi32> -> vector<16xi32>
          %add3A_1158 = arith.addi %add3A_1130, %gather3A_1157 : vector<16xi32>
          %add3A_1159 = arith.addi %scan3A_784, %scan3A_785 : i32
          scf.yield %add3A_1159 : i32
        } else {
          scf.yield %scan3A_784 : i32
        }
        %mul3A_793 = arith.constant 10 : i32
        %mul3A_794 = arith.muli %scan3A_783, %mul3A_793 : i32
        %mul3A_795 = arith.constant 16 : i32
        %mul3A_796 = arith.muli %mul3A_794, %mul3A_795 : i32
        %get3A = arith.index_cast %mul3A_796 : i32 to index
        %get3A_797 = tpu.vector_load %arg5[%get3A] {strides = array<i32>} : memref<100000xf32, #tpu.memory_space<vmem>>, vector<16xf32>,
        %ge3A_798 = vector.broadcast %reduce_min3A_22 : f32 to vector<16xf32>
        %ge3A_799 = arith.cmpf oge, %get3A_797, %ge3A_798 : vector<16xf32>
        %convert_element_type3A_800 = arith.extui %ge3A_799 : vector<16xi1> to vector<16xi32>
        %add3A_801 = arith.constant 16 : i32
        %add3A_802 = arith.addi %mul3A_796, %add3A_801 : i32
        %get3A_803 = arith.index_cast %add3A_802 : i32 to index
        %get3A_804 = tpu.vector_load %arg5[%get3A_803] {strides = array<i32>} : memref<100000xf32, #tpu.memory_space<vmem>>, vector<16xf32>,
        %ge3A_805 = vector.broadcast %reduce_min3A_22 : f32 to vector<16xf32>
        %ge3A_806 = arith.cmpf oge, %get3A_804, %ge3A_805 : vector<16xf32>
        %convert_element_type3A_807 = arith.extui %ge3A_806 : vector<16xi1> to vector<16xi32>
        %add3A_808 = arith.addi %convert_element_type3A_800, %convert_element_type3A_807 : vector<16xi32>
        %add3A_809 = arith.constant 32 : i32
        %add3A_810 = arith.addi %mul3A_796, %add3A_809 : i32
        %get3A_811 = arith.index_cast %add3A_810 : i32 to index
        %get3A_812 = tpu.vector_load %arg5[%get3A_811] {strides = array<i32>} : memref<100000xf32, #tpu.memory_space<vmem>>, vector<16xf32>,
        %ge3A_813 = vector.broadcast %reduce_min3A_22 : f32 to vector<16xf32>
        %ge3A_814 = arith.cmpf oge, %get3A_812, %ge3A_813 : vector<16xf32>
        %convert_element_type3A_815 = arith.extui %ge3A_814 : vector<16xi1> to vector<16xi32>
        %add3A_816 = arith.addi %add3A_808, %convert_element_type3A_815 : vector<16xi32>
        %add3A_817 = arith.constant 48 : i32
        %add3A_818 = arith.addi %mul3A_796, %add3A_817 : i32
        %get3A_819 = arith.index_cast %add3A_818 : i32 to index
        %get3A_820 = tpu.vector_load %arg5[%get3A_819] {strides = array<i32>} : memref<100000xf32, #tpu.memory_space<vmem>>, vector<16xf32>,
        %ge3A_821 = vector.broadcast %reduce_min3A_22 : f32 to vector<16xf32>
        %ge3A_822 = arith.cmpf oge, %get3A_820, %ge3A_821 : vector<16xf32>
        %convert_element_type3A_823 = arith.extui %ge3A_822 : vector<16xi1> to vector<16xi32>
        %add3A_824 = arith.addi %add3A_816, %convert_element_type3A_823 : vector<16xi32>
        %add3A_825 = arith.constant 64 : i32
        %add3A_826 = arith.addi %mul3A_796, %add3A_825 : i32
        %get3A_827 = arith.index_cast %add3A_826 : i32 to index
        %get3A_828 = tpu.vector_load %arg5[%get3A_827] {strides = array<i32>} : memref<100000xf32, #tpu.memory_space<vmem>>, vector<16xf32>,
        %ge3A_829 = vector.broadcast %reduce_min3A_22 : f32 to vector<16xf32>
        %ge3A_830 = arith.cmpf oge, %get3A_828, %ge3A_829 : vector<16xf32>
        %convert_element_type3A_831 = arith.extui %ge3A_830 : vector<16xi1> to vector<16xi32>
        %add3A_832 = arith.addi %add3A_824, %convert_element_type3A_831 : vector<16xi32>
        %add3A_833 = arith.constant 80 : i32
        %add3A_834 = arith.addi %mul3A_796, %add3A_833 : i32
        %get3A_835 = arith.index_cast %add3A_834 : i32 to index
        %get3A_836 = tpu.vector_load %arg5[%get3A_835] {strides = array<i32>} : memref<100000xf32, #tpu.memory_space<vmem>>, vector<16xf32>,
        %ge3A_837 = vector.broadcast %reduce_min3A_22 : f32 to vector<16xf32>
        %ge3A_838 = arith.cmpf oge, %get3A_836, %ge3A_837 : vector<16xf32>
        %convert_element_type3A_839 = arith.extui %ge3A_838 : vector<16xi1> to vector<16xi32>
        %add3A_840 = arith.addi %add3A_832, %convert_element_type3A_839 : vector<16xi32>
        %add3A_841 = arith.constant 96 : i32
        %add3A_842 = arith.addi %mul3A_796, %add3A_841 : i32
        %get3A_843 = arith.index_cast %add3A_842 : i32 to index
        %get3A_844 = tpu.vector_load %arg5[%get3A_843] {strides = array<i32>} : memref<100000xf32, #tpu.memory_space<vmem>>, vector<16xf32>,
        %ge3A_845 = vector.broadcast %reduce_min3A_22 : f32 to vector<16xf32>
        %ge3A_846 = arith.cmpf oge, %get3A_844, %ge3A_845 : vector<16xf32>
        %convert_element_type3A_847 = arith.extui %ge3A_846 : vector<16xi1> to vector<16xi32>
        %add3A_848 = arith.addi %add3A_840, %convert_element_type3A_847 : vector<16xi32>
        %add3A_849 = arith.constant 112 : i32
        %add3A_850 = arith.addi %mul3A_796, %add3A_849 : i32
        %get3A_851 = arith.index_cast %add3A_850 : i32 to index
        %get3A_852 = tpu.vector_load %arg5[%get3A_851] {strides = array<i32>} : memref<100000xf32, #tpu.memory_space<vmem>>, vector<16xf32>,
        %ge3A_853 = vector.broadcast %reduce_min3A_22 : f32 to vector<16xf32>
        %ge3A_854 = arith.cmpf oge, %get3A_852, %ge3A_853 : vector<16xf32>
        %convert_element_type3A_855 = arith.extui %ge3A_854 : vector<16xi1> to vector<16xi32>
        %add3A_856 = arith.addi %add3A_848, %convert_element_type3A_855 : vector<16xi32>
        %add3A_857 = arith.constant 128 : i32
        %add3A_858 = arith.addi %mul3A_796, %add3A_857 : i32
        %get3A_859 = arith.index_cast %add3A_858 : i32 to index
        %get3A_860 = tpu.vector_load %arg5[%get3A_859] {strides = array<i32>} : memref<100000xf32, #tpu.memory_space<vmem>>, vector<16xf32>,
        %ge3A_861 = vector.broadcast %reduce_min3A_22 : f32 to vector<16xf32>
        %ge3A_862 = arith.cmpf oge, %get3A_860, %ge3A_861 : vector<16xf32>
        %convert_element_type3A_863 = arith.extui %ge3A_862 : vector<16xi1> to vector<16xi32>
        %add3A_864 = arith.addi %add3A_856, %convert_element_type3A_863 : vector<16xi32>
        %add3A_865 = arith.constant 144 : i32
        %add3A_866 = arith.addi %mul3A_796, %add3A_865 : i32
        %get3A_867 = arith.index_cast %add3A_866 : i32 to index
        %get3A_868 = tpu.vector_load %arg5[%get3A_867] {strides = array<i32>} : memref<100000xf32, #tpu.memory_space<vmem>>, vector<16xf32>,
        %ge3A_869 = vector.broadcast %reduce_min3A_22 : f32 to vector<16xf32>
        %ge3A_870 = arith.cmpf oge, %get3A_868, %ge3A_869 : vector<16xf32>
        %convert_element_type3A_871 = arith.extui %ge3A_870 : vector<16xi1> to vector<16xi32>
        %add3A_872 = arith.addi %add3A_864, %convert_element_type3A_871 : vector<16xi32>
        %reduce_sum3A = arith.constant true
        %reduce_sum3A_873 = vector.broadcast %reduce_sum3A : i1 to vector<16xi1>
        %reduce_sum3A_874 = tpu.scan <sum>, %add3A_872 masked %reduce_sum3A_873 : vector<16xi32>, vector<16xi1> -> vector<16xi32>
        %reduce_sum3A_875 = vector.extract %reduce_sum3A_874[15] : i32 from vector<16xi32>
        scf.yield %cond3A_792, %reduce_sum3A_875, %mul3A_796 : i32, i32, i32
      }
      %scan3A_31 = arith.constant 625 : i32
      %gt3A = arith.constant 0 : i32
      %gt3A_32 = arith.cmpi sgt, %scan3A_30#1, %gt3A : i32
      %convert_element_type3A = arith.extui %gt3A_32 : i1 to i32
      %cond3A = arith.constant 0 : i32
      %cond3A_33 = arith.cmpi ne, %convert_element_type3A, %cond3A : i32
      %cond3A_34 = scf.if %cond3A_33 -> (i32) {
        %broadcast_in_dim3A_783 = arith.constant 0 : i32
        %broadcast_in_dim3A_784 = vector.broadcast %broadcast_in_dim3A_783 : i32 to vector<16xi32>
        %min3A_785 = arith.constant 2032 : i32
        %min3A_786 = arith.minsi %scan3A_30#0, %min3A_785 : i32
        %add3A_787 = vector.broadcast %min3A_786 : i32 to vector<16xi32>
        %add3A_788 = arith.addi %broadcast_in_dim3A_784, %add3A_787 : vector<16xi32>
        %add3A_789 = arith.constant 0 : i32
        %add3A_790 = arith.addi %scan3A_30#2, %add3A_789 : i32
        %get3A = arith.index_cast %add3A_790 : i32 to index
        %get3A_791 = tpu.vector_load %arg5[%get3A] {strides = array<i32>} : memref<100000xf32, #tpu.memory_space<vmem>>, vector<16xf32>,
        %ge3A_792 = vector.broadcast %reduce_min3A_22 : f32 to vector<16xf32>
        %ge3A_793 = arith.cmpf oge, %get3A_791, %ge3A_792 : vector<16xf32>
        %convert_element_type3A_794 = arith.extui %ge3A_793 : vector<16xi1> to vector<16xi32>
        %broadcast_in_dim3A_795 = arith.constant true
        %broadcast_in_dim3A_796 = vector.broadcast %broadcast_in_dim3A_795 : i1 to vector<16xi1>
        %masked_cumsum3A = tpu.scan <sum>, %convert_element_type3A_794 masked %broadcast_in_dim3A_796 : vector<16xi32>, vector<16xi1> -> vector<16xi32>
        %add3A_797 = arith.addi %add3A_788, %masked_cumsum3A : vector<16xi32>
        %sub3A_798 = arith.subi %add3A_797, %convert_element_type3A_794 : vector<16xi32>
        %min3A_799 = arith.constant 2047 : i32
        %min3A_800 = vector.broadcast %min3A_799 : i32 to vector<16xi32>
        %min3A_801 = arith.minsi %sub3A_798, %min3A_800 : vector<16xi32>
        tpu.vector_store_idx %arg6[%min3A_801], %get3A_791 masked %ge3A_793 : memref<2048xf32, #tpu.memory_space<vmem>>[vector<16xi32>], vector<16xf32>, vector<16xi1>
        %add3A_802 = vector.broadcast %add3A_790 : i32 to vector<16xi32>
        %add3A_803 = arith.addi %iota3A, %add3A_802 : vector<16xi32>
        tpu.vector_store_idx %arg7[%min3A_801], %add3A_803 masked %ge3A_793 : memref<2048xi32, #tpu.memory_space<vmem>>[vector<16xi32>], vector<16xi32>, vector<16xi1>
        %lt3A = arith.constant 0 : i32
        %lt3A_804 = vector.broadcast %lt3A : i32 to vector<16xi32>
        %lt3A_805 = arith.cmpi slt, %broadcast_in_dim3A_3, %lt3A_804 : vector<16xi32>
        %add3A_806 = arith.constant 16 : i32
        %add3A_807 = vector.broadcast %add3A_806 : i32 to vector<16xi32>
        %add3A_808 = arith.addi %broadcast_in_dim3A_3, %add3A_807 : vector<16xi32>
        %select_n3A_809 = arith.select %lt3A_805, %add3A_808, %broadcast_in_dim3A_3 : vector<16xi1>, vector<16xi32>
        %broadcast_in_dim3A_810 = vector.shape_cast %select_n3A_809 : vector<16xi32> to vector<16x1xi32>
        %gather3A = vector.shape_cast %broadcast_in_dim3A_810 : vector<16x1xi32> to vector<16xi32>
        %gather3A_811 = tpu.dynamic_gather %masked_cumsum3A[%gather3A] in [0] : vector<16xi32>, vector<16xi32> -> vector<16xi32>
        %add3A_812 = arith.addi %add3A_788, %gather3A_811 : vector<16xi32>
        %add3A_813 = arith.constant 16 : i32
        %add3A_814 = arith.addi %scan3A_30#2, %add3A_813 : i32
        %get3A_815 = arith.index_cast %add3A_814 : i32 to index
        %get3A_816 = tpu.vector_load %arg5[%get3A_815] {strides = array<i32>} : memref<100000xf32, #tpu.memory_space<vmem>>, vector<16xf32>,
        %ge3A_817 = vector.broadcast %reduce_min3A_22 : f32 to vector<16xf32>
        %ge3A_818 = arith.cmpf oge, %get3A_816, %ge3A_817 : vector<16xf32>
        %convert_element_type3A_819 = arith.extui %ge3A_818 : vector<16xi1> to vector<16xi32>
        %broadcast_in_dim3A_820 = arith.constant true
        %broadcast_in_dim3A_821 = vector.broadcast %broadcast_in_dim3A_820 : i1 to vector<16xi1>
        %masked_cumsum3A_822 = tpu.scan <sum>, %convert_element_type3A_819 masked %broadcast_in_dim3A_821 : vector<16xi32>, vector<16xi1> -> vector<16xi32>
        %add3A_823 = arith.addi %add3A_812, %masked_cumsum3A_822 : vector<16xi32>
        %sub3A_824 = arith.subi %add3A_823, %convert_element_type3A_819 : vector<16xi32>
        %min3A_825 = arith.constant 2047 : i32
        %min3A_826 = vector.broadcast %min3A_825 : i32 to vector<16xi32>
        %min3A_827 = arith.minsi %sub3A_824, %min3A_826 : vector<16xi32>
        tpu.vector_store_idx %arg6[%min3A_827], %get3A_816 masked %ge3A_818 : memref<2048xf32, #tpu.memory_space<vmem>>[vector<16xi32>], vector<16xf32>, vector<16xi1>
        %add3A_828 = vector.broadcast %add3A_814 : i32 to vector<16xi32>
        %add3A_829 = arith.addi %iota3A, %add3A_828 : vector<16xi32>
        tpu.vector_store_idx %arg7[%min3A_827], %add3A_829 masked %ge3A_818 : memref<2048xi32, #tpu.memory_space<vmem>>[vector<16xi32>], vector<16xi32>, vector<16xi1>
        %lt3A_830 = arith.constant 0 : i32
        %lt3A_831 = vector.broadcast %lt3A_830 : i32 to vector<16xi32>
        %lt3A_832 = arith.cmpi slt, %broadcast_in_dim3A_3, %lt3A_831 : vector<16xi32>
        %add3A_833 = arith.constant 16 : i32
        %add3A_834 = vector.broadcast %add3A_833 : i32 to vector<16xi32>
        %add3A_835 = arith.addi %broadcast_in_dim3A_3, %add3A_834 : vector<16xi32>
        %select_n3A_836 = arith.select %lt3A_832, %add3A_835, %broadcast_in_dim3A_3 : vector<16xi1>, vector<16xi32>
        %broadcast_in_dim3A_837 = vector.shape_cast %select_n3A_836 : vector<16xi32> to vector<16x1xi32>
        %gather3A_838 = vector.shape_cast %broadcast_in_dim3A_837 : vector<16x1xi32> to vector<16xi32>
        %gather3A_839 = tpu.dynamic_gather %masked_cumsum3A_822[%gather3A_838] in [0] : vector<16xi32>, vector<16xi32> -> vector<16xi32>
        %add3A_840 = arith.addi %add3A_812, %gather3A_839 : vector<16xi32>
        %add3A_841 = arith.constant 32 : i32
        %add3A_842 = arith.addi %scan3A_30#2, %add3A_841 : i32
        %get3A_843 = arith.index_cast %add3A_842 : i32 to index
        %get3A_844 = tpu.vector_load %arg5[%get3A_843] {strides = array<i32>} : memref<100000xf32, #tpu.memory_space<vmem>>, vector<16xf32>,
        %ge3A_845 = vector.broadcast %reduce_min3A_22 : f32 to vector<16xf32>
        %ge3A_846 = arith.cmpf oge, %get3A_844, %ge3A_845 : vector<16xf32>
        %convert_element_type3A_847 = arith.extui %ge3A_846 : vector<16xi1> to vector<16xi32>
        %broadcast_in_dim3A_848 = arith.constant true
        %broadcast_in_dim3A_849 = vector.broadcast %broadcast_in_dim3A_848 : i1 to vector<16xi1>
        %masked_cumsum3A_850 = tpu.scan <sum>, %convert_element_type3A_847 masked %broadcast_in_dim3A_849 : vector<16xi32>, vector<16xi1> -> vector<16xi32>
        %add3A_851 = arith.addi %add3A_840, %masked_cumsum3A_850 : vector<16xi32>
        %sub3A_852 = arith.subi %add3A_851, %convert_element_type3A_847 : vector<16xi32>
        %min3A_853 = arith.constant 2047 : i32
        %min3A_854 = vector.broadcast %min3A_853 : i32 to vector<16xi32>
        %min3A_855 = arith.minsi %sub3A_852, %min3A_854 : vector<16xi32>
        tpu.vector_store_idx %arg6[%min3A_855], %get3A_844 masked %ge3A_846 : memref<2048xf32, #tpu.memory_space<vmem>>[vector<16xi32>], vector<16xf32>, vector<16xi1>
        %add3A_856 = vector.broadcast %add3A_842 : i32 to vector<16xi32>
        %add3A_857 = arith.addi %iota3A, %add3A_856 : vector<16xi32>
        tpu.vector_store_idx %arg7[%min3A_855], %add3A_857 masked %ge3A_846 : memref<2048xi32, #tpu.memory_space<vmem>>[vector<16xi32>], vector<16xi32>, vector<16xi1>
        %lt3A_858 = arith.constant 0 : i32
        %lt3A_859 = vector.broadcast %lt3A_858 : i32 to vector<16xi32>
        %lt3A_860 = arith.cmpi slt, %broadcast_in_dim3A_3, %lt3A_859 : vector<16xi32>
        %add3A_861 = arith.constant 16 : i32
        %add3A_862 = vector.broadcast %add3A_861 : i32 to vector<16xi32>
        %add3A_863 = arith.addi %broadcast_in_dim3A_3, %add3A_862 : vector<16xi32>
        %select_n3A_864 = arith.select %lt3A_860, %add3A_863, %broadcast_in_dim3A_3 : vector<16xi1>, vector<16xi32>
        %broadcast_in_dim3A_865 = vector.shape_cast %select_n3A_864 : vector<16xi32> to vector<16x1xi32>
        %gather3A_866 = vector.shape_cast %broadcast_in_dim3A_865 : vector<16x1xi32> to vector<16xi32>
        %gather3A_867 = tpu.dynamic_gather %masked_cumsum3A_850[%gather3A_866] in [0] : vector<16xi32>, vector<16xi32> -> vector<16xi32>
        %add3A_868 = arith.addi %add3A_840, %gather3A_867 : vector<16xi32>
        %add3A_869 = arith.constant 48 : i32
        %add3A_870 = arith.addi %scan3A_30#2, %add3A_869 : i32
        %get3A_871 = arith.index_cast %add3A_870 : i32 to index
        %get3A_872 = tpu.vector_load %arg5[%get3A_871] {strides = array<i32>} : memref<100000xf32, #tpu.memory_space<vmem>>, vector<16xf32>,
        %ge3A_873 = vector.broadcast %reduce_min3A_22 : f32 to vector<16xf32>
        %ge3A_874 = arith.cmpf oge, %get3A_872, %ge3A_873 : vector<16xf32>
        %convert_element_type3A_875 = arith.extui %ge3A_874 : vector<16xi1> to vector<16xi32>
        %broadcast_in_dim3A_876 = arith.constant true
        %broadcast_in_dim3A_877 = vector.broadcast %broadcast_in_dim3A_876 : i1 to vector<16xi1>
        %masked_cumsum3A_878 = tpu.scan <sum>, %convert_element_type3A_875 masked %broadcast_in_dim3A_877 : vector<16xi32>, vector<16xi1> -> vector<16xi32>
        %add3A_879 = arith.addi %add3A_868, %masked_cumsum3A_878 : vector<16xi32>
        %sub3A_880 = arith.subi %add3A_879, %convert_element_type3A_875 : vector<16xi32>
        %min3A_881 = arith.constant 2047 : i32
        %min3A_882 = vector.broadcast %min3A_881 : i32 to vector<16xi32>
        %min3A_883 = arith.minsi %sub3A_880, %min3A_882 : vector<16xi32>
        tpu.vector_store_idx %arg6[%min3A_883], %get3A_872 masked %ge3A_874 : memref<2048xf32, #tpu.memory_space<vmem>>[vector<16xi32>], vector<16xf32>, vector<16xi1>
        %add3A_884 = vector.broadcast %add3A_870 : i32 to vector<16xi32>
        %add3A_885 = arith.addi %iota3A, %add3A_884 : vector<16xi32>
        tpu.vector_store_idx %arg7[%min3A_883], %add3A_885 masked %ge3A_874 : memref<2048xi32, #tpu.memory_space<vmem>>[vector<16xi32>], vector<16xi32>, vector<16xi1>
        %lt3A_886 = arith.constant 0 : i32
        %lt3A_887 = vector.broadcast %lt3A_886 : i32 to vector<16xi32>
        %lt3A_888 = arith.cmpi slt, %broadcast_in_dim3A_3, %lt3A_887 : vector<16xi32>
        %add3A_889 = arith.constant 16 : i32
        %add3A_890 = vector.broadcast %add3A_889 : i32 to vector<16xi32>
        %add3A_891 = arith.addi %broadcast_in_dim3A_3, %add3A_890 : vector<16xi32>
        %select_n3A_892 = arith.select %lt3A_888, %add3A_891, %broadcast_in_dim3A_3 : vector<16xi1>, vector<16xi32>
        %broadcast_in_dim3A_893 = vector.shape_cast %select_n3A_892 : vector<16xi32> to vector<16x1xi32>
        %gather3A_894 = vector.shape_cast %broadcast_in_dim3A_893 : vector<16x1xi32> to vector<16xi32>
        %gather3A_895 = tpu.dynamic_gather %masked_cumsum3A_878[%gather3A_894] in [0] : vector<16xi32>, vector<16xi32> -> vector<16xi32>
        %add3A_896 = arith.addi %add3A_868, %gather3A_895 : vector<16xi32>
        %add3A_897 = arith.constant 64 : i32
        %add3A_898 = arith.addi %scan3A_30#2, %add3A_897 : i32
        %get3A_899 = arith.index_cast %add3A_898 : i32 to index
        %get3A_900 = tpu.vector_load %arg5[%get3A_899] {strides = array<i32>} : memref<100000xf32, #tpu.memory_space<vmem>>, vector<16xf32>,
        %ge3A_901 = vector.broadcast %reduce_min3A_22 : f32 to vector<16xf32>
        %ge3A_902 = arith.cmpf oge, %get3A_900, %ge3A_901 : vector<16xf32>
        %convert_element_type3A_903 = arith.extui %ge3A_902 : vector<16xi1> to vector<16xi32>
        %broadcast_in_dim3A_904 = arith.constant true
        %broadcast_in_dim3A_905 = vector.broadcast %broadcast_in_dim3A_904 : i1 to vector<16xi1>
        %masked_cumsum3A_906 = tpu.scan <sum>, %convert_element_type3A_903 masked %broadcast_in_dim3A_905 : vector<16xi32>, vector<16xi1> -> vector<16xi32>
        %add3A_907 = arith.addi %add3A_896, %masked_cumsum3A_906 : vector<16xi32>
        %sub3A_908 = arith.subi %add3A_907, %convert_element_type3A_903 : vector<16xi32>
        %min3A_909 = arith.constant 2047 : i32
        %min3A_910 = vector.broadcast %min3A_909 : i32 to vector<16xi32>
        %min3A_911 = arith.minsi %sub3A_908, %min3A_910 : vector<16xi32>
        tpu.vector_store_idx %arg6[%min3A_911], %get3A_900 masked %ge3A_902 : memref<2048xf32, #tpu.memory_space<vmem>>[vector<16xi32>], vector<16xf32>, vector<16xi1>
        %add3A_912 = vector.broadcast %add3A_898 : i32 to vector<16xi32>
        %add3A_913 = arith.addi %iota3A, %add3A_912 : vector<16xi32>
        tpu.vector_store_idx %arg7[%min3A_911], %add3A_913 masked %ge3A_902 : memref<2048xi32, #tpu.memory_space<vmem>>[vector<16xi32>], vector<16xi32>, vector<16xi1>
        %lt3A_914 = arith.constant 0 : i32
        %lt3A_915 = vector.broadcast %lt3A_914 : i32 to vector<16xi32>
        %lt3A_916 = arith.cmpi slt, %broadcast_in_dim3A_3, %lt3A_915 : vector<16xi32>
        %add3A_917 = arith.constant 16 : i32
        %add3A_918 = vector.broadcast %add3A_917 : i32 to vector<16xi32>
        %add3A_919 = arith.addi %broadcast_in_dim3A_3, %add3A_918 : vector<16xi32>
        %select_n3A_920 = arith.select %lt3A_916, %add3A_919, %broadcast_in_dim3A_3 : vector<16xi1>, vector<16xi32>
        %broadcast_in_dim3A_921 = vector.shape_cast %select_n3A_920 : vector<16xi32> to vector<16x1xi32>
        %gather3A_922 = vector.shape_cast %broadcast_in_dim3A_921 : vector<16x1xi32> to vector<16xi32>
        %gather3A_923 = tpu.dynamic_gather %masked_cumsum3A_906[%gather3A_922] in [0] : vector<16xi32>, vector<16xi32> -> vector<16xi32>
        %add3A_924 = arith.addi %add3A_896, %gather3A_923 : vector<16xi32>
        %add3A_925 = arith.constant 80 : i32
        %add3A_926 = arith.addi %scan3A_30#2, %add3A_925 : i32
        %get3A_927 = arith.index_cast %add3A_926 : i32 to index
        %get3A_928 = tpu.vector_load %arg5[%get3A_927] {strides = array<i32>} : memref<100000xf32, #tpu.memory_space<vmem>>, vector<16xf32>,
        %ge3A_929 = vector.broadcast %reduce_min3A_22 : f32 to vector<16xf32>
        %ge3A_930 = arith.cmpf oge, %get3A_928, %ge3A_929 : vector<16xf32>
        %convert_element_type3A_931 = arith.extui %ge3A_930 : vector<16xi1> to vector<16xi32>
        %broadcast_in_dim3A_932 = arith.constant true
        %broadcast_in_dim3A_933 = vector.broadcast %broadcast_in_dim3A_932 : i1 to vector<16xi1>
        %masked_cumsum3A_934 = tpu.scan <sum>, %convert_element_type3A_931 masked %broadcast_in_dim3A_933 : vector<16xi32>, vector<16xi1> -> vector<16xi32>
        %add3A_935 = arith.addi %add3A_924, %masked_cumsum3A_934 : vector<16xi32>
        %sub3A_936 = arith.subi %add3A_935, %convert_element_type3A_931 : vector<16xi32>
        %min3A_937 = arith.constant 2047 : i32
        %min3A_938 = vector.broadcast %min3A_937 : i32 to vector<16xi32>
        %min3A_939 = arith.minsi %sub3A_936, %min3A_938 : vector<16xi32>
        tpu.vector_store_idx %arg6[%min3A_939], %get3A_928 masked %ge3A_930 : memref<2048xf32, #tpu.memory_space<vmem>>[vector<16xi32>], vector<16xf32>, vector<16xi1>
        %add3A_940 = vector.broadcast %add3A_926 : i32 to vector<16xi32>
        %add3A_941 = arith.addi %iota3A, %add3A_940 : vector<16xi32>
        tpu.vector_store_idx %arg7[%min3A_939], %add3A_941 masked %ge3A_930 : memref<2048xi32, #tpu.memory_space<vmem>>[vector<16xi32>], vector<16xi32>, vector<16xi1>
        %lt3A_942 = arith.constant 0 : i32
        %lt3A_943 = vector.broadcast %lt3A_942 : i32 to vector<16xi32>
        %lt3A_944 = arith.cmpi slt, %broadcast_in_dim3A_3, %lt3A_943 : vector<16xi32>
        %add3A_945 = arith.constant 16 : i32
        %add3A_946 = vector.broadcast %add3A_945 : i32 to vector<16xi32>
        %add3A_947 = arith.addi %broadcast_in_dim3A_3, %add3A_946 : vector<16xi32>
        %select_n3A_948 = arith.select %lt3A_944, %add3A_947, %broadcast_in_dim3A_3 : vector<16xi1>, vector<16xi32>
        %broadcast_in_dim3A_949 = vector.shape_cast %select_n3A_948 : vector<16xi32> to vector<16x1xi32>
        %gather3A_950 = vector.shape_cast %broadcast_in_dim3A_949 : vector<16x1xi32> to vector<16xi32>
        %gather3A_951 = tpu.dynamic_gather %masked_cumsum3A_934[%gather3A_950] in [0] : vector<16xi32>, vector<16xi32> -> vector<16xi32>
        %add3A_952 = arith.addi %add3A_924, %gather3A_951 : vector<16xi32>
        %add3A_953 = arith.constant 96 : i32
        %add3A_954 = arith.addi %scan3A_30#2, %add3A_953 : i32
        %get3A_955 = arith.index_cast %add3A_954 : i32 to index
        %get3A_956 = tpu.vector_load %arg5[%get3A_955] {strides = array<i32>} : memref<100000xf32, #tpu.memory_space<vmem>>, vector<16xf32>,
        %ge3A_957 = vector.broadcast %reduce_min3A_22 : f32 to vector<16xf32>
        %ge3A_958 = arith.cmpf oge, %get3A_956, %ge3A_957 : vector<16xf32>
        %convert_element_type3A_959 = arith.extui %ge3A_958 : vector<16xi1> to vector<16xi32>
        %broadcast_in_dim3A_960 = arith.constant true
        %broadcast_in_dim3A_961 = vector.broadcast %broadcast_in_dim3A_960 : i1 to vector<16xi1>
        %masked_cumsum3A_962 = tpu.scan <sum>, %convert_element_type3A_959 masked %broadcast_in_dim3A_961 : vector<16xi32>, vector<16xi1> -> vector<16xi32>
        %add3A_963 = arith.addi %add3A_952, %masked_cumsum3A_962 : vector<16xi32>
        %sub3A_964 = arith.subi %add3A_963, %convert_element_type3A_959 : vector<16xi32>
        %min3A_965 = arith.constant 2047 : i32
        %min3A_966 = vector.broadcast %min3A_965 : i32 to vector<16xi32>
        %min3A_967 = arith.minsi %sub3A_964, %min3A_966 : vector<16xi32>
        tpu.vector_store_idx %arg6[%min3A_967], %get3A_956 masked %ge3A_958 : memref<2048xf32, #tpu.memory_space<vmem>>[vector<16xi32>], vector<16xf32>, vector<16xi1>
        %add3A_968 = vector.broadcast %add3A_954 : i32 to vector<16xi32>
        %add3A_969 = arith.addi %iota3A, %add3A_968 : vector<16xi32>
        tpu.vector_store_idx %arg7[%min3A_967], %add3A_969 masked %ge3A_958 : memref<2048xi32, #tpu.memory_space<vmem>>[vector<16xi32>], vector<16xi32>, vector<16xi1>
        %lt3A_970 = arith.constant 0 : i32
        %lt3A_971 = vector.broadcast %lt3A_970 : i32 to vector<16xi32>
        %lt3A_972 = arith.cmpi slt, %broadcast_in_dim3A_3, %lt3A_971 : vector<16xi32>
        %add3A_973 = arith.constant 16 : i32
        %add3A_974 = vector.broadcast %add3A_973 : i32 to vector<16xi32>
        %add3A_975 = arith.addi %broadcast_in_dim3A_3, %add3A_974 : vector<16xi32>
        %select_n3A_976 = arith.select %lt3A_972, %add3A_975, %broadcast_in_dim3A_3 : vector<16xi1>, vector<16xi32>
        %broadcast_in_dim3A_977 = vector.shape_cast %select_n3A_976 : vector<16xi32> to vector<16x1xi32>
        %gather3A_978 = vector.shape_cast %broadcast_in_dim3A_977 : vector<16x1xi32> to vector<16xi32>
        %gather3A_979 = tpu.dynamic_gather %masked_cumsum3A_962[%gather3A_978] in [0] : vector<16xi32>, vector<16xi32> -> vector<16xi32>
        %add3A_980 = arith.addi %add3A_952, %gather3A_979 : vector<16xi32>
        %add3A_981 = arith.constant 112 : i32
        %add3A_982 = arith.addi %scan3A_30#2, %add3A_981 : i32
        %get3A_983 = arith.index_cast %add3A_982 : i32 to index
        %get3A_984 = tpu.vector_load %arg5[%get3A_983] {strides = array<i32>} : memref<100000xf32, #tpu.memory_space<vmem>>, vector<16xf32>,
        %ge3A_985 = vector.broadcast %reduce_min3A_22 : f32 to vector<16xf32>
        %ge3A_986 = arith.cmpf oge, %get3A_984, %ge3A_985 : vector<16xf32>
        %convert_element_type3A_987 = arith.extui %ge3A_986 : vector<16xi1> to vector<16xi32>
        %broadcast_in_dim3A_988 = arith.constant true
        %broadcast_in_dim3A_989 = vector.broadcast %broadcast_in_dim3A_988 : i1 to vector<16xi1>
        %masked_cumsum3A_990 = tpu.scan <sum>, %convert_element_type3A_987 masked %broadcast_in_dim3A_989 : vector<16xi32>, vector<16xi1> -> vector<16xi32>
        %add3A_991 = arith.addi %add3A_980, %masked_cumsum3A_990 : vector<16xi32>
        %sub3A_992 = arith.subi %add3A_991, %convert_element_type3A_987 : vector<16xi32>
        %min3A_993 = arith.constant 2047 : i32
        %min3A_994 = vector.broadcast %min3A_993 : i32 to vector<16xi32>
        %min3A_995 = arith.minsi %sub3A_992, %min3A_994 : vector<16xi32>
        tpu.vector_store_idx %arg6[%min3A_995], %get3A_984 masked %ge3A_986 : memref<2048xf32, #tpu.memory_space<vmem>>[vector<16xi32>], vector<16xf32>, vector<16xi1>
        %add3A_996 = vector.broadcast %add3A_982 : i32 to vector<16xi32>
        %add3A_997 = arith.addi %iota3A, %add3A_996 : vector<16xi32>
        tpu.vector_store_idx %arg7[%min3A_995], %add3A_997 masked %ge3A_986 : memref<2048xi32, #tpu.memory_space<vmem>>[vector<16xi32>], vector<16xi32>, vector<16xi1>
        %lt3A_998 = arith.constant 0 : i32
        %lt3A_999 = vector.broadcast %lt3A_998 : i32 to vector<16xi32>
        %lt3A_1000 = arith.cmpi slt, %broadcast_in_dim3A_3, %lt3A_999 : vector<16xi32>
        %add3A_1001 = arith.constant 16 : i32
        %add3A_1002 = vector.broadcast %add3A_1001 : i32 to vector<16xi32>
        %add3A_1003 = arith.addi %broadcast_in_dim3A_3, %add3A_1002 : vector<16xi32>
        %select_n3A_1004 = arith.select %lt3A_1000, %add3A_1003, %broadcast_in_dim3A_3 : vector<16xi1>, vector<16xi32>
        %broadcast_in_dim3A_1005 = vector.shape_cast %select_n3A_1004 : vector<16xi32> to vector<16x1xi32>
        %gather3A_1006 = vector.shape_cast %broadcast_in_dim3A_1005 : vector<16x1xi32> to vector<16xi32>
        %gather3A_1007 = tpu.dynamic_gather %masked_cumsum3A_990[%gather3A_1006] in [0] : vector<16xi32>, vector<16xi32> -> vector<16xi32>
        %add3A_1008 = arith.addi %add3A_980, %gather3A_1007 : vector<16xi32>
        %add3A_1009 = arith.constant 128 : i32
        %add3A_1010 = arith.addi %scan3A_30#2, %add3A_1009 : i32
        %get3A_1011 = arith.index_cast %add3A_1010 : i32 to index
        %get3A_1012 = tpu.vector_load %arg5[%get3A_1011] {strides = array<i32>} : memref<100000xf32, #tpu.memory_space<vmem>>, vector<16xf32>,
        %ge3A_1013 = vector.broadcast %reduce_min3A_22 : f32 to vector<16xf32>
        %ge3A_1014 = arith.cmpf oge, %get3A_1012, %ge3A_1013 : vector<16xf32>
        %convert_element_type3A_1015 = arith.extui %ge3A_1014 : vector<16xi1> to vector<16xi32>
        %broadcast_in_dim3A_1016 = arith.constant true
        %broadcast_in_dim3A_1017 = vector.broadcast %broadcast_in_dim3A_1016 : i1 to vector<16xi1>
        %masked_cumsum3A_1018 = tpu.scan <sum>, %convert_element_type3A_1015 masked %broadcast_in_dim3A_1017 : vector<16xi32>, vector<16xi1> -> vector<16xi32>
        %add3A_1019 = arith.addi %add3A_1008, %masked_cumsum3A_1018 : vector<16xi32>
        %sub3A_1020 = arith.subi %add3A_1019, %convert_element_type3A_1015 : vector<16xi32>
        %min3A_1021 = arith.constant 2047 : i32
        %min3A_1022 = vector.broadcast %min3A_1021 : i32 to vector<16xi32>
        %min3A_1023 = arith.minsi %sub3A_1020, %min3A_1022 : vector<16xi32>
        tpu.vector_store_idx %arg6[%min3A_1023], %get3A_1012 masked %ge3A_1014 : memref<2048xf32, #tpu.memory_space<vmem>>[vector<16xi32>], vector<16xf32>, vector<16xi1>
        %add3A_1024 = vector.broadcast %add3A_1010 : i32 to vector<16xi32>
        %add3A_1025 = arith.addi %iota3A, %add3A_1024 : vector<16xi32>
        tpu.vector_store_idx %arg7[%min3A_1023], %add3A_1025 masked %ge3A_1014 : memref<2048xi32, #tpu.memory_space<vmem>>[vector<16xi32>], vector<16xi32>, vector<16xi1>
        %lt3A_1026 = arith.constant 0 : i32
        %lt3A_1027 = vector.broadcast %lt3A_1026 : i32 to vector<16xi32>
        %lt3A_1028 = arith.cmpi slt, %broadcast_in_dim3A_3, %lt3A_1027 : vector<16xi32>
        %add3A_1029 = arith.constant 16 : i32
        %add3A_1030 = vector.broadcast %add3A_1029 : i32 to vector<16xi32>
        %add3A_1031 = arith.addi %broadcast_in_dim3A_3, %add3A_1030 : vector<16xi32>
        %select_n3A_1032 = arith.select %lt3A_1028, %add3A_1031, %broadcast_in_dim3A_3 : vector<16xi1>, vector<16xi32>
        %broadcast_in_dim3A_1033 = vector.shape_cast %select_n3A_1032 : vector<16xi32> to vector<16x1xi32>
        %gather3A_1034 = vector.shape_cast %broadcast_in_dim3A_1033 : vector<16x1xi32> to vector<16xi32>
        %gather3A_1035 = tpu.dynamic_gather %masked_cumsum3A_1018[%gather3A_1034] in [0] : vector<16xi32>, vector<16xi32> -> vector<16xi32>
        %add3A_1036 = arith.addi %add3A_1008, %gather3A_1035 : vector<16xi32>
        %add3A_1037 = arith.constant 144 : i32
        %add3A_1038 = arith.addi %scan3A_30#2, %add3A_1037 : i32
        %get3A_1039 = arith.index_cast %add3A_1038 : i32 to index
        %get3A_1040 = tpu.vector_load %arg5[%get3A_1039] {strides = array<i32>} : memref<100000xf32, #tpu.memory_space<vmem>>, vector<16xf32>,
        %ge3A_1041 = vector.broadcast %reduce_min3A_22 : f32 to vector<16xf32>
        %ge3A_1042 = arith.cmpf oge, %get3A_1040, %ge3A_1041 : vector<16xf32>
        %convert_element_type3A_1043 = arith.extui %ge3A_1042 : vector<16xi1> to vector<16xi32>
        %broadcast_in_dim3A_1044 = arith.constant true
        %broadcast_in_dim3A_1045 = vector.broadcast %broadcast_in_dim3A_1044 : i1 to vector<16xi1>
        %masked_cumsum3A_1046 = tpu.scan <sum>, %convert_element_type3A_1043 masked %broadcast_in_dim3A_1045 : vector<16xi32>, vector<16xi1> -> vector<16xi32>
        %add3A_1047 = arith.addi %add3A_1036, %masked_cumsum3A_1046 : vector<16xi32>
        %sub3A_1048 = arith.subi %add3A_1047, %convert_element_type3A_1043 : vector<16xi32>
        %min3A_1049 = arith.constant 2047 : i32
        %min3A_1050 = vector.broadcast %min3A_1049 : i32 to vector<16xi32>
        %min3A_1051 = arith.minsi %sub3A_1048, %min3A_1050 : vector<16xi32>
        tpu.vector_store_idx %arg6[%min3A_1051], %get3A_1040 masked %ge3A_1042 : memref<2048xf32, #tpu.memory_space<vmem>>[vector<16xi32>], vector<16xf32>, vector<16xi1>
        %add3A_1052 = vector.broadcast %add3A_1038 : i32 to vector<16xi32>
        %add3A_1053 = arith.addi %iota3A, %add3A_1052 : vector<16xi32>
        tpu.vector_store_idx %arg7[%min3A_1051], %add3A_1053 masked %ge3A_1042 : memref<2048xi32, #tpu.memory_space<vmem>>[vector<16xi32>], vector<16xi32>, vector<16xi1>
        %lt3A_1054 = arith.constant 0 : i32
        %lt3A_1055 = vector.broadcast %lt3A_1054 : i32 to vector<16xi32>
        %lt3A_1056 = arith.cmpi slt, %broadcast_in_dim3A_3, %lt3A_1055 : vector<16xi32>
        %add3A_1057 = arith.constant 16 : i32
        %add3A_1058 = vector.broadcast %add3A_1057 : i32 to vector<16xi32>
        %add3A_1059 = arith.addi %broadcast_in_dim3A_3, %add3A_1058 : vector<16xi32>
        %select_n3A_1060 = arith.select %lt3A_1056, %add3A_1059, %broadcast_in_dim3A_3 : vector<16xi1>, vector<16xi32>
        %broadcast_in_dim3A_1061 = vector.shape_cast %select_n3A_1060 : vector<16xi32> to vector<16x1xi32>
        %gather3A_1062 = vector.shape_cast %broadcast_in_dim3A_1061 : vector<16x1xi32> to vector<16xi32>
        %gather3A_1063 = tpu.dynamic_gather %masked_cumsum3A_1046[%gather3A_1062] in [0] : vector<16xi32>, vector<16xi32> -> vector<16xi32>
        %add3A_1064 = arith.addi %add3A_1036, %gather3A_1063 : vector<16xi32>
        %add3A_1065 = arith.addi %scan3A_30#0, %scan3A_30#1 : i32
        scf.yield %add3A_1065 : i32
      } else {
        scf.yield %scan3A_30#0 : i32
      }
      %min3A = arith.constant 2048 : i32
      %min3A_35 = arith.minsi %cond3A_34, %min3A : i32
      %add3A_36 = arith.constant 15 : i32
      %add3A_37 = arith.addi %min3A_35, %add3A_36 : i32
      %jit3A = arith.constant 16 : i32
      %div3A = arith.divsi %add3A_37, %jit3A : i32
      %sign3A = arith.constant 0 : i32
      %sign3A_38 = arith.cmpi sgt, %add3A_37, %sign3A : i32
      %sign3A_39 = arith.extui %sign3A_38 : i1 to i32
      %sign3A_40 = arith.constant 0 : i32
      %sign3A_41 = arith.cmpi slt, %add3A_37, %sign3A_40 : i32
      %sign3A_42 = arith.extui %sign3A_41 : i1 to i32
      %sign3A_43 = arith.subi %sign3A_39, %sign3A_42 : i32
      %sign3A_44 = arith.constant 0 : i32
      %sign3A_45 = arith.cmpi sgt, %jit3A, %sign3A_44 : i32
      %sign3A_46 = arith.extui %sign3A_45 : i1 to i32
      %sign3A_47 = arith.constant 0 : i32
      %sign3A_48 = arith.cmpi slt, %jit3A, %sign3A_47 : i32
      %sign3A_49 = arith.extui %sign3A_48 : i1 to i32
      %sign3A_50 = arith.subi %sign3A_46, %sign3A_49 : i32
      %ne3A = arith.cmpi ne, %sign3A_43, %sign3A_50 : i32
      %rem3A = arith.remsi %add3A_37, %jit3A : i32
      %ne3A_51 = arith.constant 0 : i32
      %ne3A_52 = arith.cmpi ne, %rem3A, %ne3A_51 : i32
      %and3A = arith.andi %ne3A, %ne3A_52 : i1
      %sub3A = arith.constant 1 : i32
      %sub3A_53 = arith.subi %div3A, %sub3A : i32
      %select_n3A = arith.select %and3A, %sub3A_53, %div3A : i32
      %while3A = arith.constant 0 : i32
      %while3A_54 = arith.constant 0 : i32
      %while3A_55 = arith.subi %select_n3A, %while3A : i32
      %while3A_56 = arith.addi %while3A, %while3A_55 : i32
      %while3A_57 = arith.constant 1 : i32
      %while3A_58 = arith.divsi %while3A_55, %while3A_57 : i32
      %while3A_59 = arith.muli %while3A_58, %while3A_57 : i32
      %while3A_60 = arith.addi %while3A, %while3A_59 : i32
      %while3A_61 = arith.constant 1 : i32
      %while3A_62 = scf.for %while3A_783 = %while3A to %while3A_60 step %while3A_61 iter_args(%while3A_784 = %while3A_54) -> (i32)  : i32 {
        %mul3A_785 = arith.constant 16 : i32
        %mul3A_786 = arith.muli %while3A_783, %mul3A_785 : i32
        %get3A = arith.index_cast %mul3A_786 : i32 to index
        %get3A_787 = tpu.vector_load %arg6[%get3A] {strides = array<i32>} : memref<2048xf32, #tpu.memory_space<vmem>>, vector<16xf32>,
        %add3A_788 = arith.constant 0.000000e+00 : f32
        %add3A_789 = vector.broadcast %add3A_788 : f32 to vector<16xf32>
        %add3A_790 = arith.addf %get3A_787, %add3A_789 : vector<16xf32>
        %bitcast3A = vector.bitcast %add3A_790 : vector<16xf32> to vector<16xi32>
        %shift_right_arithmetic3A = arith.constant 31 : i32
        %shift_right_arithmetic3A_791 = vector.broadcast %shift_right_arithmetic3A : i32 to vector<16xi32>
        %shift_right_arithmetic3A_792 = arith.shrsi %bitcast3A, %shift_right_arithmetic3A_791 : vector<16xi32>
        %and3A_793 = arith.constant 2147483647 : i32
        %and3A_794 = vector.broadcast %and3A_793 : i32 to vector<16xi32>
        %and3A_795 = arith.andi %shift_right_arithmetic3A_792, %and3A_794 : vector<16xi32>
        %xor3A_796 = arith.xori %bitcast3A, %and3A_795 : vector<16xi32>
        %mul3A_797 = arith.constant 16 : i32
        %mul3A_798 = arith.muli %while3A_783, %mul3A_797 : i32
        %add3A_799 = vector.broadcast %mul3A_798 : i32 to vector<16xi32>
        %add3A_800 = arith.addi %add3A_799, %iota3A : vector<16xi32>
        %lt3A = vector.broadcast %min3A_35 : i32 to vector<16xi32>
        %lt3A_801 = arith.cmpi slt, %add3A_800, %lt3A : vector<16xi32>
        %jit3A_802 = arith.constant -2147483648 : i32
        %broadcast_in_dim3A_803 = vector.broadcast %jit3A_802 : i32 to vector<16xi32>
        %select_n3A_804 = arith.select %lt3A_801, %xor3A_796, %broadcast_in_dim3A_803 : vector<16xi1>, vector<16xi32>
        %mul3A_805 = arith.constant 16 : i32
        %mul3A_806 = arith.muli %while3A_783, %mul3A_805 : i32
        %swap3A_807 = arith.index_cast %mul3A_806 : i32 to index
        %swap3A_808 = tpu.vector_load %arg8[%swap3A_807] {strides = array<i32>} : memref<2048xi32, #tpu.memory_space<vmem>>, vector<16xi32>,
        tpu.vector_store %arg8[%swap3A_807], %select_n3A_804 {strides = array<i32>} : memref<2048xi32, #tpu.memory_space<vmem>>, vector<16xi32>,
        %while3A_809 = arith.constant 0 : i32
        scf.yield %while3A_809 : i32
      }
      %while3A_63 = arith.constant 1 : i32
      %while3A_64 = scf.for %while3A_783 = %while3A_60 to %while3A_56 step %while3A_63 iter_args(%while3A_784 = %while3A_62) -> (i32)  : i32 {
        %mul3A_785 = arith.constant 16 : i32
        %mul3A_786 = arith.muli %while3A_783, %mul3A_785 : i32
        %get3A = arith.index_cast %mul3A_786 : i32 to index
        %get3A_787 = tpu.vector_load %arg6[%get3A] {strides = array<i32>} : memref<2048xf32, #tpu.memory_space<vmem>>, vector<16xf32>,
        %add3A_788 = arith.constant 0.000000e+00 : f32
        %add3A_789 = vector.broadcast %add3A_788 : f32 to vector<16xf32>
        %add3A_790 = arith.addf %get3A_787, %add3A_789 : vector<16xf32>
        %bitcast3A = vector.bitcast %add3A_790 : vector<16xf32> to vector<16xi32>
        %shift_right_arithmetic3A = arith.constant 31 : i32
        %shift_right_arithmetic3A_791 = vector.broadcast %shift_right_arithmetic3A : i32 to vector<16xi32>
        %shift_right_arithmetic3A_792 = arith.shrsi %bitcast3A, %shift_right_arithmetic3A_791 : vector<16xi32>
        %and3A_793 = arith.constant 2147483647 : i32
        %and3A_794 = vector.broadcast %and3A_793 : i32 to vector<16xi32>
        %and3A_795 = arith.andi %shift_right_arithmetic3A_792, %and3A_794 : vector<16xi32>
        %xor3A_796 = arith.xori %bitcast3A, %and3A_795 : vector<16xi32>
        %mul3A_797 = arith.constant 16 : i32
        %mul3A_798 = arith.muli %while3A_783, %mul3A_797 : i32
        %add3A_799 = vector.broadcast %mul3A_798 : i32 to vector<16xi32>
        %add3A_800 = arith.addi %add3A_799, %iota3A : vector<16xi32>
        %lt3A = vector.broadcast %min3A_35 : i32 to vector<16xi32>
        %lt3A_801 = arith.cmpi slt, %add3A_800, %lt3A : vector<16xi32>
        %jit3A_802 = arith.constant -2147483648 : i32
        %broadcast_in_dim3A_803 = vector.broadcast %jit3A_802 : i32 to vector<16xi32>
        %select_n3A_804 = arith.select %lt3A_801, %xor3A_796, %broadcast_in_dim3A_803 : vector<16xi1>, vector<16xi32>
        %mul3A_805 = arith.constant 16 : i32
        %mul3A_806 = arith.muli %while3A_783, %mul3A_805 : i32
        %swap3A_807 = arith.index_cast %mul3A_806 : i32 to index
        %swap3A_808 = tpu.vector_load %arg8[%swap3A_807] {strides = array<i32>} : memref<2048xi32, #tpu.memory_space<vmem>>, vector<16xi32>,
        tpu.vector_store %arg8[%swap3A_807], %select_n3A_804 {strides = array<i32>} : memref<2048xi32, #tpu.memory_space<vmem>>, vector<16xi32>,
        %while3A_809 = arith.constant 0 : i32
        scf.yield %while3A_809 : i32
      }
      %shift_left3A = arith.constant 1 : i32
      %shift_left3A_65 = arith.constant 31 : i32
      %shift_left3A_66 = arith.shli %shift_left3A, %shift_left3A_65 : i32
      %or3A = arith.constant 0 : i32
      %or3A_67 = arith.ori %or3A, %shift_left3A_66 : i32
      %xor3A = arith.constant -2147483648 : i32
      %xor3A_68 = arith.xori %or3A_67, %xor3A : i32
      %while3A_69 = arith.constant 0 : i32
      %while3A_70 = arith.constant 0 : i32
      %while3A_71 = arith.subi %select_n3A, %while3A_69 : i32
      %while3A_72 = arith.addi %while3A_69, %while3A_71 : i32
      %while3A_73 = arith.constant 1 : i32
      %while3A_74 = arith.divsi %while3A_71, %while3A_73 : i32
      %while3A_75 = arith.muli %while3A_74, %while3A_73 : i32
      %while3A_76 = arith.addi %while3A_69, %while3A_75 : i32
      %while3A_77 = arith.constant 1 : i32
      %while3A_78 = scf.for %while3A_783 = %while3A_69 to %while3A_76 step %while3A_77 iter_args(%while3A_784 = %while3A_70) -> (i32)  : i32 {
        %mul3A_785 = arith.constant 16 : i32
        %mul3A_786 = arith.muli %while3A_783, %mul3A_785 : i32
        %get3A = arith.index_cast %mul3A_786 : i32 to index
        %get3A_787 = tpu.vector_load %arg8[%get3A] {strides = array<i32>} : memref<2048xi32, #tpu.memory_space<vmem>>, vector<16xi32>,
        %ge3A_788 = vector.broadcast %xor3A_68 : i32 to vector<16xi32>
        %ge3A_789 = arith.cmpi sge, %get3A_787, %ge3A_788 : vector<16xi32>
        %convert_element_type3A_790 = arith.extui %ge3A_789 : vector<16xi1> to vector<16xi32>
        %reduce_sum3A = arith.constant true
        %reduce_sum3A_791 = vector.broadcast %reduce_sum3A : i1 to vector<16xi1>
        %reduce_sum3A_792 = tpu.scan <sum>, %convert_element_type3A_790 masked %reduce_sum3A_791 : vector<16xi32>, vector<16xi1> -> vector<16xi32>
        %reduce_sum3A_793 = vector.extract %reduce_sum3A_792[15] : i32 from vector<16xi32>
        %add3A_794 = arith.addi %while3A_784, %reduce_sum3A_793 : i32
        scf.yield %add3A_794 : i32
      }
      %while3A_79 = arith.constant 1 : i32
      %while3A_80 = scf.for %while3A_783 = %while3A_76 to %while3A_72 step %while3A_79 iter_args(%while3A_784 = %while3A_78) -> (i32)  : i32 {
        %mul3A_785 = arith.constant 16 : i32
        %mul3A_786 = arith.muli %while3A_783, %mul3A_785 : i32
        %get3A = arith.index_cast %mul3A_786 : i32 to index
        %get3A_787 = tpu.vector_load %arg8[%get3A] {strides = array<i32>} : memref<2048xi32, #tpu.memory_space<vmem>>, vector<16xi32>,
        %ge3A_788 = vector.broadcast %xor3A_68 : i32 to vector<16xi32>
        %ge3A_789 = arith.cmpi sge, %get3A_787, %ge3A_788 : vector<16xi32>
        %convert_element_type3A_790 = arith.extui %ge3A_789 : vector<16xi1> to vector<16xi32>
        %reduce_sum3A = arith.constant true
        %reduce_sum3A_791 = vector.broadcast %reduce_sum3A : i1 to vector<16xi1>
        %reduce_sum3A_792 = tpu.scan <sum>, %convert_element_type3A_790 masked %reduce_sum3A_791 : vector<16xi32>, vector<16xi1> -> vector<16xi32>
        %reduce_sum3A_793 = vector.extract %reduce_sum3A_792[15] : i32 from vector<16xi32>
        %add3A_794 = arith.addi %while3A_784, %reduce_sum3A_793 : i32
        scf.yield %add3A_794 : i32
      }
      %ge3A = arith.constant 64 : i32
      %ge3A_81 = arith.cmpi sge, %while3A_80, %ge3A : i32
      %jit3A_82 = arith.constant 0 : i32
      %select_n3A_83 = arith.select %ge3A_81, %or3A_67, %jit3A_82 : i32
      %shift_left3A_84 = arith.constant 1 : i32
      %shift_left3A_85 = arith.constant 30 : i32
      %shift_left3A_86 = arith.shli %shift_left3A_84, %shift_left3A_85 : i32
      %or3A_87 = arith.ori %select_n3A_83, %shift_left3A_86 : i32
      %xor3A_88 = arith.constant -2147483648 : i32
      %xor3A_89 = arith.xori %or3A_87, %xor3A_88 : i32
      %while3A_90 = arith.constant 0 : i32
      %while3A_91 = arith.constant 0 : i32
      %while3A_92 = arith.subi %select_n3A, %while3A_90 : i32
      %while3A_93 = arith.addi %while3A_90, %while3A_92 : i32
      %while3A_94 = arith.constant 1 : i32
      %while3A_95 = arith.divsi %while3A_92, %while3A_94 : i32
      %while3A_96 = arith.muli %while3A_95, %while3A_94 : i32
      %while3A_97 = arith.addi %while3A_90, %while3A_96 : i32
      %while3A_98 = arith.constant 1 : i32
      %while3A_99 = scf.for %while3A_783 = %while3A_90 to %while3A_97 step %while3A_98 iter_args(%while3A_784 = %while3A_91) -> (i32)  : i32 {
        %mul3A_785 = arith.constant 16 : i32
        %mul3A_786 = arith.muli %while3A_783, %mul3A_785 : i32
        %get3A = arith.index_cast %mul3A_786 : i32 to index
        %get3A_787 = tpu.vector_load %arg8[%get3A] {strides = array<i32>} : memref<2048xi32, #tpu.memory_space<vmem>>, vector<16xi32>,
        %ge3A_788 = vector.broadcast %xor3A_89 : i32 to vector<16xi32>
        %ge3A_789 = arith.cmpi sge, %get3A_787, %ge3A_788 : vector<16xi32>
        %convert_element_type3A_790 = arith.extui %ge3A_789 : vector<16xi1> to vector<16xi32>
        %reduce_sum3A = arith.constant true
        %reduce_sum3A_791 = vector.broadcast %reduce_sum3A : i1 to vector<16xi1>
        %reduce_sum3A_792 = tpu.scan <sum>, %convert_element_type3A_790 masked %reduce_sum3A_791 : vector<16xi32>, vector<16xi1> -> vector<16xi32>
        %reduce_sum3A_793 = vector.extract %reduce_sum3A_792[15] : i32 from vector<16xi32>
        %add3A_794 = arith.addi %while3A_784, %reduce_sum3A_793 : i32
        scf.yield %add3A_794 : i32
      }
      %while3A_100 = arith.constant 1 : i32
      %while3A_101 = scf.for %while3A_783 = %while3A_97 to %while3A_93 step %while3A_100 iter_args(%while3A_784 = %while3A_99) -> (i32)  : i32 {
        %mul3A_785 = arith.constant 16 : i32
        %mul3A_786 = arith.muli %while3A_783, %mul3A_785 : i32
        %get3A = arith.index_cast %mul3A_786 : i32 to index
        %get3A_787 = tpu.vector_load %arg8[%get3A] {strides = array<i32>} : memref<2048xi32, #tpu.memory_space<vmem>>, vector<16xi32>,
        %ge3A_788 = vector.broadcast %xor3A_89 : i32 to vector<16xi32>
        %ge3A_789 = arith.cmpi sge, %get3A_787, %ge3A_788 : vector<16xi32>
        %convert_element_type3A_790 = arith.extui %ge3A_789 : vector<16xi1> to vector<16xi32>
        %reduce_sum3A = arith.constant true
        %reduce_sum3A_791 = vector.broadcast %reduce_sum3A : i1 to vector<16xi1>
        %reduce_sum3A_792 = tpu.scan <sum>, %convert_element_type3A_790 masked %reduce_sum3A_791 : vector<16xi32>, vector<16xi1> -> vector<16xi32>
        %reduce_sum3A_793 = vector.extract %reduce_sum3A_792[15] : i32 from vector<16xi32>
        %add3A_794 = arith.addi %while3A_784, %reduce_sum3A_793 : i32
        scf.yield %add3A_794 : i32
      }
      %ge3A_102 = arith.constant 64 : i32
      %ge3A_103 = arith.cmpi sge, %while3A_101, %ge3A_102 : i32
      %select_n3A_104 = arith.select %ge3A_103, %or3A_87, %select_n3A_83 : i32
      %shift_left3A_105 = arith.constant 1 : i32
      %shift_left3A_106 = arith.constant 29 : i32
      %shift_left3A_107 = arith.shli %shift_left3A_105, %shift_left3A_106 : i32
      %or3A_108 = arith.ori %select_n3A_104, %shift_left3A_107 : i32
      %xor3A_109 = arith.constant -2147483648 : i32
      %xor3A_110 = arith.xori %or3A_108, %xor3A_109 : i32
      %while3A_111 = arith.constant 0 : i32
      %while3A_112 = arith.constant 0 : i32
      %while3A_113 = arith.subi %select_n3A, %while3A_111 : i32
      %while3A_114 = arith.addi %while3A_111, %while3A_113 : i32
      %while3A_115 = arith.constant 1 : i32
      %while3A_116 = arith.divsi %while3A_113, %while3A_115 : i32
      %while3A_117 = arith.muli %while3A_116, %while3A_115 : i32
      %while3A_118 = arith.addi %while3A_111, %while3A_117 : i32
      %while3A_119 = arith.constant 1 : i32
      %while3A_120 = scf.for %while3A_783 = %while3A_111 to %while3A_118 step %while3A_119 iter_args(%while3A_784 = %while3A_112) -> (i32)  : i32 {
        %mul3A_785 = arith.constant 16 : i32
        %mul3A_786 = arith.muli %while3A_783, %mul3A_785 : i32
        %get3A = arith.index_cast %mul3A_786 : i32 to index
        %get3A_787 = tpu.vector_load %arg8[%get3A] {strides = array<i32>} : memref<2048xi32, #tpu.memory_space<vmem>>, vector<16xi32>,
        %ge3A_788 = vector.broadcast %xor3A_110 : i32 to vector<16xi32>
        %ge3A_789 = arith.cmpi sge, %get3A_787, %ge3A_788 : vector<16xi32>
        %convert_element_type3A_790 = arith.extui %ge3A_789 : vector<16xi1> to vector<16xi32>
        %reduce_sum3A = arith.constant true
        %reduce_sum3A_791 = vector.broadcast %reduce_sum3A : i1 to vector<16xi1>
        %reduce_sum3A_792 = tpu.scan <sum>, %convert_element_type3A_790 masked %reduce_sum3A_791 : vector<16xi32>, vector<16xi1> -> vector<16xi32>
        %reduce_sum3A_793 = vector.extract %reduce_sum3A_792[15] : i32 from vector<16xi32>
        %add3A_794 = arith.addi %while3A_784, %reduce_sum3A_793 : i32
        scf.yield %add3A_794 : i32
      }
      %while3A_121 = arith.constant 1 : i32
      %while3A_122 = scf.for %while3A_783 = %while3A_118 to %while3A_114 step %while3A_121 iter_args(%while3A_784 = %while3A_120) -> (i32)  : i32 {
        %mul3A_785 = arith.constant 16 : i32
        %mul3A_786 = arith.muli %while3A_783, %mul3A_785 : i32
        %get3A = arith.index_cast %mul3A_786 : i32 to index
        %get3A_787 = tpu.vector_load %arg8[%get3A] {strides = array<i32>} : memref<2048xi32, #tpu.memory_space<vmem>>, vector<16xi32>,
        %ge3A_788 = vector.broadcast %xor3A_110 : i32 to vector<16xi32>
        %ge3A_789 = arith.cmpi sge, %get3A_787, %ge3A_788 : vector<16xi32>
        %convert_element_type3A_790 = arith.extui %ge3A_789 : vector<16xi1> to vector<16xi32>
        %reduce_sum3A = arith.constant true
        %reduce_sum3A_791 = vector.broadcast %reduce_sum3A : i1 to vector<16xi1>
        %reduce_sum3A_792 = tpu.scan <sum>, %convert_element_type3A_790 masked %reduce_sum3A_791 : vector<16xi32>, vector<16xi1> -> vector<16xi32>
        %reduce_sum3A_793 = vector.extract %reduce_sum3A_792[15] : i32 from vector<16xi32>
        %add3A_794 = arith.addi %while3A_784, %reduce_sum3A_793 : i32
        scf.yield %add3A_794 : i32
      }
      %ge3A_123 = arith.constant 64 : i32
      %ge3A_124 = arith.cmpi sge, %while3A_122, %ge3A_123 : i32
      %select_n3A_125 = arith.select %ge3A_124, %or3A_108, %select_n3A_104 : i32
      %shift_left3A_126 = arith.constant 1 : i32
      %shift_left3A_127 = arith.constant 28 : i32
      %shift_left3A_128 = arith.shli %shift_left3A_126, %shift_left3A_127 : i32
      %or3A_129 = arith.ori %select_n3A_125, %shift_left3A_128 : i32
      %xor3A_130 = arith.constant -2147483648 : i32
      %xor3A_131 = arith.xori %or3A_129, %xor3A_130 : i32
      %while3A_132 = arith.constant 0 : i32
      %while3A_133 = arith.constant 0 : i32
      %while3A_134 = arith.subi %select_n3A, %while3A_132 : i32
      %while3A_135 = arith.addi %while3A_132, %while3A_134 : i32
      %while3A_136 = arith.constant 1 : i32
      %while3A_137 = arith.divsi %while3A_134, %while3A_136 : i32
      %while3A_138 = arith.muli %while3A_137, %while3A_136 : i32
      %while3A_139 = arith.addi %while3A_132, %while3A_138 : i32
      %while3A_140 = arith.constant 1 : i32
      %while3A_141 = scf.for %while3A_783 = %while3A_132 to %while3A_139 step %while3A_140 iter_args(%while3A_784 = %while3A_133) -> (i32)  : i32 {
        %mul3A_785 = arith.constant 16 : i32
        %mul3A_786 = arith.muli %while3A_783, %mul3A_785 : i32
        %get3A = arith.index_cast %mul3A_786 : i32 to index
        %get3A_787 = tpu.vector_load %arg8[%get3A] {strides = array<i32>} : memref<2048xi32, #tpu.memory_space<vmem>>, vector<16xi32>,
        %ge3A_788 = vector.broadcast %xor3A_131 : i32 to vector<16xi32>
        %ge3A_789 = arith.cmpi sge, %get3A_787, %ge3A_788 : vector<16xi32>
        %convert_element_type3A_790 = arith.extui %ge3A_789 : vector<16xi1> to vector<16xi32>
        %reduce_sum3A = arith.constant true
        %reduce_sum3A_791 = vector.broadcast %reduce_sum3A : i1 to vector<16xi1>
        %reduce_sum3A_792 = tpu.scan <sum>, %convert_element_type3A_790 masked %reduce_sum3A_791 : vector<16xi32>, vector<16xi1> -> vector<16xi32>
        %reduce_sum3A_793 = vector.extract %reduce_sum3A_792[15] : i32 from vector<16xi32>
        %add3A_794 = arith.addi %while3A_784, %reduce_sum3A_793 : i32
        scf.yield %add3A_794 : i32
      }
      %while3A_142 = arith.constant 1 : i32
      %while3A_143 = scf.for %while3A_783 = %while3A_139 to %while3A_135 step %while3A_142 iter_args(%while3A_784 = %while3A_141) -> (i32)  : i32 {
        %mul3A_785 = arith.constant 16 : i32
        %mul3A_786 = arith.muli %while3A_783, %mul3A_785 : i32
        %get3A = arith.index_cast %mul3A_786 : i32 to index
        %get3A_787 = tpu.vector_load %arg8[%get3A] {strides = array<i32>} : memref<2048xi32, #tpu.memory_space<vmem>>, vector<16xi32>,
        %ge3A_788 = vector.broadcast %xor3A_131 : i32 to vector<16xi32>
        %ge3A_789 = arith.cmpi sge, %get3A_787, %ge3A_788 : vector<16xi32>
        %convert_element_type3A_790 = arith.extui %ge3A_789 : vector<16xi1> to vector<16xi32>
        %reduce_sum3A = arith.constant true
        %reduce_sum3A_791 = vector.broadcast %reduce_sum3A : i1 to vector<16xi1>
        %reduce_sum3A_792 = tpu.scan <sum>, %convert_element_type3A_790 masked %reduce_sum3A_791 : vector<16xi32>, vector<16xi1> -> vector<16xi32>
        %reduce_sum3A_793 = vector.extract %reduce_sum3A_792[15] : i32 from vector<16xi32>
        %add3A_794 = arith.addi %while3A_784, %reduce_sum3A_793 : i32
        scf.yield %add3A_794 : i32
      }
      %ge3A_144 = arith.constant 64 : i32
      %ge3A_145 = arith.cmpi sge, %while3A_143, %ge3A_144 : i32
      %select_n3A_146 = arith.select %ge3A_145, %or3A_129, %select_n3A_125 : i32
      %shift_left3A_147 = arith.constant 1 : i32
      %shift_left3A_148 = arith.constant 27 : i32
      %shift_left3A_149 = arith.shli %shift_left3A_147, %shift_left3A_148 : i32
      %or3A_150 = arith.ori %select_n3A_146, %shift_left3A_149 : i32
      %xor3A_151 = arith.constant -2147483648 : i32
      %xor3A_152 = arith.xori %or3A_150, %xor3A_151 : i32
      %while3A_153 = arith.constant 0 : i32
      %while3A_154 = arith.constant 0 : i32
      %while3A_155 = arith.subi %select_n3A, %while3A_153 : i32
      %while3A_156 = arith.addi %while3A_153, %while3A_155 : i32
      %while3A_157 = arith.constant 1 : i32
      %while3A_158 = arith.divsi %while3A_155, %while3A_157 : i32
      %while3A_159 = arith.muli %while3A_158, %while3A_157 : i32
      %while3A_160 = arith.addi %while3A_153, %while3A_159 : i32
      %while3A_161 = arith.constant 1 : i32
      %while3A_162 = scf.for %while3A_783 = %while3A_153 to %while3A_160 step %while3A_161 iter_args(%while3A_784 = %while3A_154) -> (i32)  : i32 {
        %mul3A_785 = arith.constant 16 : i32
        %mul3A_786 = arith.muli %while3A_783, %mul3A_785 : i32
        %get3A = arith.index_cast %mul3A_786 : i32 to index
        %get3A_787 = tpu.vector_load %arg8[%get3A] {strides = array<i32>} : memref<2048xi32, #tpu.memory_space<vmem>>, vector<16xi32>,
        %ge3A_788 = vector.broadcast %xor3A_152 : i32 to vector<16xi32>
        %ge3A_789 = arith.cmpi sge, %get3A_787, %ge3A_788 : vector<16xi32>
        %convert_element_type3A_790 = arith.extui %ge3A_789 : vector<16xi1> to vector<16xi32>
        %reduce_sum3A = arith.constant true
        %reduce_sum3A_791 = vector.broadcast %reduce_sum3A : i1 to vector<16xi1>
        %reduce_sum3A_792 = tpu.scan <sum>, %convert_element_type3A_790 masked %reduce_sum3A_791 : vector<16xi32>, vector<16xi1> -> vector<16xi32>
        %reduce_sum3A_793 = vector.extract %reduce_sum3A_792[15] : i32 from vector<16xi32>
        %add3A_794 = arith.addi %while3A_784, %reduce_sum3A_793 : i32
        scf.yield %add3A_794 : i32
      }
      %while3A_163 = arith.constant 1 : i32
      %while3A_164 = scf.for %while3A_783 = %while3A_160 to %while3A_156 step %while3A_163 iter_args(%while3A_784 = %while3A_162) -> (i32)  : i32 {
        %mul3A_785 = arith.constant 16 : i32
        %mul3A_786 = arith.muli %while3A_783, %mul3A_785 : i32
        %get3A = arith.index_cast %mul3A_786 : i32 to index
        %get3A_787 = tpu.vector_load %arg8[%get3A] {strides = array<i32>} : memref<2048xi32, #tpu.memory_space<vmem>>, vector<16xi32>,
        %ge3A_788 = vector.broadcast %xor3A_152 : i32 to vector<16xi32>
        %ge3A_789 = arith.cmpi sge, %get3A_787, %ge3A_788 : vector<16xi32>
        %convert_element_type3A_790 = arith.extui %ge3A_789 : vector<16xi1> to vector<16xi32>
        %reduce_sum3A = arith.constant true
        %reduce_sum3A_791 = vector.broadcast %reduce_sum3A : i1 to vector<16xi1>
        %reduce_sum3A_792 = tpu.scan <sum>, %convert_element_type3A_790 masked %reduce_sum3A_791 : vector<16xi32>, vector<16xi1> -> vector<16xi32>
        %reduce_sum3A_793 = vector.extract %reduce_sum3A_792[15] : i32 from vector<16xi32>
        %add3A_794 = arith.addi %while3A_784, %reduce_sum3A_793 : i32
        scf.yield %add3A_794 : i32
      }
      %ge3A_165 = arith.constant 64 : i32
      %ge3A_166 = arith.cmpi sge, %while3A_164, %ge3A_165 : i32
      %select_n3A_167 = arith.select %ge3A_166, %or3A_150, %select_n3A_146 : i32
      %shift_left3A_168 = arith.constant 1 : i32
      %shift_left3A_169 = arith.constant 26 : i32
      %shift_left3A_170 = arith.shli %shift_left3A_168, %shift_left3A_169 : i32
      %or3A_171 = arith.ori %select_n3A_167, %shift_left3A_170 : i32
      %xor3A_172 = arith.constant -2147483648 : i32
      %xor3A_173 = arith.xori %or3A_171, %xor3A_172 : i32
      %while3A_174 = arith.constant 0 : i32
      %while3A_175 = arith.constant 0 : i32
      %while3A_176 = arith.subi %select_n3A, %while3A_174 : i32
      %while3A_177 = arith.addi %while3A_174, %while3A_176 : i32
      %while3A_178 = arith.constant 1 : i32
      %while3A_179 = arith.divsi %while3A_176, %while3A_178 : i32
      %while3A_180 = arith.muli %while3A_179, %while3A_178 : i32
      %while3A_181 = arith.addi %while3A_174, %while3A_180 : i32
      %while3A_182 = arith.constant 1 : i32
      %while3A_183 = scf.for %while3A_783 = %while3A_174 to %while3A_181 step %while3A_182 iter_args(%while3A_784 = %while3A_175) -> (i32)  : i32 {
        %mul3A_785 = arith.constant 16 : i32
        %mul3A_786 = arith.muli %while3A_783, %mul3A_785 : i32
        %get3A = arith.index_cast %mul3A_786 : i32 to index
        %get3A_787 = tpu.vector_load %arg8[%get3A] {strides = array<i32>} : memref<2048xi32, #tpu.memory_space<vmem>>, vector<16xi32>,
        %ge3A_788 = vector.broadcast %xor3A_173 : i32 to vector<16xi32>
        %ge3A_789 = arith.cmpi sge, %get3A_787, %ge3A_788 : vector<16xi32>
        %convert_element_type3A_790 = arith.extui %ge3A_789 : vector<16xi1> to vector<16xi32>
        %reduce_sum3A = arith.constant true
        %reduce_sum3A_791 = vector.broadcast %reduce_sum3A : i1 to vector<16xi1>
        %reduce_sum3A_792 = tpu.scan <sum>, %convert_element_type3A_790 masked %reduce_sum3A_791 : vector<16xi32>, vector<16xi1> -> vector<16xi32>
        %reduce_sum3A_793 = vector.extract %reduce_sum3A_792[15] : i32 from vector<16xi32>
        %add3A_794 = arith.addi %while3A_784, %reduce_sum3A_793 : i32
        scf.yield %add3A_794 : i32
      }
      %while3A_184 = arith.constant 1 : i32
      %while3A_185 = scf.for %while3A_783 = %while3A_181 to %while3A_177 step %while3A_184 iter_args(%while3A_784 = %while3A_183) -> (i32)  : i32 {
        %mul3A_785 = arith.constant 16 : i32
        %mul3A_786 = arith.muli %while3A_783, %mul3A_785 : i32
        %get3A = arith.index_cast %mul3A_786 : i32 to index
        %get3A_787 = tpu.vector_load %arg8[%get3A] {strides = array<i32>} : memref<2048xi32, #tpu.memory_space<vmem>>, vector<16xi32>,
        %ge3A_788 = vector.broadcast %xor3A_173 : i32 to vector<16xi32>
        %ge3A_789 = arith.cmpi sge, %get3A_787, %ge3A_788 : vector<16xi32>
        %convert_element_type3A_790 = arith.extui %ge3A_789 : vector<16xi1> to vector<16xi32>
        %reduce_sum3A = arith.constant true
        %reduce_sum3A_791 = vector.broadcast %reduce_sum3A : i1 to vector<16xi1>
        %reduce_sum3A_792 = tpu.scan <sum>, %convert_element_type3A_790 masked %reduce_sum3A_791 : vector<16xi32>, vector<16xi1> -> vector<16xi32>
        %reduce_sum3A_793 = vector.extract %reduce_sum3A_792[15] : i32 from vector<16xi32>
        %add3A_794 = arith.addi %while3A_784, %reduce_sum3A_793 : i32
        scf.yield %add3A_794 : i32
      }
      %ge3A_186 = arith.constant 64 : i32
      %ge3A_187 = arith.cmpi sge, %while3A_185, %ge3A_186 : i32
      %select_n3A_188 = arith.select %ge3A_187, %or3A_171, %select_n3A_167 : i32
      %shift_left3A_189 = arith.constant 1 : i32
      %shift_left3A_190 = arith.constant 25 : i32
      %shift_left3A_191 = arith.shli %shift_left3A_189, %shift_left3A_190 : i32
      %or3A_192 = arith.ori %select_n3A_188, %shift_left3A_191 : i32
      %xor3A_193 = arith.constant -2147483648 : i32
      %xor3A_194 = arith.xori %or3A_192, %xor3A_193 : i32
      %while3A_195 = arith.constant 0 : i32
      %while3A_196 = arith.constant 0 : i32
      %while3A_197 = arith.subi %select_n3A, %while3A_195 : i32
      %while3A_198 = arith.addi %while3A_195, %while3A_197 : i32
      %while3A_199 = arith.constant 1 : i32
      %while3A_200 = arith.divsi %while3A_197, %while3A_199 : i32
      %while3A_201 = arith.muli %while3A_200, %while3A_199 : i32
      %while3A_202 = arith.addi %while3A_195, %while3A_201 : i32
      %while3A_203 = arith.constant 1 : i32
      %while3A_204 = scf.for %while3A_783 = %while3A_195 to %while3A_202 step %while3A_203 iter_args(%while3A_784 = %while3A_196) -> (i32)  : i32 {
        %mul3A_785 = arith.constant 16 : i32
        %mul3A_786 = arith.muli %while3A_783, %mul3A_785 : i32
        %get3A = arith.index_cast %mul3A_786 : i32 to index
        %get3A_787 = tpu.vector_load %arg8[%get3A] {strides = array<i32>} : memref<2048xi32, #tpu.memory_space<vmem>>, vector<16xi32>,
        %ge3A_788 = vector.broadcast %xor3A_194 : i32 to vector<16xi32>
        %ge3A_789 = arith.cmpi sge, %get3A_787, %ge3A_788 : vector<16xi32>
        %convert_element_type3A_790 = arith.extui %ge3A_789 : vector<16xi1> to vector<16xi32>
        %reduce_sum3A = arith.constant true
        %reduce_sum3A_791 = vector.broadcast %reduce_sum3A : i1 to vector<16xi1>
        %reduce_sum3A_792 = tpu.scan <sum>, %convert_element_type3A_790 masked %reduce_sum3A_791 : vector<16xi32>, vector<16xi1> -> vector<16xi32>
        %reduce_sum3A_793 = vector.extract %reduce_sum3A_792[15] : i32 from vector<16xi32>
        %add3A_794 = arith.addi %while3A_784, %reduce_sum3A_793 : i32
        scf.yield %add3A_794 : i32
      }
      %while3A_205 = arith.constant 1 : i32
      %while3A_206 = scf.for %while3A_783 = %while3A_202 to %while3A_198 step %while3A_205 iter_args(%while3A_784 = %while3A_204) -> (i32)  : i32 {
        %mul3A_785 = arith.constant 16 : i32
        %mul3A_786 = arith.muli %while3A_783, %mul3A_785 : i32
        %get3A = arith.index_cast %mul3A_786 : i32 to index
        %get3A_787 = tpu.vector_load %arg8[%get3A] {strides = array<i32>} : memref<2048xi32, #tpu.memory_space<vmem>>, vector<16xi32>,
        %ge3A_788 = vector.broadcast %xor3A_194 : i32 to vector<16xi32>
        %ge3A_789 = arith.cmpi sge, %get3A_787, %ge3A_788 : vector<16xi32>
        %convert_element_type3A_790 = arith.extui %ge3A_789 : vector<16xi1> to vector<16xi32>
        %reduce_sum3A = arith.constant true
        %reduce_sum3A_791 = vector.broadcast %reduce_sum3A : i1 to vector<16xi1>
        %reduce_sum3A_792 = tpu.scan <sum>, %convert_element_type3A_790 masked %reduce_sum3A_791 : vector<16xi32>, vector<16xi1> -> vector<16xi32>
        %reduce_sum3A_793 = vector.extract %reduce_sum3A_792[15] : i32 from vector<16xi32>
        %add3A_794 = arith.addi %while3A_784, %reduce_sum3A_793 : i32
        scf.yield %add3A_794 : i32
      }
      %ge3A_207 = arith.constant 64 : i32
      %ge3A_208 = arith.cmpi sge, %while3A_206, %ge3A_207 : i32
      %select_n3A_209 = arith.select %ge3A_208, %or3A_192, %select_n3A_188 : i32
      %shift_left3A_210 = arith.constant 1 : i32
      %shift_left3A_211 = arith.constant 24 : i32
      %shift_left3A_212 = arith.shli %shift_left3A_210, %shift_left3A_211 : i32
      %or3A_213 = arith.ori %select_n3A_209, %shift_left3A_212 : i32
      %xor3A_214 = arith.constant -2147483648 : i32
      %xor3A_215 = arith.xori %or3A_213, %xor3A_214 : i32
      %while3A_216 = arith.constant 0 : i32
      %while3A_217 = arith.constant 0 : i32
      %while3A_218 = arith.subi %select_n3A, %while3A_216 : i32
      %while3A_219 = arith.addi %while3A_216, %while3A_218 : i32
      %while3A_220 = arith.constant 1 : i32
      %while3A_221 = arith.divsi %while3A_218, %while3A_220 : i32
      %while3A_222 = arith.muli %while3A_221, %while3A_220 : i32
      %while3A_223 = arith.addi %while3A_216, %while3A_222 : i32
      %while3A_224 = arith.constant 1 : i32
      %while3A_225 = scf.for %while3A_783 = %while3A_216 to %while3A_223 step %while3A_224 iter_args(%while3A_784 = %while3A_217) -> (i32)  : i32 {
        %mul3A_785 = arith.constant 16 : i32
        %mul3A_786 = arith.muli %while3A_783, %mul3A_785 : i32
        %get3A = arith.index_cast %mul3A_786 : i32 to index
        %get3A_787 = tpu.vector_load %arg8[%get3A] {strides = array<i32>} : memref<2048xi32, #tpu.memory_space<vmem>>, vector<16xi32>,
        %ge3A_788 = vector.broadcast %xor3A_215 : i32 to vector<16xi32>
        %ge3A_789 = arith.cmpi sge, %get3A_787, %ge3A_788 : vector<16xi32>
        %convert_element_type3A_790 = arith.extui %ge3A_789 : vector<16xi1> to vector<16xi32>
        %reduce_sum3A = arith.constant true
        %reduce_sum3A_791 = vector.broadcast %reduce_sum3A : i1 to vector<16xi1>
        %reduce_sum3A_792 = tpu.scan <sum>, %convert_element_type3A_790 masked %reduce_sum3A_791 : vector<16xi32>, vector<16xi1> -> vector<16xi32>
        %reduce_sum3A_793 = vector.extract %reduce_sum3A_792[15] : i32 from vector<16xi32>
        %add3A_794 = arith.addi %while3A_784, %reduce_sum3A_793 : i32
        scf.yield %add3A_794 : i32
      }
      %while3A_226 = arith.constant 1 : i32
      %while3A_227 = scf.for %while3A_783 = %while3A_223 to %while3A_219 step %while3A_226 iter_args(%while3A_784 = %while3A_225) -> (i32)  : i32 {
        %mul3A_785 = arith.constant 16 : i32
        %mul3A_786 = arith.muli %while3A_783, %mul3A_785 : i32
        %get3A = arith.index_cast %mul3A_786 : i32 to index
        %get3A_787 = tpu.vector_load %arg8[%get3A] {strides = array<i32>} : memref<2048xi32, #tpu.memory_space<vmem>>, vector<16xi32>,
        %ge3A_788 = vector.broadcast %xor3A_215 : i32 to vector<16xi32>
        %ge3A_789 = arith.cmpi sge, %get3A_787, %ge3A_788 : vector<16xi32>
        %convert_element_type3A_790 = arith.extui %ge3A_789 : vector<16xi1> to vector<16xi32>
        %reduce_sum3A = arith.constant true
        %reduce_sum3A_791 = vector.broadcast %reduce_sum3A : i1 to vector<16xi1>
        %reduce_sum3A_792 = tpu.scan <sum>, %convert_element_type3A_790 masked %reduce_sum3A_791 : vector<16xi32>, vector<16xi1> -> vector<16xi32>
        %reduce_sum3A_793 = vector.extract %reduce_sum3A_792[15] : i32 from vector<16xi32>
        %add3A_794 = arith.addi %while3A_784, %reduce_sum3A_793 : i32
        scf.yield %add3A_794 : i32
      }
      %ge3A_228 = arith.constant 64 : i32
      %ge3A_229 = arith.cmpi sge, %while3A_227, %ge3A_228 : i32
      %select_n3A_230 = arith.select %ge3A_229, %or3A_213, %select_n3A_209 : i32
      %shift_left3A_231 = arith.constant 1 : i32
      %shift_left3A_232 = arith.constant 23 : i32
      %shift_left3A_233 = arith.shli %shift_left3A_231, %shift_left3A_232 : i32
      %or3A_234 = arith.ori %select_n3A_230, %shift_left3A_233 : i32
      %xor3A_235 = arith.constant -2147483648 : i32
      %xor3A_236 = arith.xori %or3A_234, %xor3A_235 : i32
      %while3A_237 = arith.constant 0 : i32
      %while3A_238 = arith.constant 0 : i32
      %while3A_239 = arith.subi %select_n3A, %while3A_237 : i32
      %while3A_240 = arith.addi %while3A_237, %while3A_239 : i32
      %while3A_241 = arith.constant 1 : i32
      %while3A_242 = arith.divsi %while3A_239, %while3A_241 : i32
      %while3A_243 = arith.muli %while3A_242, %while3A_241 : i32
      %while3A_244 = arith.addi %while3A_237, %while3A_243 : i32
      %while3A_245 = arith.constant 1 : i32
      %while3A_246 = scf.for %while3A_783 = %while3A_237 to %while3A_244 step %while3A_245 iter_args(%while3A_784 = %while3A_238) -> (i32)  : i32 {
        %mul3A_785 = arith.constant 16 : i32
        %mul3A_786 = arith.muli %while3A_783, %mul3A_785 : i32
        %get3A = arith.index_cast %mul3A_786 : i32 to index
        %get3A_787 = tpu.vector_load %arg8[%get3A] {strides = array<i32>} : memref<2048xi32, #tpu.memory_space<vmem>>, vector<16xi32>,
        %ge3A_788 = vector.broadcast %xor3A_236 : i32 to vector<16xi32>
        %ge3A_789 = arith.cmpi sge, %get3A_787, %ge3A_788 : vector<16xi32>
        %convert_element_type3A_790 = arith.extui %ge3A_789 : vector<16xi1> to vector<16xi32>
        %reduce_sum3A = arith.constant true
        %reduce_sum3A_791 = vector.broadcast %reduce_sum3A : i1 to vector<16xi1>
        %reduce_sum3A_792 = tpu.scan <sum>, %convert_element_type3A_790 masked %reduce_sum3A_791 : vector<16xi32>, vector<16xi1> -> vector<16xi32>
        %reduce_sum3A_793 = vector.extract %reduce_sum3A_792[15] : i32 from vector<16xi32>
        %add3A_794 = arith.addi %while3A_784, %reduce_sum3A_793 : i32
        scf.yield %add3A_794 : i32
      }
      %while3A_247 = arith.constant 1 : i32
      %while3A_248 = scf.for %while3A_783 = %while3A_244 to %while3A_240 step %while3A_247 iter_args(%while3A_784 = %while3A_246) -> (i32)  : i32 {
        %mul3A_785 = arith.constant 16 : i32
        %mul3A_786 = arith.muli %while3A_783, %mul3A_785 : i32
        %get3A = arith.index_cast %mul3A_786 : i32 to index
        %get3A_787 = tpu.vector_load %arg8[%get3A] {strides = array<i32>} : memref<2048xi32, #tpu.memory_space<vmem>>, vector<16xi32>,
        %ge3A_788 = vector.broadcast %xor3A_236 : i32 to vector<16xi32>
        %ge3A_789 = arith.cmpi sge, %get3A_787, %ge3A_788 : vector<16xi32>
        %convert_element_type3A_790 = arith.extui %ge3A_789 : vector<16xi1> to vector<16xi32>
        %reduce_sum3A = arith.constant true
        %reduce_sum3A_791 = vector.broadcast %reduce_sum3A : i1 to vector<16xi1>
        %reduce_sum3A_792 = tpu.scan <sum>, %convert_element_type3A_790 masked %reduce_sum3A_791 : vector<16xi32>, vector<16xi1> -> vector<16xi32>
        %reduce_sum3A_793 = vector.extract %reduce_sum3A_792[15] : i32 from vector<16xi32>
        %add3A_794 = arith.addi %while3A_784, %reduce_sum3A_793 : i32
        scf.yield %add3A_794 : i32
      }
      %ge3A_249 = arith.constant 64 : i32
      %ge3A_250 = arith.cmpi sge, %while3A_248, %ge3A_249 : i32
      %select_n3A_251 = arith.select %ge3A_250, %or3A_234, %select_n3A_230 : i32
      %shift_left3A_252 = arith.constant 1 : i32
      %shift_left3A_253 = arith.constant 22 : i32
      %shift_left3A_254 = arith.shli %shift_left3A_252, %shift_left3A_253 : i32
      %or3A_255 = arith.ori %select_n3A_251, %shift_left3A_254 : i32
      %xor3A_256 = arith.constant -2147483648 : i32
      %xor3A_257 = arith.xori %or3A_255, %xor3A_256 : i32
      %while3A_258 = arith.constant 0 : i32
      %while3A_259 = arith.constant 0 : i32
      %while3A_260 = arith.subi %select_n3A, %while3A_258 : i32
      %while3A_261 = arith.addi %while3A_258, %while3A_260 : i32
      %while3A_262 = arith.constant 1 : i32
      %while3A_263 = arith.divsi %while3A_260, %while3A_262 : i32
      %while3A_264 = arith.muli %while3A_263, %while3A_262 : i32
      %while3A_265 = arith.addi %while3A_258, %while3A_264 : i32
      %while3A_266 = arith.constant 1 : i32
      %while3A_267 = scf.for %while3A_783 = %while3A_258 to %while3A_265 step %while3A_266 iter_args(%while3A_784 = %while3A_259) -> (i32)  : i32 {
        %mul3A_785 = arith.constant 16 : i32
        %mul3A_786 = arith.muli %while3A_783, %mul3A_785 : i32
        %get3A = arith.index_cast %mul3A_786 : i32 to index
        %get3A_787 = tpu.vector_load %arg8[%get3A] {strides = array<i32>} : memref<2048xi32, #tpu.memory_space<vmem>>, vector<16xi32>,
        %ge3A_788 = vector.broadcast %xor3A_257 : i32 to vector<16xi32>
        %ge3A_789 = arith.cmpi sge, %get3A_787, %ge3A_788 : vector<16xi32>
        %convert_element_type3A_790 = arith.extui %ge3A_789 : vector<16xi1> to vector<16xi32>
        %reduce_sum3A = arith.constant true
        %reduce_sum3A_791 = vector.broadcast %reduce_sum3A : i1 to vector<16xi1>
        %reduce_sum3A_792 = tpu.scan <sum>, %convert_element_type3A_790 masked %reduce_sum3A_791 : vector<16xi32>, vector<16xi1> -> vector<16xi32>
        %reduce_sum3A_793 = vector.extract %reduce_sum3A_792[15] : i32 from vector<16xi32>
        %add3A_794 = arith.addi %while3A_784, %reduce_sum3A_793 : i32
        scf.yield %add3A_794 : i32
      }
      %while3A_268 = arith.constant 1 : i32
      %while3A_269 = scf.for %while3A_783 = %while3A_265 to %while3A_261 step %while3A_268 iter_args(%while3A_784 = %while3A_267) -> (i32)  : i32 {
        %mul3A_785 = arith.constant 16 : i32
        %mul3A_786 = arith.muli %while3A_783, %mul3A_785 : i32
        %get3A = arith.index_cast %mul3A_786 : i32 to index
        %get3A_787 = tpu.vector_load %arg8[%get3A] {strides = array<i32>} : memref<2048xi32, #tpu.memory_space<vmem>>, vector<16xi32>,
        %ge3A_788 = vector.broadcast %xor3A_257 : i32 to vector<16xi32>
        %ge3A_789 = arith.cmpi sge, %get3A_787, %ge3A_788 : vector<16xi32>
        %convert_element_type3A_790 = arith.extui %ge3A_789 : vector<16xi1> to vector<16xi32>
        %reduce_sum3A = arith.constant true
        %reduce_sum3A_791 = vector.broadcast %reduce_sum3A : i1 to vector<16xi1>
        %reduce_sum3A_792 = tpu.scan <sum>, %convert_element_type3A_790 masked %reduce_sum3A_791 : vector<16xi32>, vector<16xi1> -> vector<16xi32>
        %reduce_sum3A_793 = vector.extract %reduce_sum3A_792[15] : i32 from vector<16xi32>
        %add3A_794 = arith.addi %while3A_784, %reduce_sum3A_793 : i32
        scf.yield %add3A_794 : i32
      }
      %ge3A_270 = arith.constant 64 : i32
      %ge3A_271 = arith.cmpi sge, %while3A_269, %ge3A_270 : i32
      %select_n3A_272 = arith.select %ge3A_271, %or3A_255, %select_n3A_251 : i32
      %shift_left3A_273 = arith.constant 1 : i32
      %shift_left3A_274 = arith.constant 21 : i32
      %shift_left3A_275 = arith.shli %shift_left3A_273, %shift_left3A_274 : i32
      %or3A_276 = arith.ori %select_n3A_272, %shift_left3A_275 : i32
      %xor3A_277 = arith.constant -2147483648 : i32
      %xor3A_278 = arith.xori %or3A_276, %xor3A_277 : i32
      %while3A_279 = arith.constant 0 : i32
      %while3A_280 = arith.constant 0 : i32
      %while3A_281 = arith.subi %select_n3A, %while3A_279 : i32
      %while3A_282 = arith.addi %while3A_279, %while3A_281 : i32
      %while3A_283 = arith.constant 1 : i32
      %while3A_284 = arith.divsi %while3A_281, %while3A_283 : i32
      %while3A_285 = arith.muli %while3A_284, %while3A_283 : i32
      %while3A_286 = arith.addi %while3A_279, %while3A_285 : i32
      %while3A_287 = arith.constant 1 : i32
      %while3A_288 = scf.for %while3A_783 = %while3A_279 to %while3A_286 step %while3A_287 iter_args(%while3A_784 = %while3A_280) -> (i32)  : i32 {
        %mul3A_785 = arith.constant 16 : i32
        %mul3A_786 = arith.muli %while3A_783, %mul3A_785 : i32
        %get3A = arith.index_cast %mul3A_786 : i32 to index
        %get3A_787 = tpu.vector_load %arg8[%get3A] {strides = array<i32>} : memref<2048xi32, #tpu.memory_space<vmem>>, vector<16xi32>,
        %ge3A_788 = vector.broadcast %xor3A_278 : i32 to vector<16xi32>
        %ge3A_789 = arith.cmpi sge, %get3A_787, %ge3A_788 : vector<16xi32>
        %convert_element_type3A_790 = arith.extui %ge3A_789 : vector<16xi1> to vector<16xi32>
        %reduce_sum3A = arith.constant true
        %reduce_sum3A_791 = vector.broadcast %reduce_sum3A : i1 to vector<16xi1>
        %reduce_sum3A_792 = tpu.scan <sum>, %convert_element_type3A_790 masked %reduce_sum3A_791 : vector<16xi32>, vector<16xi1> -> vector<16xi32>
        %reduce_sum3A_793 = vector.extract %reduce_sum3A_792[15] : i32 from vector<16xi32>
        %add3A_794 = arith.addi %while3A_784, %reduce_sum3A_793 : i32
        scf.yield %add3A_794 : i32
      }
      %while3A_289 = arith.constant 1 : i32
      %while3A_290 = scf.for %while3A_783 = %while3A_286 to %while3A_282 step %while3A_289 iter_args(%while3A_784 = %while3A_288) -> (i32)  : i32 {
        %mul3A_785 = arith.constant 16 : i32
        %mul3A_786 = arith.muli %while3A_783, %mul3A_785 : i32
        %get3A = arith.index_cast %mul3A_786 : i32 to index
        %get3A_787 = tpu.vector_load %arg8[%get3A] {strides = array<i32>} : memref<2048xi32, #tpu.memory_space<vmem>>, vector<16xi32>,
        %ge3A_788 = vector.broadcast %xor3A_278 : i32 to vector<16xi32>
        %ge3A_789 = arith.cmpi sge, %get3A_787, %ge3A_788 : vector<16xi32>
        %convert_element_type3A_790 = arith.extui %ge3A_789 : vector<16xi1> to vector<16xi32>
        %reduce_sum3A = arith.constant true
        %reduce_sum3A_791 = vector.broadcast %reduce_sum3A : i1 to vector<16xi1>
        %reduce_sum3A_792 = tpu.scan <sum>, %convert_element_type3A_790 masked %reduce_sum3A_791 : vector<16xi32>, vector<16xi1> -> vector<16xi32>
        %reduce_sum3A_793 = vector.extract %reduce_sum3A_792[15] : i32 from vector<16xi32>
        %add3A_794 = arith.addi %while3A_784, %reduce_sum3A_793 : i32
        scf.yield %add3A_794 : i32
      }
      %ge3A_291 = arith.constant 64 : i32
      %ge3A_292 = arith.cmpi sge, %while3A_290, %ge3A_291 : i32
      %select_n3A_293 = arith.select %ge3A_292, %or3A_276, %select_n3A_272 : i32
      %shift_left3A_294 = arith.constant 1 : i32
      %shift_left3A_295 = arith.constant 20 : i32
      %shift_left3A_296 = arith.shli %shift_left3A_294, %shift_left3A_295 : i32
      %or3A_297 = arith.ori %select_n3A_293, %shift_left3A_296 : i32
      %xor3A_298 = arith.constant -2147483648 : i32
      %xor3A_299 = arith.xori %or3A_297, %xor3A_298 : i32
      %while3A_300 = arith.constant 0 : i32
      %while3A_301 = arith.constant 0 : i32
      %while3A_302 = arith.subi %select_n3A, %while3A_300 : i32
      %while3A_303 = arith.addi %while3A_300, %while3A_302 : i32
      %while3A_304 = arith.constant 1 : i32
      %while3A_305 = arith.divsi %while3A_302, %while3A_304 : i32
      %while3A_306 = arith.muli %while3A_305, %while3A_304 : i32
      %while3A_307 = arith.addi %while3A_300, %while3A_306 : i32
      %while3A_308 = arith.constant 1 : i32
      %while3A_309 = scf.for %while3A_783 = %while3A_300 to %while3A_307 step %while3A_308 iter_args(%while3A_784 = %while3A_301) -> (i32)  : i32 {
        %mul3A_785 = arith.constant 16 : i32
        %mul3A_786 = arith.muli %while3A_783, %mul3A_785 : i32
        %get3A = arith.index_cast %mul3A_786 : i32 to index
        %get3A_787 = tpu.vector_load %arg8[%get3A] {strides = array<i32>} : memref<2048xi32, #tpu.memory_space<vmem>>, vector<16xi32>,
        %ge3A_788 = vector.broadcast %xor3A_299 : i32 to vector<16xi32>
        %ge3A_789 = arith.cmpi sge, %get3A_787, %ge3A_788 : vector<16xi32>
        %convert_element_type3A_790 = arith.extui %ge3A_789 : vector<16xi1> to vector<16xi32>
        %reduce_sum3A = arith.constant true
        %reduce_sum3A_791 = vector.broadcast %reduce_sum3A : i1 to vector<16xi1>
        %reduce_sum3A_792 = tpu.scan <sum>, %convert_element_type3A_790 masked %reduce_sum3A_791 : vector<16xi32>, vector<16xi1> -> vector<16xi32>
        %reduce_sum3A_793 = vector.extract %reduce_sum3A_792[15] : i32 from vector<16xi32>
        %add3A_794 = arith.addi %while3A_784, %reduce_sum3A_793 : i32
        scf.yield %add3A_794 : i32
      }
      %while3A_310 = arith.constant 1 : i32
      %while3A_311 = scf.for %while3A_783 = %while3A_307 to %while3A_303 step %while3A_310 iter_args(%while3A_784 = %while3A_309) -> (i32)  : i32 {
        %mul3A_785 = arith.constant 16 : i32
        %mul3A_786 = arith.muli %while3A_783, %mul3A_785 : i32
        %get3A = arith.index_cast %mul3A_786 : i32 to index
        %get3A_787 = tpu.vector_load %arg8[%get3A] {strides = array<i32>} : memref<2048xi32, #tpu.memory_space<vmem>>, vector<16xi32>,
        %ge3A_788 = vector.broadcast %xor3A_299 : i32 to vector<16xi32>
        %ge3A_789 = arith.cmpi sge, %get3A_787, %ge3A_788 : vector<16xi32>
        %convert_element_type3A_790 = arith.extui %ge3A_789 : vector<16xi1> to vector<16xi32>
        %reduce_sum3A = arith.constant true
        %reduce_sum3A_791 = vector.broadcast %reduce_sum3A : i1 to vector<16xi1>
        %reduce_sum3A_792 = tpu.scan <sum>, %convert_element_type3A_790 masked %reduce_sum3A_791 : vector<16xi32>, vector<16xi1> -> vector<16xi32>
        %reduce_sum3A_793 = vector.extract %reduce_sum3A_792[15] : i32 from vector<16xi32>
        %add3A_794 = arith.addi %while3A_784, %reduce_sum3A_793 : i32
        scf.yield %add3A_794 : i32
      }
      %ge3A_312 = arith.constant 64 : i32
      %ge3A_313 = arith.cmpi sge, %while3A_311, %ge3A_312 : i32
      %select_n3A_314 = arith.select %ge3A_313, %or3A_297, %select_n3A_293 : i32
      %shift_left3A_315 = arith.constant 1 : i32
      %shift_left3A_316 = arith.constant 19 : i32
      %shift_left3A_317 = arith.shli %shift_left3A_315, %shift_left3A_316 : i32
      %or3A_318 = arith.ori %select_n3A_314, %shift_left3A_317 : i32
      %xor3A_319 = arith.constant -2147483648 : i32
      %xor3A_320 = arith.xori %or3A_318, %xor3A_319 : i32
      %while3A_321 = arith.constant 0 : i32
      %while3A_322 = arith.constant 0 : i32
      %while3A_323 = arith.subi %select_n3A, %while3A_321 : i32
      %while3A_324 = arith.addi %while3A_321, %while3A_323 : i32
      %while3A_325 = arith.constant 1 : i32
      %while3A_326 = arith.divsi %while3A_323, %while3A_325 : i32
      %while3A_327 = arith.muli %while3A_326, %while3A_325 : i32
      %while3A_328 = arith.addi %while3A_321, %while3A_327 : i32
      %while3A_329 = arith.constant 1 : i32
      %while3A_330 = scf.for %while3A_783 = %while3A_321 to %while3A_328 step %while3A_329 iter_args(%while3A_784 = %while3A_322) -> (i32)  : i32 {
        %mul3A_785 = arith.constant 16 : i32
        %mul3A_786 = arith.muli %while3A_783, %mul3A_785 : i32
        %get3A = arith.index_cast %mul3A_786 : i32 to index
        %get3A_787 = tpu.vector_load %arg8[%get3A] {strides = array<i32>} : memref<2048xi32, #tpu.memory_space<vmem>>, vector<16xi32>,
        %ge3A_788 = vector.broadcast %xor3A_320 : i32 to vector<16xi32>
        %ge3A_789 = arith.cmpi sge, %get3A_787, %ge3A_788 : vector<16xi32>
        %convert_element_type3A_790 = arith.extui %ge3A_789 : vector<16xi1> to vector<16xi32>
        %reduce_sum3A = arith.constant true
        %reduce_sum3A_791 = vector.broadcast %reduce_sum3A : i1 to vector<16xi1>
        %reduce_sum3A_792 = tpu.scan <sum>, %convert_element_type3A_790 masked %reduce_sum3A_791 : vector<16xi32>, vector<16xi1> -> vector<16xi32>
        %reduce_sum3A_793 = vector.extract %reduce_sum3A_792[15] : i32 from vector<16xi32>
        %add3A_794 = arith.addi %while3A_784, %reduce_sum3A_793 : i32
        scf.yield %add3A_794 : i32
      }
      %while3A_331 = arith.constant 1 : i32
      %while3A_332 = scf.for %while3A_783 = %while3A_328 to %while3A_324 step %while3A_331 iter_args(%while3A_784 = %while3A_330) -> (i32)  : i32 {
        %mul3A_785 = arith.constant 16 : i32
        %mul3A_786 = arith.muli %while3A_783, %mul3A_785 : i32
        %get3A = arith.index_cast %mul3A_786 : i32 to index
        %get3A_787 = tpu.vector_load %arg8[%get3A] {strides = array<i32>} : memref<2048xi32, #tpu.memory_space<vmem>>, vector<16xi32>,
        %ge3A_788 = vector.broadcast %xor3A_320 : i32 to vector<16xi32>
        %ge3A_789 = arith.cmpi sge, %get3A_787, %ge3A_788 : vector<16xi32>
        %convert_element_type3A_790 = arith.extui %ge3A_789 : vector<16xi1> to vector<16xi32>
        %reduce_sum3A = arith.constant true
        %reduce_sum3A_791 = vector.broadcast %reduce_sum3A : i1 to vector<16xi1>
        %reduce_sum3A_792 = tpu.scan <sum>, %convert_element_type3A_790 masked %reduce_sum3A_791 : vector<16xi32>, vector<16xi1> -> vector<16xi32>
        %reduce_sum3A_793 = vector.extract %reduce_sum3A_792[15] : i32 from vector<16xi32>
        %add3A_794 = arith.addi %while3A_784, %reduce_sum3A_793 : i32
        scf.yield %add3A_794 : i32
      }
      %ge3A_333 = arith.constant 64 : i32
      %ge3A_334 = arith.cmpi sge, %while3A_332, %ge3A_333 : i32
      %select_n3A_335 = arith.select %ge3A_334, %or3A_318, %select_n3A_314 : i32
      %shift_left3A_336 = arith.constant 1 : i32
      %shift_left3A_337 = arith.constant 18 : i32
      %shift_left3A_338 = arith.shli %shift_left3A_336, %shift_left3A_337 : i32
      %or3A_339 = arith.ori %select_n3A_335, %shift_left3A_338 : i32
      %xor3A_340 = arith.constant -2147483648 : i32
      %xor3A_341 = arith.xori %or3A_339, %xor3A_340 : i32
      %while3A_342 = arith.constant 0 : i32
      %while3A_343 = arith.constant 0 : i32
      %while3A_344 = arith.subi %select_n3A, %while3A_342 : i32
      %while3A_345 = arith.addi %while3A_342, %while3A_344 : i32
      %while3A_346 = arith.constant 1 : i32
      %while3A_347 = arith.divsi %while3A_344, %while3A_346 : i32
      %while3A_348 = arith.muli %while3A_347, %while3A_346 : i32
      %while3A_349 = arith.addi %while3A_342, %while3A_348 : i32
      %while3A_350 = arith.constant 1 : i32
      %while3A_351 = scf.for %while3A_783 = %while3A_342 to %while3A_349 step %while3A_350 iter_args(%while3A_784 = %while3A_343) -> (i32)  : i32 {
        %mul3A_785 = arith.constant 16 : i32
        %mul3A_786 = arith.muli %while3A_783, %mul3A_785 : i32
        %get3A = arith.index_cast %mul3A_786 : i32 to index
        %get3A_787 = tpu.vector_load %arg8[%get3A] {strides = array<i32>} : memref<2048xi32, #tpu.memory_space<vmem>>, vector<16xi32>,
        %ge3A_788 = vector.broadcast %xor3A_341 : i32 to vector<16xi32>
        %ge3A_789 = arith.cmpi sge, %get3A_787, %ge3A_788 : vector<16xi32>
        %convert_element_type3A_790 = arith.extui %ge3A_789 : vector<16xi1> to vector<16xi32>
        %reduce_sum3A = arith.constant true
        %reduce_sum3A_791 = vector.broadcast %reduce_sum3A : i1 to vector<16xi1>
        %reduce_sum3A_792 = tpu.scan <sum>, %convert_element_type3A_790 masked %reduce_sum3A_791 : vector<16xi32>, vector<16xi1> -> vector<16xi32>
        %reduce_sum3A_793 = vector.extract %reduce_sum3A_792[15] : i32 from vector<16xi32>
        %add3A_794 = arith.addi %while3A_784, %reduce_sum3A_793 : i32
        scf.yield %add3A_794 : i32
      }
      %while3A_352 = arith.constant 1 : i32
      %while3A_353 = scf.for %while3A_783 = %while3A_349 to %while3A_345 step %while3A_352 iter_args(%while3A_784 = %while3A_351) -> (i32)  : i32 {
        %mul3A_785 = arith.constant 16 : i32
        %mul3A_786 = arith.muli %while3A_783, %mul3A_785 : i32
        %get3A = arith.index_cast %mul3A_786 : i32 to index
        %get3A_787 = tpu.vector_load %arg8[%get3A] {strides = array<i32>} : memref<2048xi32, #tpu.memory_space<vmem>>, vector<16xi32>,
        %ge3A_788 = vector.broadcast %xor3A_341 : i32 to vector<16xi32>
        %ge3A_789 = arith.cmpi sge, %get3A_787, %ge3A_788 : vector<16xi32>
        %convert_element_type3A_790 = arith.extui %ge3A_789 : vector<16xi1> to vector<16xi32>
        %reduce_sum3A = arith.constant true
        %reduce_sum3A_791 = vector.broadcast %reduce_sum3A : i1 to vector<16xi1>
        %reduce_sum3A_792 = tpu.scan <sum>, %convert_element_type3A_790 masked %reduce_sum3A_791 : vector<16xi32>, vector<16xi1> -> vector<16xi32>
        %reduce_sum3A_793 = vector.extract %reduce_sum3A_792[15] : i32 from vector<16xi32>
        %add3A_794 = arith.addi %while3A_784, %reduce_sum3A_793 : i32
        scf.yield %add3A_794 : i32
      }
      %ge3A_354 = arith.constant 64 : i32
      %ge3A_355 = arith.cmpi sge, %while3A_353, %ge3A_354 : i32
      %select_n3A_356 = arith.select %ge3A_355, %or3A_339, %select_n3A_335 : i32
      %shift_left3A_357 = arith.constant 1 : i32
      %shift_left3A_358 = arith.constant 17 : i32
      %shift_left3A_359 = arith.shli %shift_left3A_357, %shift_left3A_358 : i32
      %or3A_360 = arith.ori %select_n3A_356, %shift_left3A_359 : i32
      %xor3A_361 = arith.constant -2147483648 : i32
      %xor3A_362 = arith.xori %or3A_360, %xor3A_361 : i32
      %while3A_363 = arith.constant 0 : i32
      %while3A_364 = arith.constant 0 : i32
      %while3A_365 = arith.subi %select_n3A, %while3A_363 : i32
      %while3A_366 = arith.addi %while3A_363, %while3A_365 : i32
      %while3A_367 = arith.constant 1 : i32
      %while3A_368 = arith.divsi %while3A_365, %while3A_367 : i32
      %while3A_369 = arith.muli %while3A_368, %while3A_367 : i32
      %while3A_370 = arith.addi %while3A_363, %while3A_369 : i32
      %while3A_371 = arith.constant 1 : i32
      %while3A_372 = scf.for %while3A_783 = %while3A_363 to %while3A_370 step %while3A_371 iter_args(%while3A_784 = %while3A_364) -> (i32)  : i32 {
        %mul3A_785 = arith.constant 16 : i32
        %mul3A_786 = arith.muli %while3A_783, %mul3A_785 : i32
        %get3A = arith.index_cast %mul3A_786 : i32 to index
        %get3A_787 = tpu.vector_load %arg8[%get3A] {strides = array<i32>} : memref<2048xi32, #tpu.memory_space<vmem>>, vector<16xi32>,
        %ge3A_788 = vector.broadcast %xor3A_362 : i32 to vector<16xi32>
        %ge3A_789 = arith.cmpi sge, %get3A_787, %ge3A_788 : vector<16xi32>
        %convert_element_type3A_790 = arith.extui %ge3A_789 : vector<16xi1> to vector<16xi32>
        %reduce_sum3A = arith.constant true
        %reduce_sum3A_791 = vector.broadcast %reduce_sum3A : i1 to vector<16xi1>
        %reduce_sum3A_792 = tpu.scan <sum>, %convert_element_type3A_790 masked %reduce_sum3A_791 : vector<16xi32>, vector<16xi1> -> vector<16xi32>
        %reduce_sum3A_793 = vector.extract %reduce_sum3A_792[15] : i32 from vector<16xi32>
        %add3A_794 = arith.addi %while3A_784, %reduce_sum3A_793 : i32
        scf.yield %add3A_794 : i32
      }
      %while3A_373 = arith.constant 1 : i32
      %while3A_374 = scf.for %while3A_783 = %while3A_370 to %while3A_366 step %while3A_373 iter_args(%while3A_784 = %while3A_372) -> (i32)  : i32 {
        %mul3A_785 = arith.constant 16 : i32
        %mul3A_786 = arith.muli %while3A_783, %mul3A_785 : i32
        %get3A = arith.index_cast %mul3A_786 : i32 to index
        %get3A_787 = tpu.vector_load %arg8[%get3A] {strides = array<i32>} : memref<2048xi32, #tpu.memory_space<vmem>>, vector<16xi32>,
        %ge3A_788 = vector.broadcast %xor3A_362 : i32 to vector<16xi32>
        %ge3A_789 = arith.cmpi sge, %get3A_787, %ge3A_788 : vector<16xi32>
        %convert_element_type3A_790 = arith.extui %ge3A_789 : vector<16xi1> to vector<16xi32>
        %reduce_sum3A = arith.constant true
        %reduce_sum3A_791 = vector.broadcast %reduce_sum3A : i1 to vector<16xi1>
        %reduce_sum3A_792 = tpu.scan <sum>, %convert_element_type3A_790 masked %reduce_sum3A_791 : vector<16xi32>, vector<16xi1> -> vector<16xi32>
        %reduce_sum3A_793 = vector.extract %reduce_sum3A_792[15] : i32 from vector<16xi32>
        %add3A_794 = arith.addi %while3A_784, %reduce_sum3A_793 : i32
        scf.yield %add3A_794 : i32
      }
      %ge3A_375 = arith.constant 64 : i32
      %ge3A_376 = arith.cmpi sge, %while3A_374, %ge3A_375 : i32
      %select_n3A_377 = arith.select %ge3A_376, %or3A_360, %select_n3A_356 : i32
      %shift_left3A_378 = arith.constant 1 : i32
      %shift_left3A_379 = arith.constant 16 : i32
      %shift_left3A_380 = arith.shli %shift_left3A_378, %shift_left3A_379 : i32
      %or3A_381 = arith.ori %select_n3A_377, %shift_left3A_380 : i32
      %xor3A_382 = arith.constant -2147483648 : i32
      %xor3A_383 = arith.xori %or3A_381, %xor3A_382 : i32
      %while3A_384 = arith.constant 0 : i32
      %while3A_385 = arith.constant 0 : i32
      %while3A_386 = arith.subi %select_n3A, %while3A_384 : i32
      %while3A_387 = arith.addi %while3A_384, %while3A_386 : i32
      %while3A_388 = arith.constant 1 : i32
      %while3A_389 = arith.divsi %while3A_386, %while3A_388 : i32
      %while3A_390 = arith.muli %while3A_389, %while3A_388 : i32
      %while3A_391 = arith.addi %while3A_384, %while3A_390 : i32
      %while3A_392 = arith.constant 1 : i32
      %while3A_393 = scf.for %while3A_783 = %while3A_384 to %while3A_391 step %while3A_392 iter_args(%while3A_784 = %while3A_385) -> (i32)  : i32 {
        %mul3A_785 = arith.constant 16 : i32
        %mul3A_786 = arith.muli %while3A_783, %mul3A_785 : i32
        %get3A = arith.index_cast %mul3A_786 : i32 to index
        %get3A_787 = tpu.vector_load %arg8[%get3A] {strides = array<i32>} : memref<2048xi32, #tpu.memory_space<vmem>>, vector<16xi32>,
        %ge3A_788 = vector.broadcast %xor3A_383 : i32 to vector<16xi32>
        %ge3A_789 = arith.cmpi sge, %get3A_787, %ge3A_788 : vector<16xi32>
        %convert_element_type3A_790 = arith.extui %ge3A_789 : vector<16xi1> to vector<16xi32>
        %reduce_sum3A = arith.constant true
        %reduce_sum3A_791 = vector.broadcast %reduce_sum3A : i1 to vector<16xi1>
        %reduce_sum3A_792 = tpu.scan <sum>, %convert_element_type3A_790 masked %reduce_sum3A_791 : vector<16xi32>, vector<16xi1> -> vector<16xi32>
        %reduce_sum3A_793 = vector.extract %reduce_sum3A_792[15] : i32 from vector<16xi32>
        %add3A_794 = arith.addi %while3A_784, %reduce_sum3A_793 : i32
        scf.yield %add3A_794 : i32
      }
      %while3A_394 = arith.constant 1 : i32
      %while3A_395 = scf.for %while3A_783 = %while3A_391 to %while3A_387 step %while3A_394 iter_args(%while3A_784 = %while3A_393) -> (i32)  : i32 {
        %mul3A_785 = arith.constant 16 : i32
        %mul3A_786 = arith.muli %while3A_783, %mul3A_785 : i32
        %get3A = arith.index_cast %mul3A_786 : i32 to index
        %get3A_787 = tpu.vector_load %arg8[%get3A] {strides = array<i32>} : memref<2048xi32, #tpu.memory_space<vmem>>, vector<16xi32>,
        %ge3A_788 = vector.broadcast %xor3A_383 : i32 to vector<16xi32>
        %ge3A_789 = arith.cmpi sge, %get3A_787, %ge3A_788 : vector<16xi32>
        %convert_element_type3A_790 = arith.extui %ge3A_789 : vector<16xi1> to vector<16xi32>
        %reduce_sum3A = arith.constant true
        %reduce_sum3A_791 = vector.broadcast %reduce_sum3A : i1 to vector<16xi1>
        %reduce_sum3A_792 = tpu.scan <sum>, %convert_element_type3A_790 masked %reduce_sum3A_791 : vector<16xi32>, vector<16xi1> -> vector<16xi32>
        %reduce_sum3A_793 = vector.extract %reduce_sum3A_792[15] : i32 from vector<16xi32>
        %add3A_794 = arith.addi %while3A_784, %reduce_sum3A_793 : i32
        scf.yield %add3A_794 : i32
      }
      %ge3A_396 = arith.constant 64 : i32
      %ge3A_397 = arith.cmpi sge, %while3A_395, %ge3A_396 : i32
      %select_n3A_398 = arith.select %ge3A_397, %or3A_381, %select_n3A_377 : i32
      %shift_left3A_399 = arith.constant 1 : i32
      %shift_left3A_400 = arith.constant 15 : i32
      %shift_left3A_401 = arith.shli %shift_left3A_399, %shift_left3A_400 : i32
      %or3A_402 = arith.ori %select_n3A_398, %shift_left3A_401 : i32
      %xor3A_403 = arith.constant -2147483648 : i32
      %xor3A_404 = arith.xori %or3A_402, %xor3A_403 : i32
      %while3A_405 = arith.constant 0 : i32
      %while3A_406 = arith.constant 0 : i32
      %while3A_407 = arith.subi %select_n3A, %while3A_405 : i32
      %while3A_408 = arith.addi %while3A_405, %while3A_407 : i32
      %while3A_409 = arith.constant 1 : i32
      %while3A_410 = arith.divsi %while3A_407, %while3A_409 : i32
      %while3A_411 = arith.muli %while3A_410, %while3A_409 : i32
      %while3A_412 = arith.addi %while3A_405, %while3A_411 : i32
      %while3A_413 = arith.constant 1 : i32
      %while3A_414 = scf.for %while3A_783 = %while3A_405 to %while3A_412 step %while3A_413 iter_args(%while3A_784 = %while3A_406) -> (i32)  : i32 {
        %mul3A_785 = arith.constant 16 : i32
        %mul3A_786 = arith.muli %while3A_783, %mul3A_785 : i32
        %get3A = arith.index_cast %mul3A_786 : i32 to index
        %get3A_787 = tpu.vector_load %arg8[%get3A] {strides = array<i32>} : memref<2048xi32, #tpu.memory_space<vmem>>, vector<16xi32>,
        %ge3A_788 = vector.broadcast %xor3A_404 : i32 to vector<16xi32>
        %ge3A_789 = arith.cmpi sge, %get3A_787, %ge3A_788 : vector<16xi32>
        %convert_element_type3A_790 = arith.extui %ge3A_789 : vector<16xi1> to vector<16xi32>
        %reduce_sum3A = arith.constant true
        %reduce_sum3A_791 = vector.broadcast %reduce_sum3A : i1 to vector<16xi1>
        %reduce_sum3A_792 = tpu.scan <sum>, %convert_element_type3A_790 masked %reduce_sum3A_791 : vector<16xi32>, vector<16xi1> -> vector<16xi32>
        %reduce_sum3A_793 = vector.extract %reduce_sum3A_792[15] : i32 from vector<16xi32>
        %add3A_794 = arith.addi %while3A_784, %reduce_sum3A_793 : i32
        scf.yield %add3A_794 : i32
      }
      %while3A_415 = arith.constant 1 : i32
      %while3A_416 = scf.for %while3A_783 = %while3A_412 to %while3A_408 step %while3A_415 iter_args(%while3A_784 = %while3A_414) -> (i32)  : i32 {
        %mul3A_785 = arith.constant 16 : i32
        %mul3A_786 = arith.muli %while3A_783, %mul3A_785 : i32
        %get3A = arith.index_cast %mul3A_786 : i32 to index
        %get3A_787 = tpu.vector_load %arg8[%get3A] {strides = array<i32>} : memref<2048xi32, #tpu.memory_space<vmem>>, vector<16xi32>,
        %ge3A_788 = vector.broadcast %xor3A_404 : i32 to vector<16xi32>
        %ge3A_789 = arith.cmpi sge, %get3A_787, %ge3A_788 : vector<16xi32>
        %convert_element_type3A_790 = arith.extui %ge3A_789 : vector<16xi1> to vector<16xi32>
        %reduce_sum3A = arith.constant true
        %reduce_sum3A_791 = vector.broadcast %reduce_sum3A : i1 to vector<16xi1>
        %reduce_sum3A_792 = tpu.scan <sum>, %convert_element_type3A_790 masked %reduce_sum3A_791 : vector<16xi32>, vector<16xi1> -> vector<16xi32>
        %reduce_sum3A_793 = vector.extract %reduce_sum3A_792[15] : i32 from vector<16xi32>
        %add3A_794 = arith.addi %while3A_784, %reduce_sum3A_793 : i32
        scf.yield %add3A_794 : i32
      }
      %ge3A_417 = arith.constant 64 : i32
      %ge3A_418 = arith.cmpi sge, %while3A_416, %ge3A_417 : i32
      %select_n3A_419 = arith.select %ge3A_418, %or3A_402, %select_n3A_398 : i32
      %shift_left3A_420 = arith.constant 1 : i32
      %shift_left3A_421 = arith.constant 14 : i32
      %shift_left3A_422 = arith.shli %shift_left3A_420, %shift_left3A_421 : i32
      %or3A_423 = arith.ori %select_n3A_419, %shift_left3A_422 : i32
      %xor3A_424 = arith.constant -2147483648 : i32
      %xor3A_425 = arith.xori %or3A_423, %xor3A_424 : i32
      %while3A_426 = arith.constant 0 : i32
      %while3A_427 = arith.constant 0 : i32
      %while3A_428 = arith.subi %select_n3A, %while3A_426 : i32
      %while3A_429 = arith.addi %while3A_426, %while3A_428 : i32
      %while3A_430 = arith.constant 1 : i32
      %while3A_431 = arith.divsi %while3A_428, %while3A_430 : i32
      %while3A_432 = arith.muli %while3A_431, %while3A_430 : i32
      %while3A_433 = arith.addi %while3A_426, %while3A_432 : i32
      %while3A_434 = arith.constant 1 : i32
      %while3A_435 = scf.for %while3A_783 = %while3A_426 to %while3A_433 step %while3A_434 iter_args(%while3A_784 = %while3A_427) -> (i32)  : i32 {
        %mul3A_785 = arith.constant 16 : i32
        %mul3A_786 = arith.muli %while3A_783, %mul3A_785 : i32
        %get3A = arith.index_cast %mul3A_786 : i32 to index
        %get3A_787 = tpu.vector_load %arg8[%get3A] {strides = array<i32>} : memref<2048xi32, #tpu.memory_space<vmem>>, vector<16xi32>,
        %ge3A_788 = vector.broadcast %xor3A_425 : i32 to vector<16xi32>
        %ge3A_789 = arith.cmpi sge, %get3A_787, %ge3A_788 : vector<16xi32>
        %convert_element_type3A_790 = arith.extui %ge3A_789 : vector<16xi1> to vector<16xi32>
        %reduce_sum3A = arith.constant true
        %reduce_sum3A_791 = vector.broadcast %reduce_sum3A : i1 to vector<16xi1>
        %reduce_sum3A_792 = tpu.scan <sum>, %convert_element_type3A_790 masked %reduce_sum3A_791 : vector<16xi32>, vector<16xi1> -> vector<16xi32>
        %reduce_sum3A_793 = vector.extract %reduce_sum3A_792[15] : i32 from vector<16xi32>
        %add3A_794 = arith.addi %while3A_784, %reduce_sum3A_793 : i32
        scf.yield %add3A_794 : i32
      }
      %while3A_436 = arith.constant 1 : i32
      %while3A_437 = scf.for %while3A_783 = %while3A_433 to %while3A_429 step %while3A_436 iter_args(%while3A_784 = %while3A_435) -> (i32)  : i32 {
        %mul3A_785 = arith.constant 16 : i32
        %mul3A_786 = arith.muli %while3A_783, %mul3A_785 : i32
        %get3A = arith.index_cast %mul3A_786 : i32 to index
        %get3A_787 = tpu.vector_load %arg8[%get3A] {strides = array<i32>} : memref<2048xi32, #tpu.memory_space<vmem>>, vector<16xi32>,
        %ge3A_788 = vector.broadcast %xor3A_425 : i32 to vector<16xi32>
        %ge3A_789 = arith.cmpi sge, %get3A_787, %ge3A_788 : vector<16xi32>
        %convert_element_type3A_790 = arith.extui %ge3A_789 : vector<16xi1> to vector<16xi32>
        %reduce_sum3A = arith.constant true
        %reduce_sum3A_791 = vector.broadcast %reduce_sum3A : i1 to vector<16xi1>
        %reduce_sum3A_792 = tpu.scan <sum>, %convert_element_type3A_790 masked %reduce_sum3A_791 : vector<16xi32>, vector<16xi1> -> vector<16xi32>
        %reduce_sum3A_793 = vector.extract %reduce_sum3A_792[15] : i32 from vector<16xi32>
        %add3A_794 = arith.addi %while3A_784, %reduce_sum3A_793 : i32
        scf.yield %add3A_794 : i32
      }
      %ge3A_438 = arith.constant 64 : i32
      %ge3A_439 = arith.cmpi sge, %while3A_437, %ge3A_438 : i32
      %select_n3A_440 = arith.select %ge3A_439, %or3A_423, %select_n3A_419 : i32
      %shift_left3A_441 = arith.constant 1 : i32
      %shift_left3A_442 = arith.constant 13 : i32
      %shift_left3A_443 = arith.shli %shift_left3A_441, %shift_left3A_442 : i32
      %or3A_444 = arith.ori %select_n3A_440, %shift_left3A_443 : i32
      %xor3A_445 = arith.constant -2147483648 : i32
      %xor3A_446 = arith.xori %or3A_444, %xor3A_445 : i32
      %while3A_447 = arith.constant 0 : i32
      %while3A_448 = arith.constant 0 : i32
      %while3A_449 = arith.subi %select_n3A, %while3A_447 : i32
      %while3A_450 = arith.addi %while3A_447, %while3A_449 : i32
      %while3A_451 = arith.constant 1 : i32
      %while3A_452 = arith.divsi %while3A_449, %while3A_451 : i32
      %while3A_453 = arith.muli %while3A_452, %while3A_451 : i32
      %while3A_454 = arith.addi %while3A_447, %while3A_453 : i32
      %while3A_455 = arith.constant 1 : i32
      %while3A_456 = scf.for %while3A_783 = %while3A_447 to %while3A_454 step %while3A_455 iter_args(%while3A_784 = %while3A_448) -> (i32)  : i32 {
        %mul3A_785 = arith.constant 16 : i32
        %mul3A_786 = arith.muli %while3A_783, %mul3A_785 : i32
        %get3A = arith.index_cast %mul3A_786 : i32 to index
        %get3A_787 = tpu.vector_load %arg8[%get3A] {strides = array<i32>} : memref<2048xi32, #tpu.memory_space<vmem>>, vector<16xi32>,
        %ge3A_788 = vector.broadcast %xor3A_446 : i32 to vector<16xi32>
        %ge3A_789 = arith.cmpi sge, %get3A_787, %ge3A_788 : vector<16xi32>
        %convert_element_type3A_790 = arith.extui %ge3A_789 : vector<16xi1> to vector<16xi32>
        %reduce_sum3A = arith.constant true
        %reduce_sum3A_791 = vector.broadcast %reduce_sum3A : i1 to vector<16xi1>
        %reduce_sum3A_792 = tpu.scan <sum>, %convert_element_type3A_790 masked %reduce_sum3A_791 : vector<16xi32>, vector<16xi1> -> vector<16xi32>
        %reduce_sum3A_793 = vector.extract %reduce_sum3A_792[15] : i32 from vector<16xi32>
        %add3A_794 = arith.addi %while3A_784, %reduce_sum3A_793 : i32
        scf.yield %add3A_794 : i32
      }
      %while3A_457 = arith.constant 1 : i32
      %while3A_458 = scf.for %while3A_783 = %while3A_454 to %while3A_450 step %while3A_457 iter_args(%while3A_784 = %while3A_456) -> (i32)  : i32 {
        %mul3A_785 = arith.constant 16 : i32
        %mul3A_786 = arith.muli %while3A_783, %mul3A_785 : i32
        %get3A = arith.index_cast %mul3A_786 : i32 to index
        %get3A_787 = tpu.vector_load %arg8[%get3A] {strides = array<i32>} : memref<2048xi32, #tpu.memory_space<vmem>>, vector<16xi32>,
        %ge3A_788 = vector.broadcast %xor3A_446 : i32 to vector<16xi32>
        %ge3A_789 = arith.cmpi sge, %get3A_787, %ge3A_788 : vector<16xi32>
        %convert_element_type3A_790 = arith.extui %ge3A_789 : vector<16xi1> to vector<16xi32>
        %reduce_sum3A = arith.constant true
        %reduce_sum3A_791 = vector.broadcast %reduce_sum3A : i1 to vector<16xi1>
        %reduce_sum3A_792 = tpu.scan <sum>, %convert_element_type3A_790 masked %reduce_sum3A_791 : vector<16xi32>, vector<16xi1> -> vector<16xi32>
        %reduce_sum3A_793 = vector.extract %reduce_sum3A_792[15] : i32 from vector<16xi32>
        %add3A_794 = arith.addi %while3A_784, %reduce_sum3A_793 : i32
        scf.yield %add3A_794 : i32
      }
      %ge3A_459 = arith.constant 64 : i32
      %ge3A_460 = arith.cmpi sge, %while3A_458, %ge3A_459 : i32
      %select_n3A_461 = arith.select %ge3A_460, %or3A_444, %select_n3A_440 : i32
      %shift_left3A_462 = arith.constant 1 : i32
      %shift_left3A_463 = arith.constant 12 : i32
      %shift_left3A_464 = arith.shli %shift_left3A_462, %shift_left3A_463 : i32
      %or3A_465 = arith.ori %select_n3A_461, %shift_left3A_464 : i32
      %xor3A_466 = arith.constant -2147483648 : i32
      %xor3A_467 = arith.xori %or3A_465, %xor3A_466 : i32
      %while3A_468 = arith.constant 0 : i32
      %while3A_469 = arith.constant 0 : i32
      %while3A_470 = arith.subi %select_n3A, %while3A_468 : i32
      %while3A_471 = arith.addi %while3A_468, %while3A_470 : i32
      %while3A_472 = arith.constant 1 : i32
      %while3A_473 = arith.divsi %while3A_470, %while3A_472 : i32
      %while3A_474 = arith.muli %while3A_473, %while3A_472 : i32
      %while3A_475 = arith.addi %while3A_468, %while3A_474 : i32
      %while3A_476 = arith.constant 1 : i32
      %while3A_477 = scf.for %while3A_783 = %while3A_468 to %while3A_475 step %while3A_476 iter_args(%while3A_784 = %while3A_469) -> (i32)  : i32 {
        %mul3A_785 = arith.constant 16 : i32
        %mul3A_786 = arith.muli %while3A_783, %mul3A_785 : i32
        %get3A = arith.index_cast %mul3A_786 : i32 to index
        %get3A_787 = tpu.vector_load %arg8[%get3A] {strides = array<i32>} : memref<2048xi32, #tpu.memory_space<vmem>>, vector<16xi32>,
        %ge3A_788 = vector.broadcast %xor3A_467 : i32 to vector<16xi32>
        %ge3A_789 = arith.cmpi sge, %get3A_787, %ge3A_788 : vector<16xi32>
        %convert_element_type3A_790 = arith.extui %ge3A_789 : vector<16xi1> to vector<16xi32>
        %reduce_sum3A = arith.constant true
        %reduce_sum3A_791 = vector.broadcast %reduce_sum3A : i1 to vector<16xi1>
        %reduce_sum3A_792 = tpu.scan <sum>, %convert_element_type3A_790 masked %reduce_sum3A_791 : vector<16xi32>, vector<16xi1> -> vector<16xi32>
        %reduce_sum3A_793 = vector.extract %reduce_sum3A_792[15] : i32 from vector<16xi32>
        %add3A_794 = arith.addi %while3A_784, %reduce_sum3A_793 : i32
        scf.yield %add3A_794 : i32
      }
      %while3A_478 = arith.constant 1 : i32
      %while3A_479 = scf.for %while3A_783 = %while3A_475 to %while3A_471 step %while3A_478 iter_args(%while3A_784 = %while3A_477) -> (i32)  : i32 {
        %mul3A_785 = arith.constant 16 : i32
        %mul3A_786 = arith.muli %while3A_783, %mul3A_785 : i32
        %get3A = arith.index_cast %mul3A_786 : i32 to index
        %get3A_787 = tpu.vector_load %arg8[%get3A] {strides = array<i32>} : memref<2048xi32, #tpu.memory_space<vmem>>, vector<16xi32>,
        %ge3A_788 = vector.broadcast %xor3A_467 : i32 to vector<16xi32>
        %ge3A_789 = arith.cmpi sge, %get3A_787, %ge3A_788 : vector<16xi32>
        %convert_element_type3A_790 = arith.extui %ge3A_789 : vector<16xi1> to vector<16xi32>
        %reduce_sum3A = arith.constant true
        %reduce_sum3A_791 = vector.broadcast %reduce_sum3A : i1 to vector<16xi1>
        %reduce_sum3A_792 = tpu.scan <sum>, %convert_element_type3A_790 masked %reduce_sum3A_791 : vector<16xi32>, vector<16xi1> -> vector<16xi32>
        %reduce_sum3A_793 = vector.extract %reduce_sum3A_792[15] : i32 from vector<16xi32>
        %add3A_794 = arith.addi %while3A_784, %reduce_sum3A_793 : i32
        scf.yield %add3A_794 : i32
      }
      %ge3A_480 = arith.constant 64 : i32
      %ge3A_481 = arith.cmpi sge, %while3A_479, %ge3A_480 : i32
      %select_n3A_482 = arith.select %ge3A_481, %or3A_465, %select_n3A_461 : i32
      %shift_left3A_483 = arith.constant 1 : i32
      %shift_left3A_484 = arith.constant 11 : i32
      %shift_left3A_485 = arith.shli %shift_left3A_483, %shift_left3A_484 : i32
      %or3A_486 = arith.ori %select_n3A_482, %shift_left3A_485 : i32
      %xor3A_487 = arith.constant -2147483648 : i32
      %xor3A_488 = arith.xori %or3A_486, %xor3A_487 : i32
      %while3A_489 = arith.constant 0 : i32
      %while3A_490 = arith.constant 0 : i32
      %while3A_491 = arith.subi %select_n3A, %while3A_489 : i32
      %while3A_492 = arith.addi %while3A_489, %while3A_491 : i32
      %while3A_493 = arith.constant 1 : i32
      %while3A_494 = arith.divsi %while3A_491, %while3A_493 : i32
      %while3A_495 = arith.muli %while3A_494, %while3A_493 : i32
      %while3A_496 = arith.addi %while3A_489, %while3A_495 : i32
      %while3A_497 = arith.constant 1 : i32
      %while3A_498 = scf.for %while3A_783 = %while3A_489 to %while3A_496 step %while3A_497 iter_args(%while3A_784 = %while3A_490) -> (i32)  : i32 {
        %mul3A_785 = arith.constant 16 : i32
        %mul3A_786 = arith.muli %while3A_783, %mul3A_785 : i32
        %get3A = arith.index_cast %mul3A_786 : i32 to index
        %get3A_787 = tpu.vector_load %arg8[%get3A] {strides = array<i32>} : memref<2048xi32, #tpu.memory_space<vmem>>, vector<16xi32>,
        %ge3A_788 = vector.broadcast %xor3A_488 : i32 to vector<16xi32>
        %ge3A_789 = arith.cmpi sge, %get3A_787, %ge3A_788 : vector<16xi32>
        %convert_element_type3A_790 = arith.extui %ge3A_789 : vector<16xi1> to vector<16xi32>
        %reduce_sum3A = arith.constant true
        %reduce_sum3A_791 = vector.broadcast %reduce_sum3A : i1 to vector<16xi1>
        %reduce_sum3A_792 = tpu.scan <sum>, %convert_element_type3A_790 masked %reduce_sum3A_791 : vector<16xi32>, vector<16xi1> -> vector<16xi32>
        %reduce_sum3A_793 = vector.extract %reduce_sum3A_792[15] : i32 from vector<16xi32>
        %add3A_794 = arith.addi %while3A_784, %reduce_sum3A_793 : i32
        scf.yield %add3A_794 : i32
      }
      %while3A_499 = arith.constant 1 : i32
      %while3A_500 = scf.for %while3A_783 = %while3A_496 to %while3A_492 step %while3A_499 iter_args(%while3A_784 = %while3A_498) -> (i32)  : i32 {
        %mul3A_785 = arith.constant 16 : i32
        %mul3A_786 = arith.muli %while3A_783, %mul3A_785 : i32
        %get3A = arith.index_cast %mul3A_786 : i32 to index
        %get3A_787 = tpu.vector_load %arg8[%get3A] {strides = array<i32>} : memref<2048xi32, #tpu.memory_space<vmem>>, vector<16xi32>,
        %ge3A_788 = vector.broadcast %xor3A_488 : i32 to vector<16xi32>
        %ge3A_789 = arith.cmpi sge, %get3A_787, %ge3A_788 : vector<16xi32>
        %convert_element_type3A_790 = arith.extui %ge3A_789 : vector<16xi1> to vector<16xi32>
        %reduce_sum3A = arith.constant true
        %reduce_sum3A_791 = vector.broadcast %reduce_sum3A : i1 to vector<16xi1>
        %reduce_sum3A_792 = tpu.scan <sum>, %convert_element_type3A_790 masked %reduce_sum3A_791 : vector<16xi32>, vector<16xi1> -> vector<16xi32>
        %reduce_sum3A_793 = vector.extract %reduce_sum3A_792[15] : i32 from vector<16xi32>
        %add3A_794 = arith.addi %while3A_784, %reduce_sum3A_793 : i32
        scf.yield %add3A_794 : i32
      }
      %ge3A_501 = arith.constant 64 : i32
      %ge3A_502 = arith.cmpi sge, %while3A_500, %ge3A_501 : i32
      %select_n3A_503 = arith.select %ge3A_502, %or3A_486, %select_n3A_482 : i32
      %shift_left3A_504 = arith.constant 1 : i32
      %shift_left3A_505 = arith.constant 10 : i32
      %shift_left3A_506 = arith.shli %shift_left3A_504, %shift_left3A_505 : i32
      %or3A_507 = arith.ori %select_n3A_503, %shift_left3A_506 : i32
      %xor3A_508 = arith.constant -2147483648 : i32
      %xor3A_509 = arith.xori %or3A_507, %xor3A_508 : i32
      %while3A_510 = arith.constant 0 : i32
      %while3A_511 = arith.constant 0 : i32
      %while3A_512 = arith.subi %select_n3A, %while3A_510 : i32
      %while3A_513 = arith.addi %while3A_510, %while3A_512 : i32
      %while3A_514 = arith.constant 1 : i32
      %while3A_515 = arith.divsi %while3A_512, %while3A_514 : i32
      %while3A_516 = arith.muli %while3A_515, %while3A_514 : i32
      %while3A_517 = arith.addi %while3A_510, %while3A_516 : i32
      %while3A_518 = arith.constant 1 : i32
      %while3A_519 = scf.for %while3A_783 = %while3A_510 to %while3A_517 step %while3A_518 iter_args(%while3A_784 = %while3A_511) -> (i32)  : i32 {
        %mul3A_785 = arith.constant 16 : i32
        %mul3A_786 = arith.muli %while3A_783, %mul3A_785 : i32
        %get3A = arith.index_cast %mul3A_786 : i32 to index
        %get3A_787 = tpu.vector_load %arg8[%get3A] {strides = array<i32>} : memref<2048xi32, #tpu.memory_space<vmem>>, vector<16xi32>,
        %ge3A_788 = vector.broadcast %xor3A_509 : i32 to vector<16xi32>
        %ge3A_789 = arith.cmpi sge, %get3A_787, %ge3A_788 : vector<16xi32>
        %convert_element_type3A_790 = arith.extui %ge3A_789 : vector<16xi1> to vector<16xi32>
        %reduce_sum3A = arith.constant true
        %reduce_sum3A_791 = vector.broadcast %reduce_sum3A : i1 to vector<16xi1>
        %reduce_sum3A_792 = tpu.scan <sum>, %convert_element_type3A_790 masked %reduce_sum3A_791 : vector<16xi32>, vector<16xi1> -> vector<16xi32>
        %reduce_sum3A_793 = vector.extract %reduce_sum3A_792[15] : i32 from vector<16xi32>
        %add3A_794 = arith.addi %while3A_784, %reduce_sum3A_793 : i32
        scf.yield %add3A_794 : i32
      }
      %while3A_520 = arith.constant 1 : i32
      %while3A_521 = scf.for %while3A_783 = %while3A_517 to %while3A_513 step %while3A_520 iter_args(%while3A_784 = %while3A_519) -> (i32)  : i32 {
        %mul3A_785 = arith.constant 16 : i32
        %mul3A_786 = arith.muli %while3A_783, %mul3A_785 : i32
        %get3A = arith.index_cast %mul3A_786 : i32 to index
        %get3A_787 = tpu.vector_load %arg8[%get3A] {strides = array<i32>} : memref<2048xi32, #tpu.memory_space<vmem>>, vector<16xi32>,
        %ge3A_788 = vector.broadcast %xor3A_509 : i32 to vector<16xi32>
        %ge3A_789 = arith.cmpi sge, %get3A_787, %ge3A_788 : vector<16xi32>
        %convert_element_type3A_790 = arith.extui %ge3A_789 : vector<16xi1> to vector<16xi32>
        %reduce_sum3A = arith.constant true
        %reduce_sum3A_791 = vector.broadcast %reduce_sum3A : i1 to vector<16xi1>
        %reduce_sum3A_792 = tpu.scan <sum>, %convert_element_type3A_790 masked %reduce_sum3A_791 : vector<16xi32>, vector<16xi1> -> vector<16xi32>
        %reduce_sum3A_793 = vector.extract %reduce_sum3A_792[15] : i32 from vector<16xi32>
        %add3A_794 = arith.addi %while3A_784, %reduce_sum3A_793 : i32
        scf.yield %add3A_794 : i32
      }
      %ge3A_522 = arith.constant 64 : i32
      %ge3A_523 = arith.cmpi sge, %while3A_521, %ge3A_522 : i32
      %select_n3A_524 = arith.select %ge3A_523, %or3A_507, %select_n3A_503 : i32
      %shift_left3A_525 = arith.constant 1 : i32
      %shift_left3A_526 = arith.constant 9 : i32
      %shift_left3A_527 = arith.shli %shift_left3A_525, %shift_left3A_526 : i32
      %or3A_528 = arith.ori %select_n3A_524, %shift_left3A_527 : i32
      %xor3A_529 = arith.constant -2147483648 : i32
      %xor3A_530 = arith.xori %or3A_528, %xor3A_529 : i32
      %while3A_531 = arith.constant 0 : i32
      %while3A_532 = arith.constant 0 : i32
      %while3A_533 = arith.subi %select_n3A, %while3A_531 : i32
      %while3A_534 = arith.addi %while3A_531, %while3A_533 : i32
      %while3A_535 = arith.constant 1 : i32
      %while3A_536 = arith.divsi %while3A_533, %while3A_535 : i32
      %while3A_537 = arith.muli %while3A_536, %while3A_535 : i32
      %while3A_538 = arith.addi %while3A_531, %while3A_537 : i32
      %while3A_539 = arith.constant 1 : i32
      %while3A_540 = scf.for %while3A_783 = %while3A_531 to %while3A_538 step %while3A_539 iter_args(%while3A_784 = %while3A_532) -> (i32)  : i32 {
        %mul3A_785 = arith.constant 16 : i32
        %mul3A_786 = arith.muli %while3A_783, %mul3A_785 : i32
        %get3A = arith.index_cast %mul3A_786 : i32 to index
        %get3A_787 = tpu.vector_load %arg8[%get3A] {strides = array<i32>} : memref<2048xi32, #tpu.memory_space<vmem>>, vector<16xi32>,
        %ge3A_788 = vector.broadcast %xor3A_530 : i32 to vector<16xi32>
        %ge3A_789 = arith.cmpi sge, %get3A_787, %ge3A_788 : vector<16xi32>
        %convert_element_type3A_790 = arith.extui %ge3A_789 : vector<16xi1> to vector<16xi32>
        %reduce_sum3A = arith.constant true
        %reduce_sum3A_791 = vector.broadcast %reduce_sum3A : i1 to vector<16xi1>
        %reduce_sum3A_792 = tpu.scan <sum>, %convert_element_type3A_790 masked %reduce_sum3A_791 : vector<16xi32>, vector<16xi1> -> vector<16xi32>
        %reduce_sum3A_793 = vector.extract %reduce_sum3A_792[15] : i32 from vector<16xi32>
        %add3A_794 = arith.addi %while3A_784, %reduce_sum3A_793 : i32
        scf.yield %add3A_794 : i32
      }
      %while3A_541 = arith.constant 1 : i32
      %while3A_542 = scf.for %while3A_783 = %while3A_538 to %while3A_534 step %while3A_541 iter_args(%while3A_784 = %while3A_540) -> (i32)  : i32 {
        %mul3A_785 = arith.constant 16 : i32
        %mul3A_786 = arith.muli %while3A_783, %mul3A_785 : i32
        %get3A = arith.index_cast %mul3A_786 : i32 to index
        %get3A_787 = tpu.vector_load %arg8[%get3A] {strides = array<i32>} : memref<2048xi32, #tpu.memory_space<vmem>>, vector<16xi32>,
        %ge3A_788 = vector.broadcast %xor3A_530 : i32 to vector<16xi32>
        %ge3A_789 = arith.cmpi sge, %get3A_787, %ge3A_788 : vector<16xi32>
        %convert_element_type3A_790 = arith.extui %ge3A_789 : vector<16xi1> to vector<16xi32>
        %reduce_sum3A = arith.constant true
        %reduce_sum3A_791 = vector.broadcast %reduce_sum3A : i1 to vector<16xi1>
        %reduce_sum3A_792 = tpu.scan <sum>, %convert_element_type3A_790 masked %reduce_sum3A_791 : vector<16xi32>, vector<16xi1> -> vector<16xi32>
        %reduce_sum3A_793 = vector.extract %reduce_sum3A_792[15] : i32 from vector<16xi32>
        %add3A_794 = arith.addi %while3A_784, %reduce_sum3A_793 : i32
        scf.yield %add3A_794 : i32
      }
      %ge3A_543 = arith.constant 64 : i32
      %ge3A_544 = arith.cmpi sge, %while3A_542, %ge3A_543 : i32
      %select_n3A_545 = arith.select %ge3A_544, %or3A_528, %select_n3A_524 : i32
      %shift_left3A_546 = arith.constant 1 : i32
      %shift_left3A_547 = arith.constant 8 : i32
      %shift_left3A_548 = arith.shli %shift_left3A_546, %shift_left3A_547 : i32
      %or3A_549 = arith.ori %select_n3A_545, %shift_left3A_548 : i32
      %xor3A_550 = arith.constant -2147483648 : i32
      %xor3A_551 = arith.xori %or3A_549, %xor3A_550 : i32
      %while3A_552 = arith.constant 0 : i32
      %while3A_553 = arith.constant 0 : i32
      %while3A_554 = arith.subi %select_n3A, %while3A_552 : i32
      %while3A_555 = arith.addi %while3A_552, %while3A_554 : i32
      %while3A_556 = arith.constant 1 : i32
      %while3A_557 = arith.divsi %while3A_554, %while3A_556 : i32
      %while3A_558 = arith.muli %while3A_557, %while3A_556 : i32
      %while3A_559 = arith.addi %while3A_552, %while3A_558 : i32
      %while3A_560 = arith.constant 1 : i32
      %while3A_561 = scf.for %while3A_783 = %while3A_552 to %while3A_559 step %while3A_560 iter_args(%while3A_784 = %while3A_553) -> (i32)  : i32 {
        %mul3A_785 = arith.constant 16 : i32
        %mul3A_786 = arith.muli %while3A_783, %mul3A_785 : i32
        %get3A = arith.index_cast %mul3A_786 : i32 to index
        %get3A_787 = tpu.vector_load %arg8[%get3A] {strides = array<i32>} : memref<2048xi32, #tpu.memory_space<vmem>>, vector<16xi32>,
        %ge3A_788 = vector.broadcast %xor3A_551 : i32 to vector<16xi32>
        %ge3A_789 = arith.cmpi sge, %get3A_787, %ge3A_788 : vector<16xi32>
        %convert_element_type3A_790 = arith.extui %ge3A_789 : vector<16xi1> to vector<16xi32>
        %reduce_sum3A = arith.constant true
        %reduce_sum3A_791 = vector.broadcast %reduce_sum3A : i1 to vector<16xi1>
        %reduce_sum3A_792 = tpu.scan <sum>, %convert_element_type3A_790 masked %reduce_sum3A_791 : vector<16xi32>, vector<16xi1> -> vector<16xi32>
        %reduce_sum3A_793 = vector.extract %reduce_sum3A_792[15] : i32 from vector<16xi32>
        %add3A_794 = arith.addi %while3A_784, %reduce_sum3A_793 : i32
        scf.yield %add3A_794 : i32
      }
      %while3A_562 = arith.constant 1 : i32
      %while3A_563 = scf.for %while3A_783 = %while3A_559 to %while3A_555 step %while3A_562 iter_args(%while3A_784 = %while3A_561) -> (i32)  : i32 {
        %mul3A_785 = arith.constant 16 : i32
        %mul3A_786 = arith.muli %while3A_783, %mul3A_785 : i32
        %get3A = arith.index_cast %mul3A_786 : i32 to index
        %get3A_787 = tpu.vector_load %arg8[%get3A] {strides = array<i32>} : memref<2048xi32, #tpu.memory_space<vmem>>, vector<16xi32>,
        %ge3A_788 = vector.broadcast %xor3A_551 : i32 to vector<16xi32>
        %ge3A_789 = arith.cmpi sge, %get3A_787, %ge3A_788 : vector<16xi32>
        %convert_element_type3A_790 = arith.extui %ge3A_789 : vector<16xi1> to vector<16xi32>
        %reduce_sum3A = arith.constant true
        %reduce_sum3A_791 = vector.broadcast %reduce_sum3A : i1 to vector<16xi1>
        %reduce_sum3A_792 = tpu.scan <sum>, %convert_element_type3A_790 masked %reduce_sum3A_791 : vector<16xi32>, vector<16xi1> -> vector<16xi32>
        %reduce_sum3A_793 = vector.extract %reduce_sum3A_792[15] : i32 from vector<16xi32>
        %add3A_794 = arith.addi %while3A_784, %reduce_sum3A_793 : i32
        scf.yield %add3A_794 : i32
      }
      %ge3A_564 = arith.constant 64 : i32
      %ge3A_565 = arith.cmpi sge, %while3A_563, %ge3A_564 : i32
      %select_n3A_566 = arith.select %ge3A_565, %or3A_549, %select_n3A_545 : i32
      %shift_left3A_567 = arith.constant 1 : i32
      %shift_left3A_568 = arith.constant 7 : i32
      %shift_left3A_569 = arith.shli %shift_left3A_567, %shift_left3A_568 : i32
      %or3A_570 = arith.ori %select_n3A_566, %shift_left3A_569 : i32
      %xor3A_571 = arith.constant -2147483648 : i32
      %xor3A_572 = arith.xori %or3A_570, %xor3A_571 : i32
      %while3A_573 = arith.constant 0 : i32
      %while3A_574 = arith.constant 0 : i32
      %while3A_575 = arith.subi %select_n3A, %while3A_573 : i32
      %while3A_576 = arith.addi %while3A_573, %while3A_575 : i32
      %while3A_577 = arith.constant 1 : i32
      %while3A_578 = arith.divsi %while3A_575, %while3A_577 : i32
      %while3A_579 = arith.muli %while3A_578, %while3A_577 : i32
      %while3A_580 = arith.addi %while3A_573, %while3A_579 : i32
      %while3A_581 = arith.constant 1 : i32
      %while3A_582 = scf.for %while3A_783 = %while3A_573 to %while3A_580 step %while3A_581 iter_args(%while3A_784 = %while3A_574) -> (i32)  : i32 {
        %mul3A_785 = arith.constant 16 : i32
        %mul3A_786 = arith.muli %while3A_783, %mul3A_785 : i32
        %get3A = arith.index_cast %mul3A_786 : i32 to index
        %get3A_787 = tpu.vector_load %arg8[%get3A] {strides = array<i32>} : memref<2048xi32, #tpu.memory_space<vmem>>, vector<16xi32>,
        %ge3A_788 = vector.broadcast %xor3A_572 : i32 to vector<16xi32>
        %ge3A_789 = arith.cmpi sge, %get3A_787, %ge3A_788 : vector<16xi32>
        %convert_element_type3A_790 = arith.extui %ge3A_789 : vector<16xi1> to vector<16xi32>
        %reduce_sum3A = arith.constant true
        %reduce_sum3A_791 = vector.broadcast %reduce_sum3A : i1 to vector<16xi1>
        %reduce_sum3A_792 = tpu.scan <sum>, %convert_element_type3A_790 masked %reduce_sum3A_791 : vector<16xi32>, vector<16xi1> -> vector<16xi32>
        %reduce_sum3A_793 = vector.extract %reduce_sum3A_792[15] : i32 from vector<16xi32>
        %add3A_794 = arith.addi %while3A_784, %reduce_sum3A_793 : i32
        scf.yield %add3A_794 : i32
      }
      %while3A_583 = arith.constant 1 : i32
      %while3A_584 = scf.for %while3A_783 = %while3A_580 to %while3A_576 step %while3A_583 iter_args(%while3A_784 = %while3A_582) -> (i32)  : i32 {
        %mul3A_785 = arith.constant 16 : i32
        %mul3A_786 = arith.muli %while3A_783, %mul3A_785 : i32
        %get3A = arith.index_cast %mul3A_786 : i32 to index
        %get3A_787 = tpu.vector_load %arg8[%get3A] {strides = array<i32>} : memref<2048xi32, #tpu.memory_space<vmem>>, vector<16xi32>,
        %ge3A_788 = vector.broadcast %xor3A_572 : i32 to vector<16xi32>
        %ge3A_789 = arith.cmpi sge, %get3A_787, %ge3A_788 : vector<16xi32>
        %convert_element_type3A_790 = arith.extui %ge3A_789 : vector<16xi1> to vector<16xi32>
        %reduce_sum3A = arith.constant true
        %reduce_sum3A_791 = vector.broadcast %reduce_sum3A : i1 to vector<16xi1>
        %reduce_sum3A_792 = tpu.scan <sum>, %convert_element_type3A_790 masked %reduce_sum3A_791 : vector<16xi32>, vector<16xi1> -> vector<16xi32>
        %reduce_sum3A_793 = vector.extract %reduce_sum3A_792[15] : i32 from vector<16xi32>
        %add3A_794 = arith.addi %while3A_784, %reduce_sum3A_793 : i32
        scf.yield %add3A_794 : i32
      }
      %ge3A_585 = arith.constant 64 : i32
      %ge3A_586 = arith.cmpi sge, %while3A_584, %ge3A_585 : i32
      %select_n3A_587 = arith.select %ge3A_586, %or3A_570, %select_n3A_566 : i32
      %shift_left3A_588 = arith.constant 1 : i32
      %shift_left3A_589 = arith.constant 6 : i32
      %shift_left3A_590 = arith.shli %shift_left3A_588, %shift_left3A_589 : i32
      %or3A_591 = arith.ori %select_n3A_587, %shift_left3A_590 : i32
      %xor3A_592 = arith.constant -2147483648 : i32
      %xor3A_593 = arith.xori %or3A_591, %xor3A_592 : i32
      %while3A_594 = arith.constant 0 : i32
      %while3A_595 = arith.constant 0 : i32
      %while3A_596 = arith.subi %select_n3A, %while3A_594 : i32
      %while3A_597 = arith.addi %while3A_594, %while3A_596 : i32
      %while3A_598 = arith.constant 1 : i32
      %while3A_599 = arith.divsi %while3A_596, %while3A_598 : i32
      %while3A_600 = arith.muli %while3A_599, %while3A_598 : i32
      %while3A_601 = arith.addi %while3A_594, %while3A_600 : i32
      %while3A_602 = arith.constant 1 : i32
      %while3A_603 = scf.for %while3A_783 = %while3A_594 to %while3A_601 step %while3A_602 iter_args(%while3A_784 = %while3A_595) -> (i32)  : i32 {
        %mul3A_785 = arith.constant 16 : i32
        %mul3A_786 = arith.muli %while3A_783, %mul3A_785 : i32
        %get3A = arith.index_cast %mul3A_786 : i32 to index
        %get3A_787 = tpu.vector_load %arg8[%get3A] {strides = array<i32>} : memref<2048xi32, #tpu.memory_space<vmem>>, vector<16xi32>,
        %ge3A_788 = vector.broadcast %xor3A_593 : i32 to vector<16xi32>
        %ge3A_789 = arith.cmpi sge, %get3A_787, %ge3A_788 : vector<16xi32>
        %convert_element_type3A_790 = arith.extui %ge3A_789 : vector<16xi1> to vector<16xi32>
        %reduce_sum3A = arith.constant true
        %reduce_sum3A_791 = vector.broadcast %reduce_sum3A : i1 to vector<16xi1>
        %reduce_sum3A_792 = tpu.scan <sum>, %convert_element_type3A_790 masked %reduce_sum3A_791 : vector<16xi32>, vector<16xi1> -> vector<16xi32>
        %reduce_sum3A_793 = vector.extract %reduce_sum3A_792[15] : i32 from vector<16xi32>
        %add3A_794 = arith.addi %while3A_784, %reduce_sum3A_793 : i32
        scf.yield %add3A_794 : i32
      }
      %while3A_604 = arith.constant 1 : i32
      %while3A_605 = scf.for %while3A_783 = %while3A_601 to %while3A_597 step %while3A_604 iter_args(%while3A_784 = %while3A_603) -> (i32)  : i32 {
        %mul3A_785 = arith.constant 16 : i32
        %mul3A_786 = arith.muli %while3A_783, %mul3A_785 : i32
        %get3A = arith.index_cast %mul3A_786 : i32 to index
        %get3A_787 = tpu.vector_load %arg8[%get3A] {strides = array<i32>} : memref<2048xi32, #tpu.memory_space<vmem>>, vector<16xi32>,
        %ge3A_788 = vector.broadcast %xor3A_593 : i32 to vector<16xi32>
        %ge3A_789 = arith.cmpi sge, %get3A_787, %ge3A_788 : vector<16xi32>
        %convert_element_type3A_790 = arith.extui %ge3A_789 : vector<16xi1> to vector<16xi32>
        %reduce_sum3A = arith.constant true
        %reduce_sum3A_791 = vector.broadcast %reduce_sum3A : i1 to vector<16xi1>
        %reduce_sum3A_792 = tpu.scan <sum>, %convert_element_type3A_790 masked %reduce_sum3A_791 : vector<16xi32>, vector<16xi1> -> vector<16xi32>
        %reduce_sum3A_793 = vector.extract %reduce_sum3A_792[15] : i32 from vector<16xi32>
        %add3A_794 = arith.addi %while3A_784, %reduce_sum3A_793 : i32
        scf.yield %add3A_794 : i32
      }
      %ge3A_606 = arith.constant 64 : i32
      %ge3A_607 = arith.cmpi sge, %while3A_605, %ge3A_606 : i32
      %select_n3A_608 = arith.select %ge3A_607, %or3A_591, %select_n3A_587 : i32
      %shift_left3A_609 = arith.constant 1 : i32
      %shift_left3A_610 = arith.constant 5 : i32
      %shift_left3A_611 = arith.shli %shift_left3A_609, %shift_left3A_610 : i32
      %or3A_612 = arith.ori %select_n3A_608, %shift_left3A_611 : i32
      %xor3A_613 = arith.constant -2147483648 : i32
      %xor3A_614 = arith.xori %or3A_612, %xor3A_613 : i32
      %while3A_615 = arith.constant 0 : i32
      %while3A_616 = arith.constant 0 : i32
      %while3A_617 = arith.subi %select_n3A, %while3A_615 : i32
      %while3A_618 = arith.addi %while3A_615, %while3A_617 : i32
      %while3A_619 = arith.constant 1 : i32
      %while3A_620 = arith.divsi %while3A_617, %while3A_619 : i32
      %while3A_621 = arith.muli %while3A_620, %while3A_619 : i32
      %while3A_622 = arith.addi %while3A_615, %while3A_621 : i32
      %while3A_623 = arith.constant 1 : i32
      %while3A_624 = scf.for %while3A_783 = %while3A_615 to %while3A_622 step %while3A_623 iter_args(%while3A_784 = %while3A_616) -> (i32)  : i32 {
        %mul3A_785 = arith.constant 16 : i32
        %mul3A_786 = arith.muli %while3A_783, %mul3A_785 : i32
        %get3A = arith.index_cast %mul3A_786 : i32 to index
        %get3A_787 = tpu.vector_load %arg8[%get3A] {strides = array<i32>} : memref<2048xi32, #tpu.memory_space<vmem>>, vector<16xi32>,
        %ge3A_788 = vector.broadcast %xor3A_614 : i32 to vector<16xi32>
        %ge3A_789 = arith.cmpi sge, %get3A_787, %ge3A_788 : vector<16xi32>
        %convert_element_type3A_790 = arith.extui %ge3A_789 : vector<16xi1> to vector<16xi32>
        %reduce_sum3A = arith.constant true
        %reduce_sum3A_791 = vector.broadcast %reduce_sum3A : i1 to vector<16xi1>
        %reduce_sum3A_792 = tpu.scan <sum>, %convert_element_type3A_790 masked %reduce_sum3A_791 : vector<16xi32>, vector<16xi1> -> vector<16xi32>
        %reduce_sum3A_793 = vector.extract %reduce_sum3A_792[15] : i32 from vector<16xi32>
        %add3A_794 = arith.addi %while3A_784, %reduce_sum3A_793 : i32
        scf.yield %add3A_794 : i32
      }
      %while3A_625 = arith.constant 1 : i32
      %while3A_626 = scf.for %while3A_783 = %while3A_622 to %while3A_618 step %while3A_625 iter_args(%while3A_784 = %while3A_624) -> (i32)  : i32 {
        %mul3A_785 = arith.constant 16 : i32
        %mul3A_786 = arith.muli %while3A_783, %mul3A_785 : i32
        %get3A = arith.index_cast %mul3A_786 : i32 to index
        %get3A_787 = tpu.vector_load %arg8[%get3A] {strides = array<i32>} : memref<2048xi32, #tpu.memory_space<vmem>>, vector<16xi32>,
        %ge3A_788 = vector.broadcast %xor3A_614 : i32 to vector<16xi32>
        %ge3A_789 = arith.cmpi sge, %get3A_787, %ge3A_788 : vector<16xi32>
        %convert_element_type3A_790 = arith.extui %ge3A_789 : vector<16xi1> to vector<16xi32>
        %reduce_sum3A = arith.constant true
        %reduce_sum3A_791 = vector.broadcast %reduce_sum3A : i1 to vector<16xi1>
        %reduce_sum3A_792 = tpu.scan <sum>, %convert_element_type3A_790 masked %reduce_sum3A_791 : vector<16xi32>, vector<16xi1> -> vector<16xi32>
        %reduce_sum3A_793 = vector.extract %reduce_sum3A_792[15] : i32 from vector<16xi32>
        %add3A_794 = arith.addi %while3A_784, %reduce_sum3A_793 : i32
        scf.yield %add3A_794 : i32
      }
      %ge3A_627 = arith.constant 64 : i32
      %ge3A_628 = arith.cmpi sge, %while3A_626, %ge3A_627 : i32
      %select_n3A_629 = arith.select %ge3A_628, %or3A_612, %select_n3A_608 : i32
      %shift_left3A_630 = arith.constant 1 : i32
      %shift_left3A_631 = arith.constant 4 : i32
      %shift_left3A_632 = arith.shli %shift_left3A_630, %shift_left3A_631 : i32
      %or3A_633 = arith.ori %select_n3A_629, %shift_left3A_632 : i32
      %xor3A_634 = arith.constant -2147483648 : i32
      %xor3A_635 = arith.xori %or3A_633, %xor3A_634 : i32
      %while3A_636 = arith.constant 0 : i32
      %while3A_637 = arith.constant 0 : i32
      %while3A_638 = arith.subi %select_n3A, %while3A_636 : i32
      %while3A_639 = arith.addi %while3A_636, %while3A_638 : i32
      %while3A_640 = arith.constant 1 : i32
      %while3A_641 = arith.divsi %while3A_638, %while3A_640 : i32
      %while3A_642 = arith.muli %while3A_641, %while3A_640 : i32
      %while3A_643 = arith.addi %while3A_636, %while3A_642 : i32
      %while3A_644 = arith.constant 1 : i32
      %while3A_645 = scf.for %while3A_783 = %while3A_636 to %while3A_643 step %while3A_644 iter_args(%while3A_784 = %while3A_637) -> (i32)  : i32 {
        %mul3A_785 = arith.constant 16 : i32
        %mul3A_786 = arith.muli %while3A_783, %mul3A_785 : i32
        %get3A = arith.index_cast %mul3A_786 : i32 to index
        %get3A_787 = tpu.vector_load %arg8[%get3A] {strides = array<i32>} : memref<2048xi32, #tpu.memory_space<vmem>>, vector<16xi32>,
        %ge3A_788 = vector.broadcast %xor3A_635 : i32 to vector<16xi32>
        %ge3A_789 = arith.cmpi sge, %get3A_787, %ge3A_788 : vector<16xi32>
        %convert_element_type3A_790 = arith.extui %ge3A_789 : vector<16xi1> to vector<16xi32>
        %reduce_sum3A = arith.constant true
        %reduce_sum3A_791 = vector.broadcast %reduce_sum3A : i1 to vector<16xi1>
        %reduce_sum3A_792 = tpu.scan <sum>, %convert_element_type3A_790 masked %reduce_sum3A_791 : vector<16xi32>, vector<16xi1> -> vector<16xi32>
        %reduce_sum3A_793 = vector.extract %reduce_sum3A_792[15] : i32 from vector<16xi32>
        %add3A_794 = arith.addi %while3A_784, %reduce_sum3A_793 : i32
        scf.yield %add3A_794 : i32
      }
      %while3A_646 = arith.constant 1 : i32
      %while3A_647 = scf.for %while3A_783 = %while3A_643 to %while3A_639 step %while3A_646 iter_args(%while3A_784 = %while3A_645) -> (i32)  : i32 {
        %mul3A_785 = arith.constant 16 : i32
        %mul3A_786 = arith.muli %while3A_783, %mul3A_785 : i32
        %get3A = arith.index_cast %mul3A_786 : i32 to index
        %get3A_787 = tpu.vector_load %arg8[%get3A] {strides = array<i32>} : memref<2048xi32, #tpu.memory_space<vmem>>, vector<16xi32>,
        %ge3A_788 = vector.broadcast %xor3A_635 : i32 to vector<16xi32>
        %ge3A_789 = arith.cmpi sge, %get3A_787, %ge3A_788 : vector<16xi32>
        %convert_element_type3A_790 = arith.extui %ge3A_789 : vector<16xi1> to vector<16xi32>
        %reduce_sum3A = arith.constant true
        %reduce_sum3A_791 = vector.broadcast %reduce_sum3A : i1 to vector<16xi1>
        %reduce_sum3A_792 = tpu.scan <sum>, %convert_element_type3A_790 masked %reduce_sum3A_791 : vector<16xi32>, vector<16xi1> -> vector<16xi32>
        %reduce_sum3A_793 = vector.extract %reduce_sum3A_792[15] : i32 from vector<16xi32>
        %add3A_794 = arith.addi %while3A_784, %reduce_sum3A_793 : i32
        scf.yield %add3A_794 : i32
      }
      %ge3A_648 = arith.constant 64 : i32
      %ge3A_649 = arith.cmpi sge, %while3A_647, %ge3A_648 : i32
      %select_n3A_650 = arith.select %ge3A_649, %or3A_633, %select_n3A_629 : i32
      %shift_left3A_651 = arith.constant 1 : i32
      %shift_left3A_652 = arith.constant 3 : i32
      %shift_left3A_653 = arith.shli %shift_left3A_651, %shift_left3A_652 : i32
      %or3A_654 = arith.ori %select_n3A_650, %shift_left3A_653 : i32
      %xor3A_655 = arith.constant -2147483648 : i32
      %xor3A_656 = arith.xori %or3A_654, %xor3A_655 : i32
      %while3A_657 = arith.constant 0 : i32
      %while3A_658 = arith.constant 0 : i32
      %while3A_659 = arith.subi %select_n3A, %while3A_657 : i32
      %while3A_660 = arith.addi %while3A_657, %while3A_659 : i32
      %while3A_661 = arith.constant 1 : i32
      %while3A_662 = arith.divsi %while3A_659, %while3A_661 : i32
      %while3A_663 = arith.muli %while3A_662, %while3A_661 : i32
      %while3A_664 = arith.addi %while3A_657, %while3A_663 : i32
      %while3A_665 = arith.constant 1 : i32
      %while3A_666 = scf.for %while3A_783 = %while3A_657 to %while3A_664 step %while3A_665 iter_args(%while3A_784 = %while3A_658) -> (i32)  : i32 {
        %mul3A_785 = arith.constant 16 : i32
        %mul3A_786 = arith.muli %while3A_783, %mul3A_785 : i32
        %get3A = arith.index_cast %mul3A_786 : i32 to index
        %get3A_787 = tpu.vector_load %arg8[%get3A] {strides = array<i32>} : memref<2048xi32, #tpu.memory_space<vmem>>, vector<16xi32>,
        %ge3A_788 = vector.broadcast %xor3A_656 : i32 to vector<16xi32>
        %ge3A_789 = arith.cmpi sge, %get3A_787, %ge3A_788 : vector<16xi32>
        %convert_element_type3A_790 = arith.extui %ge3A_789 : vector<16xi1> to vector<16xi32>
        %reduce_sum3A = arith.constant true
        %reduce_sum3A_791 = vector.broadcast %reduce_sum3A : i1 to vector<16xi1>
        %reduce_sum3A_792 = tpu.scan <sum>, %convert_element_type3A_790 masked %reduce_sum3A_791 : vector<16xi32>, vector<16xi1> -> vector<16xi32>
        %reduce_sum3A_793 = vector.extract %reduce_sum3A_792[15] : i32 from vector<16xi32>
        %add3A_794 = arith.addi %while3A_784, %reduce_sum3A_793 : i32
        scf.yield %add3A_794 : i32
      }
      %while3A_667 = arith.constant 1 : i32
      %while3A_668 = scf.for %while3A_783 = %while3A_664 to %while3A_660 step %while3A_667 iter_args(%while3A_784 = %while3A_666) -> (i32)  : i32 {
        %mul3A_785 = arith.constant 16 : i32
        %mul3A_786 = arith.muli %while3A_783, %mul3A_785 : i32
        %get3A = arith.index_cast %mul3A_786 : i32 to index
        %get3A_787 = tpu.vector_load %arg8[%get3A] {strides = array<i32>} : memref<2048xi32, #tpu.memory_space<vmem>>, vector<16xi32>,
        %ge3A_788 = vector.broadcast %xor3A_656 : i32 to vector<16xi32>
        %ge3A_789 = arith.cmpi sge, %get3A_787, %ge3A_788 : vector<16xi32>
        %convert_element_type3A_790 = arith.extui %ge3A_789 : vector<16xi1> to vector<16xi32>
        %reduce_sum3A = arith.constant true
        %reduce_sum3A_791 = vector.broadcast %reduce_sum3A : i1 to vector<16xi1>
        %reduce_sum3A_792 = tpu.scan <sum>, %convert_element_type3A_790 masked %reduce_sum3A_791 : vector<16xi32>, vector<16xi1> -> vector<16xi32>
        %reduce_sum3A_793 = vector.extract %reduce_sum3A_792[15] : i32 from vector<16xi32>
        %add3A_794 = arith.addi %while3A_784, %reduce_sum3A_793 : i32
        scf.yield %add3A_794 : i32
      }
      %ge3A_669 = arith.constant 64 : i32
      %ge3A_670 = arith.cmpi sge, %while3A_668, %ge3A_669 : i32
      %select_n3A_671 = arith.select %ge3A_670, %or3A_654, %select_n3A_650 : i32
      %shift_left3A_672 = arith.constant 1 : i32
      %shift_left3A_673 = arith.constant 2 : i32
      %shift_left3A_674 = arith.shli %shift_left3A_672, %shift_left3A_673 : i32
      %or3A_675 = arith.ori %select_n3A_671, %shift_left3A_674 : i32
      %xor3A_676 = arith.constant -2147483648 : i32
      %xor3A_677 = arith.xori %or3A_675, %xor3A_676 : i32
      %while3A_678 = arith.constant 0 : i32
      %while3A_679 = arith.constant 0 : i32
      %while3A_680 = arith.subi %select_n3A, %while3A_678 : i32
      %while3A_681 = arith.addi %while3A_678, %while3A_680 : i32
      %while3A_682 = arith.constant 1 : i32
      %while3A_683 = arith.divsi %while3A_680, %while3A_682 : i32
      %while3A_684 = arith.muli %while3A_683, %while3A_682 : i32
      %while3A_685 = arith.addi %while3A_678, %while3A_684 : i32
      %while3A_686 = arith.constant 1 : i32
      %while3A_687 = scf.for %while3A_783 = %while3A_678 to %while3A_685 step %while3A_686 iter_args(%while3A_784 = %while3A_679) -> (i32)  : i32 {
        %mul3A_785 = arith.constant 16 : i32
        %mul3A_786 = arith.muli %while3A_783, %mul3A_785 : i32
        %get3A = arith.index_cast %mul3A_786 : i32 to index
        %get3A_787 = tpu.vector_load %arg8[%get3A] {strides = array<i32>} : memref<2048xi32, #tpu.memory_space<vmem>>, vector<16xi32>,
        %ge3A_788 = vector.broadcast %xor3A_677 : i32 to vector<16xi32>
        %ge3A_789 = arith.cmpi sge, %get3A_787, %ge3A_788 : vector<16xi32>
        %convert_element_type3A_790 = arith.extui %ge3A_789 : vector<16xi1> to vector<16xi32>
        %reduce_sum3A = arith.constant true
        %reduce_sum3A_791 = vector.broadcast %reduce_sum3A : i1 to vector<16xi1>
        %reduce_sum3A_792 = tpu.scan <sum>, %convert_element_type3A_790 masked %reduce_sum3A_791 : vector<16xi32>, vector<16xi1> -> vector<16xi32>
        %reduce_sum3A_793 = vector.extract %reduce_sum3A_792[15] : i32 from vector<16xi32>
        %add3A_794 = arith.addi %while3A_784, %reduce_sum3A_793 : i32
        scf.yield %add3A_794 : i32
      }
      %while3A_688 = arith.constant 1 : i32
      %while3A_689 = scf.for %while3A_783 = %while3A_685 to %while3A_681 step %while3A_688 iter_args(%while3A_784 = %while3A_687) -> (i32)  : i32 {
        %mul3A_785 = arith.constant 16 : i32
        %mul3A_786 = arith.muli %while3A_783, %mul3A_785 : i32
        %get3A = arith.index_cast %mul3A_786 : i32 to index
        %get3A_787 = tpu.vector_load %arg8[%get3A] {strides = array<i32>} : memref<2048xi32, #tpu.memory_space<vmem>>, vector<16xi32>,
        %ge3A_788 = vector.broadcast %xor3A_677 : i32 to vector<16xi32>
        %ge3A_789 = arith.cmpi sge, %get3A_787, %ge3A_788 : vector<16xi32>
        %convert_element_type3A_790 = arith.extui %ge3A_789 : vector<16xi1> to vector<16xi32>
        %reduce_sum3A = arith.constant true
        %reduce_sum3A_791 = vector.broadcast %reduce_sum3A : i1 to vector<16xi1>
        %reduce_sum3A_792 = tpu.scan <sum>, %convert_element_type3A_790 masked %reduce_sum3A_791 : vector<16xi32>, vector<16xi1> -> vector<16xi32>
        %reduce_sum3A_793 = vector.extract %reduce_sum3A_792[15] : i32 from vector<16xi32>
        %add3A_794 = arith.addi %while3A_784, %reduce_sum3A_793 : i32
        scf.yield %add3A_794 : i32
      }
      %ge3A_690 = arith.constant 64 : i32
      %ge3A_691 = arith.cmpi sge, %while3A_689, %ge3A_690 : i32
      %select_n3A_692 = arith.select %ge3A_691, %or3A_675, %select_n3A_671 : i32
      %shift_left3A_693 = arith.constant 1 : i32
      %shift_left3A_694 = arith.constant 1 : i32
      %shift_left3A_695 = arith.shli %shift_left3A_693, %shift_left3A_694 : i32
      %or3A_696 = arith.ori %select_n3A_692, %shift_left3A_695 : i32
      %xor3A_697 = arith.constant -2147483648 : i32
      %xor3A_698 = arith.xori %or3A_696, %xor3A_697 : i32
      %while3A_699 = arith.constant 0 : i32
      %while3A_700 = arith.constant 0 : i32
      %while3A_701 = arith.subi %select_n3A, %while3A_699 : i32
      %while3A_702 = arith.addi %while3A_699, %while3A_701 : i32
      %while3A_703 = arith.constant 1 : i32
      %while3A_704 = arith.divsi %while3A_701, %while3A_703 : i32
      %while3A_705 = arith.muli %while3A_704, %while3A_703 : i32
      %while3A_706 = arith.addi %while3A_699, %while3A_705 : i32
      %while3A_707 = arith.constant 1 : i32
      %while3A_708 = scf.for %while3A_783 = %while3A_699 to %while3A_706 step %while3A_707 iter_args(%while3A_784 = %while3A_700) -> (i32)  : i32 {
        %mul3A_785 = arith.constant 16 : i32
        %mul3A_786 = arith.muli %while3A_783, %mul3A_785 : i32
        %get3A = arith.index_cast %mul3A_786 : i32 to index
        %get3A_787 = tpu.vector_load %arg8[%get3A] {strides = array<i32>} : memref<2048xi32, #tpu.memory_space<vmem>>, vector<16xi32>,
        %ge3A_788 = vector.broadcast %xor3A_698 : i32 to vector<16xi32>
        %ge3A_789 = arith.cmpi sge, %get3A_787, %ge3A_788 : vector<16xi32>
        %convert_element_type3A_790 = arith.extui %ge3A_789 : vector<16xi1> to vector<16xi32>
        %reduce_sum3A = arith.constant true
        %reduce_sum3A_791 = vector.broadcast %reduce_sum3A : i1 to vector<16xi1>
        %reduce_sum3A_792 = tpu.scan <sum>, %convert_element_type3A_790 masked %reduce_sum3A_791 : vector<16xi32>, vector<16xi1> -> vector<16xi32>
        %reduce_sum3A_793 = vector.extract %reduce_sum3A_792[15] : i32 from vector<16xi32>
        %add3A_794 = arith.addi %while3A_784, %reduce_sum3A_793 : i32
        scf.yield %add3A_794 : i32
      }
      %while3A_709 = arith.constant 1 : i32
      %while3A_710 = scf.for %while3A_783 = %while3A_706 to %while3A_702 step %while3A_709 iter_args(%while3A_784 = %while3A_708) -> (i32)  : i32 {
        %mul3A_785 = arith.constant 16 : i32
        %mul3A_786 = arith.muli %while3A_783, %mul3A_785 : i32
        %get3A = arith.index_cast %mul3A_786 : i32 to index
        %get3A_787 = tpu.vector_load %arg8[%get3A] {strides = array<i32>} : memref<2048xi32, #tpu.memory_space<vmem>>, vector<16xi32>,
        %ge3A_788 = vector.broadcast %xor3A_698 : i32 to vector<16xi32>
        %ge3A_789 = arith.cmpi sge, %get3A_787, %ge3A_788 : vector<16xi32>
        %convert_element_type3A_790 = arith.extui %ge3A_789 : vector<16xi1> to vector<16xi32>
        %reduce_sum3A = arith.constant true
        %reduce_sum3A_791 = vector.broadcast %reduce_sum3A : i1 to vector<16xi1>
        %reduce_sum3A_792 = tpu.scan <sum>, %convert_element_type3A_790 masked %reduce_sum3A_791 : vector<16xi32>, vector<16xi1> -> vector<16xi32>
        %reduce_sum3A_793 = vector.extract %reduce_sum3A_792[15] : i32 from vector<16xi32>
        %add3A_794 = arith.addi %while3A_784, %reduce_sum3A_793 : i32
        scf.yield %add3A_794 : i32
      }
      %ge3A_711 = arith.constant 64 : i32
      %ge3A_712 = arith.cmpi sge, %while3A_710, %ge3A_711 : i32
      %select_n3A_713 = arith.select %ge3A_712, %or3A_696, %select_n3A_692 : i32
      %shift_left3A_714 = arith.constant 1 : i32
      %shift_left3A_715 = arith.constant 0 : i32
      %shift_left3A_716 = arith.shli %shift_left3A_714, %shift_left3A_715 : i32
      %or3A_717 = arith.ori %select_n3A_713, %shift_left3A_716 : i32
      %xor3A_718 = arith.constant -2147483648 : i32
      %xor3A_719 = arith.xori %or3A_717, %xor3A_718 : i32
      %while3A_720 = arith.constant 0 : i32
      %while3A_721 = arith.constant 0 : i32
      %while3A_722 = arith.subi %select_n3A, %while3A_720 : i32
      %while3A_723 = arith.addi %while3A_720, %while3A_722 : i32
      %while3A_724 = arith.constant 1 : i32
      %while3A_725 = arith.divsi %while3A_722, %while3A_724 : i32
      %while3A_726 = arith.muli %while3A_725, %while3A_724 : i32
      %while3A_727 = arith.addi %while3A_720, %while3A_726 : i32
      %while3A_728 = arith.constant 1 : i32
      %while3A_729 = scf.for %while3A_783 = %while3A_720 to %while3A_727 step %while3A_728 iter_args(%while3A_784 = %while3A_721) -> (i32)  : i32 {
        %mul3A_785 = arith.constant 16 : i32
        %mul3A_786 = arith.muli %while3A_783, %mul3A_785 : i32
        %get3A = arith.index_cast %mul3A_786 : i32 to index
        %get3A_787 = tpu.vector_load %arg8[%get3A] {strides = array<i32>} : memref<2048xi32, #tpu.memory_space<vmem>>, vector<16xi32>,
        %ge3A_788 = vector.broadcast %xor3A_719 : i32 to vector<16xi32>
        %ge3A_789 = arith.cmpi sge, %get3A_787, %ge3A_788 : vector<16xi32>
        %convert_element_type3A_790 = arith.extui %ge3A_789 : vector<16xi1> to vector<16xi32>
        %reduce_sum3A = arith.constant true
        %reduce_sum3A_791 = vector.broadcast %reduce_sum3A : i1 to vector<16xi1>
        %reduce_sum3A_792 = tpu.scan <sum>, %convert_element_type3A_790 masked %reduce_sum3A_791 : vector<16xi32>, vector<16xi1> -> vector<16xi32>
        %reduce_sum3A_793 = vector.extract %reduce_sum3A_792[15] : i32 from vector<16xi32>
        %add3A_794 = arith.addi %while3A_784, %reduce_sum3A_793 : i32
        scf.yield %add3A_794 : i32
      }
      %while3A_730 = arith.constant 1 : i32
      %while3A_731 = scf.for %while3A_783 = %while3A_727 to %while3A_723 step %while3A_730 iter_args(%while3A_784 = %while3A_729) -> (i32)  : i32 {
        %mul3A_785 = arith.constant 16 : i32
        %mul3A_786 = arith.muli %while3A_783, %mul3A_785 : i32
        %get3A = arith.index_cast %mul3A_786 : i32 to index
        %get3A_787 = tpu.vector_load %arg8[%get3A] {strides = array<i32>} : memref<2048xi32, #tpu.memory_space<vmem>>, vector<16xi32>,
        %ge3A_788 = vector.broadcast %xor3A_719 : i32 to vector<16xi32>
        %ge3A_789 = arith.cmpi sge, %get3A_787, %ge3A_788 : vector<16xi32>
        %convert_element_type3A_790 = arith.extui %ge3A_789 : vector<16xi1> to vector<16xi32>
        %reduce_sum3A = arith.constant true
        %reduce_sum3A_791 = vector.broadcast %reduce_sum3A : i1 to vector<16xi1>
        %reduce_sum3A_792 = tpu.scan <sum>, %convert_element_type3A_790 masked %reduce_sum3A_791 : vector<16xi32>, vector<16xi1> -> vector<16xi32>
        %reduce_sum3A_793 = vector.extract %reduce_sum3A_792[15] : i32 from vector<16xi32>
        %add3A_794 = arith.addi %while3A_784, %reduce_sum3A_793 : i32
        scf.yield %add3A_794 : i32
      }
      %ge3A_732 = arith.constant 64 : i32
      %ge3A_733 = arith.cmpi sge, %while3A_731, %ge3A_732 : i32
      %select_n3A_734 = arith.select %ge3A_733, %or3A_717, %select_n3A_713 : i32
      %xor3A_735 = arith.constant -2147483648 : i32
      %xor3A_736 = arith.xori %select_n3A_734, %xor3A_735 : i32
      %swap3A = arith.constant 0 : index
      %swap3A_737 = tpu.vector_load %arg9[%swap3A] {strides = array<i32>} : memref<80xf32, #tpu.memory_space<vmem>>, vector<16xf32>,
      tpu.vector_store %arg9[%swap3A], %broadcast_in_dim3A_1 {strides = array<i32>} : memref<80xf32, #tpu.memory_space<vmem>>, vector<16xf32>,
      %broadcast_in_dim3A_738 = arith.constant 2147483647 : i32
      %broadcast_in_dim3A_739 = vector.broadcast %broadcast_in_dim3A_738 : i32 to vector<16xi32>
      %swap3A_740 = arith.constant 0 : index
      %swap3A_741 = tpu.vector_load %arg10[%swap3A_740] {strides = array<i32>} : memref<80xi32, #tpu.memory_space<vmem>>, vector<16xi32>,
      tpu.vector_store %arg10[%swap3A_740], %broadcast_in_dim3A_739 {strides = array<i32>} : memref<80xi32, #tpu.memory_space<vmem>>, vector<16xi32>,
      %swap3A_742 = arith.constant 16 : index
      %swap3A_743 = tpu.vector_load %arg9[%swap3A_742] {strides = array<i32>} : memref<80xf32, #tpu.memory_space<vmem>>, vector<16xf32>,
      tpu.vector_store %arg9[%swap3A_742], %broadcast_in_dim3A_1 {strides = array<i32>} : memref<80xf32, #tpu.memory_space<vmem>>, vector<16xf32>,
      %broadcast_in_dim3A_744 = arith.constant 2147483647 : i32
      %broadcast_in_dim3A_745 = vector.broadcast %broadcast_in_dim3A_744 : i32 to vector<16xi32>
      %swap3A_746 = arith.constant 16 : index
      %swap3A_747 = tpu.vector_load %arg10[%swap3A_746] {strides = array<i32>} : memref<80xi32, #tpu.memory_space<vmem>>, vector<16xi32>,
      tpu.vector_store %arg10[%swap3A_746], %broadcast_in_dim3A_745 {strides = array<i32>} : memref<80xi32, #tpu.memory_space<vmem>>, vector<16xi32>,
      %swap3A_748 = arith.constant 32 : index
      %swap3A_749 = tpu.vector_load %arg9[%swap3A_748] {strides = array<i32>} : memref<80xf32, #tpu.memory_space<vmem>>, vector<16xf32>,
      tpu.vector_store %arg9[%swap3A_748], %broadcast_in_dim3A_1 {strides = array<i32>} : memref<80xf32, #tpu.memory_space<vmem>>, vector<16xf32>,
      %broadcast_in_dim3A_750 = arith.constant 2147483647 : i32
      %broadcast_in_dim3A_751 = vector.broadcast %broadcast_in_dim3A_750 : i32 to vector<16xi32>
      %swap3A_752 = arith.constant 32 : index
      %swap3A_753 = tpu.vector_load %arg10[%swap3A_752] {strides = array<i32>} : memref<80xi32, #tpu.memory_space<vmem>>, vector<16xi32>,
      tpu.vector_store %arg10[%swap3A_752], %broadcast_in_dim3A_751 {strides = array<i32>} : memref<80xi32, #tpu.memory_space<vmem>>, vector<16xi32>,
      %swap3A_754 = arith.constant 48 : index
      %swap3A_755 = tpu.vector_load %arg9[%swap3A_754] {strides = array<i32>} : memref<80xf32, #tpu.memory_space<vmem>>, vector<16xf32>,
      tpu.vector_store %arg9[%swap3A_754], %broadcast_in_dim3A_1 {strides = array<i32>} : memref<80xf32, #tpu.memory_space<vmem>>, vector<16xf32>,
      %broadcast_in_dim3A_756 = arith.constant 2147483647 : i32
      %broadcast_in_dim3A_757 = vector.broadcast %broadcast_in_dim3A_756 : i32 to vector<16xi32>
      %swap3A_758 = arith.constant 48 : index
      %swap3A_759 = tpu.vector_load %arg10[%swap3A_758] {strides = array<i32>} : memref<80xi32, #tpu.memory_space<vmem>>, vector<16xi32>,
      tpu.vector_store %arg10[%swap3A_758], %broadcast_in_dim3A_757 {strides = array<i32>} : memref<80xi32, #tpu.memory_space<vmem>>, vector<16xi32>,
      %swap3A_760 = arith.constant 64 : index
      %swap3A_761 = tpu.vector_load %arg9[%swap3A_760] {strides = array<i32>} : memref<80xf32, #tpu.memory_space<vmem>>, vector<16xf32>,
      tpu.vector_store %arg9[%swap3A_760], %broadcast_in_dim3A_1 {strides = array<i32>} : memref<80xf32, #tpu.memory_space<vmem>>, vector<16xf32>,
      %broadcast_in_dim3A_762 = arith.constant 2147483647 : i32
      %broadcast_in_dim3A_763 = vector.broadcast %broadcast_in_dim3A_762 : i32 to vector<16xi32>
      %swap3A_764 = arith.constant 64 : index
      %swap3A_765 = tpu.vector_load %arg10[%swap3A_764] {strides = array<i32>} : memref<80xi32, #tpu.memory_space<vmem>>, vector<16xi32>,
      tpu.vector_store %arg10[%swap3A_764], %broadcast_in_dim3A_763 {strides = array<i32>} : memref<80xi32, #tpu.memory_space<vmem>>, vector<16xi32>,
      %while3A_766 = arith.constant 0 : i32
      %while3A_767 = arith.constant 0 : i32
      %while3A_768 = arith.subi %select_n3A, %while3A_766 : i32
      %while3A_769 = arith.addi %while3A_766, %while3A_768 : i32
      %while3A_770 = arith.constant 1 : i32
      %while3A_771 = arith.divsi %while3A_768, %while3A_770 : i32
      %while3A_772 = arith.muli %while3A_771, %while3A_770 : i32
      %while3A_773 = arith.addi %while3A_766, %while3A_772 : i32
      %while3A_774 = arith.constant 1 : i32
      %while3A_775 = scf.for %while3A_783 = %while3A_766 to %while3A_773 step %while3A_774 iter_args(%while3A_784 = %while3A_767) -> (i32)  : i32 {
        %mul3A_785 = arith.constant 16 : i32
        %mul3A_786 = arith.muli %while3A_783, %mul3A_785 : i32
        %get3A = arith.index_cast %mul3A_786 : i32 to index
        %get3A_787 = tpu.vector_load %arg6[%get3A] {strides = array<i32>} : memref<2048xf32, #tpu.memory_space<vmem>>, vector<16xf32>,
        %mul3A_788 = arith.constant 16 : i32
        %mul3A_789 = arith.muli %while3A_783, %mul3A_788 : i32
        %get3A_790 = arith.index_cast %mul3A_789 : i32 to index
        %get3A_791 = tpu.vector_load %arg7[%get3A_790] {strides = array<i32>} : memref<2048xi32, #tpu.memory_space<vmem>>, vector<16xi32>,
        %mul3A_792 = arith.constant 16 : i32
        %mul3A_793 = arith.muli %while3A_783, %mul3A_792 : i32
        %get3A_794 = arith.index_cast %mul3A_793 : i32 to index
        %get3A_795 = tpu.vector_load %arg8[%get3A_794] {strides = array<i32>} : memref<2048xi32, #tpu.memory_space<vmem>>, vector<16xi32>,
        %ge3A_796 = vector.broadcast %xor3A_736 : i32 to vector<16xi32>
        %ge3A_797 = arith.cmpi sge, %get3A_795, %ge3A_796 : vector<16xi32>
        %convert_element_type3A_798 = arith.extui %ge3A_797 : vector<16xi1> to vector<16xi32>
        %reduce_sum3A = arith.constant true
        %reduce_sum3A_799 = vector.broadcast %reduce_sum3A : i1 to vector<16xi1>
        %reduce_sum3A_800 = tpu.scan <sum>, %convert_element_type3A_798 masked %reduce_sum3A_799 : vector<16xi32>, vector<16xi1> -> vector<16xi32>
        %reduce_sum3A_801 = vector.extract %reduce_sum3A_800[15] : i32 from vector<16xi32>
        %add3A_802 = arith.addi %while3A_784, %reduce_sum3A_801 : i32
        %le3A = arith.constant 80 : i32
        %le3A_803 = arith.cmpi sle, %add3A_802, %le3A : i32
        %convert_element_type3A_804 = arith.extui %le3A_803 : i1 to i32
        %cond3A_805 = arith.constant 0 : i32
        %cond3A_806 = arith.cmpi ne, %convert_element_type3A_804, %cond3A_805 : i32
        scf.if %cond3A_806 {
          %swap3A_808 = arith.index_cast %while3A_784 : i32 to index
          %swap3A_809 = tpu.vector_load %arg9[%swap3A_808] masked %ge3A_797 {strides = array<i32>} : memref<80xf32, #tpu.memory_space<vmem>>, vector<16xf32>, vector<16xi1>
          tpu.vector_store %arg9[%swap3A_808], %get3A_787 masked %ge3A_797 {strides = array<i32>} : memref<80xf32, #tpu.memory_space<vmem>>, vector<16xf32>, vector<16xi1>
          %swap3A_810 = arith.index_cast %while3A_784 : i32 to index
          %swap3A_811 = tpu.vector_load %arg10[%swap3A_810] masked %ge3A_797 {strides = array<i32>} : memref<80xi32, #tpu.memory_space<vmem>>, vector<16xi32>, vector<16xi1>
          tpu.vector_store %arg10[%swap3A_810], %get3A_791 masked %ge3A_797 {strides = array<i32>} : memref<80xi32, #tpu.memory_space<vmem>>, vector<16xi32>, vector<16xi1>
        } else {
        }
        %add3A_807 = arith.addi %while3A_784, %reduce_sum3A_801 : i32
        scf.yield %add3A_807 : i32
      }
      %while3A_776 = arith.constant 1 : i32
      %while3A_777 = scf.for %while3A_783 = %while3A_773 to %while3A_769 step %while3A_776 iter_args(%while3A_784 = %while3A_775) -> (i32)  : i32 {
        %mul3A_785 = arith.constant 16 : i32
        %mul3A_786 = arith.muli %while3A_783, %mul3A_785 : i32
        %get3A = arith.index_cast %mul3A_786 : i32 to index
        %get3A_787 = tpu.vector_load %arg6[%get3A] {strides = array<i32>} : memref<2048xf32, #tpu.memory_space<vmem>>, vector<16xf32>,
        %mul3A_788 = arith.constant 16 : i32
        %mul3A_789 = arith.muli %while3A_783, %mul3A_788 : i32
        %get3A_790 = arith.index_cast %mul3A_789 : i32 to index
        %get3A_791 = tpu.vector_load %arg7[%get3A_790] {strides = array<i32>} : memref<2048xi32, #tpu.memory_space<vmem>>, vector<16xi32>,
        %mul3A_792 = arith.constant 16 : i32
        %mul3A_793 = arith.muli %while3A_783, %mul3A_792 : i32
        %get3A_794 = arith.index_cast %mul3A_793 : i32 to index
        %get3A_795 = tpu.vector_load %arg8[%get3A_794] {strides = array<i32>} : memref<2048xi32, #tpu.memory_space<vmem>>, vector<16xi32>,
        %ge3A_796 = vector.broadcast %xor3A_736 : i32 to vector<16xi32>
        %ge3A_797 = arith.cmpi sge, %get3A_795, %ge3A_796 : vector<16xi32>
        %convert_element_type3A_798 = arith.extui %ge3A_797 : vector<16xi1> to vector<16xi32>
        %reduce_sum3A = arith.constant true
        %reduce_sum3A_799 = vector.broadcast %reduce_sum3A : i1 to vector<16xi1>
        %reduce_sum3A_800 = tpu.scan <sum>, %convert_element_type3A_798 masked %reduce_sum3A_799 : vector<16xi32>, vector<16xi1> -> vector<16xi32>
        %reduce_sum3A_801 = vector.extract %reduce_sum3A_800[15] : i32 from vector<16xi32>
        %add3A_802 = arith.addi %while3A_784, %reduce_sum3A_801 : i32
        %le3A = arith.constant 80 : i32
        %le3A_803 = arith.cmpi sle, %add3A_802, %le3A : i32
        %convert_element_type3A_804 = arith.extui %le3A_803 : i1 to i32
        %cond3A_805 = arith.constant 0 : i32
        %cond3A_806 = arith.cmpi ne, %convert_element_type3A_804, %cond3A_805 : i32
        scf.if %cond3A_806 {
          %swap3A_808 = arith.index_cast %while3A_784 : i32 to index
          %swap3A_809 = tpu.vector_load %arg9[%swap3A_808] masked %ge3A_797 {strides = array<i32>} : memref<80xf32, #tpu.memory_space<vmem>>, vector<16xf32>, vector<16xi1>
          tpu.vector_store %arg9[%swap3A_808], %get3A_787 masked %ge3A_797 {strides = array<i32>} : memref<80xf32, #tpu.memory_space<vmem>>, vector<16xf32>, vector<16xi1>
          %swap3A_810 = arith.index_cast %while3A_784 : i32 to index
          %swap3A_811 = tpu.vector_load %arg10[%swap3A_810] masked %ge3A_797 {strides = array<i32>} : memref<80xi32, #tpu.memory_space<vmem>>, vector<16xi32>, vector<16xi1>
          tpu.vector_store %arg10[%swap3A_810], %get3A_791 masked %ge3A_797 {strides = array<i32>} : memref<80xi32, #tpu.memory_space<vmem>>, vector<16xi32>, vector<16xi1>
        } else {
        }
        %add3A_807 = arith.addi %while3A_784, %reduce_sum3A_801 : i32
        scf.yield %add3A_807 : i32
      }
      %mul3A_778 = arith.constant 80 : i32
      %mul3A_779 = arith.muli %add3A_14, %mul3A_778 : i32
      "tpu.region"() ({
        %run_scoped3A = tpu.sem_alloc : memref<!tpu.dma_semaphore, #tpu.memory_space<semaphore_mem>>
        %dma_start3A = tpu.memref_slice %arg3[%mul3A_779] : memref<10240xf32, #tpu.memory_space<hbm>> -> memref<80xf32, #tpu.memory_space<hbm>>
        %dma_start3A_783 = tpu.memref_slice %arg3[%mul3A_779] : memref<10240xf32, #tpu.memory_space<hbm>> -> memref<80xf32, #tpu.memory_space<hbm>>
        tpu.enqueue_dma source(%arg9 : memref<80xf32, #tpu.memory_space<vmem>>) target(%dma_start3A_783 : memref<80xf32, #tpu.memory_space<hbm>>) target_semaphore(%run_scoped3A : memref<!tpu.dma_semaphore, #tpu.memory_space<semaphore_mem>>)
        %dma_wait3A = tpu.memref_slice %arg3[%mul3A_779] : memref<10240xf32, #tpu.memory_space<hbm>> -> memref<80xf32, #tpu.memory_space<hbm>>
        %dma_wait3A_784 = tpu.memref_slice %arg3[%mul3A_779] : memref<10240xf32, #tpu.memory_space<hbm>> -> memref<80xf32, #tpu.memory_space<hbm>>
        tpu.wait_dma2 semaphore(%run_scoped3A : memref<!tpu.dma_semaphore, #tpu.memory_space<semaphore_mem>>) src(%arg9 : memref<80xf32, #tpu.memory_space<vmem>>) dst(%dma_wait3A_784 : memref<80xf32, #tpu.memory_space<hbm>>)
        tpu.yield
      }) : () -> ()
      %mul3A_780 = arith.constant 80 : i32
      %mul3A_781 = arith.muli %add3A_14, %mul3A_780 : i32
      "tpu.region"() ({
        %run_scoped3A = tpu.sem_alloc : memref<!tpu.dma_semaphore, #tpu.memory_space<semaphore_mem>>
        %dma_start3A = tpu.memref_slice %arg4[%mul3A_781] : memref<10240xi32, #tpu.memory_space<hbm>> -> memref<80xi32, #tpu.memory_space<hbm>>
        %dma_start3A_783 = tpu.memref_slice %arg4[%mul3A_781] : memref<10240xi32, #tpu.memory_space<hbm>> -> memref<80xi32, #tpu.memory_space<hbm>>
        tpu.enqueue_dma source(%arg10 : memref<80xi32, #tpu.memory_space<vmem>>) target(%dma_start3A_783 : memref<80xi32, #tpu.memory_space<hbm>>) target_semaphore(%run_scoped3A : memref<!tpu.dma_semaphore, #tpu.memory_space<semaphore_mem>>)
        %dma_wait3A = tpu.memref_slice %arg4[%mul3A_781] : memref<10240xi32, #tpu.memory_space<hbm>> -> memref<80xi32, #tpu.memory_space<hbm>>
        %dma_wait3A_784 = tpu.memref_slice %arg4[%mul3A_781] : memref<10240xi32, #tpu.memory_space<hbm>> -> memref<80xi32, #tpu.memory_space<hbm>>
        tpu.wait_dma2 semaphore(%run_scoped3A : memref<!tpu.dma_semaphore, #tpu.memory_space<semaphore_mem>>) src(%arg10 : memref<80xi32, #tpu.memory_space<vmem>>) dst(%dma_wait3A_784 : memref<80xi32, #tpu.memory_space<hbm>>)
        tpu.yield
      }) : () -> ()
      %scan3A_782 = arith.constant 0 : i32
      scf.yield %scan3A_782 : i32
    }
    %scan3A_9 = arith.constant 4 : i32
    return
  }
}

</mosaic_0001>

<sc_bundles>
// kernel: _sc_extract.3.cloned.1.call-start
scs
__scs_entry_jumppad:
0x0: {  	(pc) =	sbr.rel $0x88, $3  }
0x1: {  	(tag) =	ssettag $0x0;
	lr =	simm.s32 $0x1  }
0x2: {  	[smem:$0x3FA0] =	sst lr;
	_ =	strace $0xD0000000  }
0x3: {  	_ = 	snop  }
0x4: {  	_ = 	snop  }
0x5: {  	_ = 	snop  }
0x6: {  	_ = 	snop  }
0x7: {  	_ = 	snop  }
__scs_overlays_trampoline_lowered:
0x8: {  	[smem:$0x3FAF] =	sst s0  }
0x9: {  	[smem:$0x3FB0] =	sst s1  }
0xa: {  	[smem:$0x3FB1] =	sst s2  }
0xb: {  	[smem:$0x3FB2] =	sst s3  }
0xc: {  	[smem:$0x3FB3] =	sst s4  }
0xd: {  	[smem:$0x3FB4] =	sst s5  }
0xe: {  	[smem:$0x3FB5] =	sst s6  }
0xf: {  	[smem:$0x3FB6] =	sst s7  }
0x10: {  	[smem:$0x3FB7] =	sst s8  }
0x11: {  	[smem:$0x3FB8] =	sst s9;
	s0 =	simm.s32 @!p0 $0x0  }
0x12: {  	s1 =	sld [smem:$0x3F9E];
	s0 =	simm.s32 @p0 $0x1  }
0x13: {  	[smem:$0x3FB9] =	sst s0;
	s0 =	simm.s32 @!p1 $0x0  }
0x14: {  	s2 =	sld [smem:$0x3F9D];
	s0 =	simm.s32 @p1 $0x1  }
0x15: {  	[smem:$0x3FBA] =	sst s0;
	s0 =	simm.s32 @!p2 $0x0  }
0x16: {  	s3 =	sld [smem:$0x3FDB];
	s0 =	simm.s32 @p2 $0x1  }
0x17: {  	s4 =	simm.s32 $0x1BF5;
	[smem:$0x3FBC] =	sst s0  }
0x18: {  	s0 =	sld [smem:$0x3F9F];
	_ =	swait.ge [sflag:s4], $0x0  }
0x19: {  	s7 =	sld [smem:$0x3FA0]  }
0x1a: {  	s8 =	sadd.s32 $0xFFFFE003, lr  }
0x1b: {  	s9 =	sadd.s32 $0xFFFFFEF7, lr;
	s5 =	simm.s32 $0xFFFFFFFF;
	p2 =	slt.u32 s8, $0xFFFFF086  }
0x1c: {  	p1 =	slt.u32 s9, $0xF7A;
	s5 =	simm.s32 @!p2 $0x0  }
0x1d: {  	s5 =	simm.s32 @p1 $0x1;
	p0 =	seq.s32 s7, s2  }
0x1e: {  	s7 =	smul.u32 @!p0 $0xF7A, s2;
	p2 =	seq.s32 @!p0 s5, $0x0  }
0x1f: {  	s9 =	smul.u32 $0xF7A, s1;
	s8 =	simm.s32 @!p0 $0x1BF5;
	p2 =	por !p2, p0  }
0x20: {  	[sflag:s8] =	ssyncset.s32 @!p0 $0xFFFFF086;
	s6 =	sadd.s32 @!p0 s3, s7;
	s7 =	simm.s32 @!p0 $0x108  }
0x21: {  	s3 =	sadd.s32 s3, s9;
	s6 =	sadd.s32 @!p0 $0x88, s6;
	s7 =	simm.s32 @p2 $0x1082  }
0x22: {  	[simem:s7], [sflag:s8] =	dma.local @!p0 [hbm:s6], $0xF7A  }
0x23: {  	s9 =	sor.u32 $0xD0000000, s2;
	s6 =	simm.s32 $0x108;
	_ =	swait.ge @!p0 [sflag:s8], $0x0  }
0x24: {  	s3 =	sadd.s32 $0x88, s3;
	s6 =	simm.s32 @!p1 $0x1082;
	[sflag:s4] =	ssyncset.s32 $0xFFFFF086  }
0x25: {  	[simem:s6], [sflag:s4] =	dma.local [hbm:s3], $0xF7A  }
0x26: {  	[smem:$0x3FA0] =	sst s1;
	(tag) =	ssettag s2;
	_ =	strace s9  }
0x27: {  	s1 =	sld [smem:$0x3FB0]  }
0x28: {  	s2 =	sld [smem:$0x3FB1]  }
0x29: {  	s4 =	sld [smem:$0x3FB3]  }
0x2a: {  	p0 =	seq.s32 s5, $0x0;
	s5 =	sld [smem:$0x3FB4]  }
0x2b: {  	s6 =	sld [smem:$0x3FB5]  }
0x2c: {  	s7 =	sld [smem:$0x3FB6]  }
0x2d: {  	s3 =	simm.s32 $0x108;
	s8 =	sld [smem:$0x3FB7]  }
0x2e: {  	s3 =	simm.s32 @!p0 $0x1082;
	s9 =	sld [smem:$0x3FB8]  }
0x2f: {  	lr =	sadd.s32 s0, s3;
	s0 =	sld [smem:$0x3FAF]  }
0x30: {  	s3 =	sld [smem:$0x3FB2]  }
0x31: {  	[smem:$0x3FBB] =	sst s10  }
0x32: {  	s10 =	sld [smem:$0x3FB9];
	_ =	sdelay $0x3  }
0x33: {  	p0 =	seq.s32 s10, $0x1;
	s10 =	sld [smem:$0x3FBB];
	_ =	sdelay $0x3  }
0x34: {  	[smem:$0x3FBB] =	sst s10  }
0x35: {  	s10 =	sld [smem:$0x3FBA];
	_ =	sdelay $0x3  }
0x36: {  	p1 =	seq.s32 s10, $0x1;
	s10 =	sld [smem:$0x3FBB];
	_ =	sdelay $0x3  }
0x37: {  	[smem:$0x3FBB] =	sst s10  }
0x38: {  	s10 =	sld [smem:$0x3FBC]  }
0x39: {  	_ = 	snop;
	(pc) =	sbr.ind lr, $3  }
0x3a: {  	_ = 	snop  }
0x3b: {  	_ = 	snop  }
0x3c: {  	p2 =	seq.s32 s10, $0x1;
	s10 =	sld [smem:$0x3FBB]  }
0x3d: {  	_ =	shalt  }
0x3e: {  	_ =	shalt  }
0x3f: {  	_ =	shalt  }
0x40: {  	_ =	shalt  }
0x41: {  	_ =	shalt  }
0x42: {  	_ =	shalt  }
0x43: {  	_ =	shalt  }
0x44: {  	_ =	shalt  }
0x45: {  	_ =	shalt  }
0x46: {  	_ =	shalt  }
0x47: {  	_ =	shalt  }
0x48: {  	_ =	shalt  }
0x49: {  	_ =	shalt  }
0x4a: {  	_ =	shalt  }
0x4b: {  	_ =	shalt  }
0x4c: {  	_ =	shalt  }
0x4d: {  	_ =	shalt  }
0x4e: {  	_ =	shalt  }
0x4f: {  	_ =	shalt  }
0x50: {  	_ =	shalt  }
0x51: {  	_ =	shalt  }
0x52: {  	_ =	shalt  }
0x53: {  	_ =	shalt  }
0x54: {  	_ =	shalt  }
0x55: {  	_ =	shalt  }
0x56: {  	_ =	shalt  }
0x57: {  	_ =	shalt  }
0x58: {  	_ =	shalt  }
0x59: {  	_ =	shalt  }
0x5a: {  	_ =	shalt  }
0x5b: {  	_ =	shalt  }
0x5c: {  	_ =	shalt  }
0x5d: {  	_ =	shalt  }
0x5e: {  	_ =	shalt  }
0x5f: {  	_ =	shalt  }
0x60: {  	_ =	shalt  }
0x61: {  	_ =	shalt  }
0x62: {  	_ =	shalt  }
0x63: {  	_ =	shalt  }
0x64: {  	_ =	shalt  }
0x65: {  	_ =	shalt  }
0x66: {  	_ =	shalt  }
0x67: {  	_ =	shalt  }
0x68: {  	_ =	shalt  }
0x69: {  	_ =	shalt  }
0x6a: {  	_ =	shalt  }
0x6b: {  	_ =	shalt  }
0x6c: {  	_ =	shalt  }
0x6d: {  	_ =	shalt  }
0x6e: {  	_ =	shalt  }
0x6f: {  	_ =	shalt  }
0x70: {  	_ =	shalt  }
0x71: {  	_ =	shalt  }
0x72: {  	_ =	shalt  }
0x73: {  	_ =	shalt  }
0x74: {  	_ =	shalt  }
0x75: {  	_ =	shalt  }
0x76: {  	_ =	shalt  }
0x77: {  	_ =	shalt  }
0x78: {  	_ =	shalt  }
0x79: {  	_ =	shalt  }
0x7a: {  	_ =	shalt  }
0x7b: {  	_ =	shalt  }
0x7c: {  	_ =	shalt  }
0x7d: {  	_ =	shalt  }
0x7e: {  	_ =	shalt  }
0x7f: {  	_ =	shalt  }
0x80: {  	_ =	shalt  }
0x81: {  	_ =	shalt  }
0x82: {  	_ =	shalt  }
0x83: {  	_ =	shalt  }
0x84: {  	_ =	shalt  }
0x85: {  	_ =	shalt  }
0x86: {  	_ =	shalt  }
0x87: {  	_ =	shalt  }
.Lfunc_end0:
.L_simem_size_0:
called_computation_lowered:
.L_overlay_start_0:
0x88: {  	s2 =	sld [smem:$0x3FD9]  }
0x89: {  	s3 =	sld [smem:$0x3FFE];
	_ =	sdelay $0x1  }
0x8a: {  	s1 =	srdreg.scid  }
0x8b: {  	s0 =	sand.u32 $0x1, s1  }
0x8c: {  	s15 =	sshll.u32 s0, $0xA;
	s2 =	sadd.s32 s3, s2  }
0x8d: {  	s2 =	sadd.s32 s2, s15  }
0x8e: {  	[smem:$0x3FC7] =	sst s2  }
0x8f: {  	_ = 	snop  }
0x90: {  	s2 =	sld [smem:$0x3FD0];
	_ =	sdelay $0x2  }
0x91: {  	s4 =	simm.s32 $0xA;
	s5 =	simm.s32 $0x10;
	s16 =	sld [smem:$0x3FC9]  }
0x92: {  	[smem:s5], [sflag:s4] =	dma.local [hbm:s2], $0x1  }
0x93: {  	_ =	swait.eq [sflag:s4], $0x1  }
0x94: {  	[sflag:s4] =	ssyncset.done $0x0  }
0x95: {  	s17 =	sld [smem:$0x10];
	[sflag:s4] =	ssyncadd.s32 $0xFFFFFFFF  }
0x96: {  	s18 =	sld [smem:$0x11];
	(tm) =	ssettm $0x1  }
0x97: {  	s19 =	sld [smem:$0x3FFB];
	_ =	sdelay $0x3  }
0x98: {  	_ =	strace s19  }
0x99: {  	s5 =	sld [smem:$0x3FFC];
	_ =	sdelay $0x3  }
0x9a: {  	_ =	strace s5  }
0x9b: {  	s5 =	sld [smem:$0x3FFD];
	_ =	sdelay $0x3  }
0x9c: {  	_ =	strace s5  }
0x9d: {  	_ =	strace $0x8FFFFFFF  }
0x9e: {  	s20 =	sld [smem:$0x3FDB];
	_ =	sdelay $0x1  }
0x9f: {  	s6 =	simm.s32 $_scs_section_size  }
0xa0: {  	s7 =	simm.s32 $_size__tile_overlayer_lowered;
	s8 =	simm.s32 $_tile_overlayer_lowered  }
0xa1: {  	s23 =	simm.s32 $0x1BFF;
	s22 =	sshll.u32 s8, $0x1;
	s5 =	sadd.s32 s6, s20  }
0xa2: {  	s9 =	simm.s32 $0x0;
	s21 =	sshll.u32 s7, $0x1;
	s7 =	sadd.s32 s22, s5  }
0xa3: {  	[timem:s9], [sflag:s23] =	dma.local [hbm:s7], s21  }
0xa4: {  	_ =	swait.ge [sflag:s23], s21  }
0xa5: {  	s6 =	ssub.s32 $0x0, s21;
	[sflag:s23] =	ssyncset.done $0x0  }
0xa6: {  	[sflag:s23] =	ssyncadd.s32 s6;
	_ =	sdelay $0x1  }
0xa7: {  	s24 =	simm.s32 $0x1B8B  }
0xa8: {  	_ =	swait.ge [sflag:s24], $0x1  }
0xa9: {  	[sflag:s24] =	ssyncset.done $0x0  }
0xaa: {  	s25 =	simm.s32 $0x1B8E;
	[sflag:s24] =	ssyncadd.s32 $0xFFFFFFFF  }
0xab: {  	s26 =	simm.s32 $execute0_lowered;
	[smem:$0x3FD2] =	sst s25  }
0xac: {  	s6 =	sshll.u32 s26, $0x1;
	_ =	strace $0x80000046;
	[dreg:$0x1] =	wrdreg $0xFFFFFFFF  }
0xad: {  	s28 =	simm.s32 $_size_execute0_lowered;
	s5 =	sadd.s32 s5, s6;
	[dreg:$0x0] =	wrdreg $0x0  }
0xae: {  	s6 =	sshll.u32 s28, $0x1;
	[dreg:$0x2] =	wrdreg s5  }
0xaf: {  	[dreg:$0x3] =	wrdreg s6  }
0xb0: {  	[dreg:$0x4] =	wrdreg $0xC0  }
0xb1: {  	_ =	task [dreg:s9], $0x5FFFF  }
0xb2: {  	[dreg:$0x1] =	wrdreg $0xFFFFFFFF  }
0xb3: {  	[dreg:$0x0] =	wrdreg $0x60  }
0xb4: {  	[dreg:$0x2] =	wrdreg s16  }
0xb5: {  	[dreg:$0x3] =	wrdreg s17  }
0xb6: {  	[dreg:$0x4] =	wrdreg s18  }
0xb7: {  	[dreg:$0x5] =	wrdreg $0x9  }
0xb8: {  	_ =	task.clear_ibuf [dreg:s9], $0x6FFFF;
	_ =	strace $0x90000046  }
0xb9: {  	s29 =	simm.s32 $0x9;
	_ =	strace $0x80000048  }
0xba: {  	_ =	swait.ge [sflag:s29], $0x1  }
0xbb: {  	[sflag:s29] =	ssyncadd.s32 $0xFFFFFFFF  }
0xbc: {  	_ =	strace $0x90000048  }
0xbd: {  	_ =	sfence  }
0xbe: {  	s30 =	sld [smem:$0x0];
	_ =	sdelay $0x2  }
0xbf: {  	s31 =	sshll.u32 s1, $0xD;
	s1 =	sshrl.u32 s1, $0x2  }
0xc0: {  	s3 =	sand.u32 $0x4000, s31;
	s1 =	sadd.s32 s1, s30  }
0xc1: {  	s0 =	sor.u32 s3, s0;
	s1 =	sshll.u32 s1, $0x11  }
0xc2: {  	s0 =	sor.u32 s1, s0  }
0xc3: {  	s0 =	sadd.s32 $0x8F2B, s0  }
0xc4: {  	[sflag:s0] =	ssyncadd.remote.s32 $0x1  }
0xc5: {  	_ =	sfence.sel $0xFFFF  }
0xc6: {  	[dreg:$0x0] =	wrdreg $0xFFFFFFFF;
	(pc) =	sbr.abs _section_cstart, $3  }
0xc7: {  	[dreg:$0x1] =	wrdreg $0xFFFFFFFF  }
0xc8: {  	_ =	task.clear_ibuf [dreg:s9], $0x2FFFF;
	_ =	strace $0x9FFFFFFF  }
0xc9: {  	(tm) =	ssettm $0x7FFFFFFF  }
tec
execute0_lowered:
.L_overlay_start_1:
0x0: {  	(tag) =	ssettag $0x1  }
0x1: {  	s1 =	rddreg [dreg:$0x0]  }
0x2: {  	s2 =	rddreg [dreg:$0x1];
	s0 =	srdreg.scid  }
0x3: {  	s3 =	rddreg [dreg:$0x2];
	s5 =	simm.s32 $0x0;
	s4 =	stileid.u32  }
0x4: {  	s9 =	simm.s32 $0x18700;
	s10 =	simm.s32 $0x18F00;
	s11 =	simm.s32 $0x19F00  }
.Ltmp0:
0x5: {  	s12 =	simm.s32 $0x19F80;
	s6 =	sand.u32 $0x1, s0;
	(pc) =	sbr.rel .LBB2_1-.Ltmp0, $4  }
0x6: {  	s13 =	simm.s32 $0x0;
	s0 =	rddreg [dreg:$0x3];
	s7 =	ssub.s32 $0x2, s6  }
0x7: {  	[smem:$0x7FF] =	sst s5;
	s31 =	sshll.u32 s4, $0x3;
	s8 =	sshrl.u32 s7, $0x1  }
0x8: {  	v0 =	vimm.s32 $0x0;
	v1 =	vlaneseq.u32;
	s6 =	sshll.u32 s6, $0x2;
	_ =	strace $0x80000047;
	s7 =	ssub.s32 s7, s8  }
0x9: {  	v2 =	vimm.s32 $0xF;
	v3 =	vimm.f32 $-Inf;
	v4 =	vimm.s32 $0x7FFFFFFF;
	s6 =	sor.u32 s6, s31;
	s8 =	simm.s32 $0x1;
	s7 =	smax.u32 s7, $0x1  }
.LBB2_404:
0xa: {  	s13 =	sadd.s32 $0x1, s13  }
0xb: {  	p0 =	sne.s32 s13, s7  }
.Ltmp1:
0xc: {  	_ = 	snop;
	(pc) =	sbr.rel @!p0 .LBB2_405-.Ltmp1, $1  }
0xd: {  	_ =	sdelay $0x3  }
.LBB2_1:
.Ltmp2:
0xe: {  	(pc) =	sbr.rel .LBB2_2-.Ltmp2, $2  }
0xf: {  	_ =	sdelay $0x2  }
0x10: {  	s14 =	simm.s32 $0x0  }
.LBB2_402:
0x11: {  	[tilespmem:$0x19F00] =	vst v3  }
0x12: {  	[tilespmem:$0x19F80] =	vst v4  }
0x13: {  	[tilespmem:$0x19F10] =	vst v3  }
0x14: {  	[tilespmem:$0x19F90] =	vst v4  }
0x15: {  	[tilespmem:$0x19F20] =	vst v3  }
0x16: {  	[tilespmem:$0x19FA0] =	vst v4  }
0x17: {  	[tilespmem:$0x19F30] =	vst v3  }
0x18: {  	[tilespmem:$0x19FB0] =	vst v4  }
0x19: {  	[tilespmem:$0x19F40] =	vst v3  }
0x1a: {  	[tilespmem:$0x19FC0] =	vst v4  }
.LBB2_403:
0x1b: {  	s15 =	smul.u32 $0xA, s15;
	_ =	sdelay $0x1  }
0x1c: {  	s16 =	sadd.s32 s2, s15  }
0x1d: {  	[hbm4b:s16+s5] =	stream.linear.scatter [tilespmem:s11], [sflag:$0x1], $0x50, $0x38;
	[tilespmem:$0x1A000] =	vst v63  }
0x1e: {  	s14 =	sadd.s32 $0x1, s14;
	_ =	swait.ge [sflag:s8], $0x50  }
0x1f: {  	p0 =	sne.s32 s14, $0x4;
	[sflag:s8] =	ssyncset.done $0x0  }
.Ltmp3:
0x20: {  	s15 =	sadd.s32 s3, s15;
	[sflag:s8] =	ssyncadd.s32 $0xFFFFFFB0;
	(pc) =	sbr.rel @!p0 .LBB2_404-.Ltmp3, $4  }
0x21: {  	[hbm4b:s15+s5] =	stream.linear.scatter [tilespmem:s12], [sflag:$0x1], $0x50, $0x38;
	[tilespmem:$0x1A000] =	vst v63  }
0x22: {  	_ =	swait.ge [sflag:s8], $0x50  }
0x23: {  	[sflag:s8] =	ssyncset.done $0x0  }
0x24: {  	[sflag:s8] =	ssyncadd.s32 $0xFFFFFFB0  }
.LBB2_2:
0x25: {  	s15 =	sadd.s32 s6, s14  }
0x26: {  	s16 =	smul.u32 $0x30D4, s15;
	_ =	sdelay $0x1  }
0x27: {  	s17 =	simm.s32 $0x0;
	s16 =	sadd.s32 s1, s16  }
0x28: {  	[tilespmem:s17], [sflag:$0x1] =	stream.linear.gather [hbm4b:s16+s17], $0x186A0, $0x38;
	[tilespmem:$0x1A000] =	vst v63  }
0x29: {  	_ =	swait.ge [sflag:s8], $0x186A0  }
0x2a: {  	[sflag:s8] =	ssyncset.done $0x0  }
0x2b: {  	s31 =	simm.s32 $0x190;
	[sflag:s8] =	ssyncadd.s32 $0xFFFE7960  }
0x2c: {  	v5 =	vld [tilespmem:s31+$0x100]  }
0x2d: {  	v6 =	vld [tilespmem:s31+$0x140]  }
0x2e: {  	s17 =	sand.u32 $0x1FFE0, s17;
	v7 =	vld [tilespmem:s31+$0xFFFFFF60]  }
0x2f: {  	v8 =	vld [tilespmem:s17+$0x280]  }
0x30: {  	v9 =	vld [tilespmem:s31+$0x120]  }
0x31: {  	v10 =	vld [tilespmem:s31+$0xFFFFFF30]  }
0x32: {  	v11 =	vld [tilespmem:s31+$0xFFFFFF20]  }
0x33: {  	v12 =	vld [tilespmem:s31+$0xFFFFFF10]  }
0x34: {  	v13 =	vld [tilespmem:s31+$0xFFFFFF00]  }
0x35: {  	v14 =	vld [tilespmem:s31+$0xA0]  }
0x36: {  	v15 =	vld [tilespmem:s31+$0xFFFFFEE0]  }
0x37: {  	v16 =	vld [tilespmem:s31+$0xFFFFFED0]  }
0x38: {  	v17 =	vld [tilespmem:s31+$0xFFFFFEC0]  }
0x39: {  	v18 =	vld [tilespmem:s31+$0xFFFFFEB0]  }
0x3a: {  	v19 =	vld [tilespmem:s31+$0xFFFFFEA0]  }
0x3b: {  	v20 =	vld [tilespmem:s31+$0xFFFFFE90]  }
0x3c: {  	v21 =	vld [tilespmem:s31+$0xFFFFFE80]  }
0x3d: {  	v22 =	vld [tilespmem:s31+$0xFFFFFE70]  }
0x3e: {  	v23 =	vld [tilespmem:s31+$0x0]  }
0x3f: {  	v24 =	vld [tilespmem:s31+$0x10]  }
0x40: {  	v25 =	vld [tilespmem:s31+$0x20]  }
0x41: {  	v26 =	vld [tilespmem:s31+$0x30]  }
0x42: {  	v27 =	vld [tilespmem:s31+$0x40]  }
0x43: {  	v28 =	vld [tilespmem:s31+$0x50]  }
0x44: {  	v29 =	vld [tilespmem:s31+$0x60]  }
0x45: {  	v30 =	vld [tilespmem:s17+$0x200]  }
0x46: {  	v51 =	vld [tilespmem:s31+$0x80];
	v23 =	vmax.f32 v23, v24  }
0x47: {  	v52 =	vld [tilespmem:s31+$0x90];
	v23 =	vmax.f32 v23, v25  }
0x48: {  	v53 =	vld [tilespmem:s31+$0xFFFFFF40];
	v23 =	vmax.f32 v23, v26  }
0x49: {  	v54 =	vld [tilespmem:s31+$0xB0];
	v23 =	vmax.f32 v23, v27  }
0x4a: {  	v56 =	vld [tilespmem:s31+$0xC0];
	v21 =	vmax.f32 v22, v21;
	v55 =	vmax.f32 v23, v28  }
0x4b: {  	v58 =	vld [tilespmem:s31+$0xD0];
	v20 =	vmax.f32 v21, v20;
	v57 =	vmax.f32 v55, v29  }
0x4c: {  	v60 =	vld [tilespmem:s17+$0x80];
	v19 =	vmax.f32 v20, v19;
	v59 =	vmax.f32 v57, v30  }
0x4d: {  	v61 =	vld [tilespmem:s31+$0xE0];
	v18 =	vmax.f32 v19, v18;
	v19 =	vmax.f32 v59, v51  }
0x4e: {  	v62 =	vld [tilespmem:s17+$0x100];
	v17 =	vmax.f32 v18, v17;
	v18 =	vmax.f32 v19, v52  }
0x4f: {  	v63 =	vld [tilespmem:s17+$0x300];
	v14 =	vmax.f32 v18, v14  }
0x50: {  	v16 =	vmax.f32 v17, v16;
	v17 =	vld [tilespmem:s31+$0x130];
	v14 =	vmax.f32 v14, v54  }
0x51: {  	v15 =	vmax.f32 v16, v15;
	v19 =	vld [tilespmem:s31+$0x110];
	v14 =	vmax.f32 v14, v56  }
0x52: {  	v16 =	vld [tilespmem:s31+$0xFFFFFF50];
	v15 =	vmax.f32 v15, v60;
	v14 =	vmax.f32 v14, v58  }
0x53: {  	v13 =	vmax.f32 v15, v13;
	v15 =	vld [tilespmem:s31+$0x160];
	v14 =	vmax.f32 v14, v61  }
0x54: {  	v18 =	vld [tilespmem:s31+$0x150];
	v12 =	vmax.f32 v13, v12;
	v8 =	vmax.f32 v14, v8  }
0x55: {  	v13 =	vld [tilespmem:s31+$0xFFFFFFC0];
	v11 =	vmax.f32 v12, v11;
	v5 =	vmax.f32 v8, v5  }
0x56: {  	v8 =	vmax.f32 v11, v10;
	v10 =	vld [tilespmem:s31+$0xFFFFFF80];
	v5 =	vmax.f32 v5, v19  }
0x57: {  	v12 =	vld [tilespmem:s31+$0xFFFFFF90];
	v8 =	vmax.f32 v8, v53;
	v5 =	vmax.f32 v5, v9  }
0x58: {  	v8 =	vmax.f32 v8, v16;
	v16 =	vld [tilespmem:s31+$0xFFFFFFA0];
	v5 =	vmax.f32 v5, v17  }
0x59: {  	v9 =	vld [tilespmem:s31+$0xFFFFFFB0];
	v7 =	vmax.f32 v8, v7;
	v5 =	vmax.f32 v5, v6  }
0x5a: {  	v14 =	vld [tilespmem:s31+$0xFFFFFFD0];
	v6 =	vmax.f32 v7, v62;
	v5 =	vmax.f32 v5, v18  }
0x5b: {  	v11 =	vld [tilespmem:s31+$0x180];
	v8 =	vimm.f32 $-Inf;
	v6 =	vmax.f32 v6, v10;
	v7 =	vmax.f32 v5, v15  }
0x5c: {  	v6 =	vmax.f32 v6, v12;
	v5 =	vimm.f32 $-Inf;
	v15 =	vld [tilespmem:s31+$0xFFFFFFE0];
	v12 =	vmax.f32 v7, v63  }
0x5d: {  	s18 =	simm.s32 $0x4B0;
	s16 =	simm.s32 $0x0;
	v10 =	vmax.f32 v6, v16;
	v16 =	vld [tilespmem:s17+$0x180];
	s17 =	simm.s32 $0x320;
	v7 =	vimm.f32 $-Inf;
	v6 =	vimm.f32 $-Inf  }
.LBB2_3:
0x5e: {  	s19 =	sand.u32 $0x1FFE0, s17;
	v17 =	vld [tilespmem:s18+$0x100];
	s16 =	sadd.s32 $0x2, s16;
	v9 =	vmax.f32 v10, v9  }
0x5f: {  	v10 =	vld [tilespmem:s18+$0x140];
	p0 =	slt.u32 s16, $0xF8;
	v13 =	vmax.f32 v9, v13  }
0x60: {  	v11 =	vmax.f32 v12, v11;
	v9 =	vld [tilespmem:s18+$0xFFFFFF60];
	v13 =	vmax.f32 v13, v14  }
0x61: {  	v12 =	vld [tilespmem:s19+$0x280];
	v13 =	vmax.f32 v13, v15  }
0x62: {  	v14 =	vld [tilespmem:s18+$0x120];
	v13 =	vmax.f32 v13, v16  }
0x63: {  	v15 =	vld [tilespmem:s18+$0xFFFFFF30];
	v16 =	vmin.f32 v13, v5;
	v18 =	vmin.f32 v13, v8;
	v19 =	vmin.f32 v13, v7  }
0x64: {  	v13 =	vmax.f32 v7, v13;
	v20 =	vld [tilespmem:s18+$0xFFFFFF20];
	v5 =	vmax.f32 v5, v18;
	v8 =	vmax.f32 v8, v19  }
0x65: {  	v7 =	vmax.f32 v13, v11;
	v18 =	vld [tilespmem:s18+$0xFFFFFF10];
	v19 =	vmin.f32 v11, v5;
	v21 =	vmin.f32 v11, v8  }
0x66: {  	v6 =	vmax.f32 v6, v16;
	v11 =	vmin.f32 v11, v13;
	v22 =	vld [tilespmem:s18+$0xFFFFFF00];
	v5 =	vmax.f32 v5, v21  }
0x67: {  	v6 =	vmax.f32 v6, v19;
	v8 =	vmax.f32 v8, v11;
	v13 =	vld [tilespmem:s18+$0xA0]  }
0x68: {  	v11 =	vld [tilespmem:s18+$0xFFFFFEE0]  }
0x69: {  	v16 =	vld [tilespmem:s18+$0xFFFFFED0]  }
0x6a: {  	v19 =	vld [tilespmem:s18+$0xFFFFFEC0]  }
0x6b: {  	v21 =	vld [tilespmem:s18+$0xFFFFFEB0]  }
0x6c: {  	v23 =	vld [tilespmem:s18+$0xFFFFFEA0]  }
0x6d: {  	v24 =	vld [tilespmem:s18+$0xFFFFFE90]  }
0x6e: {  	v25 =	vld [tilespmem:s18+$0xFFFFFE80]  }
0x6f: {  	v26 =	vld [tilespmem:s18+$0xFFFFFE70]  }
0x70: {  	v27 =	vld [tilespmem:s18+$0x0]  }
0x71: {  	v28 =	vld [tilespmem:s18+$0x10]  }
0x72: {  	v29 =	vld [tilespmem:s18+$0x20]  }
0x73: {  	v30 =	vld [tilespmem:s18+$0x30]  }
0x74: {  	v31 =	vld [tilespmem:s18+$0x40]  }
0x75: {  	v25 =	vmax.f32 v26, v25;
	v26 =	vld [tilespmem:s18+$0x50]  }
0x76: {  	v24 =	vmax.f32 v25, v24;
	v25 =	vmax.f32 v27, v28;
	v27 =	vld [tilespmem:s18+$0x60]  }
0x77: {  	v23 =	vmax.f32 v24, v23;
	v24 =	vmax.f32 v25, v29;
	v25 =	vld [tilespmem:s19+$0x200]  }
0x78: {  	v21 =	vmax.f32 v23, v21;
	v23 =	vmax.f32 v24, v30;
	v24 =	vld [tilespmem:s18+$0x80]  }
0x79: {  	v19 =	vmax.f32 v21, v19;
	v21 =	vmax.f32 v23, v31;
	v23 =	vld [tilespmem:s18+$0x90]  }
0x7a: {  	v16 =	vmax.f32 v19, v16;
	v19 =	vld [tilespmem:s18+$0xFFFFFF40];
	v21 =	vmax.f32 v21, v26  }
0x7b: {  	v11 =	vmax.f32 v16, v11;
	v16 =	vmax.f32 v21, v27;
	v21 =	vld [tilespmem:s18+$0xB0]  }
0x7c: {  	v16 =	vmax.f32 v16, v25;
	v25 =	vld [tilespmem:s18+$0xC0]  }
0x7d: {  	v16 =	vmax.f32 v16, v24;
	v24 =	vld [tilespmem:s18+$0xD0]  }
0x7e: {  	v16 =	vmax.f32 v16, v23;
	v23 =	vld [tilespmem:s18+$0xE0]  }
0x7f: {  	v26 =	vld [tilespmem:s19+$0x80];
	v13 =	vmax.f32 v16, v13  }
0x80: {  	v13 =	vmax.f32 v13, v21;
	v16 =	vld [tilespmem:s18+$0x110]  }
0x81: {  	v13 =	vmax.f32 v13, v25;
	v21 =	vld [tilespmem:s18+$0x130]  }
0x82: {  	v25 =	vld [tilespmem:s18+$0xFFFFFF50];
	v13 =	vmax.f32 v13, v24  }
0x83: {  	v13 =	vmax.f32 v13, v23;
	v23 =	vld [tilespmem:s18+$0x150]  }
0x84: {  	v11 =	vmax.f32 v11, v26;
	v24 =	vld [tilespmem:s19+$0x100];
	v12 =	vmax.f32 v13, v12  }
0x85: {  	v11 =	vmax.f32 v11, v22;
	v12 =	vmax.f32 v12, v17;
	v13 =	vld [tilespmem:s18+$0x160]  }
0x86: {  	v11 =	vmax.f32 v11, v18;
	v12 =	vmax.f32 v12, v16;
	v16 =	vld [tilespmem:s19+$0x300]  }
0x87: {  	v17 =	vmax.f32 v11, v20;
	v12 =	vmax.f32 v12, v14;
	v11 =	vld [tilespmem:s18+$0x180]  }
0x88: {  	v14 =	vmax.f32 v17, v15;
	v15 =	vld [tilespmem:s18+$0xFFFFFF80];
	v12 =	vmax.f32 v12, v21  }
0x89: {  	v14 =	vmax.f32 v14, v19;
	v17 =	vld [tilespmem:s18+$0xFFFFFF90];
	v10 =	vmax.f32 v12, v10  }
0x8a: {  	v12 =	vmax.f32 v14, v25;
	v18 =	vld [tilespmem:s18+$0xFFFFFFA0];
	v10 =	vmax.f32 v10, v23  }
.Ltmp4:
0x8b: {  	v12 =	vmax.f32 v12, v9;
	v9 =	vld [tilespmem:s18+$0xFFFFFFB0];
	v10 =	vmax.f32 v10, v13;
	(pc) =	sbr.rel @p0 .LBB2_3-.Ltmp4, $4  }
0x8c: {  	v14 =	vmax.f32 v12, v24;
	v13 =	vld [tilespmem:s18+$0xFFFFFFC0];
	v12 =	vmax.f32 v10, v16  }
0x8d: {  	v10 =	vmax.f32 v14, v15;
	v14 =	vld [tilespmem:s18+$0xFFFFFFD0]  }
0x8e: {  	v10 =	vmax.f32 v10, v17;
	v15 =	vld [tilespmem:s18+$0xFFFFFFE0]  }
0x8f: {  	s17 =	sadd.s32 $0x320, s17;
	s18 =	sadd.s32 $0x320, s18;
	v10 =	vmax.f32 v10, v18;
	v16 =	vld [tilespmem:s19+$0x180]  }
0x90: {  	v7 =	vmax.f32 v10, v9  }
0x91: {  	v7 =	vmax.f32 v7, v13  }
0x92: {  	v7 =	vmax.f32 v7, v14  }
0x93: {  	v7 =	vmax.f32 v7, v15  }
0x94: {  	v7 =	vmax.f32 v7, v16  }
0x95: {  	v8 =	vmin.f32 v7, v8  }
0x96: {  	v63 =	vmax.f32 v12, v11;
	v7 =	vmin.f32 v7, v5;
	v5 =	vmax.f32 v5, v8  }
0x97: {  	v6 =	vmax.f32 v6, v7;
	v5 =	vmin.f32 v63, v5  }
0x98: {  	v5 =	vmax.f32 v6, v5  }
0x99: {  	(xrf0) =	vmin.scan.msk.f32 $0xffff, v5;
	_ =	sdelay $0x2  }
.Ltmp5:
0x9a: {  	_ = 	snop;
	(pc) =	sbr.rel .LBB2_5-.Ltmp5, $3  }
0x9b: {  	_ =	sdelay $0x1  }
0x9c: {  	s16 =	simm.s32 $0x0;
	s18 =	simm.s32 $0x50;
	s19 =	simm.s32 $0x0;
	v5, _, _ =	vpop (xrf0)  }
0x9d: {  	s21 =	simm.s32 $0x0;
	s17 =	simm.s32 $0x0;
	s20 =	simm.s32 $0x0;
	v5 =	vbroadcast v5, $0xF  }
.LBB2_7:
0x9e: {  	v6 =	vld [tilespmem:s18+$0xFFFFFFB0]  }
0x9f: {  	v7 =	vld [tilespmem:s18+$0xFFFFFFC0]  }
0xa0: {  	v8 =	vld [tilespmem:s18+$0xFFFFFFD0]  }
0xa1: {  	v9 =	vld [tilespmem:s18+$0xFFFFFFE0]  }
0xa2: {  	v10 =	vld [tilespmem:s18+$0xFFFFFFF0]  }
0xa3: {  	v11 =	vld [tilespmem:s18+$0x0]  }
0xa4: {  	vm0 =	vge.f32 v6, v5;
	vm1 =	vge.f32 v7, v5;
	v6 =	vld [tilespmem:s18+$0x10]  }
0xa5: {  	v58 =	vld [tilespmem:s18+$0x20];
	s17 =	sand.u32 $0x3FFE0, s19;
	vm8 =	vge.f32 v8, v5;
	v7 =	vsel vm0, $0x1, v0;
	v12 =	vsel vm1, $0x1, v0  }
0xa6: {  	v60 =	vld [tilespmem:s17+$0x80];
	vm9 =	vge.f32 v9, v5;
	v59 =	vsel vm8, $0x1, v0;
	v7 =	vadd.s32 v7, v12  }
0xa7: {  	v62 =	vld [tilespmem:s18+$0x40];
	vm10 =	vge.f32 v10, v5;
	v61 =	vsel vm9, $0x1, v0;
	v7 =	vadd.s32 v59, v7  }
0xa8: {  	vm11 =	vge.f32 v11, v5;
	v63 =	vsel vm10, $0x1, v0;
	v7 =	vadd.s32 v61, v7  }
0xa9: {  	v11 =	vsel vm11, $0x1, v0;
	v7 =	vadd.s32 v63, v7;
	vm12 =	vge.f32 v6, v5  }
0xaa: {  	vm13 =	vge.f32 v58, v5;
	v6 =	vadd.s32 v11, v7;
	v7 =	vsel vm12, $0x1, v0  }
0xab: {  	vm14 =	vge.f32 v60, v5;
	v6 =	vadd.s32 v7, v6;
	v7 =	vsel vm13, $0x1, v0  }
0xac: {  	vm15 =	vge.f32 v62, v5;
	v6 =	vadd.s32 v7, v6;
	v7 =	vsel vm14, $0x1, v0  }
0xad: {  	v6 =	vadd.s32 v7, v6;
	v7 =	vsel vm15, $0x1, v0  }
0xae: {  	v6 =	vadd.s32 v7, v6  }
0xaf: {  	(xrf0) =	vadd.scan.msk.s32 $0xffff, v6;
	_ =	sdelay $0x5  }
0xb0: {  	v6, _, _ =	vpop (xrf0)  }
0xb1: {  	(v2sf) =	vpush v6, $0xF;
	_ =	sdelay $0x8  }
0xb2: {  	s19 =	sadd.s32 $0xA0, s19  }
0xb3: {  	p0 =	sne.s32 s19, $0x186A0  }
.Ltmp6:
0xb4: {  	_ = 	snop;
	(pc) =	sbr.rel @!p0 .LBB2_8-.Ltmp6, $3  }
0xb5: {  	_ =	sdelay $0x1  }
0xb6: {  	s21 =	smul.u32 $0xA0, s20  }
0xb7: {  	s20 =	sadd.s32 $0x1, s20;
	s18 =	sadd.s32 $0xA0, s18;
	s17 =	spop (v2sf)  }
.LBB2_5:
0xb8: {  	p0 =	slt.s32 s17, $0x1  }
.Ltmp7:
0xb9: {  	_ = 	snop;
	(pc) =	sbr.rel @p0 .LBB2_7-.Ltmp7, $1  }
0xba: {  	_ =	sdelay $0x3  }
0xbb: {  	v6 =	vld [tilespmem:s21+$0x0];
	_ =	sdelay $0x4  }
0xbc: {  	vm0 =	vge.f32 v6, v5  }
0xbd: {  	v7 =	vsel vm0, $0x1, v0  }
0xbe: {  	(xrf0) =	vadd.scan.msk.s32 $0xffff, v7;
	_ =	sdelay $0x3  }
0xbf: {  	p0 =	slt.s32 s16, $0x7F0;
	s22 =	smov.u32 s16  }
0xc0: {  	s22 =	simm.s32 @!p0 $0x7F0;
	v7 =	vsel vm0, $0xFFFFFFFF, v0  }
0xc1: {  	v7 =	vadd.s32 s22, v7;
	v8, _, _ =	vpop (xrf0)  }
0xc2: {  	v7 =	vadd.s32 v8, v7  }
0xc3: {  	vm1 =	vlt.s32 v7, $0x7FF  }
0xc4: {  	v7 =	vnsel vm1, $0x7FF, v7;
	_ =	sdelay $0x4  }
0xc5: {  	[tilespmem:v7+s9+$0x0] =	vst.idx.msk vm0, v6;
	v6 =	vor.u32 s21, v1  }
0xc6: {  	s23 =	sor.u32 $0x10, s21;
	[tilespmem:v7+s10+$0x0] =	vst.idx.msk vm0, v6  }
0xc7: {  	v6 =	vld [tilespmem:s23+$0x0];
	_ =	sdelay $0x4  }
0xc8: {  	vm10 =	vge.f32 v6, v5  }
0xc9: {  	v7 =	vsel vm10, $0x1, v0  }
0xca: {  	(xrf0) =	vadd.scan.msk.s32 $0xffff, v7;
	_ =	sdelay $0x2  }
0xcb: {  	v7 =	vperm.xlane v8, v2;
	_ =	sdelay $0x1  }
0xcc: {  	v31 =	vsel vm10, $0xFFFFFFFF, v0;
	v7 =	vadd.s32 s22, v7  }
0xcd: {  	v8 =	vadd.s32 v31, v7;
	v9, _, _ =	vpop (xrf0)  }
0xce: {  	v8 =	vadd.s32 v9, v8  }
0xcf: {  	vm11 =	vlt.s32 v8, $0x7FF  }
0xd0: {  	v8 =	vnsel vm11, $0x7FF, v8;
	_ =	sdelay $0x4  }
0xd1: {  	[tilespmem:v8+s9+$0x0] =	vst.idx.msk vm10, v6;
	v6 =	vor.u32 s23, v1  }
0xd2: {  	[tilespmem:v8+s10+$0x0] =	vst.idx.msk vm10, v6  }
0xd3: {  	v6 =	vld [tilespmem:s21+$0x20];
	_ =	sdelay $0x4  }
0xd4: {  	vm12 =	vge.f32 v6, v5  }
0xd5: {  	v32 =	vsel vm12, $0x1, v0  }
0xd6: {  	(xrf0) =	vadd.scan.msk.s32 $0xffff, v32;
	_ =	sdelay $0x2  }
0xd7: {  	v33 =	vperm.xlane v9, v2;
	_ =	sdelay $0x1  }
0xd8: {  	v7 =	vadd.s32 v7, v33;
	v34 =	vsel vm12, $0xFFFFFFFF, v0  }
0xd9: {  	v8 =	vadd.s32 v34, v7;
	v35, _, _ =	vpop (xrf0)  }
0xda: {  	v8 =	vadd.s32 v35, v8  }
0xdb: {  	vm13 =	vlt.s32 v8, $0x7FF  }
0xdc: {  	v8 =	vnsel vm13, $0x7FF, v8;
	_ =	sdelay $0x3  }
0xdd: {  	s31 =	sadd.s32 $0x20, s21  }
0xde: {  	[tilespmem:v8+s9+$0x0] =	vst.idx.msk vm12, v6;
	v6 =	vor.u32 s31, v1  }
0xdf: {  	[tilespmem:v8+s10+$0x0] =	vst.idx.msk vm12, v6  }
0xe0: {  	v6 =	vld [tilespmem:s21+$0x30];
	_ =	sdelay $0x4  }
0xe1: {  	vm14 =	vge.f32 v6, v5  }
0xe2: {  	v36 =	vsel vm14, $0x1, v0  }
0xe3: {  	(xrf0) =	vadd.scan.msk.s32 $0xffff, v36;
	_ =	sdelay $0x2  }
0xe4: {  	v37 =	vperm.xlane v35, v2;
	_ =	sdelay $0x1  }
0xe5: {  	v7 =	vadd.s32 v7, v37;
	v38 =	vsel vm14, $0xFFFFFFFF, v0  }
0xe6: {  	v8 =	vadd.s32 v38, v7;
	v39, _, _ =	vpop (xrf0)  }
0xe7: {  	v8 =	vadd.s32 v39, v8  }
0xe8: {  	vm15 =	vlt.s32 v8, $0x7FF  }
0xe9: {  	v8 =	vnsel vm15, $0x7FF, v8;
	_ =	sdelay $0x3  }
0xea: {  	s23 =	sadd.s32 $0x30, s21  }
0xeb: {  	[tilespmem:v8+s9+$0x0] =	vst.idx.msk vm14, v6;
	v6 =	vor.u32 s23, v1  }
0xec: {  	[tilespmem:v8+s10+$0x0] =	vst.idx.msk vm14, v6  }
0xed: {  	v6 =	vld [tilespmem:s21+$0x40];
	_ =	sdelay $0x4  }
0xee: {  	vm4 =	vge.f32 v6, v5  }
0xef: {  	v40 =	vsel vm4, $0x1, v0  }
0xf0: {  	(xrf0) =	vadd.scan.msk.s32 $0xffff, v40;
	_ =	sdelay $0x2  }
0xf1: {  	v41 =	vperm.xlane v39, v2;
	_ =	sdelay $0x1  }
0xf2: {  	v7 =	vadd.s32 v7, v41;
	v42 =	vsel vm4, $0xFFFFFFFF, v0  }
0xf3: {  	v8 =	vadd.s32 v42, v7;
	v43, _, _ =	vpop (xrf0)  }
0xf4: {  	v8 =	vadd.s32 v43, v8  }
0xf5: {  	vm5 =	vlt.s32 v8, $0x7FF  }
0xf6: {  	v8 =	vnsel vm5, $0x7FF, v8;
	_ =	sdelay $0x3  }
0xf7: {  	s24 =	sadd.s32 $0x40, s21  }
0xf8: {  	[tilespmem:v8+s9+$0x0] =	vst.idx.msk vm4, v6;
	v6 =	vor.u32 s24, v1  }
0xf9: {  	[tilespmem:v8+s10+$0x0] =	vst.idx.msk vm4, v6  }
0xfa: {  	v6 =	vld [tilespmem:s21+$0x50];
	_ =	sdelay $0x4  }
0xfb: {  	vm6 =	vge.f32 v6, v5  }
0xfc: {  	v44 =	vsel vm6, $0x1, v0  }
0xfd: {  	(xrf0) =	vadd.scan.msk.s32 $0xffff, v44;
	_ =	sdelay $0x2  }
0xfe: {  	v45 =	vperm.xlane v43, v2;
	_ =	sdelay $0x1  }
0xff: {  	v7 =	vadd.s32 v7, v45;
	v46 =	vsel vm6, $0xFFFFFFFF, v0  }
0x100: {  	v8 =	vadd.s32 v46, v7;
	v47, _, _ =	vpop (xrf0)  }
0x101: {  	v8 =	vadd.s32 v47, v8  }
0x102: {  	vm7 =	vlt.s32 v8, $0x7FF  }
0x103: {  	v8 =	vnsel vm7, $0x7FF, v8;
	_ =	sdelay $0x3  }
0x104: {  	s25 =	sadd.s32 $0x50, s21  }
0x105: {  	[tilespmem:v8+s9+$0x0] =	vst.idx.msk vm6, v6;
	v6 =	vor.u32 s25, v1  }
0x106: {  	[tilespmem:v8+s10+$0x0] =	vst.idx.msk vm6, v6  }
0x107: {  	v6 =	vld [tilespmem:s21+$0x60];
	_ =	sdelay $0x4  }
0x108: {  	vm8 =	vge.f32 v6, v5  }
0x109: {  	v48 =	vsel vm8, $0x1, v0  }
0x10a: {  	(xrf0) =	vadd.scan.msk.s32 $0xffff, v48;
	_ =	sdelay $0x2  }
0x10b: {  	v49 =	vperm.xlane v47, v2;
	_ =	sdelay $0x1  }
0x10c: {  	v7 =	vadd.s32 v7, v49;
	v50 =	vsel vm8, $0xFFFFFFFF, v0  }
0x10d: {  	v8 =	vadd.s32 v50, v7;
	v51, _, _ =	vpop (xrf0)  }
0x10e: {  	v8 =	vadd.s32 v51, v8  }
0x10f: {  	vm9 =	vlt.s32 v8, $0x7FF  }
0x110: {  	v8 =	vnsel vm9, $0x7FF, v8;
	_ =	sdelay $0x3  }
0x111: {  	s26 =	sadd.s32 $0x60, s21  }
0x112: {  	[tilespmem:v8+s9+$0x0] =	vst.idx.msk vm8, v6;
	v6 =	vor.u32 s26, v1  }
0x113: {  	[tilespmem:v8+s10+$0x0] =	vst.idx.msk vm8, v6  }
0x114: {  	v6 =	vld [tilespmem:s21+$0x70];
	_ =	sdelay $0x4  }
0x115: {  	vm10 =	vge.f32 v6, v5  }
0x116: {  	v52 =	vsel vm10, $0x1, v0  }
0x117: {  	(xrf0) =	vadd.scan.msk.s32 $0xffff, v52;
	_ =	sdelay $0x2  }
0x118: {  	v53 =	vperm.xlane v51, v2;
	_ =	sdelay $0x1  }
0x119: {  	v7 =	vadd.s32 v7, v53;
	v54 =	vsel vm10, $0xFFFFFFFF, v0  }
0x11a: {  	v8 =	vadd.s32 v54, v7;
	v55, _, _ =	vpop (xrf0)  }
0x11b: {  	v8 =	vadd.s32 v55, v8  }
0x11c: {  	vm11 =	vlt.s32 v8, $0x7FF  }
0x11d: {  	v8 =	vnsel vm11, $0x7FF, v8;
	_ =	sdelay $0x3  }
0x11e: {  	s28 =	sadd.s32 $0x70, s21;
	s29 =	sadd.s32 $0x80, s21  }
0x11f: {  	s30 =	sand.u32 $0x7FFFFF80, s29;
	s24 =	sand.u32 $0x60, s21;
	[tilespmem:v8+s9+$0x0] =	vst.idx.msk vm10, v6;
	v6 =	vor.u32 s28, v1  }
0x120: {  	s22 =	sor.u32 s24, s30;
	[tilespmem:v8+s10+$0x0] =	vst.idx.msk vm10, v6  }
0x121: {  	v6 =	vld [tilespmem:s22+$0x0];
	_ =	sdelay $0x4  }
0x122: {  	vm12 =	vge.f32 v6, v5  }
0x123: {  	v56 =	vsel vm12, $0x1, v0  }
0x124: {  	(xrf0) =	vadd.scan.msk.s32 $0xffff, v56;
	_ =	sdelay $0x2  }
0x125: {  	v57 =	vperm.xlane v55, v2;
	_ =	sdelay $0x1  }
0x126: {  	v7 =	vadd.s32 v7, v57;
	v58 =	vsel vm12, $0xFFFFFFFF, v0  }
0x127: {  	v8 =	vadd.s32 v58, v7;
	v59, _, _ =	vpop (xrf0)  }
0x128: {  	v8 =	vadd.s32 v59, v8  }
0x129: {  	vm13 =	vlt.s32 v8, $0x7FF  }
0x12a: {  	v8 =	vnsel vm13, $0x7FF, v8;
	_ =	sdelay $0x4  }
0x12b: {  	[tilespmem:v8+s9+$0x0] =	vst.idx.msk vm12, v6;
	v6 =	vor.u32 s29, v1  }
0x12c: {  	[tilespmem:v8+s10+$0x0] =	vst.idx.msk vm12, v6  }
0x12d: {  	v6 =	vld [tilespmem:s21+$0x90];
	_ =	sdelay $0x4  }
0x12e: {  	vm14 =	vge.f32 v6, v5  }
0x12f: {  	v60 =	vsel vm14, $0x1, v0  }
0x130: {  	(xrf0) =	vadd.scan.msk.s32 $0xffff, v60;
	_ =	sdelay $0x2  }
0x131: {  	v61 =	vperm.xlane v59, v2;
	_ =	sdelay $0x1  }
0x132: {  	v7 =	vadd.s32 v7, v61;
	v62 =	vsel vm14, $0xFFFFFFFF, v0  }
0x133: {  	v7 =	vadd.s32 v62, v7;
	v63, _, _ =	vpop (xrf0)  }
0x134: {  	v7 =	vadd.s32 v63, v7  }
0x135: {  	vm15 =	vlt.s32 v7, $0x7FF  }
0x136: {  	v7 =	vnsel vm15, $0x7FF, v7;
	_ =	sdelay $0x1  }
.Ltmp8:
0x137: {  	_ = 	snop;
	(pc) =	sbr.rel .LBB2_7-.Ltmp8, $4  }
0x138: {  	_ = 	snop  }
0x139: {  	s31 =	sadd.s32 $0x90, s21  }
0x13a: {  	[tilespmem:v7+s9+$0x0] =	vst.idx.msk vm14, v6;
	v6 =	vor.u32 s31, v1  }
0x13b: {  	s16 =	sadd.s32 s16, s17;
	[tilespmem:v7+s10+$0x0] =	vst.idx.msk vm14, v6  }
.LBB2_8:
0x13c: {  	p0 =	slt.s32 s17, $0x1  }
.Ltmp9:
0x13d: {  	_ = 	snop;
	(pc) =	sbr.rel @p0 .LBB2_10-.Ltmp9, $1  }
0x13e: {  	_ =	sdelay $0x3  }
0x13f: {  	v6 =	vld [tilespmem:$0x18600];
	_ =	sdelay $0x4  }
0x140: {  	vm0 =	vge.f32 v6, v5  }
0x141: {  	v7 =	vsel vm0, $0x1, v0  }
0x142: {  	(xrf0) =	vadd.scan.msk.s32 $0xffff, v7;
	_ =	sdelay $0x3  }
0x143: {  	p0 =	slt.s32 s16, $0x7F0;
	s18 =	smov.u32 s16  }
0x144: {  	s18 =	simm.s32 @!p0 $0x7F0;
	v7 =	vsel vm0, $0xFFFFFFFF, v0  }
0x145: {  	v7 =	vadd.s32 s18, v7;
	v8, _, _ =	vpop (xrf0)  }
0x146: {  	v7 =	vadd.s32 v8, v7  }
0x147: {  	vm1 =	vlt.s32 v7, $0x7FF  }
0x148: {  	v7 =	vnsel vm1, $0x7FF, v7;
	_ =	sdelay $0x4  }
0x149: {  	[tilespmem:v7+s9+$0x0] =	vst.idx.msk vm0, v6;
	v6 =	vor.u32 $0x18600, v1  }
0x14a: {  	[tilespmem:v7+s10+$0x0] =	vst.idx.msk vm0, v6  }
0x14b: {  	v6 =	vld [tilespmem:$0x18610];
	_ =	sdelay $0x4  }
0x14c: {  	vm10 =	vge.f32 v6, v5  }
0x14d: {  	v7 =	vsel vm10, $0x1, v0  }
0x14e: {  	(xrf0) =	vadd.scan.msk.s32 $0xffff, v7;
	_ =	sdelay $0x2  }
0x14f: {  	v7 =	vperm.xlane v8, v2;
	_ =	sdelay $0x1  }
0x150: {  	v34 =	vsel vm10, $0xFFFFFFFF, v0;
	v7 =	vadd.s32 s18, v7  }
0x151: {  	v8 =	vadd.s32 v34, v7;
	v9, _, _ =	vpop (xrf0)  }
0x152: {  	v8 =	vadd.s32 v9, v8  }
0x153: {  	vm11 =	vlt.s32 v8, $0x7FF  }
0x154: {  	v8 =	vnsel vm11, $0x7FF, v8;
	_ =	sdelay $0x4  }
0x155: {  	[tilespmem:v8+s9+$0x0] =	vst.idx.msk vm10, v6;
	v6 =	vor.u32 $0x18610, v1  }
0x156: {  	[tilespmem:v8+s10+$0x0] =	vst.idx.msk vm10, v6  }
0x157: {  	v6 =	vld [tilespmem:$0x18620];
	_ =	sdelay $0x4  }
0x158: {  	vm12 =	vge.f32 v6, v5  }
0x159: {  	v35 =	vsel vm12, $0x1, v0  }
0x15a: {  	(xrf0) =	vadd.scan.msk.s32 $0xffff, v35;
	_ =	sdelay $0x2  }
0x15b: {  	v36 =	vperm.xlane v9, v2;
	_ =	sdelay $0x1  }
0x15c: {  	v7 =	vadd.s32 v7, v36;
	v37 =	vsel vm12, $0xFFFFFFFF, v0  }
0x15d: {  	v8 =	vadd.s32 v37, v7;
	v38, _, _ =	vpop (xrf0)  }
0x15e: {  	v8 =	vadd.s32 v38, v8  }
0x15f: {  	vm13 =	vlt.s32 v8, $0x7FF  }
0x160: {  	v8 =	vnsel vm13, $0x7FF, v8;
	_ =	sdelay $0x4  }
0x161: {  	[tilespmem:v8+s9+$0x0] =	vst.idx.msk vm12, v6;
	v6 =	vor.u32 $0x18620, v1  }
0x162: {  	[tilespmem:v8+s10+$0x0] =	vst.idx.msk vm12, v6  }
0x163: {  	v6 =	vld [tilespmem:$0x18630];
	_ =	sdelay $0x4  }
0x164: {  	vm14 =	vge.f32 v6, v5  }
0x165: {  	v39 =	vsel vm14, $0x1, v0  }
0x166: {  	(xrf0) =	vadd.scan.msk.s32 $0xffff, v39;
	_ =	sdelay $0x2  }
0x167: {  	v40 =	vperm.xlane v38, v2;
	_ =	sdelay $0x1  }
0x168: {  	v7 =	vadd.s32 v7, v40;
	v41 =	vsel vm14, $0xFFFFFFFF, v0  }
0x169: {  	v8 =	vadd.s32 v41, v7;
	v42, _, _ =	vpop (xrf0)  }
0x16a: {  	v8 =	vadd.s32 v42, v8  }
0x16b: {  	vm15 =	vlt.s32 v8, $0x7FF  }
0x16c: {  	v8 =	vnsel vm15, $0x7FF, v8;
	_ =	sdelay $0x4  }
0x16d: {  	[tilespmem:v8+s9+$0x0] =	vst.idx.msk vm14, v6;
	v6 =	vor.u32 $0x18630, v1  }
0x16e: {  	[tilespmem:v8+s10+$0x0] =	vst.idx.msk vm14, v6  }
0x16f: {  	v6 =	vld [tilespmem:$0x18640];
	_ =	sdelay $0x4  }
0x170: {  	vm4 =	vge.f32 v6, v5  }
0x171: {  	v43 =	vsel vm4, $0x1, v0  }
0x172: {  	(xrf0) =	vadd.scan.msk.s32 $0xffff, v43;
	_ =	sdelay $0x2  }
0x173: {  	v44 =	vperm.xlane v42, v2;
	_ =	sdelay $0x1  }
0x174: {  	v7 =	vadd.s32 v7, v44;
	v45 =	vsel vm4, $0xFFFFFFFF, v0  }
0x175: {  	v8 =	vadd.s32 v45, v7;
	v46, _, _ =	vpop (xrf0)  }
0x176: {  	v8 =	vadd.s32 v46, v8  }
0x177: {  	vm5 =	vlt.s32 v8, $0x7FF  }
0x178: {  	v8 =	vnsel vm5, $0x7FF, v8;
	_ =	sdelay $0x4  }
0x179: {  	[tilespmem:v8+s9+$0x0] =	vst.idx.msk vm4, v6;
	v6 =	vor.u32 $0x18640, v1  }
0x17a: {  	[tilespmem:v8+s10+$0x0] =	vst.idx.msk vm4, v6  }
0x17b: {  	v6 =	vld [tilespmem:$0x18650];
	_ =	sdelay $0x4  }
0x17c: {  	vm6 =	vge.f32 v6, v5  }
0x17d: {  	v47 =	vsel vm6, $0x1, v0  }
0x17e: {  	(xrf0) =	vadd.scan.msk.s32 $0xffff, v47;
	_ =	sdelay $0x2  }
0x17f: {  	v48 =	vperm.xlane v46, v2;
	_ =	sdelay $0x1  }
0x180: {  	v7 =	vadd.s32 v7, v48;
	v49 =	vsel vm6, $0xFFFFFFFF, v0  }
0x181: {  	v8 =	vadd.s32 v49, v7;
	v50, _, _ =	vpop (xrf0)  }
0x182: {  	v8 =	vadd.s32 v50, v8  }
0x183: {  	vm7 =	vlt.s32 v8, $0x7FF  }
0x184: {  	v8 =	vnsel vm7, $0x7FF, v8;
	_ =	sdelay $0x4  }
0x185: {  	[tilespmem:v8+s9+$0x0] =	vst.idx.msk vm6, v6;
	v6 =	vor.u32 $0x18650, v1  }
0x186: {  	[tilespmem:v8+s10+$0x0] =	vst.idx.msk vm6, v6  }
0x187: {  	v6 =	vld [tilespmem:$0x18660];
	_ =	sdelay $0x4  }
0x188: {  	vm8 =	vge.f32 v6, v5  }
0x189: {  	v51 =	vsel vm8, $0x1, v0  }
0x18a: {  	(xrf0) =	vadd.scan.msk.s32 $0xffff, v51;
	_ =	sdelay $0x2  }
0x18b: {  	v52 =	vperm.xlane v50, v2;
	_ =	sdelay $0x1  }
0x18c: {  	v7 =	vadd.s32 v7, v52;
	v53 =	vsel vm8, $0xFFFFFFFF, v0  }
0x18d: {  	v8 =	vadd.s32 v53, v7;
	v54, _, _ =	vpop (xrf0)  }
0x18e: {  	v8 =	vadd.s32 v54, v8  }
0x18f: {  	vm9 =	vlt.s32 v8, $0x7FF  }
0x190: {  	v8 =	vnsel vm9, $0x7FF, v8;
	_ =	sdelay $0x4  }
0x191: {  	[tilespmem:v8+s9+$0x0] =	vst.idx.msk vm8, v6;
	v6 =	vor.u32 $0x18660, v1  }
0x192: {  	[tilespmem:v8+s10+$0x0] =	vst.idx.msk vm8, v6  }
0x193: {  	v6 =	vld [tilespmem:$0x18670];
	_ =	sdelay $0x4  }
0x194: {  	vm10 =	vge.f32 v6, v5  }
0x195: {  	v55 =	vsel vm10, $0x1, v0  }
0x196: {  	(xrf0) =	vadd.scan.msk.s32 $0xffff, v55;
	_ =	sdelay $0x2  }
0x197: {  	v56 =	vperm.xlane v54, v2;
	_ =	sdelay $0x1  }
0x198: {  	v7 =	vadd.s32 v7, v56;
	v57 =	vsel vm10, $0xFFFFFFFF, v0  }
0x199: {  	v8 =	vadd.s32 v57, v7;
	v58, _, _ =	vpop (xrf0)  }
0x19a: {  	v8 =	vadd.s32 v58, v8  }
0x19b: {  	vm11 =	vlt.s32 v8, $0x7FF  }
0x19c: {  	v8 =	vnsel vm11, $0x7FF, v8;
	_ =	sdelay $0x4  }
0x19d: {  	[tilespmem:v8+s9+$0x0] =	vst.idx.msk vm10, v6;
	v6 =	vor.u32 $0x18670, v1  }
0x19e: {  	[tilespmem:v8+s10+$0x0] =	vst.idx.msk vm10, v6  }
0x19f: {  	v6 =	vld [tilespmem:$0x18680];
	_ =	sdelay $0x4  }
0x1a0: {  	vm12 =	vge.f32 v6, v5  }
0x1a1: {  	v59 =	vsel vm12, $0x1, v0  }
0x1a2: {  	(xrf0) =	vadd.scan.msk.s32 $0xffff, v59;
	_ =	sdelay $0x2  }
0x1a3: {  	v60 =	vperm.xlane v58, v2;
	_ =	sdelay $0x1  }
0x1a4: {  	v7 =	vadd.s32 v7, v60;
	v61 =	vsel vm12, $0xFFFFFFFF, v0  }
0x1a5: {  	v8 =	vadd.s32 v61, v7;
	v62, _, _ =	vpop (xrf0)  }
0x1a6: {  	v8 =	vadd.s32 v62, v8  }
0x1a7: {  	vm13 =	vlt.s32 v8, $0x7FF  }
0x1a8: {  	v8 =	vnsel vm13, $0x7FF, v8;
	_ =	sdelay $0x4  }
0x1a9: {  	[tilespmem:v8+s9+$0x0] =	vst.idx.msk vm12, v6;
	v6 =	vor.u32 $0x18680, v1  }
0x1aa: {  	[tilespmem:v8+s10+$0x0] =	vst.idx.msk vm12, v6  }
0x1ab: {  	v6 =	vld [tilespmem:$0x18690];
	_ =	sdelay $0x4  }
0x1ac: {  	vm14 =	vge.f32 v6, v5  }
0x1ad: {  	v5 =	vsel vm14, $0x1, v0  }
0x1ae: {  	(xrf0) =	vadd.scan.msk.s32 $0xffff, v5;
	_ =	sdelay $0x2  }
0x1af: {  	v5 =	vperm.xlane v62, v2;
	_ =	sdelay $0x1  }
0x1b0: {  	v5 =	vadd.s32 v7, v5;
	v7 =	vsel vm14, $0xFFFFFFFF, v0  }
0x1b1: {  	v5 =	vadd.s32 v7, v5;
	v63, _, _ =	vpop (xrf0)  }
0x1b2: {  	v5 =	vadd.s32 v63, v5  }
0x1b3: {  	vm15 =	vlt.s32 v5, $0x7FF  }
0x1b4: {  	v5 =	vnsel vm15, $0x7FF, v5;
	_ =	sdelay $0x4  }
0x1b5: {  	[tilespmem:v5+s9+$0x0] =	vst.idx.msk vm14, v6;
	v6 =	vor.u32 $0x18690, v1  }
0x1b6: {  	s16 =	sadd.s32 s16, s17;
	[tilespmem:v5+s10+$0x0] =	vst.idx.msk vm14, v6  }
.LBB2_10:
0x1b7: {  	p0 =	slt.s32 s16, $0x800  }
0x1b8: {  	p1 =	slt.s32 s16, $0xFFFFFFF2;
	s16 =	simm.s32 @!p0 $0x800  }
0x1b9: {  	s17 =	sadd.s32 $0xF, s16  }
0x1ba: {  	s18 =	sand.u32 $0xF, s17  }
0x1bb: {  	s31 =	sshra.s32 s17, $0x1F;
	p6 =	sne.s32 s18, $0x0  }
0x1bc: {  	s18 =	sshrl.u32 s31, $0x1C;
	p0 =	por !p1, !p6  }
0x1bd: {  	s17 =	sadd.s32 s18, s17;
	s18 =	simm.s32 $0x1;
	p0 =	por !p0, !p0  }
0x1be: {  	s17 =	sshra.s32 s17, $0x4;
	s18 =	simm.s32 @!p0 $0x0  }
0x1bf: {  	s19 =	ssub.s32 s17, s18  }
0x1c0: {  	p0 =	slt.s32 s19, $0x1  }
.Ltmp10:
0x1c1: {  	_ = 	snop;
	(pc) =	sbr.rel @p0 .LBB2_402-.Ltmp10, $1  }
0x1c2: {  	_ =	sdelay $0x3  }
0x1c3: {  	p0 =	sne.s32 s19, $0x1  }
.Ltmp11:
0x1c4: {  	_ = 	snop;
	(pc) =	sbr.rel @!p0 .LBB2_12-.Ltmp11, $3  }
0x1c5: {  	_ =	sdelay $0x1  }
0x1c6: {  	s20 =	simm.s32 $0x18700;
	s18 =	simm.s32 $0x19700  }
0x1c7: {  	v5 =	vmov s16;
	s17 =	simm.s32 $0x0;
	s16 =	sadd.s32 $0xFFFFFFFF, s19;
	p1 =	por $0x0, $0x0;
	v6 =	vld [tilespmem:s20+$0x0]  }
0x1c8: {  	_ =	sdelay $0x3  }
0x1c9: {  	v6 =	vadd.f32 $0.0e+00, v6;
	_ =	sdelay $0x1  }
0x1ca: {  	p3 =	sne.s32 s16, $0x1;
	v7 =	vshra.s32 v6, $0x1F  }
.Ltmp12:
0x1cb: {  	v8 =	vor.u32 s17, v1;
	v7 =	vand.u32 $0x7FFFFFFF, v7;
	(pc) =	sbr.rel @!p3 .LBB2_14-.Ltmp12, $4  }
0x1cc: {  	vm0 =	vlt.s32 v8, v5;
	v6 =	vxor.u32 v6, v7  }
0x1cd: {  	v6 =	vnsel vm0, $0x80000000, v6  }
0x1ce: {  	s21 =	simm.s32 $0x18710;
	s22 =	sadd.s32 $0xFFFFFFFF, s16;
	[tilespmem:s18+$0x0] =	vst v6  }
0x1cf: {  	p2 =	por $0x1, $0x1;
	s20 =	simm.s32 $0x0;
	s19 =	simm.s32 $0x19700;
	v6 =	vld [tilespmem:s21+$0x0]  }
.LBB2_15:
0x1d0: {  	p3 =	sne.s32 s22, $0x1;
	_ =	sdelay $0x3  }
0x1d1: {  	v6 =	vadd.f32 $0.0e+00, v6;
	_ =	sdelay $0x1  }
0x1d2: {  	s20 =	sadd.s32 $0x10, s20;
	v7 =	vshra.s32 v6, $0x1F  }
.Ltmp13:
0x1d3: {  	v8 =	vor.u32 s20, v1;
	v7 =	vand.u32 $0x7FFFFFFF, v7;
	(pc) =	sbr.rel @p3 .LBB2_15-.Ltmp13, $4  }
0x1d4: {  	vm0 =	vlt.s32 v8, v5;
	v6 =	vxor.u32 v6, v7  }
0x1d5: {  	s19 =	sadd.s32 $0x10, s19;
	v6 =	vnsel vm0, $0x80000000, v6  }
0x1d6: {  	s21 =	sadd.s32 $0x10, s21;
	[tilespmem:s19+$0x0] =	vst v6  }
0x1d7: {  	s22 =	sadd.s32 $0xFFFFFFFF, s22;
	v6 =	vld [tilespmem:s21+$0x0]  }
.LBB2_16:
0x1d8: {  	_ =	sdelay $0x3  }
0x1d9: {  	v6 =	vadd.f32 $0.0e+00, v6  }
0x1da: {  	s20 =	sadd.s32 @p2 $0x10, s20;
	s21 =	simm.s32 $0x0  }
0x1db: {  	s21 =	smov.u32 @p2 s20;
	v7 =	vshra.s32 v6, $0x1F  }
0x1dc: {  	v8 =	vor.u32 s21, v1;
	v7 =	vand.u32 $0x7FFFFFFF, v7  }
0x1dd: {  	s19 =	sadd.s32 @p2 $0x10, s19;
	s20 =	simm.s32 $0x19700;
	vm0 =	vlt.s32 v8, v5;
	v6 =	vxor.u32 v6, v7  }
0x1de: {  	s20 =	smov.u32 @p2 s19;
	v5 =	vnsel vm0, $0x80000000, v6  }
0x1df: {  	[tilespmem:s20+$0x0] =	vst v5  }
0x1e0: {  	v5 =	vld [tilespmem:s18+$0x0]  }
.Ltmp14:
0x1e1: {  	_ = 	snop;
	(pc) =	sbr.rel @!p0 .LBB2_17-.Ltmp14, $2  }
0x1e2: {  	_ =	sdelay $0x2  }
0x1e3: {  	s18 =	simm.s32 $0x19710;
	vm0 =	vgt.s32 v5, $0xFFFFFFFF  }
0x1e4: {  	v5 =	vld [tilespmem:s18+$0x0];
	p3 =	sne.s32 s16, $0x1  }
.Ltmp15:
0x1e5: {  	_ = 	snop;
	(pc) =	sbr.rel @!p3 .LBB2_19-.Ltmp15, $3  }
0x1e6: {  	_ =	sdelay $0x1  }
0x1e7: {  	v6 =	vsel vm0, $0x1, v0  }
0x1e8: {  	s18 =	sadd.s32 $0xFFFFFFFF, s16;
	s19 =	simm.s32 $0x19720;
	p2 =	por $0x1, $0x1;
	(xrf0) =	vadd.scan.msk.s32 $0xffff, v6;
	vm0 =	vgt.s32 v5, $0xFFFFFFFF  }
0x1e9: {  	_ = 	snop  }
0x1ea: {  	v5 =	vld [tilespmem:s19+$0x0];
	p4 =	sne.s32 s18, $0x1  }
.Ltmp16:
0x1eb: {  	_ = 	snop;
	(pc) =	sbr.rel @!p4 .LBB2_21-.Ltmp16, $3  }
0x1ec: {  	_ =	sdelay $0x1  }
0x1ed: {  	v6 =	vsel vm0, $0x1, v0;
	v7, _, _ =	vpop (xrf0)  }
0x1ee: {  	s18 =	sadd.s32 $0xFFFFFFFF, s18;
	s19 =	simm.s32 $0x19730;
	p3 =	por $0x1, $0x1;
	(xrf0) =	vadd.scan.msk.s32 $0xffff, v6;
	vm0 =	vgt.s32 v5, $0xFFFFFFFF;
	(v2sf) =	vpush v7, $0xF  }
0x1ef: {  	_ =	sdelay $0x4  }
0x1f0: {  	v7, _, _ =	vpop (xrf0)  }
0x1f1: {  	(v2sf) =	vpush v7, $0xF;
	_ =	sdelay $0x3  }
0x1f2: {  	v5 =	vld [tilespmem:s19+$0x0];
	p5 =	sne.s32 s18, $0x1  }
.Ltmp17:
0x1f3: {  	_ = 	snop;
	(pc) =	sbr.rel @!p5 .LBB2_23-.Ltmp17, $3  }
0x1f4: {  	_ =	sdelay $0x1  }
0x1f5: {  	v6 =	vsel vm0, $0x1, v0  }
0x1f6: {  	s18 =	sadd.s32 $0xFFFFFFFF, s18;
	s19 =	simm.s32 $0x19740;
	p4 =	por $0x1, $0x1;
	(xrf0) =	vadd.scan.msk.s32 $0xffff, v6;
	vm0 =	vgt.s32 v5, $0xFFFFFFFF  }
0x1f7: {  	_ =	sdelay $0x4  }
0x1f8: {  	v7, _, _ =	vpop (xrf0)  }
0x1f9: {  	(v2sf) =	vpush v7, $0xF;
	_ =	sdelay $0x2  }
0x1fa: {  	v5 =	vld [tilespmem:s19+$0x0];
	p5 =	sne.s32 s18, $0x1;
	v6 =	vsel vm0, $0x1, v0  }
.Ltmp18:
0x1fb: {  	(xrf0) =	vadd.scan.msk.s32 $0xffff, v6;
	(pc) =	sbr.rel @!p5 .LBB2_25-.Ltmp18, $3  }
0x1fc: {  	_ =	sdelay $0x1  }
0x1fd: {  	s20 =	sadd.s32 $0xFFFFFFFF, s18;
	s21 =	simm.s32 $0x19750  }
0x1fe: {  	s19 =	spop (v2sf);
	p1 =	por $0x1, $0x1;
	s18 =	simm.s32 $0x0;
	vm0 =	vgt.s32 v5, $0xFFFFFFFF  }
.LBB2_26:
0x1ff: {  	v5 =	vld [tilespmem:s21+$0x0];
	p5 =	sne.s32 s20, $0x1;
	s20 =	sadd.s32 $0xFFFFFFFF, s20;
	v7 =	vsel vm0, $0x1, v0;
	s18 =	sadd.s32 s18, s19  }
.Ltmp19:
0x200: {  	(xrf0) =	vadd.scan.msk.s32 $0xffff, v7;
	v6, _, _ =	vpop (xrf0);
	(pc) =	sbr.rel @p5 .LBB2_26-.Ltmp19, $2  }
0x201: {  	(v2sf) =	vpush v6, $0xF;
	_ =	sdelay $0x3  }
0x202: {  	s21 =	sadd.s32 $0x10, s21;
	vm0 =	vgt.s32 v5, $0xFFFFFFFF;
	s19 =	spop (v2sf)  }
0x203: {  	_ = 	snop  }
.LBB2_28:
0x204: {  	v5 =	vsel vm0, $0x1, v0  }
0x205: {  	(xrf0) =	vadd.scan.msk.s32 $0xffff, v5;
	_ =	sdelay $0x2  }
0x206: {  	v5, _, _ =	vpop @p2 (xrf0)  }
0x207: {  	(v2sf) =	vpush @p2 v5, $0xF;
	_ =	sdelay $0x1  }
0x208: {  	v5, _, _ =	vpop (xrf0)  }
0x209: {  	(v2sf) =	vpush v5, $0xF;
	_ =	sdelay $0x7  }
0x20a: {  	s20 =	spop @p4 (v2sf);
	s18 =	sadd.s32 @p1 s18, s19;
	s19 =	simm.s32 $0x0  }
0x20b: {  	s20 =	smov.u32 @p4 s20;
	s19 =	smov.u32 @p1 s18  }
0x20c: {  	s18 =	sadd.s32 @p4 s19, s20;
	s20 =	simm.s32 $0x0;
	s19 =	spop @p3 (v2sf)  }
0x20d: {  	s20 =	smov.u32 @p4 s18;
	s19 =	smov.u32 @p3 s19  }
0x20e: {  	s18 =	sadd.s32 @p3 s20, s19;
	s20 =	simm.s32 $0x0;
	s19 =	spop @p2 (v2sf)  }
0x20f: {  	s20 =	smov.u32 @p3 s18;
	s19 =	smov.u32 @p2 s19  }
0x210: {  	s18 =	sadd.s32 @p2 s20, s19  }
0x211: {  	s19 =	simm.s32 $0x19700;
	s17 =	smov.u32 @p2 s18;
	s30 =	spop (v2sf)  }
0x212: {  	v6 =	vld [tilespmem:s19+$0x0];
	s17 =	sadd.s32 s17, s30  }
.Ltmp20:
0x213: {  	p1 =	sgt.s32 s17, $0x3F;
	s17 =	simm.s32 $0x80000000;
	(pc) =	sbr.rel @!p0 .LBB2_29-.Ltmp20, $4  }
0x214: {  	s17 =	simm.s32 @!p1 $0x0  }
0x215: {  	p4 =	por $0x0, $0x0;
	s31 =	sxor.u32 $0xC0000000, s17  }
0x216: {  	p3 =	por $0x0, $0x0;
	s20 =	simm.s32 $0x19710;
	s18 =	simm.s32 $0x0;
	v5 =	vmov s31  }
0x217: {  	p2 =	por $0x0, $0x0;
	p1 =	por $0x0, $0x0;
	s21 =	sor.u32 $0x40000000, s17;
	vm0 =	vge.s32 v6, v5  }
0x218: {  	v6 =	vld [tilespmem:s20+$0x0];
	p5 =	sne.s32 s16, $0x1  }
.Ltmp21:
0x219: {  	_ = 	snop;
	(pc) =	sbr.rel @!p5 .LBB2_31-.Ltmp21, $3  }
0x21a: {  	_ =	sdelay $0x1  }
0x21b: {  	v7 =	vsel vm0, $0x1, v0  }
0x21c: {  	s22 =	sadd.s32 $0xFFFFFFFF, s16;
	s23 =	simm.s32 $0x19720;
	p2 =	por $0x1, $0x1;
	(xrf0) =	vadd.scan.msk.s32 $0xffff, v7;
	vm0 =	vge.s32 v6, v5  }
0x21d: {  	_ = 	snop  }
0x21e: {  	v6 =	vld [tilespmem:s23+$0x0];
	p5 =	sne.s32 s22, $0x1  }
.Ltmp22:
0x21f: {  	_ = 	snop;
	(pc) =	sbr.rel @!p5 .LBB2_33-.Ltmp22, $3  }
0x220: {  	_ =	sdelay $0x1  }
0x221: {  	v7 =	vsel vm0, $0x1, v0;
	v8, _, _ =	vpop (xrf0)  }
0x222: {  	s22 =	sadd.s32 $0xFFFFFFFF, s22;
	s23 =	simm.s32 $0x19730;
	p3 =	por $0x1, $0x1;
	(xrf0) =	vadd.scan.msk.s32 $0xffff, v7;
	vm0 =	vge.s32 v6, v5;
	(v2sf) =	vpush v8, $0xF  }
0x223: {  	_ =	sdelay $0x4  }
0x224: {  	v8, _, _ =	vpop (xrf0)  }
0x225: {  	(v2sf) =	vpush v8, $0xF;
	_ =	sdelay $0x3  }
0x226: {  	v6 =	vld [tilespmem:s23+$0x0];
	p5 =	sne.s32 s22, $0x1  }
.Ltmp23:
0x227: {  	_ = 	snop;
	(pc) =	sbr.rel @!p5 .LBB2_35-.Ltmp23, $3  }
0x228: {  	_ =	sdelay $0x1  }
0x229: {  	v7 =	vsel vm0, $0x1, v0  }
0x22a: {  	s22 =	sadd.s32 $0xFFFFFFFF, s22;
	s23 =	simm.s32 $0x19740;
	p4 =	por $0x1, $0x1;
	(xrf0) =	vadd.scan.msk.s32 $0xffff, v7;
	vm0 =	vge.s32 v6, v5  }
0x22b: {  	_ =	sdelay $0x4  }
0x22c: {  	v8, _, _ =	vpop (xrf0)  }
0x22d: {  	(v2sf) =	vpush v8, $0xF;
	_ =	sdelay $0x2  }
0x22e: {  	v6 =	vld [tilespmem:s23+$0x0];
	p6 =	sne.s32 s22, $0x1;
	v7 =	vsel vm0, $0x1, v0  }
.Ltmp24:
0x22f: {  	(xrf0) =	vadd.scan.msk.s32 $0xffff, v7;
	(pc) =	sbr.rel @!p6 .LBB2_37-.Ltmp24, $3  }
0x230: {  	_ =	sdelay $0x1  }
0x231: {  	s24 =	sadd.s32 $0xFFFFFFFF, s22;
	s25 =	simm.s32 $0x19750  }
0x232: {  	s23 =	spop (v2sf);
	p5 =	por $0x1, $0x1;
	s22 =	simm.s32 $0x0;
	vm0 =	vge.s32 v6, v5  }
.LBB2_38:
0x233: {  	v6 =	vld [tilespmem:s25+$0x0];
	p6 =	sne.s32 s24, $0x1;
	s24 =	sadd.s32 $0xFFFFFFFF, s24;
	v8 =	vsel vm0, $0x1, v0;
	s22 =	sadd.s32 s22, s23  }
.Ltmp25:
0x234: {  	(xrf0) =	vadd.scan.msk.s32 $0xffff, v8;
	v7, _, _ =	vpop (xrf0);
	(pc) =	sbr.rel @p6 .LBB2_38-.Ltmp25, $2  }
0x235: {  	(v2sf) =	vpush v7, $0xF;
	_ =	sdelay $0x3  }
0x236: {  	s25 =	sadd.s32 $0x10, s25;
	vm0 =	vge.s32 v6, v5;
	s23 =	spop (v2sf)  }
0x237: {  	_ = 	snop  }
.LBB2_40:
0x238: {  	v5 =	vsel vm0, $0x1, v0  }
0x239: {  	(xrf0) =	vadd.scan.msk.s32 $0xffff, v5;
	_ =	sdelay $0x2  }
0x23a: {  	v5, _, _ =	vpop @p2 (xrf0)  }
0x23b: {  	(v2sf) =	vpush @p2 v5, $0xF;
	_ =	sdelay $0x1  }
0x23c: {  	v5, _, _ =	vpop (xrf0)  }
0x23d: {  	(v2sf) =	vpush v5, $0xF;
	_ =	sdelay $0x7  }
0x23e: {  	s24 =	spop @p4 (v2sf);
	s22 =	sadd.s32 @p5 s22, s23;
	s23 =	simm.s32 $0x0  }
0x23f: {  	s24 =	smov.u32 @p4 s24;
	s23 =	smov.u32 @p5 s22  }
0x240: {  	s22 =	sadd.s32 @p4 s23, s24;
	s24 =	simm.s32 $0x0;
	s23 =	spop @p3 (v2sf)  }
0x241: {  	s24 =	smov.u32 @p4 s22;
	s23 =	smov.u32 @p3 s23  }
0x242: {  	s22 =	sadd.s32 @p3 s24, s23;
	s24 =	simm.s32 $0x0;
	s23 =	spop @p2 (v2sf)  }
0x243: {  	s24 =	smov.u32 @p3 s22;
	s23 =	smov.u32 @p2 s23  }
0x244: {  	s22 =	sadd.s32 @p2 s24, s23;
	s23 =	simm.s32 $0x0  }
0x245: {  	s23 =	smov.u32 @p2 s22;
	s30 =	spop (v2sf)  }
0x246: {  	v6 =	vld [tilespmem:s19+$0x0];
	s22 =	sadd.s32 s23, s30  }
.Ltmp26:
0x247: {  	p2 =	sgt.s32 s22, $0x3F;
	(pc) =	sbr.rel @!p0 .LBB2_41-.Ltmp26, $4  }
0x248: {  	s17 =	smov.u32 @p2 s21  }
0x249: {  	s31 =	sxor.u32 $0xA0000000, s17  }
0x24a: {  	v5 =	vmov s31  }
0x24b: {  	s21 =	sor.u32 $0x20000000, s17;
	vm0 =	vge.s32 v6, v5  }
0x24c: {  	v6 =	vld [tilespmem:s20+$0x0];
	p3 =	sne.s32 s16, $0x1  }
.Ltmp27:
0x24d: {  	_ = 	snop;
	(pc) =	sbr.rel @!p3 .LBB2_43-.Ltmp27, $3  }
0x24e: {  	_ =	sdelay $0x1  }
0x24f: {  	v7 =	vsel vm0, $0x1, v0  }
0x250: {  	s19 =	sadd.s32 $0xFFFFFFFF, s16;
	s20 =	simm.s32 $0x19720;
	p2 =	por $0x1, $0x1;
	(xrf0) =	vadd.scan.msk.s32 $0xffff, v7;
	vm0 =	vge.s32 v6, v5  }
0x251: {  	_ = 	snop  }
0x252: {  	v6 =	vld [tilespmem:s20+$0x0];
	p4 =	sne.s32 s19, $0x1  }
.Ltmp28:
0x253: {  	_ = 	snop;
	(pc) =	sbr.rel @!p4 .LBB2_45-.Ltmp28, $3  }
0x254: {  	_ =	sdelay $0x1  }
0x255: {  	v7 =	vsel vm0, $0x1, v0;
	v8, _, _ =	vpop (xrf0)  }
0x256: {  	s19 =	sadd.s32 $0xFFFFFFFF, s19;
	s20 =	simm.s32 $0x19730;
	p3 =	por $0x1, $0x1;
	(xrf0) =	vadd.scan.msk.s32 $0xffff, v7;
	vm0 =	vge.s32 v6, v5;
	(v2sf) =	vpush v8, $0xF  }
0x257: {  	_ =	sdelay $0x4  }
0x258: {  	v8, _, _ =	vpop (xrf0)  }
0x259: {  	(v2sf) =	vpush v8, $0xF;
	_ =	sdelay $0x3  }
0x25a: {  	v6 =	vld [tilespmem:s20+$0x0];
	p5 =	sne.s32 s19, $0x1  }
.Ltmp29:
0x25b: {  	_ = 	snop;
	(pc) =	sbr.rel @!p5 .LBB2_47-.Ltmp29, $3  }
0x25c: {  	_ =	sdelay $0x1  }
0x25d: {  	v7 =	vsel vm0, $0x1, v0  }
0x25e: {  	s19 =	sadd.s32 $0xFFFFFFFF, s19;
	s20 =	simm.s32 $0x19740;
	p4 =	por $0x1, $0x1;
	(xrf0) =	vadd.scan.msk.s32 $0xffff, v7;
	vm0 =	vge.s32 v6, v5  }
0x25f: {  	_ =	sdelay $0x4  }
0x260: {  	v8, _, _ =	vpop (xrf0)  }
0x261: {  	(v2sf) =	vpush v8, $0xF;
	_ =	sdelay $0x2  }
0x262: {  	v6 =	vld [tilespmem:s20+$0x0];
	p5 =	sne.s32 s19, $0x1;
	v7 =	vsel vm0, $0x1, v0  }
.Ltmp30:
0x263: {  	(xrf0) =	vadd.scan.msk.s32 $0xffff, v7;
	(pc) =	sbr.rel @!p5 .LBB2_49-.Ltmp30, $3  }
0x264: {  	_ =	sdelay $0x1  }
0x265: {  	s22 =	sadd.s32 $0xFFFFFFFF, s19;
	s23 =	simm.s32 $0x19750  }
0x266: {  	s20 =	spop (v2sf);
	p1 =	por $0x1, $0x1;
	s19 =	simm.s32 $0x0;
	vm0 =	vge.s32 v6, v5  }
.LBB2_50:
0x267: {  	v6 =	vld [tilespmem:s23+$0x0];
	p5 =	sne.s32 s22, $0x1;
	s22 =	sadd.s32 $0xFFFFFFFF, s22;
	v8 =	vsel vm0, $0x1, v0;
	s19 =	sadd.s32 s19, s20  }
.Ltmp31:
0x268: {  	(xrf0) =	vadd.scan.msk.s32 $0xffff, v8;
	v7, _, _ =	vpop (xrf0);
	(pc) =	sbr.rel @p5 .LBB2_50-.Ltmp31, $2  }
0x269: {  	(v2sf) =	vpush v7, $0xF;
	_ =	sdelay $0x3  }
0x26a: {  	s23 =	sadd.s32 $0x10, s23;
	vm0 =	vge.s32 v6, v5;
	s20 =	spop (v2sf)  }
0x26b: {  	_ = 	snop  }
.LBB2_52:
0x26c: {  	v5 =	vsel vm0, $0x1, v0  }
0x26d: {  	(xrf0) =	vadd.scan.msk.s32 $0xffff, v5;
	_ =	sdelay $0x2  }
0x26e: {  	v5, _, _ =	vpop @p2 (xrf0)  }
0x26f: {  	(v2sf) =	vpush @p2 v5, $0xF;
	_ =	sdelay $0x1  }
0x270: {  	v5, _, _ =	vpop (xrf0)  }
0x271: {  	(v2sf) =	vpush v5, $0xF;
	_ =	sdelay $0x7  }
0x272: {  	s22 =	spop @p4 (v2sf);
	s19 =	sadd.s32 @p1 s19, s20;
	s20 =	simm.s32 $0x0  }
0x273: {  	s22 =	smov.u32 @p4 s22;
	s20 =	smov.u32 @p1 s19  }
0x274: {  	s19 =	sadd.s32 @p4 s20, s22;
	s22 =	simm.s32 $0x0;
	s20 =	spop @p3 (v2sf)  }
0x275: {  	s22 =	smov.u32 @p4 s19;
	s20 =	smov.u32 @p3 s20  }
0x276: {  	s19 =	sadd.s32 @p3 s22, s20;
	s22 =	simm.s32 $0x0;
	s20 =	spop @p2 (v2sf)  }
0x277: {  	s22 =	smov.u32 @p3 s19;
	s20 =	smov.u32 @p2 s20  }
0x278: {  	s19 =	sadd.s32 @p2 s22, s20  }
0x279: {  	s18 =	smov.u32 @p2 s19;
	s19 =	simm.s32 $0x19700;
	s30 =	spop (v2sf)  }
0x27a: {  	v6 =	vld [tilespmem:s19+$0x0];
	s18 =	sadd.s32 s18, s30  }
.Ltmp32:
0x27b: {  	p1 =	sgt.s32 s18, $0x3F;
	(pc) =	sbr.rel @!p0 .LBB2_53-.Ltmp32, $4  }
0x27c: {  	s17 =	smov.u32 @p1 s21  }
0x27d: {  	p4 =	por $0x0, $0x0;
	s31 =	sxor.u32 $0x90000000, s17  }
0x27e: {  	p3 =	por $0x0, $0x0;
	s20 =	simm.s32 $0x19710;
	p2 =	por $0x0, $0x0;
	v5 =	vmov s31  }
0x27f: {  	s18 =	simm.s32 $0x0;
	p1 =	por $0x0, $0x0;
	s21 =	sor.u32 $0x10000000, s17;
	vm0 =	vge.s32 v6, v5  }
0x280: {  	v6 =	vld [tilespmem:s20+$0x0];
	p5 =	sne.s32 s16, $0x1  }
.Ltmp33:
0x281: {  	_ = 	snop;
	(pc) =	sbr.rel @!p5 .LBB2_55-.Ltmp33, $3  }
0x282: {  	_ =	sdelay $0x1  }
0x283: {  	v7 =	vsel vm0, $0x1, v0  }
0x284: {  	s22 =	sadd.s32 $0xFFFFFFFF, s16;
	s23 =	simm.s32 $0x19720;
	p2 =	por $0x1, $0x1;
	(xrf0) =	vadd.scan.msk.s32 $0xffff, v7;
	vm0 =	vge.s32 v6, v5  }
0x285: {  	_ = 	snop  }
0x286: {  	v6 =	vld [tilespmem:s23+$0x0];
	p5 =	sne.s32 s22, $0x1  }
.Ltmp34:
0x287: {  	_ = 	snop;
	(pc) =	sbr.rel @!p5 .LBB2_57-.Ltmp34, $3  }
0x288: {  	_ =	sdelay $0x1  }
0x289: {  	v7 =	vsel vm0, $0x1, v0;
	v8, _, _ =	vpop (xrf0)  }
0x28a: {  	s22 =	sadd.s32 $0xFFFFFFFF, s22;
	s23 =	simm.s32 $0x19730;
	p3 =	por $0x1, $0x1;
	(xrf0) =	vadd.scan.msk.s32 $0xffff, v7;
	vm0 =	vge.s32 v6, v5;
	(v2sf) =	vpush v8, $0xF  }
0x28b: {  	_ =	sdelay $0x4  }
0x28c: {  	v8, _, _ =	vpop (xrf0)  }
0x28d: {  	(v2sf) =	vpush v8, $0xF;
	_ =	sdelay $0x3  }
0x28e: {  	v6 =	vld [tilespmem:s23+$0x0];
	p5 =	sne.s32 s22, $0x1  }
.Ltmp35:
0x28f: {  	_ = 	snop;
	(pc) =	sbr.rel @!p5 .LBB2_59-.Ltmp35, $3  }
0x290: {  	_ =	sdelay $0x1  }
0x291: {  	v7 =	vsel vm0, $0x1, v0  }
0x292: {  	s22 =	sadd.s32 $0xFFFFFFFF, s22;
	s23 =	simm.s32 $0x19740;
	p4 =	por $0x1, $0x1;
	(xrf0) =	vadd.scan.msk.s32 $0xffff, v7;
	vm0 =	vge.s32 v6, v5  }
0x293: {  	_ =	sdelay $0x4  }
0x294: {  	v8, _, _ =	vpop (xrf0)  }
0x295: {  	(v2sf) =	vpush v8, $0xF;
	_ =	sdelay $0x2  }
0x296: {  	v6 =	vld [tilespmem:s23+$0x0];
	p6 =	sne.s32 s22, $0x1;
	v7 =	vsel vm0, $0x1, v0  }
.Ltmp36:
0x297: {  	(xrf0) =	vadd.scan.msk.s32 $0xffff, v7;
	(pc) =	sbr.rel @!p6 .LBB2_61-.Ltmp36, $3  }
0x298: {  	_ =	sdelay $0x1  }
0x299: {  	s24 =	sadd.s32 $0xFFFFFFFF, s22;
	s25 =	simm.s32 $0x19750  }
0x29a: {  	s23 =	spop (v2sf);
	p5 =	por $0x1, $0x1;
	s22 =	simm.s32 $0x0;
	vm0 =	vge.s32 v6, v5  }
.LBB2_62:
0x29b: {  	v6 =	vld [tilespmem:s25+$0x0];
	p6 =	sne.s32 s24, $0x1;
	s24 =	sadd.s32 $0xFFFFFFFF, s24;
	v8 =	vsel vm0, $0x1, v0;
	s22 =	sadd.s32 s22, s23  }
.Ltmp37:
0x29c: {  	(xrf0) =	vadd.scan.msk.s32 $0xffff, v8;
	v7, _, _ =	vpop (xrf0);
	(pc) =	sbr.rel @p6 .LBB2_62-.Ltmp37, $2  }
0x29d: {  	(v2sf) =	vpush v7, $0xF;
	_ =	sdelay $0x3  }
0x29e: {  	s25 =	sadd.s32 $0x10, s25;
	vm0 =	vge.s32 v6, v5;
	s23 =	spop (v2sf)  }
0x29f: {  	_ = 	snop  }
.LBB2_64:
0x2a0: {  	v5 =	vsel vm0, $0x1, v0  }
0x2a1: {  	(xrf0) =	vadd.scan.msk.s32 $0xffff, v5;
	_ =	sdelay $0x2  }
0x2a2: {  	v5, _, _ =	vpop @p2 (xrf0)  }
0x2a3: {  	(v2sf) =	vpush @p2 v5, $0xF;
	_ =	sdelay $0x1  }
0x2a4: {  	v5, _, _ =	vpop (xrf0)  }
0x2a5: {  	(v2sf) =	vpush v5, $0xF;
	_ =	sdelay $0x7  }
0x2a6: {  	s24 =	spop @p4 (v2sf);
	s22 =	sadd.s32 @p5 s22, s23;
	s23 =	simm.s32 $0x0  }
0x2a7: {  	s24 =	smov.u32 @p4 s24;
	s23 =	smov.u32 @p5 s22  }
0x2a8: {  	s22 =	sadd.s32 @p4 s23, s24;
	s24 =	simm.s32 $0x0;
	s23 =	spop @p3 (v2sf)  }
0x2a9: {  	s24 =	smov.u32 @p4 s22;
	s23 =	smov.u32 @p3 s23  }
0x2aa: {  	s22 =	sadd.s32 @p3 s24, s23;
	s24 =	simm.s32 $0x0;
	s23 =	spop @p2 (v2sf)  }
0x2ab: {  	s24 =	smov.u32 @p3 s22;
	s23 =	smov.u32 @p2 s23  }
0x2ac: {  	s22 =	sadd.s32 @p2 s24, s23;
	s23 =	simm.s32 $0x0  }
0x2ad: {  	s23 =	smov.u32 @p2 s22;
	s30 =	spop (v2sf)  }
0x2ae: {  	s22 =	sadd.s32 s23, s30  }
0x2af: {  	v6 =	vld [tilespmem:s19+$0x0];
	p2 =	sgt.s32 s22, $0x3F  }
.Ltmp38:
0x2b0: {  	s17 =	smov.u32 @p2 s21;
	(pc) =	sbr.rel @!p0 .LBB2_65-.Ltmp38, $4  }
0x2b1: {  	s21 =	sor.u32 $0x8000000, s17  }
0x2b2: {  	s31 =	sxor.u32 $0x80000000, s21  }
0x2b3: {  	v5 =	vmov s31  }
0x2b4: {  	vm0 =	vge.s32 v6, v5  }
0x2b5: {  	v6 =	vld [tilespmem:s20+$0x0];
	p3 =	sne.s32 s16, $0x1  }
.Ltmp39:
0x2b6: {  	_ = 	snop;
	(pc) =	sbr.rel @!p3 .LBB2_67-.Ltmp39, $3  }
0x2b7: {  	_ =	sdelay $0x1  }
0x2b8: {  	v7 =	vsel vm0, $0x1, v0  }
0x2b9: {  	s19 =	sadd.s32 $0xFFFFFFFF, s16;
	s20 =	simm.s32 $0x19720;
	p2 =	por $0x1, $0x1;
	(xrf0) =	vadd.scan.msk.s32 $0xffff, v7;
	vm0 =	vge.s32 v6, v5  }
0x2ba: {  	_ = 	snop  }
0x2bb: {  	v6 =	vld [tilespmem:s20+$0x0];
	p4 =	sne.s32 s19, $0x1  }
.Ltmp40:
0x2bc: {  	_ = 	snop;
	(pc) =	sbr.rel @!p4 .LBB2_69-.Ltmp40, $3  }
0x2bd: {  	_ =	sdelay $0x1  }
0x2be: {  	v7 =	vsel vm0, $0x1, v0;
	v8, _, _ =	vpop (xrf0)  }
0x2bf: {  	s19 =	sadd.s32 $0xFFFFFFFF, s19;
	s20 =	simm.s32 $0x19730;
	p3 =	por $0x1, $0x1;
	(xrf0) =	vadd.scan.msk.s32 $0xffff, v7;
	vm0 =	vge.s32 v6, v5;
	(v2sf) =	vpush v8, $0xF  }
0x2c0: {  	_ =	sdelay $0x4  }
0x2c1: {  	v8, _, _ =	vpop (xrf0)  }
0x2c2: {  	(v2sf) =	vpush v8, $0xF;
	_ =	sdelay $0x3  }
0x2c3: {  	v6 =	vld [tilespmem:s20+$0x0];
	p5 =	sne.s32 s19, $0x1  }
.Ltmp41:
0x2c4: {  	_ = 	snop;
	(pc) =	sbr.rel @!p5 .LBB2_71-.Ltmp41, $3  }
0x2c5: {  	_ =	sdelay $0x1  }
0x2c6: {  	v7 =	vsel vm0, $0x1, v0  }
0x2c7: {  	s19 =	sadd.s32 $0xFFFFFFFF, s19;
	s20 =	simm.s32 $0x19740;
	p4 =	por $0x1, $0x1;
	(xrf0) =	vadd.scan.msk.s32 $0xffff, v7;
	vm0 =	vge.s32 v6, v5  }
0x2c8: {  	_ =	sdelay $0x4  }
0x2c9: {  	v8, _, _ =	vpop (xrf0)  }
0x2ca: {  	(v2sf) =	vpush v8, $0xF;
	_ =	sdelay $0x2  }
0x2cb: {  	v6 =	vld [tilespmem:s20+$0x0];
	p5 =	sne.s32 s19, $0x1;
	v7 =	vsel vm0, $0x1, v0  }
.Ltmp42:
0x2cc: {  	(xrf0) =	vadd.scan.msk.s32 $0xffff, v7;
	(pc) =	sbr.rel @!p5 .LBB2_73-.Ltmp42, $3  }
0x2cd: {  	_ =	sdelay $0x1  }
0x2ce: {  	s22 =	sadd.s32 $0xFFFFFFFF, s19;
	s23 =	simm.s32 $0x19750  }
0x2cf: {  	s20 =	spop (v2sf);
	p1 =	por $0x1, $0x1;
	s19 =	simm.s32 $0x0;
	vm0 =	vge.s32 v6, v5  }
.LBB2_74:
0x2d0: {  	v6 =	vld [tilespmem:s23+$0x0];
	p5 =	sne.s32 s22, $0x1;
	s22 =	sadd.s32 $0xFFFFFFFF, s22;
	v8 =	vsel vm0, $0x1, v0;
	s19 =	sadd.s32 s19, s20  }
.Ltmp43:
0x2d1: {  	(xrf0) =	vadd.scan.msk.s32 $0xffff, v8;
	v7, _, _ =	vpop (xrf0);
	(pc) =	sbr.rel @p5 .LBB2_74-.Ltmp43, $2  }
0x2d2: {  	(v2sf) =	vpush v7, $0xF;
	_ =	sdelay $0x3  }
0x2d3: {  	s23 =	sadd.s32 $0x10, s23;
	vm0 =	vge.s32 v6, v5;
	s20 =	spop (v2sf)  }
0x2d4: {  	_ = 	snop  }
.LBB2_76:
0x2d5: {  	v5 =	vsel vm0, $0x1, v0  }
0x2d6: {  	(xrf0) =	vadd.scan.msk.s32 $0xffff, v5;
	_ =	sdelay $0x2  }
0x2d7: {  	v5, _, _ =	vpop @p2 (xrf0)  }
0x2d8: {  	(v2sf) =	vpush @p2 v5, $0xF;
	_ =	sdelay $0x1  }
0x2d9: {  	v5, _, _ =	vpop (xrf0)  }
0x2da: {  	(v2sf) =	vpush v5, $0xF;
	_ =	sdelay $0x7  }
0x2db: {  	s22 =	spop @p4 (v2sf);
	s19 =	sadd.s32 @p1 s19, s20;
	s20 =	simm.s32 $0x0  }
0x2dc: {  	s22 =	smov.u32 @p4 s22;
	s20 =	smov.u32 @p1 s19  }
0x2dd: {  	s19 =	sadd.s32 @p4 s20, s22;
	s22 =	simm.s32 $0x0;
	s20 =	spop @p3 (v2sf)  }
0x2de: {  	s22 =	smov.u32 @p4 s19;
	s20 =	smov.u32 @p3 s20  }
0x2df: {  	s19 =	sadd.s32 @p3 s22, s20;
	s22 =	simm.s32 $0x0;
	s20 =	spop @p2 (v2sf)  }
0x2e0: {  	s22 =	smov.u32 @p3 s19;
	s20 =	smov.u32 @p2 s20  }
0x2e1: {  	s19 =	sadd.s32 @p2 s22, s20  }
0x2e2: {  	s18 =	smov.u32 @p2 s19;
	s30 =	spop (v2sf)  }
0x2e3: {  	s19 =	simm.s32 $0x19700;
	s18 =	sadd.s32 s18, s30  }
0x2e4: {  	v6 =	vld [tilespmem:s19+$0x0];
	p1 =	sgt.s32 s18, $0x3F  }
.Ltmp44:
0x2e5: {  	s17 =	smov.u32 @p1 s21;
	(pc) =	sbr.rel @!p0 .LBB2_77-.Ltmp44, $4  }
0x2e6: {  	s21 =	sor.u32 $0x4000000, s17  }
0x2e7: {  	s31 =	sxor.u32 $0x80000000, s21  }
0x2e8: {  	p4 =	por $0x0, $0x0;
	p3 =	por $0x0, $0x0;
	s20 =	simm.s32 $0x19710;
	v5 =	vmov s31  }
0x2e9: {  	p2 =	por $0x0, $0x0;
	s18 =	simm.s32 $0x0;
	p1 =	por $0x0, $0x0;
	vm0 =	vge.s32 v6, v5  }
0x2ea: {  	v6 =	vld [tilespmem:s20+$0x0];
	p5 =	sne.s32 s16, $0x1  }
.Ltmp45:
0x2eb: {  	_ = 	snop;
	(pc) =	sbr.rel @!p5 .LBB2_79-.Ltmp45, $3  }
0x2ec: {  	_ =	sdelay $0x1  }
0x2ed: {  	v7 =	vsel vm0, $0x1, v0  }
0x2ee: {  	s22 =	sadd.s32 $0xFFFFFFFF, s16;
	s23 =	simm.s32 $0x19720;
	p2 =	por $0x1, $0x1;
	(xrf0) =	vadd.scan.msk.s32 $0xffff, v7;
	vm0 =	vge.s32 v6, v5  }
0x2ef: {  	_ = 	snop  }
0x2f0: {  	v6 =	vld [tilespmem:s23+$0x0];
	p5 =	sne.s32 s22, $0x1  }
.Ltmp46:
0x2f1: {  	_ = 	snop;
	(pc) =	sbr.rel @!p5 .LBB2_81-.Ltmp46, $3  }
0x2f2: {  	_ =	sdelay $0x1  }
0x2f3: {  	v7 =	vsel vm0, $0x1, v0;
	v8, _, _ =	vpop (xrf0)  }
0x2f4: {  	s22 =	sadd.s32 $0xFFFFFFFF, s22;
	s23 =	simm.s32 $0x19730;
	p3 =	por $0x1, $0x1;
	(xrf0) =	vadd.scan.msk.s32 $0xffff, v7;
	vm0 =	vge.s32 v6, v5;
	(v2sf) =	vpush v8, $0xF  }
0x2f5: {  	_ =	sdelay $0x4  }
0x2f6: {  	v8, _, _ =	vpop (xrf0)  }
0x2f7: {  	(v2sf) =	vpush v8, $0xF;
	_ =	sdelay $0x3  }
0x2f8: {  	v6 =	vld [tilespmem:s23+$0x0];
	p5 =	sne.s32 s22, $0x1  }
.Ltmp47:
0x2f9: {  	_ = 	snop;
	(pc) =	sbr.rel @!p5 .LBB2_83-.Ltmp47, $3  }
0x2fa: {  	_ =	sdelay $0x1  }
0x2fb: {  	v7 =	vsel vm0, $0x1, v0  }
0x2fc: {  	s22 =	sadd.s32 $0xFFFFFFFF, s22;
	s23 =	simm.s32 $0x19740;
	p4 =	por $0x1, $0x1;
	(xrf0) =	vadd.scan.msk.s32 $0xffff, v7;
	vm0 =	vge.s32 v6, v5  }
0x2fd: {  	_ =	sdelay $0x4  }
0x2fe: {  	v8, _, _ =	vpop (xrf0)  }
0x2ff: {  	(v2sf) =	vpush v8, $0xF;
	_ =	sdelay $0x2  }
0x300: {  	v6 =	vld [tilespmem:s23+$0x0];
	p6 =	sne.s32 s22, $0x1;
	v7 =	vsel vm0, $0x1, v0  }
.Ltmp48:
0x301: {  	(xrf0) =	vadd.scan.msk.s32 $0xffff, v7;
	(pc) =	sbr.rel @!p6 .LBB2_85-.Ltmp48, $3  }
0x302: {  	_ =	sdelay $0x1  }
0x303: {  	s24 =	sadd.s32 $0xFFFFFFFF, s22;
	s25 =	simm.s32 $0x19750  }
0x304: {  	s23 =	spop (v2sf);
	p5 =	por $0x1, $0x1;
	s22 =	simm.s32 $0x0;
	vm0 =	vge.s32 v6, v5  }
.LBB2_86:
0x305: {  	v6 =	vld [tilespmem:s25+$0x0];
	p6 =	sne.s32 s24, $0x1;
	s24 =	sadd.s32 $0xFFFFFFFF, s24;
	v8 =	vsel vm0, $0x1, v0;
	s22 =	sadd.s32 s22, s23  }
.Ltmp49:
0x306: {  	(xrf0) =	vadd.scan.msk.s32 $0xffff, v8;
	v7, _, _ =	vpop (xrf0);
	(pc) =	sbr.rel @p6 .LBB2_86-.Ltmp49, $2  }
0x307: {  	(v2sf) =	vpush v7, $0xF;
	_ =	sdelay $0x3  }
0x308: {  	s25 =	sadd.s32 $0x10, s25;
	vm0 =	vge.s32 v6, v5;
	s23 =	spop (v2sf)  }
0x309: {  	_ = 	snop  }
.LBB2_88:
0x30a: {  	v5 =	vsel vm0, $0x1, v0  }
0x30b: {  	(xrf0) =	vadd.scan.msk.s32 $0xffff, v5;
	_ =	sdelay $0x2  }
0x30c: {  	v5, _, _ =	vpop @p2 (xrf0)  }
0x30d: {  	(v2sf) =	vpush @p2 v5, $0xF;
	_ =	sdelay $0x1  }
0x30e: {  	v5, _, _ =	vpop (xrf0)  }
0x30f: {  	(v2sf) =	vpush v5, $0xF;
	_ =	sdelay $0x7  }
0x310: {  	s24 =	spop @p4 (v2sf);
	s22 =	sadd.s32 @p5 s22, s23;
	s23 =	simm.s32 $0x0  }
0x311: {  	s24 =	smov.u32 @p4 s24;
	s23 =	smov.u32 @p5 s22  }
0x312: {  	s22 =	sadd.s32 @p4 s23, s24;
	s24 =	simm.s32 $0x0;
	s23 =	spop @p3 (v2sf)  }
0x313: {  	s24 =	smov.u32 @p4 s22;
	s23 =	smov.u32 @p3 s23  }
0x314: {  	s22 =	sadd.s32 @p3 s24, s23;
	s24 =	simm.s32 $0x0;
	s23 =	spop @p2 (v2sf)  }
0x315: {  	s24 =	smov.u32 @p3 s22;
	s23 =	smov.u32 @p2 s23  }
0x316: {  	s22 =	sadd.s32 @p2 s24, s23;
	s23 =	simm.s32 $0x0  }
0x317: {  	s23 =	smov.u32 @p2 s22;
	s30 =	spop (v2sf)  }
0x318: {  	s22 =	sadd.s32 s23, s30  }
0x319: {  	v6 =	vld [tilespmem:s19+$0x0];
	p2 =	sgt.s32 s22, $0x3F  }
.Ltmp50:
0x31a: {  	s17 =	smov.u32 @p2 s21;
	(pc) =	sbr.rel @!p0 .LBB2_89-.Ltmp50, $4  }
0x31b: {  	s21 =	sor.u32 $0x2000000, s17  }
0x31c: {  	s31 =	sxor.u32 $0x80000000, s21  }
0x31d: {  	v5 =	vmov s31  }
0x31e: {  	vm0 =	vge.s32 v6, v5  }
0x31f: {  	v6 =	vld [tilespmem:s20+$0x0];
	p3 =	sne.s32 s16, $0x1  }
.Ltmp51:
0x320: {  	_ = 	snop;
	(pc) =	sbr.rel @!p3 .LBB2_91-.Ltmp51, $3  }
0x321: {  	_ =	sdelay $0x1  }
0x322: {  	v7 =	vsel vm0, $0x1, v0  }
0x323: {  	s19 =	sadd.s32 $0xFFFFFFFF, s16;
	s20 =	simm.s32 $0x19720;
	p2 =	por $0x1, $0x1;
	(xrf0) =	vadd.scan.msk.s32 $0xffff, v7;
	vm0 =	vge.s32 v6, v5  }
0x324: {  	_ = 	snop  }
0x325: {  	v6 =	vld [tilespmem:s20+$0x0];
	p4 =	sne.s32 s19, $0x1  }
.Ltmp52:
0x326: {  	_ = 	snop;
	(pc) =	sbr.rel @!p4 .LBB2_93-.Ltmp52, $3  }
0x327: {  	_ =	sdelay $0x1  }
0x328: {  	v7 =	vsel vm0, $0x1, v0;
	v8, _, _ =	vpop (xrf0)  }
0x329: {  	s19 =	sadd.s32 $0xFFFFFFFF, s19;
	s20 =	simm.s32 $0x19730;
	p3 =	por $0x1, $0x1;
	(xrf0) =	vadd.scan.msk.s32 $0xffff, v7;
	vm0 =	vge.s32 v6, v5;
	(v2sf) =	vpush v8, $0xF  }
0x32a: {  	_ =	sdelay $0x4  }
0x32b: {  	v8, _, _ =	vpop (xrf0)  }
0x32c: {  	(v2sf) =	vpush v8, $0xF;
	_ =	sdelay $0x3  }
0x32d: {  	v6 =	vld [tilespmem:s20+$0x0];
	p5 =	sne.s32 s19, $0x1  }
.Ltmp53:
0x32e: {  	_ = 	snop;
	(pc) =	sbr.rel @!p5 .LBB2_95-.Ltmp53, $3  }
0x32f: {  	_ =	sdelay $0x1  }
0x330: {  	v7 =	vsel vm0, $0x1, v0  }
0x331: {  	s19 =	sadd.s32 $0xFFFFFFFF, s19;
	s20 =	simm.s32 $0x19740;
	p4 =	por $0x1, $0x1;
	(xrf0) =	vadd.scan.msk.s32 $0xffff, v7;
	vm0 =	vge.s32 v6, v5  }
0x332: {  	_ =	sdelay $0x4  }
0x333: {  	v8, _, _ =	vpop (xrf0)  }
0x334: {  	(v2sf) =	vpush v8, $0xF;
	_ =	sdelay $0x2  }
0x335: {  	v6 =	vld [tilespmem:s20+$0x0];
	p5 =	sne.s32 s19, $0x1;
	v7 =	vsel vm0, $0x1, v0  }
.Ltmp54:
0x336: {  	(xrf0) =	vadd.scan.msk.s32 $0xffff, v7;
	(pc) =	sbr.rel @!p5 .LBB2_97-.Ltmp54, $3  }
0x337: {  	_ =	sdelay $0x1  }
0x338: {  	s22 =	sadd.s32 $0xFFFFFFFF, s19;
	s23 =	simm.s32 $0x19750  }
0x339: {  	s20 =	spop (v2sf);
	p1 =	por $0x1, $0x1;
	s19 =	simm.s32 $0x0;
	vm0 =	vge.s32 v6, v5  }
.LBB2_98:
0x33a: {  	v6 =	vld [tilespmem:s23+$0x0];
	p5 =	sne.s32 s22, $0x1;
	s22 =	sadd.s32 $0xFFFFFFFF, s22;
	v8 =	vsel vm0, $0x1, v0;
	s19 =	sadd.s32 s19, s20  }
.Ltmp55:
0x33b: {  	(xrf0) =	vadd.scan.msk.s32 $0xffff, v8;
	v7, _, _ =	vpop (xrf0);
	(pc) =	sbr.rel @p5 .LBB2_98-.Ltmp55, $2  }
0x33c: {  	(v2sf) =	vpush v7, $0xF;
	_ =	sdelay $0x3  }
0x33d: {  	s23 =	sadd.s32 $0x10, s23;
	vm0 =	vge.s32 v6, v5;
	s20 =	spop (v2sf)  }
0x33e: {  	_ = 	snop  }
.LBB2_100:
0x33f: {  	v5 =	vsel vm0, $0x1, v0  }
0x340: {  	(xrf0) =	vadd.scan.msk.s32 $0xffff, v5;
	_ =	sdelay $0x2  }
0x341: {  	v5, _, _ =	vpop @p2 (xrf0)  }
0x342: {  	(v2sf) =	vpush @p2 v5, $0xF;
	_ =	sdelay $0x1  }
0x343: {  	v5, _, _ =	vpop (xrf0)  }
0x344: {  	(v2sf) =	vpush v5, $0xF;
	_ =	sdelay $0x7  }
0x345: {  	s22 =	spop @p4 (v2sf);
	s19 =	sadd.s32 @p1 s19, s20;
	s20 =	simm.s32 $0x0  }
0x346: {  	s22 =	smov.u32 @p4 s22;
	s20 =	smov.u32 @p1 s19  }
0x347: {  	s19 =	sadd.s32 @p4 s20, s22;
	s22 =	simm.s32 $0x0;
	s20 =	spop @p3 (v2sf)  }
0x348: {  	s22 =	smov.u32 @p4 s19;
	s20 =	smov.u32 @p3 s20  }
0x349: {  	s19 =	sadd.s32 @p3 s22, s20;
	s22 =	simm.s32 $0x0;
	s20 =	spop @p2 (v2sf)  }
0x34a: {  	s22 =	smov.u32 @p3 s19;
	s20 =	smov.u32 @p2 s20  }
0x34b: {  	s19 =	sadd.s32 @p2 s22, s20  }
0x34c: {  	s18 =	smov.u32 @p2 s19;
	s30 =	spop (v2sf)  }
0x34d: {  	s19 =	simm.s32 $0x19700;
	s18 =	sadd.s32 s18, s30  }
0x34e: {  	v6 =	vld [tilespmem:s19+$0x0];
	p1 =	sgt.s32 s18, $0x3F  }
.Ltmp56:
0x34f: {  	s17 =	smov.u32 @p1 s21;
	(pc) =	sbr.rel @!p0 .LBB2_101-.Ltmp56, $4  }
0x350: {  	s21 =	sor.u32 $0x1000000, s17  }
0x351: {  	s31 =	sxor.u32 $0x80000000, s21  }
0x352: {  	p4 =	por $0x0, $0x0;
	p3 =	por $0x0, $0x0;
	s20 =	simm.s32 $0x19710;
	v5 =	vmov s31  }
0x353: {  	p2 =	por $0x0, $0x0;
	s18 =	simm.s32 $0x0;
	p1 =	por $0x0, $0x0;
	vm0 =	vge.s32 v6, v5  }
0x354: {  	v6 =	vld [tilespmem:s20+$0x0];
	p5 =	sne.s32 s16, $0x1  }
.Ltmp57:
0x355: {  	_ = 	snop;
	(pc) =	sbr.rel @!p5 .LBB2_103-.Ltmp57, $3  }
0x356: {  	_ =	sdelay $0x1  }
0x357: {  	v7 =	vsel vm0, $0x1, v0  }
0x358: {  	s22 =	sadd.s32 $0xFFFFFFFF, s16;
	s23 =	simm.s32 $0x19720;
	p2 =	por $0x1, $0x1;
	(xrf0) =	vadd.scan.msk.s32 $0xffff, v7;
	vm0 =	vge.s32 v6, v5  }
0x359: {  	_ = 	snop  }
0x35a: {  	v6 =	vld [tilespmem:s23+$0x0];
	p5 =	sne.s32 s22, $0x1  }
.Ltmp58:
0x35b: {  	_ = 	snop;
	(pc) =	sbr.rel @!p5 .LBB2_105-.Ltmp58, $3  }
0x35c: {  	_ =	sdelay $0x1  }
0x35d: {  	v7 =	vsel vm0, $0x1, v0;
	v8, _, _ =	vpop (xrf0)  }
0x35e: {  	s22 =	sadd.s32 $0xFFFFFFFF, s22;
	s23 =	simm.s32 $0x19730;
	p3 =	por $0x1, $0x1;
	(xrf0) =	vadd.scan.msk.s32 $0xffff, v7;
	vm0 =	vge.s32 v6, v5;
	(v2sf) =	vpush v8, $0xF  }
0x35f: {  	_ =	sdelay $0x4  }
0x360: {  	v8, _, _ =	vpop (xrf0)  }
0x361: {  	(v2sf) =	vpush v8, $0xF;
	_ =	sdelay $0x3  }
0x362: {  	v6 =	vld [tilespmem:s23+$0x0];
	p5 =	sne.s32 s22, $0x1  }
.Ltmp59:
0x363: {  	_ = 	snop;
	(pc) =	sbr.rel @!p5 .LBB2_107-.Ltmp59, $3  }
0x364: {  	_ =	sdelay $0x1  }
0x365: {  	v7 =	vsel vm0, $0x1, v0  }
0x366: {  	s22 =	sadd.s32 $0xFFFFFFFF, s22;
	s23 =	simm.s32 $0x19740;
	p4 =	por $0x1, $0x1;
	(xrf0) =	vadd.scan.msk.s32 $0xffff, v7;
	vm0 =	vge.s32 v6, v5  }
0x367: {  	_ =	sdelay $0x4  }
0x368: {  	v8, _, _ =	vpop (xrf0)  }
0x369: {  	(v2sf) =	vpush v8, $0xF;
	_ =	sdelay $0x2  }
0x36a: {  	v6 =	vld [tilespmem:s23+$0x0];
	p6 =	sne.s32 s22, $0x1;
	v7 =	vsel vm0, $0x1, v0  }
.Ltmp60:
0x36b: {  	(xrf0) =	vadd.scan.msk.s32 $0xffff, v7;
	(pc) =	sbr.rel @!p6 .LBB2_109-.Ltmp60, $3  }
0x36c: {  	_ =	sdelay $0x1  }
0x36d: {  	s24 =	sadd.s32 $0xFFFFFFFF, s22;
	s25 =	simm.s32 $0x19750  }
0x36e: {  	s23 =	spop (v2sf);
	p5 =	por $0x1, $0x1;
	s22 =	simm.s32 $0x0;
	vm0 =	vge.s32 v6, v5  }
.LBB2_110:
0x36f: {  	v6 =	vld [tilespmem:s25+$0x0];
	p6 =	sne.s32 s24, $0x1;
	s24 =	sadd.s32 $0xFFFFFFFF, s24;
	v8 =	vsel vm0, $0x1, v0;
	s22 =	sadd.s32 s22, s23  }
.Ltmp61:
0x370: {  	(xrf0) =	vadd.scan.msk.s32 $0xffff, v8;
	v7, _, _ =	vpop (xrf0);
	(pc) =	sbr.rel @p6 .LBB2_110-.Ltmp61, $2  }
0x371: {  	(v2sf) =	vpush v7, $0xF;
	_ =	sdelay $0x3  }
0x372: {  	s25 =	sadd.s32 $0x10, s25;
	vm0 =	vge.s32 v6, v5;
	s23 =	spop (v2sf)  }
0x373: {  	_ = 	snop  }
.LBB2_112:
0x374: {  	v5 =	vsel vm0, $0x1, v0  }
0x375: {  	(xrf0) =	vadd.scan.msk.s32 $0xffff, v5;
	_ =	sdelay $0x2  }
0x376: {  	v5, _, _ =	vpop @p2 (xrf0)  }
0x377: {  	(v2sf) =	vpush @p2 v5, $0xF;
	_ =	sdelay $0x1  }
0x378: {  	v5, _, _ =	vpop (xrf0)  }
0x379: {  	(v2sf) =	vpush v5, $0xF;
	_ =	sdelay $0x7  }
0x37a: {  	s24 =	spop @p4 (v2sf);
	s22 =	sadd.s32 @p5 s22, s23;
	s23 =	simm.s32 $0x0  }
0x37b: {  	s24 =	smov.u32 @p4 s24;
	s23 =	smov.u32 @p5 s22  }
0x37c: {  	s22 =	sadd.s32 @p4 s23, s24;
	s24 =	simm.s32 $0x0;
	s23 =	spop @p3 (v2sf)  }
0x37d: {  	s24 =	smov.u32 @p4 s22;
	s23 =	smov.u32 @p3 s23  }
0x37e: {  	s22 =	sadd.s32 @p3 s24, s23;
	s24 =	simm.s32 $0x0;
	s23 =	spop @p2 (v2sf)  }
0x37f: {  	s24 =	smov.u32 @p3 s22;
	s23 =	smov.u32 @p2 s23  }
0x380: {  	s22 =	sadd.s32 @p2 s24, s23;
	s23 =	simm.s32 $0x0  }
0x381: {  	s23 =	smov.u32 @p2 s22;
	s30 =	spop (v2sf)  }
0x382: {  	s22 =	sadd.s32 s23, s30  }
0x383: {  	v6 =	vld [tilespmem:s19+$0x0];
	p2 =	sgt.s32 s22, $0x3F  }
.Ltmp62:
0x384: {  	s17 =	smov.u32 @p2 s21;
	(pc) =	sbr.rel @!p0 .LBB2_113-.Ltmp62, $4  }
0x385: {  	s21 =	sor.u32 $0x800000, s17  }
0x386: {  	s31 =	sxor.u32 $0x80000000, s21  }
0x387: {  	v5 =	vmov s31  }
0x388: {  	vm0 =	vge.s32 v6, v5  }
0x389: {  	v6 =	vld [tilespmem:s20+$0x0];
	p3 =	sne.s32 s16, $0x1  }
.Ltmp63:
0x38a: {  	_ = 	snop;
	(pc) =	sbr.rel @!p3 .LBB2_115-.Ltmp63, $3  }
0x38b: {  	_ =	sdelay $0x1  }
0x38c: {  	v7 =	vsel vm0, $0x1, v0  }
0x38d: {  	s19 =	sadd.s32 $0xFFFFFFFF, s16;
	s20 =	simm.s32 $0x19720;
	p2 =	por $0x1, $0x1;
	(xrf0) =	vadd.scan.msk.s32 $0xffff, v7;
	vm0 =	vge.s32 v6, v5  }
0x38e: {  	_ = 	snop  }
0x38f: {  	v6 =	vld [tilespmem:s20+$0x0];
	p4 =	sne.s32 s19, $0x1  }
.Ltmp64:
0x390: {  	_ = 	snop;
	(pc) =	sbr.rel @!p4 .LBB2_117-.Ltmp64, $3  }
0x391: {  	_ =	sdelay $0x1  }
0x392: {  	v7 =	vsel vm0, $0x1, v0;
	v8, _, _ =	vpop (xrf0)  }
0x393: {  	s19 =	sadd.s32 $0xFFFFFFFF, s19;
	s20 =	simm.s32 $0x19730;
	p3 =	por $0x1, $0x1;
	(xrf0) =	vadd.scan.msk.s32 $0xffff, v7;
	vm0 =	vge.s32 v6, v5;
	(v2sf) =	vpush v8, $0xF  }
0x394: {  	_ =	sdelay $0x4  }
0x395: {  	v8, _, _ =	vpop (xrf0)  }
0x396: {  	(v2sf) =	vpush v8, $0xF;
	_ =	sdelay $0x3  }
0x397: {  	v6 =	vld [tilespmem:s20+$0x0];
	p5 =	sne.s32 s19, $0x1  }
.Ltmp65:
0x398: {  	_ = 	snop;
	(pc) =	sbr.rel @!p5 .LBB2_119-.Ltmp65, $3  }
0x399: {  	_ =	sdelay $0x1  }
0x39a: {  	v7 =	vsel vm0, $0x1, v0  }
0x39b: {  	s19 =	sadd.s32 $0xFFFFFFFF, s19;
	s20 =	simm.s32 $0x19740;
	p4 =	por $0x1, $0x1;
	(xrf0) =	vadd.scan.msk.s32 $0xffff, v7;
	vm0 =	vge.s32 v6, v5  }
0x39c: {  	_ =	sdelay $0x4  }
0x39d: {  	v8, _, _ =	vpop (xrf0)  }
0x39e: {  	(v2sf) =	vpush v8, $0xF;
	_ =	sdelay $0x2  }
0x39f: {  	v6 =	vld [tilespmem:s20+$0x0];
	p5 =	sne.s32 s19, $0x1;
	v7 =	vsel vm0, $0x1, v0  }
.Ltmp66:
0x3a0: {  	(xrf0) =	vadd.scan.msk.s32 $0xffff, v7;
	(pc) =	sbr.rel @!p5 .LBB2_121-.Ltmp66, $3  }
0x3a1: {  	_ =	sdelay $0x1  }
0x3a2: {  	s22 =	sadd.s32 $0xFFFFFFFF, s19;
	s23 =	simm.s32 $0x19750  }
0x3a3: {  	s20 =	spop (v2sf);
	p1 =	por $0x1, $0x1;
	s19 =	simm.s32 $0x0;
	vm0 =	vge.s32 v6, v5  }
.LBB2_122:
0x3a4: {  	v6 =	vld [tilespmem:s23+$0x0];
	p5 =	sne.s32 s22, $0x1;
	s22 =	sadd.s32 $0xFFFFFFFF, s22;
	v8 =	vsel vm0, $0x1, v0;
	s19 =	sadd.s32 s19, s20  }
.Ltmp67:
0x3a5: {  	(xrf0) =	vadd.scan.msk.s32 $0xffff, v8;
	v7, _, _ =	vpop (xrf0);
	(pc) =	sbr.rel @p5 .LBB2_122-.Ltmp67, $2  }
0x3a6: {  	(v2sf) =	vpush v7, $0xF;
	_ =	sdelay $0x3  }
0x3a7: {  	s23 =	sadd.s32 $0x10, s23;
	vm0 =	vge.s32 v6, v5;
	s20 =	spop (v2sf)  }
0x3a8: {  	_ = 	snop  }
.LBB2_124:
0x3a9: {  	v5 =	vsel vm0, $0x1, v0  }
0x3aa: {  	(xrf0) =	vadd.scan.msk.s32 $0xffff, v5;
	_ =	sdelay $0x2  }
0x3ab: {  	v5, _, _ =	vpop @p2 (xrf0)  }
0x3ac: {  	(v2sf) =	vpush @p2 v5, $0xF;
	_ =	sdelay $0x1  }
0x3ad: {  	v5, _, _ =	vpop (xrf0)  }
0x3ae: {  	(v2sf) =	vpush v5, $0xF;
	_ =	sdelay $0x7  }
0x3af: {  	s22 =	spop @p4 (v2sf);
	s19 =	sadd.s32 @p1 s19, s20;
	s20 =	simm.s32 $0x0  }
0x3b0: {  	s22 =	smov.u32 @p4 s22;
	s20 =	smov.u32 @p1 s19  }
0x3b1: {  	s19 =	sadd.s32 @p4 s20, s22;
	s22 =	simm.s32 $0x0;
	s20 =	spop @p3 (v2sf)  }
0x3b2: {  	s22 =	smov.u32 @p4 s19;
	s20 =	smov.u32 @p3 s20  }
0x3b3: {  	s19 =	sadd.s32 @p3 s22, s20;
	s22 =	simm.s32 $0x0;
	s20 =	spop @p2 (v2sf)  }
0x3b4: {  	s22 =	smov.u32 @p3 s19;
	s20 =	smov.u32 @p2 s20  }
0x3b5: {  	s19 =	sadd.s32 @p2 s22, s20  }
0x3b6: {  	s18 =	smov.u32 @p2 s19;
	s30 =	spop (v2sf)  }
0x3b7: {  	s19 =	simm.s32 $0x19700;
	s18 =	sadd.s32 s18, s30  }
0x3b8: {  	v6 =	vld [tilespmem:s19+$0x0];
	p1 =	sgt.s32 s18, $0x3F  }
.Ltmp68:
0x3b9: {  	s17 =	smov.u32 @p1 s21;
	(pc) =	sbr.rel @!p0 .LBB2_125-.Ltmp68, $4  }
0x3ba: {  	s21 =	sor.u32 $0x400000, s17  }
0x3bb: {  	s31 =	sxor.u32 $0x80000000, s21  }
0x3bc: {  	p4 =	por $0x0, $0x0;
	p3 =	por $0x0, $0x0;
	s20 =	simm.s32 $0x19710;
	v5 =	vmov s31  }
0x3bd: {  	p2 =	por $0x0, $0x0;
	s18 =	simm.s32 $0x0;
	p1 =	por $0x0, $0x0;
	vm0 =	vge.s32 v6, v5  }
0x3be: {  	v6 =	vld [tilespmem:s20+$0x0];
	p5 =	sne.s32 s16, $0x1  }
.Ltmp69:
0x3bf: {  	_ = 	snop;
	(pc) =	sbr.rel @!p5 .LBB2_127-.Ltmp69, $3  }
0x3c0: {  	_ =	sdelay $0x1  }
0x3c1: {  	v7 =	vsel vm0, $0x1, v0  }
0x3c2: {  	s22 =	sadd.s32 $0xFFFFFFFF, s16;
	s23 =	simm.s32 $0x19720;
	p2 =	por $0x1, $0x1;
	(xrf0) =	vadd.scan.msk.s32 $0xffff, v7;
	vm0 =	vge.s32 v6, v5  }
0x3c3: {  	_ = 	snop  }
0x3c4: {  	v6 =	vld [tilespmem:s23+$0x0];
	p5 =	sne.s32 s22, $0x1  }
.Ltmp70:
0x3c5: {  	_ = 	snop;
	(pc) =	sbr.rel @!p5 .LBB2_129-.Ltmp70, $3  }
0x3c6: {  	_ =	sdelay $0x1  }
0x3c7: {  	v7 =	vsel vm0, $0x1, v0;
	v8, _, _ =	vpop (xrf0)  }
0x3c8: {  	s22 =	sadd.s32 $0xFFFFFFFF, s22;
	s23 =	simm.s32 $0x19730;
	p3 =	por $0x1, $0x1;
	(xrf0) =	vadd.scan.msk.s32 $0xffff, v7;
	vm0 =	vge.s32 v6, v5;
	(v2sf) =	vpush v8, $0xF  }
0x3c9: {  	_ =	sdelay $0x4  }
0x3ca: {  	v8, _, _ =	vpop (xrf0)  }
0x3cb: {  	(v2sf) =	vpush v8, $0xF;
	_ =	sdelay $0x3  }
0x3cc: {  	v6 =	vld [tilespmem:s23+$0x0];
	p5 =	sne.s32 s22, $0x1  }
.Ltmp71:
0x3cd: {  	_ = 	snop;
	(pc) =	sbr.rel @!p5 .LBB2_131-.Ltmp71, $3  }
0x3ce: {  	_ =	sdelay $0x1  }
0x3cf: {  	v7 =	vsel vm0, $0x1, v0  }
0x3d0: {  	s22 =	sadd.s32 $0xFFFFFFFF, s22;
	s23 =	simm.s32 $0x19740;
	p4 =	por $0x1, $0x1;
	(xrf0) =	vadd.scan.msk.s32 $0xffff, v7;
	vm0 =	vge.s32 v6, v5  }
0x3d1: {  	_ =	sdelay $0x4  }
0x3d2: {  	v8, _, _ =	vpop (xrf0)  }
0x3d3: {  	(v2sf) =	vpush v8, $0xF;
	_ =	sdelay $0x2  }
0x3d4: {  	v6 =	vld [tilespmem:s23+$0x0];
	p6 =	sne.s32 s22, $0x1;
	v7 =	vsel vm0, $0x1, v0  }
.Ltmp72:
0x3d5: {  	(xrf0) =	vadd.scan.msk.s32 $0xffff, v7;
	(pc) =	sbr.rel @!p6 .LBB2_133-.Ltmp72, $3  }
0x3d6: {  	_ =	sdelay $0x1  }
0x3d7: {  	s24 =	sadd.s32 $0xFFFFFFFF, s22;
	s25 =	simm.s32 $0x19750  }
0x3d8: {  	s23 =	spop (v2sf);
	p5 =	por $0x1, $0x1;
	s22 =	simm.s32 $0x0;
	vm0 =	vge.s32 v6, v5  }
.LBB2_134:
0x3d9: {  	v6 =	vld [tilespmem:s25+$0x0];
	p6 =	sne.s32 s24, $0x1;
	s24 =	sadd.s32 $0xFFFFFFFF, s24;
	v8 =	vsel vm0, $0x1, v0;
	s22 =	sadd.s32 s22, s23  }
.Ltmp73:
0x3da: {  	(xrf0) =	vadd.scan.msk.s32 $0xffff, v8;
	v7, _, _ =	vpop (xrf0);
	(pc) =	sbr.rel @p6 .LBB2_134-.Ltmp73, $2  }
0x3db: {  	(v2sf) =	vpush v7, $0xF;
	_ =	sdelay $0x3  }
0x3dc: {  	s25 =	sadd.s32 $0x10, s25;
	vm0 =	vge.s32 v6, v5;
	s23 =	spop (v2sf)  }
0x3dd: {  	_ = 	snop  }
.LBB2_136:
0x3de: {  	v5 =	vsel vm0, $0x1, v0  }
0x3df: {  	(xrf0) =	vadd.scan.msk.s32 $0xffff, v5;
	_ =	sdelay $0x2  }
0x3e0: {  	v5, _, _ =	vpop @p2 (xrf0)  }
0x3e1: {  	(v2sf) =	vpush @p2 v5, $0xF;
	_ =	sdelay $0x1  }
0x3e2: {  	v5, _, _ =	vpop (xrf0)  }
0x3e3: {  	(v2sf) =	vpush v5, $0xF;
	_ =	sdelay $0x7  }
0x3e4: {  	s24 =	spop @p4 (v2sf);
	s22 =	sadd.s32 @p5 s22, s23;
	s23 =	simm.s32 $0x0  }
0x3e5: {  	s24 =	smov.u32 @p4 s24;
	s23 =	smov.u32 @p5 s22  }
0x3e6: {  	s22 =	sadd.s32 @p4 s23, s24;
	s24 =	simm.s32 $0x0;
	s23 =	spop @p3 (v2sf)  }
0x3e7: {  	s24 =	smov.u32 @p4 s22;
	s23 =	smov.u32 @p3 s23  }
0x3e8: {  	s22 =	sadd.s32 @p3 s24, s23;
	s24 =	simm.s32 $0x0;
	s23 =	spop @p2 (v2sf)  }
0x3e9: {  	s24 =	smov.u32 @p3 s22;
	s23 =	smov.u32 @p2 s23  }
0x3ea: {  	s22 =	sadd.s32 @p2 s24, s23;
	s23 =	simm.s32 $0x0  }
0x3eb: {  	s23 =	smov.u32 @p2 s22;
	s30 =	spop (v2sf)  }
0x3ec: {  	s22 =	sadd.s32 s23, s30  }
0x3ed: {  	v6 =	vld [tilespmem:s19+$0x0];
	p2 =	sgt.s32 s22, $0x3F  }
.Ltmp74:
0x3ee: {  	s17 =	smov.u32 @p2 s21;
	(pc) =	sbr.rel @!p0 .LBB2_137-.Ltmp74, $4  }
0x3ef: {  	s21 =	sor.u32 $0x200000, s17  }
0x3f0: {  	s31 =	sxor.u32 $0x80000000, s21  }
0x3f1: {  	v5 =	vmov s31  }
0x3f2: {  	vm0 =	vge.s32 v6, v5  }
0x3f3: {  	v6 =	vld [tilespmem:s20+$0x0];
	p3 =	sne.s32 s16, $0x1  }
.Ltmp75:
0x3f4: {  	_ = 	snop;
	(pc) =	sbr.rel @!p3 .LBB2_139-.Ltmp75, $3  }
0x3f5: {  	_ =	sdelay $0x1  }
0x3f6: {  	v7 =	vsel vm0, $0x1, v0  }
0x3f7: {  	s19 =	sadd.s32 $0xFFFFFFFF, s16;
	s20 =	simm.s32 $0x19720;
	p2 =	por $0x1, $0x1;
	(xrf0) =	vadd.scan.msk.s32 $0xffff, v7;
	vm0 =	vge.s32 v6, v5  }
0x3f8: {  	_ = 	snop  }
0x3f9: {  	v6 =	vld [tilespmem:s20+$0x0];
	p4 =	sne.s32 s19, $0x1  }
.Ltmp76:
0x3fa: {  	_ = 	snop;
	(pc) =	sbr.rel @!p4 .LBB2_141-.Ltmp76, $3  }
0x3fb: {  	_ =	sdelay $0x1  }
0x3fc: {  	v7 =	vsel vm0, $0x1, v0;
	v8, _, _ =	vpop (xrf0)  }
0x3fd: {  	s19 =	sadd.s32 $0xFFFFFFFF, s19;
	s20 =	simm.s32 $0x19730;
	p3 =	por $0x1, $0x1;
	(xrf0) =	vadd.scan.msk.s32 $0xffff, v7;
	vm0 =	vge.s32 v6, v5;
	(v2sf) =	vpush v8, $0xF  }
0x3fe: {  	_ =	sdelay $0x4  }
0x3ff: {  	v8, _, _ =	vpop (xrf0)  }
0x400: {  	(v2sf) =	vpush v8, $0xF;
	_ =	sdelay $0x3  }
0x401: {  	v6 =	vld [tilespmem:s20+$0x0];
	p5 =	sne.s32 s19, $0x1  }
.Ltmp77:
0x402: {  	_ = 	snop;
	(pc) =	sbr.rel @!p5 .LBB2_143-.Ltmp77, $3  }
0x403: {  	_ =	sdelay $0x1  }
0x404: {  	v7 =	vsel vm0, $0x1, v0  }
0x405: {  	s19 =	sadd.s32 $0xFFFFFFFF, s19;
	s20 =	simm.s32 $0x19740;
	p4 =	por $0x1, $0x1;
	(xrf0) =	vadd.scan.msk.s32 $0xffff, v7;
	vm0 =	vge.s32 v6, v5  }
0x406: {  	_ =	sdelay $0x4  }
0x407: {  	v8, _, _ =	vpop (xrf0)  }
0x408: {  	(v2sf) =	vpush v8, $0xF;
	_ =	sdelay $0x2  }
0x409: {  	v6 =	vld [tilespmem:s20+$0x0];
	p5 =	sne.s32 s19, $0x1;
	v7 =	vsel vm0, $0x1, v0  }
.Ltmp78:
0x40a: {  	(xrf0) =	vadd.scan.msk.s32 $0xffff, v7;
	(pc) =	sbr.rel @!p5 .LBB2_145-.Ltmp78, $3  }
0x40b: {  	_ =	sdelay $0x1  }
0x40c: {  	s22 =	sadd.s32 $0xFFFFFFFF, s19;
	s23 =	simm.s32 $0x19750  }
0x40d: {  	s20 =	spop (v2sf);
	p1 =	por $0x1, $0x1;
	s19 =	simm.s32 $0x0;
	vm0 =	vge.s32 v6, v5  }
.LBB2_146:
0x40e: {  	v6 =	vld [tilespmem:s23+$0x0];
	p5 =	sne.s32 s22, $0x1;
	s22 =	sadd.s32 $0xFFFFFFFF, s22;
	v8 =	vsel vm0, $0x1, v0;
	s19 =	sadd.s32 s19, s20  }
.Ltmp79:
0x40f: {  	(xrf0) =	vadd.scan.msk.s32 $0xffff, v8;
	v7, _, _ =	vpop (xrf0);
	(pc) =	sbr.rel @p5 .LBB2_146-.Ltmp79, $2  }
0x410: {  	(v2sf) =	vpush v7, $0xF;
	_ =	sdelay $0x3  }
0x411: {  	s23 =	sadd.s32 $0x10, s23;
	vm0 =	vge.s32 v6, v5;
	s20 =	spop (v2sf)  }
0x412: {  	_ = 	snop  }
.LBB2_148:
0x413: {  	v5 =	vsel vm0, $0x1, v0  }
0x414: {  	(xrf0) =	vadd.scan.msk.s32 $0xffff, v5;
	_ =	sdelay $0x2  }
0x415: {  	v5, _, _ =	vpop @p2 (xrf0)  }
0x416: {  	(v2sf) =	vpush @p2 v5, $0xF;
	_ =	sdelay $0x1  }
0x417: {  	v5, _, _ =	vpop (xrf0)  }
0x418: {  	(v2sf) =	vpush v5, $0xF;
	_ =	sdelay $0x7  }
0x419: {  	s22 =	spop @p4 (v2sf);
	s19 =	sadd.s32 @p1 s19, s20;
	s20 =	simm.s32 $0x0  }
0x41a: {  	s22 =	smov.u32 @p4 s22;
	s20 =	smov.u32 @p1 s19  }
0x41b: {  	s19 =	sadd.s32 @p4 s20, s22;
	s22 =	simm.s32 $0x0;
	s20 =	spop @p3 (v2sf)  }
0x41c: {  	s22 =	smov.u32 @p4 s19;
	s20 =	smov.u32 @p3 s20  }
0x41d: {  	s19 =	sadd.s32 @p3 s22, s20;
	s22 =	simm.s32 $0x0;
	s20 =	spop @p2 (v2sf)  }
0x41e: {  	s22 =	smov.u32 @p3 s19;
	s20 =	smov.u32 @p2 s20  }
0x41f: {  	s19 =	sadd.s32 @p2 s22, s20  }
0x420: {  	s18 =	smov.u32 @p2 s19;
	s30 =	spop (v2sf)  }
0x421: {  	s19 =	simm.s32 $0x19700;
	s18 =	sadd.s32 s18, s30  }
0x422: {  	v6 =	vld [tilespmem:s19+$0x0];
	p1 =	sgt.s32 s18, $0x3F  }
.Ltmp80:
0x423: {  	s17 =	smov.u32 @p1 s21;
	(pc) =	sbr.rel @!p0 .LBB2_149-.Ltmp80, $4  }
0x424: {  	s21 =	sor.u32 $0x100000, s17  }
0x425: {  	s31 =	sxor.u32 $0x80000000, s21  }
0x426: {  	p4 =	por $0x0, $0x0;
	p3 =	por $0x0, $0x0;
	s20 =	simm.s32 $0x19710;
	v5 =	vmov s31  }
0x427: {  	p2 =	por $0x0, $0x0;
	s18 =	simm.s32 $0x0;
	p1 =	por $0x0, $0x0;
	vm0 =	vge.s32 v6, v5  }
0x428: {  	v6 =	vld [tilespmem:s20+$0x0];
	p5 =	sne.s32 s16, $0x1  }
.Ltmp81:
0x429: {  	_ = 	snop;
	(pc) =	sbr.rel @!p5 .LBB2_151-.Ltmp81, $3  }
0x42a: {  	_ =	sdelay $0x1  }
0x42b: {  	v7 =	vsel vm0, $0x1, v0  }
0x42c: {  	s22 =	sadd.s32 $0xFFFFFFFF, s16;
	s23 =	simm.s32 $0x19720;
	p2 =	por $0x1, $0x1;
	(xrf0) =	vadd.scan.msk.s32 $0xffff, v7;
	vm0 =	vge.s32 v6, v5  }
0x42d: {  	_ = 	snop  }
0x42e: {  	v6 =	vld [tilespmem:s23+$0x0];
	p5 =	sne.s32 s22, $0x1  }
.Ltmp82:
0x42f: {  	_ = 	snop;
	(pc) =	sbr.rel @!p5 .LBB2_153-.Ltmp82, $3  }
0x430: {  	_ =	sdelay $0x1  }
0x431: {  	v7 =	vsel vm0, $0x1, v0;
	v8, _, _ =	vpop (xrf0)  }
0x432: {  	s22 =	sadd.s32 $0xFFFFFFFF, s22;
	s23 =	simm.s32 $0x19730;
	p3 =	por $0x1, $0x1;
	(xrf0) =	vadd.scan.msk.s32 $0xffff, v7;
	vm0 =	vge.s32 v6, v5;
	(v2sf) =	vpush v8, $0xF  }
0x433: {  	_ =	sdelay $0x4  }
0x434: {  	v8, _, _ =	vpop (xrf0)  }
0x435: {  	(v2sf) =	vpush v8, $0xF;
	_ =	sdelay $0x3  }
0x436: {  	v6 =	vld [tilespmem:s23+$0x0];
	p5 =	sne.s32 s22, $0x1  }
.Ltmp83:
0x437: {  	_ = 	snop;
	(pc) =	sbr.rel @!p5 .LBB2_155-.Ltmp83, $3  }
0x438: {  	_ =	sdelay $0x1  }
0x439: {  	v7 =	vsel vm0, $0x1, v0  }
0x43a: {  	s22 =	sadd.s32 $0xFFFFFFFF, s22;
	s23 =	simm.s32 $0x19740;
	p4 =	por $0x1, $0x1;
	(xrf0) =	vadd.scan.msk.s32 $0xffff, v7;
	vm0 =	vge.s32 v6, v5  }
0x43b: {  	_ =	sdelay $0x4  }
0x43c: {  	v8, _, _ =	vpop (xrf0)  }
0x43d: {  	(v2sf) =	vpush v8, $0xF;
	_ =	sdelay $0x2  }
0x43e: {  	v6 =	vld [tilespmem:s23+$0x0];
	p6 =	sne.s32 s22, $0x1;
	v7 =	vsel vm0, $0x1, v0  }
.Ltmp84:
0x43f: {  	(xrf0) =	vadd.scan.msk.s32 $0xffff, v7;
	(pc) =	sbr.rel @!p6 .LBB2_157-.Ltmp84, $3  }
0x440: {  	_ =	sdelay $0x1  }
0x441: {  	s24 =	sadd.s32 $0xFFFFFFFF, s22;
	s25 =	simm.s32 $0x19750  }
0x442: {  	s23 =	spop (v2sf);
	p5 =	por $0x1, $0x1;
	s22 =	simm.s32 $0x0;
	vm0 =	vge.s32 v6, v5  }
.LBB2_158:
0x443: {  	v6 =	vld [tilespmem:s25+$0x0];
	p6 =	sne.s32 s24, $0x1;
	s24 =	sadd.s32 $0xFFFFFFFF, s24;
	v8 =	vsel vm0, $0x1, v0;
	s22 =	sadd.s32 s22, s23  }
.Ltmp85:
0x444: {  	(xrf0) =	vadd.scan.msk.s32 $0xffff, v8;
	v7, _, _ =	vpop (xrf0);
	(pc) =	sbr.rel @p6 .LBB2_158-.Ltmp85, $2  }
0x445: {  	(v2sf) =	vpush v7, $0xF;
	_ =	sdelay $0x3  }
0x446: {  	s25 =	sadd.s32 $0x10, s25;
	vm0 =	vge.s32 v6, v5;
	s23 =	spop (v2sf)  }
0x447: {  	_ = 	snop  }
.LBB2_160:
0x448: {  	v5 =	vsel vm0, $0x1, v0  }
0x449: {  	(xrf0) =	vadd.scan.msk.s32 $0xffff, v5;
	_ =	sdelay $0x2  }
0x44a: {  	v5, _, _ =	vpop @p2 (xrf0)  }
0x44b: {  	(v2sf) =	vpush @p2 v5, $0xF;
	_ =	sdelay $0x1  }
0x44c: {  	v5, _, _ =	vpop (xrf0)  }
0x44d: {  	(v2sf) =	vpush v5, $0xF;
	_ =	sdelay $0x7  }
0x44e: {  	s24 =	spop @p4 (v2sf);
	s22 =	sadd.s32 @p5 s22, s23;
	s23 =	simm.s32 $0x0  }
0x44f: {  	s24 =	smov.u32 @p4 s24;
	s23 =	smov.u32 @p5 s22  }
0x450: {  	s22 =	sadd.s32 @p4 s23, s24;
	s24 =	simm.s32 $0x0;
	s23 =	spop @p3 (v2sf)  }
0x451: {  	s24 =	smov.u32 @p4 s22;
	s23 =	smov.u32 @p3 s23  }
0x452: {  	s22 =	sadd.s32 @p3 s24, s23;
	s24 =	simm.s32 $0x0;
	s23 =	spop @p2 (v2sf)  }
0x453: {  	s24 =	smov.u32 @p3 s22;
	s23 =	smov.u32 @p2 s23  }
0x454: {  	s22 =	sadd.s32 @p2 s24, s23;
	s23 =	simm.s32 $0x0  }
0x455: {  	s23 =	smov.u32 @p2 s22;
	s30 =	spop (v2sf)  }
0x456: {  	s22 =	sadd.s32 s23, s30  }
0x457: {  	v6 =	vld [tilespmem:s19+$0x0];
	p2 =	sgt.s32 s22, $0x3F  }
.Ltmp86:
0x458: {  	s17 =	smov.u32 @p2 s21;
	(pc) =	sbr.rel @!p0 .LBB2_161-.Ltmp86, $4  }
0x459: {  	s21 =	sor.u32 $0x80000, s17  }
0x45a: {  	s31 =	sxor.u32 $0x80000000, s21  }
0x45b: {  	v5 =	vmov s31  }
0x45c: {  	vm0 =	vge.s32 v6, v5  }
0x45d: {  	v6 =	vld [tilespmem:s20+$0x0];
	p3 =	sne.s32 s16, $0x1  }
.Ltmp87:
0x45e: {  	_ = 	snop;
	(pc) =	sbr.rel @!p3 .LBB2_163-.Ltmp87, $3  }
0x45f: {  	_ =	sdelay $0x1  }
0x460: {  	v7 =	vsel vm0, $0x1, v0  }
0x461: {  	s19 =	sadd.s32 $0xFFFFFFFF, s16;
	s20 =	simm.s32 $0x19720;
	p2 =	por $0x1, $0x1;
	(xrf0) =	vadd.scan.msk.s32 $0xffff, v7;
	vm0 =	vge.s32 v6, v5  }
0x462: {  	_ = 	snop  }
0x463: {  	v6 =	vld [tilespmem:s20+$0x0];
	p4 =	sne.s32 s19, $0x1  }
.Ltmp88:
0x464: {  	_ = 	snop;
	(pc) =	sbr.rel @!p4 .LBB2_165-.Ltmp88, $3  }
0x465: {  	_ =	sdelay $0x1  }
0x466: {  	v7 =	vsel vm0, $0x1, v0;
	v8, _, _ =	vpop (xrf0)  }
0x467: {  	s19 =	sadd.s32 $0xFFFFFFFF, s19;
	s20 =	simm.s32 $0x19730;
	p3 =	por $0x1, $0x1;
	(xrf0) =	vadd.scan.msk.s32 $0xffff, v7;
	vm0 =	vge.s32 v6, v5;
	(v2sf) =	vpush v8, $0xF  }
0x468: {  	_ =	sdelay $0x4  }
0x469: {  	v8, _, _ =	vpop (xrf0)  }
0x46a: {  	(v2sf) =	vpush v8, $0xF;
	_ =	sdelay $0x3  }
0x46b: {  	v6 =	vld [tilespmem:s20+$0x0];
	p5 =	sne.s32 s19, $0x1  }
.Ltmp89:
0x46c: {  	_ = 	snop;
	(pc) =	sbr.rel @!p5 .LBB2_167-.Ltmp89, $3  }
0x46d: {  	_ =	sdelay $0x1  }
0x46e: {  	v7 =	vsel vm0, $0x1, v0  }
0x46f: {  	s19 =	sadd.s32 $0xFFFFFFFF, s19;
	s20 =	simm.s32 $0x19740;
	p4 =	por $0x1, $0x1;
	(xrf0) =	vadd.scan.msk.s32 $0xffff, v7;
	vm0 =	vge.s32 v6, v5  }
0x470: {  	_ =	sdelay $0x4  }
0x471: {  	v8, _, _ =	vpop (xrf0)  }
0x472: {  	(v2sf) =	vpush v8, $0xF;
	_ =	sdelay $0x2  }
0x473: {  	v6 =	vld [tilespmem:s20+$0x0];
	p5 =	sne.s32 s19, $0x1;
	v7 =	vsel vm0, $0x1, v0  }
.Ltmp90:
0x474: {  	(xrf0) =	vadd.scan.msk.s32 $0xffff, v7;
	(pc) =	sbr.rel @!p5 .LBB2_169-.Ltmp90, $3  }
0x475: {  	_ =	sdelay $0x1  }
0x476: {  	s22 =	sadd.s32 $0xFFFFFFFF, s19;
	s23 =	simm.s32 $0x19750  }
0x477: {  	s20 =	spop (v2sf);
	p1 =	por $0x1, $0x1;
	s19 =	simm.s32 $0x0;
	vm0 =	vge.s32 v6, v5  }
.LBB2_170:
0x478: {  	v6 =	vld [tilespmem:s23+$0x0];
	p5 =	sne.s32 s22, $0x1;
	s22 =	sadd.s32 $0xFFFFFFFF, s22;
	v8 =	vsel vm0, $0x1, v0;
	s19 =	sadd.s32 s19, s20  }
.Ltmp91:
0x479: {  	(xrf0) =	vadd.scan.msk.s32 $0xffff, v8;
	v7, _, _ =	vpop (xrf0);
	(pc) =	sbr.rel @p5 .LBB2_170-.Ltmp91, $2  }
0x47a: {  	(v2sf) =	vpush v7, $0xF;
	_ =	sdelay $0x3  }
0x47b: {  	s23 =	sadd.s32 $0x10, s23;
	vm0 =	vge.s32 v6, v5;
	s20 =	spop (v2sf)  }
0x47c: {  	_ = 	snop  }
.LBB2_172:
0x47d: {  	v5 =	vsel vm0, $0x1, v0  }
0x47e: {  	(xrf0) =	vadd.scan.msk.s32 $0xffff, v5;
	_ =	sdelay $0x2  }
0x47f: {  	v5, _, _ =	vpop @p2 (xrf0)  }
0x480: {  	(v2sf) =	vpush @p2 v5, $0xF;
	_ =	sdelay $0x1  }
0x481: {  	v5, _, _ =	vpop (xrf0)  }
0x482: {  	(v2sf) =	vpush v5, $0xF;
	_ =	sdelay $0x7  }
0x483: {  	s22 =	spop @p4 (v2sf);
	s19 =	sadd.s32 @p1 s19, s20;
	s20 =	simm.s32 $0x0  }
0x484: {  	s22 =	smov.u32 @p4 s22;
	s20 =	smov.u32 @p1 s19  }
0x485: {  	s19 =	sadd.s32 @p4 s20, s22;
	s22 =	simm.s32 $0x0;
	s20 =	spop @p3 (v2sf)  }
0x486: {  	s22 =	smov.u32 @p4 s19;
	s20 =	smov.u32 @p3 s20  }
0x487: {  	s19 =	sadd.s32 @p3 s22, s20;
	s22 =	simm.s32 $0x0;
	s20 =	spop @p2 (v2sf)  }
0x488: {  	s22 =	smov.u32 @p3 s19;
	s20 =	smov.u32 @p2 s20  }
0x489: {  	s19 =	sadd.s32 @p2 s22, s20  }
0x48a: {  	s18 =	smov.u32 @p2 s19;
	s30 =	spop (v2sf)  }
0x48b: {  	s19 =	simm.s32 $0x19700;
	s18 =	sadd.s32 s18, s30  }
0x48c: {  	v6 =	vld [tilespmem:s19+$0x0];
	p1 =	sgt.s32 s18, $0x3F  }
.Ltmp92:
0x48d: {  	s17 =	smov.u32 @p1 s21;
	(pc) =	sbr.rel @!p0 .LBB2_173-.Ltmp92, $4  }
0x48e: {  	s21 =	sor.u32 $0x40000, s17  }
0x48f: {  	s31 =	sxor.u32 $0x80000000, s21  }
0x490: {  	p4 =	por $0x0, $0x0;
	p3 =	por $0x0, $0x0;
	s20 =	simm.s32 $0x19710;
	v5 =	vmov s31  }
0x491: {  	p2 =	por $0x0, $0x0;
	s18 =	simm.s32 $0x0;
	p1 =	por $0x0, $0x0;
	vm0 =	vge.s32 v6, v5  }
0x492: {  	v6 =	vld [tilespmem:s20+$0x0];
	p5 =	sne.s32 s16, $0x1  }
.Ltmp93:
0x493: {  	_ = 	snop;
	(pc) =	sbr.rel @!p5 .LBB2_175-.Ltmp93, $3  }
0x494: {  	_ =	sdelay $0x1  }
0x495: {  	v7 =	vsel vm0, $0x1, v0  }
0x496: {  	s22 =	sadd.s32 $0xFFFFFFFF, s16;
	s23 =	simm.s32 $0x19720;
	p2 =	por $0x1, $0x1;
	(xrf0) =	vadd.scan.msk.s32 $0xffff, v7;
	vm0 =	vge.s32 v6, v5  }
0x497: {  	_ = 	snop  }
0x498: {  	v6 =	vld [tilespmem:s23+$0x0];
	p5 =	sne.s32 s22, $0x1  }
.Ltmp94:
0x499: {  	_ = 	snop;
	(pc) =	sbr.rel @!p5 .LBB2_177-.Ltmp94, $3  }
0x49a: {  	_ =	sdelay $0x1  }
0x49b: {  	v7 =	vsel vm0, $0x1, v0;
	v8, _, _ =	vpop (xrf0)  }
0x49c: {  	s22 =	sadd.s32 $0xFFFFFFFF, s22;
	s23 =	simm.s32 $0x19730;
	p3 =	por $0x1, $0x1;
	(xrf0) =	vadd.scan.msk.s32 $0xffff, v7;
	vm0 =	vge.s32 v6, v5;
	(v2sf) =	vpush v8, $0xF  }
0x49d: {  	_ =	sdelay $0x4  }
0x49e: {  	v8, _, _ =	vpop (xrf0)  }
0x49f: {  	(v2sf) =	vpush v8, $0xF;
	_ =	sdelay $0x3  }
0x4a0: {  	v6 =	vld [tilespmem:s23+$0x0];
	p5 =	sne.s32 s22, $0x1  }
.Ltmp95:
0x4a1: {  	_ = 	snop;
	(pc) =	sbr.rel @!p5 .LBB2_179-.Ltmp95, $3  }
0x4a2: {  	_ =	sdelay $0x1  }
0x4a3: {  	v7 =	vsel vm0, $0x1, v0  }
0x4a4: {  	s22 =	sadd.s32 $0xFFFFFFFF, s22;
	s23 =	simm.s32 $0x19740;
	p4 =	por $0x1, $0x1;
	(xrf0) =	vadd.scan.msk.s32 $0xffff, v7;
	vm0 =	vge.s32 v6, v5  }
0x4a5: {  	_ =	sdelay $0x4  }
0x4a6: {  	v8, _, _ =	vpop (xrf0)  }
0x4a7: {  	(v2sf) =	vpush v8, $0xF;
	_ =	sdelay $0x2  }
0x4a8: {  	v6 =	vld [tilespmem:s23+$0x0];
	p6 =	sne.s32 s22, $0x1;
	v7 =	vsel vm0, $0x1, v0  }
.Ltmp96:
0x4a9: {  	(xrf0) =	vadd.scan.msk.s32 $0xffff, v7;
	(pc) =	sbr.rel @!p6 .LBB2_181-.Ltmp96, $3  }
0x4aa: {  	_ =	sdelay $0x1  }
0x4ab: {  	s24 =	sadd.s32 $0xFFFFFFFF, s22;
	s25 =	simm.s32 $0x19750  }
0x4ac: {  	s23 =	spop (v2sf);
	p5 =	por $0x1, $0x1;
	s22 =	simm.s32 $0x0;
	vm0 =	vge.s32 v6, v5  }
.LBB2_182:
0x4ad: {  	v6 =	vld [tilespmem:s25+$0x0];
	p6 =	sne.s32 s24, $0x1;
	s24 =	sadd.s32 $0xFFFFFFFF, s24;
	v8 =	vsel vm0, $0x1, v0;
	s22 =	sadd.s32 s22, s23  }
.Ltmp97:
0x4ae: {  	(xrf0) =	vadd.scan.msk.s32 $0xffff, v8;
	v7, _, _ =	vpop (xrf0);
	(pc) =	sbr.rel @p6 .LBB2_182-.Ltmp97, $2  }
0x4af: {  	(v2sf) =	vpush v7, $0xF;
	_ =	sdelay $0x3  }
0x4b0: {  	s25 =	sadd.s32 $0x10, s25;
	vm0 =	vge.s32 v6, v5;
	s23 =	spop (v2sf)  }
0x4b1: {  	_ = 	snop  }
.LBB2_184:
0x4b2: {  	v5 =	vsel vm0, $0x1, v0  }
0x4b3: {  	(xrf0) =	vadd.scan.msk.s32 $0xffff, v5;
	_ =	sdelay $0x2  }
0x4b4: {  	v5, _, _ =	vpop @p2 (xrf0)  }
0x4b5: {  	(v2sf) =	vpush @p2 v5, $0xF;
	_ =	sdelay $0x1  }
0x4b6: {  	v5, _, _ =	vpop (xrf0)  }
0x4b7: {  	(v2sf) =	vpush v5, $0xF;
	_ =	sdelay $0x7  }
0x4b8: {  	s24 =	spop @p4 (v2sf);
	s22 =	sadd.s32 @p5 s22, s23;
	s23 =	simm.s32 $0x0  }
0x4b9: {  	s24 =	smov.u32 @p4 s24;
	s23 =	smov.u32 @p5 s22  }
0x4ba: {  	s22 =	sadd.s32 @p4 s23, s24;
	s24 =	simm.s32 $0x0;
	s23 =	spop @p3 (v2sf)  }
0x4bb: {  	s24 =	smov.u32 @p4 s22;
	s23 =	smov.u32 @p3 s23  }
0x4bc: {  	s22 =	sadd.s32 @p3 s24, s23;
	s24 =	simm.s32 $0x0;
	s23 =	spop @p2 (v2sf)  }
0x4bd: {  	s24 =	smov.u32 @p3 s22;
	s23 =	smov.u32 @p2 s23  }
0x4be: {  	s22 =	sadd.s32 @p2 s24, s23;
	s23 =	simm.s32 $0x0  }
0x4bf: {  	s23 =	smov.u32 @p2 s22;
	s30 =	spop (v2sf)  }
0x4c0: {  	s22 =	sadd.s32 s23, s30  }
0x4c1: {  	v6 =	vld [tilespmem:s19+$0x0];
	p2 =	sgt.s32 s22, $0x3F  }
.Ltmp98:
0x4c2: {  	s17 =	smov.u32 @p2 s21;
	(pc) =	sbr.rel @!p0 .LBB2_185-.Ltmp98, $4  }
0x4c3: {  	s21 =	sor.u32 $0x20000, s17  }
0x4c4: {  	s31 =	sxor.u32 $0x80000000, s21  }
0x4c5: {  	v5 =	vmov s31  }
0x4c6: {  	vm0 =	vge.s32 v6, v5  }
0x4c7: {  	v6 =	vld [tilespmem:s20+$0x0];
	p3 =	sne.s32 s16, $0x1  }
.Ltmp99:
0x4c8: {  	_ = 	snop;
	(pc) =	sbr.rel @!p3 .LBB2_187-.Ltmp99, $3  }
0x4c9: {  	_ =	sdelay $0x1  }
0x4ca: {  	v7 =	vsel vm0, $0x1, v0  }
0x4cb: {  	s19 =	sadd.s32 $0xFFFFFFFF, s16;
	s20 =	simm.s32 $0x19720;
	p2 =	por $0x1, $0x1;
	(xrf0) =	vadd.scan.msk.s32 $0xffff, v7;
	vm0 =	vge.s32 v6, v5  }
0x4cc: {  	_ = 	snop  }
0x4cd: {  	v6 =	vld [tilespmem:s20+$0x0];
	p4 =	sne.s32 s19, $0x1  }
.Ltmp100:
0x4ce: {  	_ = 	snop;
	(pc) =	sbr.rel @!p4 .LBB2_189-.Ltmp100, $3  }
0x4cf: {  	_ =	sdelay $0x1  }
0x4d0: {  	v7 =	vsel vm0, $0x1, v0;
	v8, _, _ =	vpop (xrf0)  }
0x4d1: {  	s19 =	sadd.s32 $0xFFFFFFFF, s19;
	s20 =	simm.s32 $0x19730;
	p3 =	por $0x1, $0x1;
	(xrf0) =	vadd.scan.msk.s32 $0xffff, v7;
	vm0 =	vge.s32 v6, v5;
	(v2sf) =	vpush v8, $0xF  }
0x4d2: {  	_ =	sdelay $0x4  }
0x4d3: {  	v8, _, _ =	vpop (xrf0)  }
0x4d4: {  	(v2sf) =	vpush v8, $0xF;
	_ =	sdelay $0x3  }
0x4d5: {  	v6 =	vld [tilespmem:s20+$0x0];
	p5 =	sne.s32 s19, $0x1  }
.Ltmp101:
0x4d6: {  	_ = 	snop;
	(pc) =	sbr.rel @!p5 .LBB2_191-.Ltmp101, $3  }
0x4d7: {  	_ =	sdelay $0x1  }
0x4d8: {  	v7 =	vsel vm0, $0x1, v0  }
0x4d9: {  	s19 =	sadd.s32 $0xFFFFFFFF, s19;
	s20 =	simm.s32 $0x19740;
	p4 =	por $0x1, $0x1;
	(xrf0) =	vadd.scan.msk.s32 $0xffff, v7;
	vm0 =	vge.s32 v6, v5  }
0x4da: {  	_ =	sdelay $0x4  }
0x4db: {  	v8, _, _ =	vpop (xrf0)  }
0x4dc: {  	(v2sf) =	vpush v8, $0xF;
	_ =	sdelay $0x2  }
0x4dd: {  	v6 =	vld [tilespmem:s20+$0x0];
	p5 =	sne.s32 s19, $0x1;
	v7 =	vsel vm0, $0x1, v0  }
.Ltmp102:
0x4de: {  	(xrf0) =	vadd.scan.msk.s32 $0xffff, v7;
	(pc) =	sbr.rel @!p5 .LBB2_193-.Ltmp102, $3  }
0x4df: {  	_ =	sdelay $0x1  }
0x4e0: {  	s22 =	sadd.s32 $0xFFFFFFFF, s19;
	s23 =	simm.s32 $0x19750  }
0x4e1: {  	s20 =	spop (v2sf);
	p1 =	por $0x1, $0x1;
	s19 =	simm.s32 $0x0;
	vm0 =	vge.s32 v6, v5  }
.LBB2_194:
0x4e2: {  	v6 =	vld [tilespmem:s23+$0x0];
	p5 =	sne.s32 s22, $0x1;
	s22 =	sadd.s32 $0xFFFFFFFF, s22;
	v8 =	vsel vm0, $0x1, v0;
	s19 =	sadd.s32 s19, s20  }
.Ltmp103:
0x4e3: {  	(xrf0) =	vadd.scan.msk.s32 $0xffff, v8;
	v7, _, _ =	vpop (xrf0);
	(pc) =	sbr.rel @p5 .LBB2_194-.Ltmp103, $2  }
0x4e4: {  	(v2sf) =	vpush v7, $0xF;
	_ =	sdelay $0x3  }
0x4e5: {  	s23 =	sadd.s32 $0x10, s23;
	vm0 =	vge.s32 v6, v5;
	s20 =	spop (v2sf)  }
0x4e6: {  	_ = 	snop  }
.LBB2_196:
0x4e7: {  	v5 =	vsel vm0, $0x1, v0  }
0x4e8: {  	(xrf0) =	vadd.scan.msk.s32 $0xffff, v5;
	_ =	sdelay $0x2  }
0x4e9: {  	v5, _, _ =	vpop @p2 (xrf0)  }
0x4ea: {  	(v2sf) =	vpush @p2 v5, $0xF;
	_ =	sdelay $0x1  }
0x4eb: {  	v5, _, _ =	vpop (xrf0)  }
0x4ec: {  	(v2sf) =	vpush v5, $0xF;
	_ =	sdelay $0x7  }
0x4ed: {  	s22 =	spop @p4 (v2sf);
	s19 =	sadd.s32 @p1 s19, s20;
	s20 =	simm.s32 $0x0  }
0x4ee: {  	s22 =	smov.u32 @p4 s22;
	s20 =	smov.u32 @p1 s19  }
0x4ef: {  	s19 =	sadd.s32 @p4 s20, s22;
	s22 =	simm.s32 $0x0;
	s20 =	spop @p3 (v2sf)  }
0x4f0: {  	s22 =	smov.u32 @p4 s19;
	s20 =	smov.u32 @p3 s20  }
0x4f1: {  	s19 =	sadd.s32 @p3 s22, s20;
	s22 =	simm.s32 $0x0;
	s20 =	spop @p2 (v2sf)  }
0x4f2: {  	s22 =	smov.u32 @p3 s19;
	s20 =	smov.u32 @p2 s20  }
0x4f3: {  	s19 =	sadd.s32 @p2 s22, s20  }
0x4f4: {  	s18 =	smov.u32 @p2 s19;
	s30 =	spop (v2sf)  }
0x4f5: {  	s19 =	simm.s32 $0x19700;
	s18 =	sadd.s32 s18, s30  }
0x4f6: {  	v6 =	vld [tilespmem:s19+$0x0];
	p1 =	sgt.s32 s18, $0x3F  }
.Ltmp104:
0x4f7: {  	s17 =	smov.u32 @p1 s21;
	(pc) =	sbr.rel @!p0 .LBB2_197-.Ltmp104, $4  }
0x4f8: {  	s21 =	sor.u32 $0x10000, s17  }
0x4f9: {  	s31 =	sxor.u32 $0x80000000, s21  }
0x4fa: {  	p4 =	por $0x0, $0x0;
	p3 =	por $0x0, $0x0;
	s20 =	simm.s32 $0x19710;
	v5 =	vmov s31  }
0x4fb: {  	p2 =	por $0x0, $0x0;
	s18 =	simm.s32 $0x0;
	p1 =	por $0x0, $0x0;
	vm0 =	vge.s32 v6, v5  }
0x4fc: {  	v6 =	vld [tilespmem:s20+$0x0];
	p5 =	sne.s32 s16, $0x1  }
.Ltmp105:
0x4fd: {  	_ = 	snop;
	(pc) =	sbr.rel @!p5 .LBB2_199-.Ltmp105, $3  }
0x4fe: {  	_ =	sdelay $0x1  }
0x4ff: {  	v7 =	vsel vm0, $0x1, v0  }
0x500: {  	s22 =	sadd.s32 $0xFFFFFFFF, s16;
	s23 =	simm.s32 $0x19720;
	p2 =	por $0x1, $0x1;
	(xrf0) =	vadd.scan.msk.s32 $0xffff, v7;
	vm0 =	vge.s32 v6, v5  }
0x501: {  	_ = 	snop  }
0x502: {  	v6 =	vld [tilespmem:s23+$0x0];
	p5 =	sne.s32 s22, $0x1  }
.Ltmp106:
0x503: {  	_ = 	snop;
	(pc) =	sbr.rel @!p5 .LBB2_201-.Ltmp106, $3  }
0x504: {  	_ =	sdelay $0x1  }
0x505: {  	v7 =	vsel vm0, $0x1, v0;
	v8, _, _ =	vpop (xrf0)  }
0x506: {  	s22 =	sadd.s32 $0xFFFFFFFF, s22;
	s23 =	simm.s32 $0x19730;
	p3 =	por $0x1, $0x1;
	(xrf0) =	vadd.scan.msk.s32 $0xffff, v7;
	vm0 =	vge.s32 v6, v5;
	(v2sf) =	vpush v8, $0xF  }
0x507: {  	_ =	sdelay $0x4  }
0x508: {  	v8, _, _ =	vpop (xrf0)  }
0x509: {  	(v2sf) =	vpush v8, $0xF;
	_ =	sdelay $0x3  }
0x50a: {  	v6 =	vld [tilespmem:s23+$0x0];
	p5 =	sne.s32 s22, $0x1  }
.Ltmp107:
0x50b: {  	_ = 	snop;
	(pc) =	sbr.rel @!p5 .LBB2_203-.Ltmp107, $3  }
0x50c: {  	_ =	sdelay $0x1  }
0x50d: {  	v7 =	vsel vm0, $0x1, v0  }
0x50e: {  	s22 =	sadd.s32 $0xFFFFFFFF, s22;
	s23 =	simm.s32 $0x19740;
	p4 =	por $0x1, $0x1;
	(xrf0) =	vadd.scan.msk.s32 $0xffff, v7;
	vm0 =	vge.s32 v6, v5  }
0x50f: {  	_ =	sdelay $0x4  }
0x510: {  	v8, _, _ =	vpop (xrf0)  }
0x511: {  	(v2sf) =	vpush v8, $0xF;
	_ =	sdelay $0x2  }
0x512: {  	v6 =	vld [tilespmem:s23+$0x0];
	p6 =	sne.s32 s22, $0x1;
	v7 =	vsel vm0, $0x1, v0  }
.Ltmp108:
0x513: {  	(xrf0) =	vadd.scan.msk.s32 $0xffff, v7;
	(pc) =	sbr.rel @!p6 .LBB2_205-.Ltmp108, $3  }
0x514: {  	_ =	sdelay $0x1  }
0x515: {  	s24 =	sadd.s32 $0xFFFFFFFF, s22;
	s25 =	simm.s32 $0x19750  }
0x516: {  	s23 =	spop (v2sf);
	p5 =	por $0x1, $0x1;
	s22 =	simm.s32 $0x0;
	vm0 =	vge.s32 v6, v5  }
.LBB2_206:
0x517: {  	v6 =	vld [tilespmem:s25+$0x0];
	p6 =	sne.s32 s24, $0x1;
	s24 =	sadd.s32 $0xFFFFFFFF, s24;
	v8 =	vsel vm0, $0x1, v0;
	s22 =	sadd.s32 s22, s23  }
.Ltmp109:
0x518: {  	(xrf0) =	vadd.scan.msk.s32 $0xffff, v8;
	v7, _, _ =	vpop (xrf0);
	(pc) =	sbr.rel @p6 .LBB2_206-.Ltmp109, $2  }
0x519: {  	(v2sf) =	vpush v7, $0xF;
	_ =	sdelay $0x3  }
0x51a: {  	s25 =	sadd.s32 $0x10, s25;
	vm0 =	vge.s32 v6, v5;
	s23 =	spop (v2sf)  }
0x51b: {  	_ = 	snop  }
.LBB2_208:
0x51c: {  	v5 =	vsel vm0, $0x1, v0  }
0x51d: {  	(xrf0) =	vadd.scan.msk.s32 $0xffff, v5;
	_ =	sdelay $0x2  }
0x51e: {  	v5, _, _ =	vpop @p2 (xrf0)  }
0x51f: {  	(v2sf) =	vpush @p2 v5, $0xF;
	_ =	sdelay $0x1  }
0x520: {  	v5, _, _ =	vpop (xrf0)  }
0x521: {  	(v2sf) =	vpush v5, $0xF;
	_ =	sdelay $0x7  }
0x522: {  	s24 =	spop @p4 (v2sf);
	s22 =	sadd.s32 @p5 s22, s23;
	s23 =	simm.s32 $0x0  }
0x523: {  	s24 =	smov.u32 @p4 s24;
	s23 =	smov.u32 @p5 s22  }
0x524: {  	s22 =	sadd.s32 @p4 s23, s24;
	s24 =	simm.s32 $0x0;
	s23 =	spop @p3 (v2sf)  }
0x525: {  	s24 =	smov.u32 @p4 s22;
	s23 =	smov.u32 @p3 s23  }
0x526: {  	s22 =	sadd.s32 @p3 s24, s23;
	s24 =	simm.s32 $0x0;
	s23 =	spop @p2 (v2sf)  }
0x527: {  	s24 =	smov.u32 @p3 s22;
	s23 =	smov.u32 @p2 s23  }
0x528: {  	s22 =	sadd.s32 @p2 s24, s23;
	s23 =	simm.s32 $0x0  }
0x529: {  	s23 =	smov.u32 @p2 s22;
	s30 =	spop (v2sf)  }
0x52a: {  	s22 =	sadd.s32 s23, s30  }
0x52b: {  	v6 =	vld [tilespmem:s19+$0x0];
	p2 =	sgt.s32 s22, $0x3F  }
.Ltmp110:
0x52c: {  	s17 =	smov.u32 @p2 s21;
	(pc) =	sbr.rel @!p0 .LBB2_209-.Ltmp110, $4  }
0x52d: {  	s21 =	sor.u32 $0x8000, s17  }
0x52e: {  	s31 =	sxor.u32 $0x80000000, s21  }
0x52f: {  	v5 =	vmov s31  }
0x530: {  	vm0 =	vge.s32 v6, v5  }
0x531: {  	v6 =	vld [tilespmem:s20+$0x0];
	p3 =	sne.s32 s16, $0x1  }
.Ltmp111:
0x532: {  	_ = 	snop;
	(pc) =	sbr.rel @!p3 .LBB2_211-.Ltmp111, $3  }
0x533: {  	_ =	sdelay $0x1  }
0x534: {  	v7 =	vsel vm0, $0x1, v0  }
0x535: {  	s19 =	sadd.s32 $0xFFFFFFFF, s16;
	s20 =	simm.s32 $0x19720;
	p2 =	por $0x1, $0x1;
	(xrf0) =	vadd.scan.msk.s32 $0xffff, v7;
	vm0 =	vge.s32 v6, v5  }
0x536: {  	_ = 	snop  }
0x537: {  	v6 =	vld [tilespmem:s20+$0x0];
	p4 =	sne.s32 s19, $0x1  }
.Ltmp112:
0x538: {  	_ = 	snop;
	(pc) =	sbr.rel @!p4 .LBB2_213-.Ltmp112, $3  }
0x539: {  	_ =	sdelay $0x1  }
0x53a: {  	v7 =	vsel vm0, $0x1, v0;
	v8, _, _ =	vpop (xrf0)  }
0x53b: {  	s19 =	sadd.s32 $0xFFFFFFFF, s19;
	s20 =	simm.s32 $0x19730;
	p3 =	por $0x1, $0x1;
	(xrf0) =	vadd.scan.msk.s32 $0xffff, v7;
	vm0 =	vge.s32 v6, v5;
	(v2sf) =	vpush v8, $0xF  }
0x53c: {  	_ =	sdelay $0x4  }
0x53d: {  	v8, _, _ =	vpop (xrf0)  }
0x53e: {  	(v2sf) =	vpush v8, $0xF;
	_ =	sdelay $0x3  }
0x53f: {  	v6 =	vld [tilespmem:s20+$0x0];
	p5 =	sne.s32 s19, $0x1  }
.Ltmp113:
0x540: {  	_ = 	snop;
	(pc) =	sbr.rel @!p5 .LBB2_215-.Ltmp113, $3  }
0x541: {  	_ =	sdelay $0x1  }
0x542: {  	v7 =	vsel vm0, $0x1, v0  }
0x543: {  	s19 =	sadd.s32 $0xFFFFFFFF, s19;
	s20 =	simm.s32 $0x19740;
	p4 =	por $0x1, $0x1;
	(xrf0) =	vadd.scan.msk.s32 $0xffff, v7;
	vm0 =	vge.s32 v6, v5  }
0x544: {  	_ =	sdelay $0x4  }
0x545: {  	v8, _, _ =	vpop (xrf0)  }
0x546: {  	(v2sf) =	vpush v8, $0xF;
	_ =	sdelay $0x2  }
0x547: {  	v6 =	vld [tilespmem:s20+$0x0];
	p5 =	sne.s32 s19, $0x1;
	v7 =	vsel vm0, $0x1, v0  }
.Ltmp114:
0x548: {  	(xrf0) =	vadd.scan.msk.s32 $0xffff, v7;
	(pc) =	sbr.rel @!p5 .LBB2_217-.Ltmp114, $3  }
0x549: {  	_ =	sdelay $0x1  }
0x54a: {  	s22 =	sadd.s32 $0xFFFFFFFF, s19;
	s23 =	simm.s32 $0x19750  }
0x54b: {  	s20 =	spop (v2sf);
	p1 =	por $0x1, $0x1;
	s19 =	simm.s32 $0x0;
	vm0 =	vge.s32 v6, v5  }
.LBB2_218:
0x54c: {  	v6 =	vld [tilespmem:s23+$0x0];
	p5 =	sne.s32 s22, $0x1;
	s22 =	sadd.s32 $0xFFFFFFFF, s22;
	v8 =	vsel vm0, $0x1, v0;
	s19 =	sadd.s32 s19, s20  }
.Ltmp115:
0x54d: {  	(xrf0) =	vadd.scan.msk.s32 $0xffff, v8;
	v7, _, _ =	vpop (xrf0);
	(pc) =	sbr.rel @p5 .LBB2_218-.Ltmp115, $2  }
0x54e: {  	(v2sf) =	vpush v7, $0xF;
	_ =	sdelay $0x3  }
0x54f: {  	s23 =	sadd.s32 $0x10, s23;
	vm0 =	vge.s32 v6, v5;
	s20 =	spop (v2sf)  }
0x550: {  	_ = 	snop  }
.LBB2_220:
0x551: {  	v5 =	vsel vm0, $0x1, v0  }
0x552: {  	(xrf0) =	vadd.scan.msk.s32 $0xffff, v5;
	_ =	sdelay $0x2  }
0x553: {  	v5, _, _ =	vpop @p2 (xrf0)  }
0x554: {  	(v2sf) =	vpush @p2 v5, $0xF;
	_ =	sdelay $0x1  }
0x555: {  	v5, _, _ =	vpop (xrf0)  }
0x556: {  	(v2sf) =	vpush v5, $0xF;
	_ =	sdelay $0x7  }
0x557: {  	s22 =	spop @p4 (v2sf);
	s19 =	sadd.s32 @p1 s19, s20;
	s20 =	simm.s32 $0x0  }
0x558: {  	s22 =	smov.u32 @p4 s22;
	s20 =	smov.u32 @p1 s19  }
0x559: {  	s19 =	sadd.s32 @p4 s20, s22;
	s22 =	simm.s32 $0x0;
	s20 =	spop @p3 (v2sf)  }
0x55a: {  	s22 =	smov.u32 @p4 s19;
	s20 =	smov.u32 @p3 s20  }
0x55b: {  	s19 =	sadd.s32 @p3 s22, s20;
	s22 =	simm.s32 $0x0;
	s20 =	spop @p2 (v2sf)  }
0x55c: {  	s22 =	smov.u32 @p3 s19;
	s20 =	smov.u32 @p2 s20  }
0x55d: {  	s19 =	sadd.s32 @p2 s22, s20  }
0x55e: {  	s18 =	smov.u32 @p2 s19;
	s30 =	spop (v2sf)  }
0x55f: {  	s19 =	simm.s32 $0x19700;
	s18 =	sadd.s32 s18, s30  }
0x560: {  	v6 =	vld [tilespmem:s19+$0x0];
	p1 =	sgt.s32 s18, $0x3F  }
.Ltmp116:
0x561: {  	s17 =	smov.u32 @p1 s21;
	(pc) =	sbr.rel @!p0 .LBB2_221-.Ltmp116, $4  }
0x562: {  	s21 =	sor.u32 $0x4000, s17  }
0x563: {  	s31 =	sxor.u32 $0x80000000, s21  }
0x564: {  	p4 =	por $0x0, $0x0;
	p3 =	por $0x0, $0x0;
	s20 =	simm.s32 $0x19710;
	v5 =	vmov s31  }
0x565: {  	p2 =	por $0x0, $0x0;
	s18 =	simm.s32 $0x0;
	p1 =	por $0x0, $0x0;
	vm0 =	vge.s32 v6, v5  }
0x566: {  	v6 =	vld [tilespmem:s20+$0x0];
	p5 =	sne.s32 s16, $0x1  }
.Ltmp117:
0x567: {  	_ = 	snop;
	(pc) =	sbr.rel @!p5 .LBB2_223-.Ltmp117, $3  }
0x568: {  	_ =	sdelay $0x1  }
0x569: {  	v7 =	vsel vm0, $0x1, v0  }
0x56a: {  	s22 =	sadd.s32 $0xFFFFFFFF, s16;
	s23 =	simm.s32 $0x19720;
	p2 =	por $0x1, $0x1;
	(xrf0) =	vadd.scan.msk.s32 $0xffff, v7;
	vm0 =	vge.s32 v6, v5  }
0x56b: {  	_ = 	snop  }
0x56c: {  	v6 =	vld [tilespmem:s23+$0x0];
	p5 =	sne.s32 s22, $0x1  }
.Ltmp118:
0x56d: {  	_ = 	snop;
	(pc) =	sbr.rel @!p5 .LBB2_225-.Ltmp118, $3  }
0x56e: {  	_ =	sdelay $0x1  }
0x56f: {  	v7 =	vsel vm0, $0x1, v0;
	v8, _, _ =	vpop (xrf0)  }
0x570: {  	s22 =	sadd.s32 $0xFFFFFFFF, s22;
	s23 =	simm.s32 $0x19730;
	p3 =	por $0x1, $0x1;
	(xrf0) =	vadd.scan.msk.s32 $0xffff, v7;
	vm0 =	vge.s32 v6, v5;
	(v2sf) =	vpush v8, $0xF  }
0x571: {  	_ =	sdelay $0x4  }
0x572: {  	v8, _, _ =	vpop (xrf0)  }
0x573: {  	(v2sf) =	vpush v8, $0xF;
	_ =	sdelay $0x3  }
0x574: {  	v6 =	vld [tilespmem:s23+$0x0];
	p5 =	sne.s32 s22, $0x1  }
.Ltmp119:
0x575: {  	_ = 	snop;
	(pc) =	sbr.rel @!p5 .LBB2_227-.Ltmp119, $3  }
0x576: {  	_ =	sdelay $0x1  }
0x577: {  	v7 =	vsel vm0, $0x1, v0  }
0x578: {  	s22 =	sadd.s32 $0xFFFFFFFF, s22;
	s23 =	simm.s32 $0x19740;
	p4 =	por $0x1, $0x1;
	(xrf0) =	vadd.scan.msk.s32 $0xffff, v7;
	vm0 =	vge.s32 v6, v5  }
0x579: {  	_ =	sdelay $0x4  }
0x57a: {  	v8, _, _ =	vpop (xrf0)  }
0x57b: {  	(v2sf) =	vpush v8, $0xF;
	_ =	sdelay $0x2  }
0x57c: {  	v6 =	vld [tilespmem:s23+$0x0];
	p6 =	sne.s32 s22, $0x1;
	v7 =	vsel vm0, $0x1, v0  }
.Ltmp120:
0x57d: {  	(xrf0) =	vadd.scan.msk.s32 $0xffff, v7;
	(pc) =	sbr.rel @!p6 .LBB2_229-.Ltmp120, $3  }
0x57e: {  	_ =	sdelay $0x1  }
0x57f: {  	s24 =	sadd.s32 $0xFFFFFFFF, s22;
	s25 =	simm.s32 $0x19750  }
0x580: {  	s23 =	spop (v2sf);
	p5 =	por $0x1, $0x1;
	s22 =	simm.s32 $0x0;
	vm0 =	vge.s32 v6, v5  }
.LBB2_230:
0x581: {  	v6 =	vld [tilespmem:s25+$0x0];
	p6 =	sne.s32 s24, $0x1;
	s24 =	sadd.s32 $0xFFFFFFFF, s24;
	v8 =	vsel vm0, $0x1, v0;
	s22 =	sadd.s32 s22, s23  }
.Ltmp121:
0x582: {  	(xrf0) =	vadd.scan.msk.s32 $0xffff, v8;
	v7, _, _ =	vpop (xrf0);
	(pc) =	sbr.rel @p6 .LBB2_230-.Ltmp121, $2  }
0x583: {  	(v2sf) =	vpush v7, $0xF;
	_ =	sdelay $0x3  }
0x584: {  	s25 =	sadd.s32 $0x10, s25;
	vm0 =	vge.s32 v6, v5;
	s23 =	spop (v2sf)  }
0x585: {  	_ = 	snop  }
.LBB2_232:
0x586: {  	v5 =	vsel vm0, $0x1, v0  }
0x587: {  	(xrf0) =	vadd.scan.msk.s32 $0xffff, v5;
	_ =	sdelay $0x2  }
0x588: {  	v5, _, _ =	vpop @p2 (xrf0)  }
0x589: {  	(v2sf) =	vpush @p2 v5, $0xF;
	_ =	sdelay $0x1  }
0x58a: {  	v5, _, _ =	vpop (xrf0)  }
0x58b: {  	(v2sf) =	vpush v5, $0xF;
	_ =	sdelay $0x7  }
0x58c: {  	s24 =	spop @p4 (v2sf);
	s22 =	sadd.s32 @p5 s22, s23;
	s23 =	simm.s32 $0x0  }
0x58d: {  	s24 =	smov.u32 @p4 s24;
	s23 =	smov.u32 @p5 s22  }
0x58e: {  	s22 =	sadd.s32 @p4 s23, s24;
	s24 =	simm.s32 $0x0;
	s23 =	spop @p3 (v2sf)  }
0x58f: {  	s24 =	smov.u32 @p4 s22;
	s23 =	smov.u32 @p3 s23  }
0x590: {  	s22 =	sadd.s32 @p3 s24, s23;
	s24 =	simm.s32 $0x0;
	s23 =	spop @p2 (v2sf)  }
0x591: {  	s24 =	smov.u32 @p3 s22;
	s23 =	smov.u32 @p2 s23  }
0x592: {  	s22 =	sadd.s32 @p2 s24, s23;
	s23 =	simm.s32 $0x0  }
0x593: {  	s23 =	smov.u32 @p2 s22;
	s30 =	spop (v2sf)  }
0x594: {  	s22 =	sadd.s32 s23, s30  }
0x595: {  	v6 =	vld [tilespmem:s19+$0x0];
	p2 =	sgt.s32 s22, $0x3F  }
.Ltmp122:
0x596: {  	s17 =	smov.u32 @p2 s21;
	(pc) =	sbr.rel @!p0 .LBB2_233-.Ltmp122, $4  }
0x597: {  	s21 =	sor.u32 $0x2000, s17  }
0x598: {  	s31 =	sxor.u32 $0x80000000, s21  }
0x599: {  	v5 =	vmov s31  }
0x59a: {  	vm0 =	vge.s32 v6, v5  }
0x59b: {  	v6 =	vld [tilespmem:s20+$0x0];
	p3 =	sne.s32 s16, $0x1  }
.Ltmp123:
0x59c: {  	_ = 	snop;
	(pc) =	sbr.rel @!p3 .LBB2_235-.Ltmp123, $3  }
0x59d: {  	_ =	sdelay $0x1  }
0x59e: {  	v7 =	vsel vm0, $0x1, v0  }
0x59f: {  	s19 =	sadd.s32 $0xFFFFFFFF, s16;
	s20 =	simm.s32 $0x19720;
	p2 =	por $0x1, $0x1;
	(xrf0) =	vadd.scan.msk.s32 $0xffff, v7;
	vm0 =	vge.s32 v6, v5  }
0x5a0: {  	_ = 	snop  }
0x5a1: {  	v6 =	vld [tilespmem:s20+$0x0];
	p4 =	sne.s32 s19, $0x1  }
.Ltmp124:
0x5a2: {  	_ = 	snop;
	(pc) =	sbr.rel @!p4 .LBB2_237-.Ltmp124, $3  }
0x5a3: {  	_ =	sdelay $0x1  }
0x5a4: {  	v7 =	vsel vm0, $0x1, v0;
	v8, _, _ =	vpop (xrf0)  }
0x5a5: {  	s19 =	sadd.s32 $0xFFFFFFFF, s19;
	s20 =	simm.s32 $0x19730;
	p3 =	por $0x1, $0x1;
	(xrf0) =	vadd.scan.msk.s32 $0xffff, v7;
	vm0 =	vge.s32 v6, v5;
	(v2sf) =	vpush v8, $0xF  }
0x5a6: {  	_ =	sdelay $0x4  }
0x5a7: {  	v8, _, _ =	vpop (xrf0)  }
0x5a8: {  	(v2sf) =	vpush v8, $0xF;
	_ =	sdelay $0x3  }
0x5a9: {  	v6 =	vld [tilespmem:s20+$0x0];
	p5 =	sne.s32 s19, $0x1  }
.Ltmp125:
0x5aa: {  	_ = 	snop;
	(pc) =	sbr.rel @!p5 .LBB2_239-.Ltmp125, $3  }
0x5ab: {  	_ =	sdelay $0x1  }
0x5ac: {  	v7 =	vsel vm0, $0x1, v0  }
0x5ad: {  	s19 =	sadd.s32 $0xFFFFFFFF, s19;
	s20 =	simm.s32 $0x19740;
	p4 =	por $0x1, $0x1;
	(xrf0) =	vadd.scan.msk.s32 $0xffff, v7;
	vm0 =	vge.s32 v6, v5  }
0x5ae: {  	_ =	sdelay $0x4  }
0x5af: {  	v8, _, _ =	vpop (xrf0)  }
0x5b0: {  	(v2sf) =	vpush v8, $0xF;
	_ =	sdelay $0x2  }
0x5b1: {  	v6 =	vld [tilespmem:s20+$0x0];
	p5 =	sne.s32 s19, $0x1;
	v7 =	vsel vm0, $0x1, v0  }
.Ltmp126:
0x5b2: {  	(xrf0) =	vadd.scan.msk.s32 $0xffff, v7;
	(pc) =	sbr.rel @!p5 .LBB2_241-.Ltmp126, $3  }
0x5b3: {  	_ =	sdelay $0x1  }
0x5b4: {  	s22 =	sadd.s32 $0xFFFFFFFF, s19;
	s23 =	simm.s32 $0x19750  }
0x5b5: {  	s20 =	spop (v2sf);
	p1 =	por $0x1, $0x1;
	s19 =	simm.s32 $0x0;
	vm0 =	vge.s32 v6, v5  }
.LBB2_242:
0x5b6: {  	v6 =	vld [tilespmem:s23+$0x0];
	p5 =	sne.s32 s22, $0x1;
	s22 =	sadd.s32 $0xFFFFFFFF, s22;
	v8 =	vsel vm0, $0x1, v0;
	s19 =	sadd.s32 s19, s20  }
.Ltmp127:
0x5b7: {  	(xrf0) =	vadd.scan.msk.s32 $0xffff, v8;
	v7, _, _ =	vpop (xrf0);
	(pc) =	sbr.rel @p5 .LBB2_242-.Ltmp127, $2  }
0x5b8: {  	(v2sf) =	vpush v7, $0xF;
	_ =	sdelay $0x3  }
0x5b9: {  	s23 =	sadd.s32 $0x10, s23;
	vm0 =	vge.s32 v6, v5;
	s20 =	spop (v2sf)  }
0x5ba: {  	_ = 	snop  }
.LBB2_244:
0x5bb: {  	v5 =	vsel vm0, $0x1, v0  }
0x5bc: {  	(xrf0) =	vadd.scan.msk.s32 $0xffff, v5;
	_ =	sdelay $0x2  }
0x5bd: {  	v5, _, _ =	vpop @p2 (xrf0)  }
0x5be: {  	(v2sf) =	vpush @p2 v5, $0xF;
	_ =	sdelay $0x1  }
0x5bf: {  	v5, _, _ =	vpop (xrf0)  }
0x5c0: {  	(v2sf) =	vpush v5, $0xF;
	_ =	sdelay $0x7  }
0x5c1: {  	s22 =	spop @p4 (v2sf);
	s19 =	sadd.s32 @p1 s19, s20;
	s20 =	simm.s32 $0x0  }
0x5c2: {  	s22 =	smov.u32 @p4 s22;
	s20 =	smov.u32 @p1 s19  }
0x5c3: {  	s19 =	sadd.s32 @p4 s20, s22;
	s22 =	simm.s32 $0x0;
	s20 =	spop @p3 (v2sf)  }
0x5c4: {  	s22 =	smov.u32 @p4 s19;
	s20 =	smov.u32 @p3 s20  }
0x5c5: {  	s19 =	sadd.s32 @p3 s22, s20;
	s22 =	simm.s32 $0x0;
	s20 =	spop @p2 (v2sf)  }
0x5c6: {  	s22 =	smov.u32 @p3 s19;
	s20 =	smov.u32 @p2 s20  }
0x5c7: {  	s19 =	sadd.s32 @p2 s22, s20  }
0x5c8: {  	s18 =	smov.u32 @p2 s19;
	s30 =	spop (v2sf)  }
0x5c9: {  	s19 =	simm.s32 $0x19700;
	s18 =	sadd.s32 s18, s30  }
0x5ca: {  	v6 =	vld [tilespmem:s19+$0x0];
	p1 =	sgt.s32 s18, $0x3F  }
.Ltmp128:
0x5cb: {  	s17 =	smov.u32 @p1 s21;
	(pc) =	sbr.rel @!p0 .LBB2_245-.Ltmp128, $4  }
0x5cc: {  	s21 =	sor.u32 $0x1000, s17  }
0x5cd: {  	s31 =	sxor.u32 $0x80000000, s21  }
0x5ce: {  	p4 =	por $0x0, $0x0;
	p3 =	por $0x0, $0x0;
	s20 =	simm.s32 $0x19710;
	v5 =	vmov s31  }
0x5cf: {  	p2 =	por $0x0, $0x0;
	s18 =	simm.s32 $0x0;
	p1 =	por $0x0, $0x0;
	vm0 =	vge.s32 v6, v5  }
0x5d0: {  	v6 =	vld [tilespmem:s20+$0x0];
	p5 =	sne.s32 s16, $0x1  }
.Ltmp129:
0x5d1: {  	_ = 	snop;
	(pc) =	sbr.rel @!p5 .LBB2_247-.Ltmp129, $3  }
0x5d2: {  	_ =	sdelay $0x1  }
0x5d3: {  	v7 =	vsel vm0, $0x1, v0  }
0x5d4: {  	s22 =	sadd.s32 $0xFFFFFFFF, s16;
	s23 =	simm.s32 $0x19720;
	p2 =	por $0x1, $0x1;
	(xrf0) =	vadd.scan.msk.s32 $0xffff, v7;
	vm0 =	vge.s32 v6, v5  }
0x5d5: {  	_ = 	snop  }
0x5d6: {  	v6 =	vld [tilespmem:s23+$0x0];
	p5 =	sne.s32 s22, $0x1  }
.Ltmp130:
0x5d7: {  	_ = 	snop;
	(pc) =	sbr.rel @!p5 .LBB2_249-.Ltmp130, $3  }
0x5d8: {  	_ =	sdelay $0x1  }
0x5d9: {  	v7 =	vsel vm0, $0x1, v0;
	v8, _, _ =	vpop (xrf0)  }
0x5da: {  	s22 =	sadd.s32 $0xFFFFFFFF, s22;
	s23 =	simm.s32 $0x19730;
	p3 =	por $0x1, $0x1;
	(xrf0) =	vadd.scan.msk.s32 $0xffff, v7;
	vm0 =	vge.s32 v6, v5;
	(v2sf) =	vpush v8, $0xF  }
0x5db: {  	_ =	sdelay $0x4  }
0x5dc: {  	v8, _, _ =	vpop (xrf0)  }
0x5dd: {  	(v2sf) =	vpush v8, $0xF;
	_ =	sdelay $0x3  }
0x5de: {  	v6 =	vld [tilespmem:s23+$0x0];
	p5 =	sne.s32 s22, $0x1  }
.Ltmp131:
0x5df: {  	_ = 	snop;
	(pc) =	sbr.rel @!p5 .LBB2_251-.Ltmp131, $3  }
0x5e0: {  	_ =	sdelay $0x1  }
0x5e1: {  	v7 =	vsel vm0, $0x1, v0  }
0x5e2: {  	s22 =	sadd.s32 $0xFFFFFFFF, s22;
	s23 =	simm.s32 $0x19740;
	p4 =	por $0x1, $0x1;
	(xrf0) =	vadd.scan.msk.s32 $0xffff, v7;
	vm0 =	vge.s32 v6, v5  }
0x5e3: {  	_ =	sdelay $0x4  }
0x5e4: {  	v8, _, _ =	vpop (xrf0)  }
0x5e5: {  	(v2sf) =	vpush v8, $0xF;
	_ =	sdelay $0x2  }
0x5e6: {  	v6 =	vld [tilespmem:s23+$0x0];
	p6 =	sne.s32 s22, $0x1;
	v7 =	vsel vm0, $0x1, v0  }
.Ltmp132:
0x5e7: {  	(xrf0) =	vadd.scan.msk.s32 $0xffff, v7;
	(pc) =	sbr.rel @!p6 .LBB2_253-.Ltmp132, $3  }
0x5e8: {  	_ =	sdelay $0x1  }
0x5e9: {  	s24 =	sadd.s32 $0xFFFFFFFF, s22;
	s25 =	simm.s32 $0x19750  }
0x5ea: {  	s23 =	spop (v2sf);
	p5 =	por $0x1, $0x1;
	s22 =	simm.s32 $0x0;
	vm0 =	vge.s32 v6, v5  }
.LBB2_254:
0x5eb: {  	v6 =	vld [tilespmem:s25+$0x0];
	p6 =	sne.s32 s24, $0x1;
	s24 =	sadd.s32 $0xFFFFFFFF, s24;
	v8 =	vsel vm0, $0x1, v0;
	s22 =	sadd.s32 s22, s23  }
.Ltmp133:
0x5ec: {  	(xrf0) =	vadd.scan.msk.s32 $0xffff, v8;
	v7, _, _ =	vpop (xrf0);
	(pc) =	sbr.rel @p6 .LBB2_254-.Ltmp133, $2  }
0x5ed: {  	(v2sf) =	vpush v7, $0xF;
	_ =	sdelay $0x3  }
0x5ee: {  	s25 =	sadd.s32 $0x10, s25;
	vm0 =	vge.s32 v6, v5;
	s23 =	spop (v2sf)  }
0x5ef: {  	_ = 	snop  }
.LBB2_256:
0x5f0: {  	v5 =	vsel vm0, $0x1, v0  }
0x5f1: {  	(xrf0) =	vadd.scan.msk.s32 $0xffff, v5;
	_ =	sdelay $0x2  }
0x5f2: {  	v5, _, _ =	vpop @p2 (xrf0)  }
0x5f3: {  	(v2sf) =	vpush @p2 v5, $0xF;
	_ =	sdelay $0x1  }
0x5f4: {  	v5, _, _ =	vpop (xrf0)  }
0x5f5: {  	(v2sf) =	vpush v5, $0xF;
	_ =	sdelay $0x7  }
0x5f6: {  	s24 =	spop @p4 (v2sf);
	s22 =	sadd.s32 @p5 s22, s23;
	s23 =	simm.s32 $0x0  }
0x5f7: {  	s24 =	smov.u32 @p4 s24;
	s23 =	smov.u32 @p5 s22  }
0x5f8: {  	s22 =	sadd.s32 @p4 s23, s24;
	s24 =	simm.s32 $0x0;
	s23 =	spop @p3 (v2sf)  }
0x5f9: {  	s24 =	smov.u32 @p4 s22;
	s23 =	smov.u32 @p3 s23  }
0x5fa: {  	s22 =	sadd.s32 @p3 s24, s23;
	s24 =	simm.s32 $0x0;
	s23 =	spop @p2 (v2sf)  }
0x5fb: {  	s24 =	smov.u32 @p3 s22;
	s23 =	smov.u32 @p2 s23  }
0x5fc: {  	s22 =	sadd.s32 @p2 s24, s23;
	s23 =	simm.s32 $0x0  }
0x5fd: {  	s23 =	smov.u32 @p2 s22;
	s30 =	spop (v2sf)  }
0x5fe: {  	s22 =	sadd.s32 s23, s30  }
0x5ff: {  	v6 =	vld [tilespmem:s19+$0x0];
	p2 =	sgt.s32 s22, $0x3F  }
.Ltmp134:
0x600: {  	s17 =	smov.u32 @p2 s21;
	(pc) =	sbr.rel @!p0 .LBB2_257-.Ltmp134, $4  }
0x601: {  	s21 =	sor.u32 $0x800, s17  }
0x602: {  	s31 =	sxor.u32 $0x80000000, s21  }
0x603: {  	v5 =	vmov s31  }
0x604: {  	vm0 =	vge.s32 v6, v5  }
0x605: {  	v6 =	vld [tilespmem:s20+$0x0];
	p3 =	sne.s32 s16, $0x1  }
.Ltmp135:
0x606: {  	_ = 	snop;
	(pc) =	sbr.rel @!p3 .LBB2_259-.Ltmp135, $3  }
0x607: {  	_ =	sdelay $0x1  }
0x608: {  	v7 =	vsel vm0, $0x1, v0  }
0x609: {  	s19 =	sadd.s32 $0xFFFFFFFF, s16;
	s20 =	simm.s32 $0x19720;
	p2 =	por $0x1, $0x1;
	(xrf0) =	vadd.scan.msk.s32 $0xffff, v7;
	vm0 =	vge.s32 v6, v5  }
0x60a: {  	_ = 	snop  }
0x60b: {  	v6 =	vld [tilespmem:s20+$0x0];
	p4 =	sne.s32 s19, $0x1  }
.Ltmp136:
0x60c: {  	_ = 	snop;
	(pc) =	sbr.rel @!p4 .LBB2_261-.Ltmp136, $3  }
0x60d: {  	_ =	sdelay $0x1  }
0x60e: {  	v7 =	vsel vm0, $0x1, v0;
	v8, _, _ =	vpop (xrf0)  }
0x60f: {  	s19 =	sadd.s32 $0xFFFFFFFF, s19;
	s20 =	simm.s32 $0x19730;
	p3 =	por $0x1, $0x1;
	(xrf0) =	vadd.scan.msk.s32 $0xffff, v7;
	vm0 =	vge.s32 v6, v5;
	(v2sf) =	vpush v8, $0xF  }
0x610: {  	_ =	sdelay $0x4  }
0x611: {  	v8, _, _ =	vpop (xrf0)  }
0x612: {  	(v2sf) =	vpush v8, $0xF;
	_ =	sdelay $0x3  }
0x613: {  	v6 =	vld [tilespmem:s20+$0x0];
	p5 =	sne.s32 s19, $0x1  }
.Ltmp137:
0x614: {  	_ = 	snop;
	(pc) =	sbr.rel @!p5 .LBB2_263-.Ltmp137, $3  }
0x615: {  	_ =	sdelay $0x1  }
0x616: {  	v7 =	vsel vm0, $0x1, v0  }
0x617: {  	s19 =	sadd.s32 $0xFFFFFFFF, s19;
	s20 =	simm.s32 $0x19740;
	p4 =	por $0x1, $0x1;
	(xrf0) =	vadd.scan.msk.s32 $0xffff, v7;
	vm0 =	vge.s32 v6, v5  }
0x618: {  	_ =	sdelay $0x4  }
0x619: {  	v8, _, _ =	vpop (xrf0)  }
0x61a: {  	(v2sf) =	vpush v8, $0xF;
	_ =	sdelay $0x2  }
0x61b: {  	v6 =	vld [tilespmem:s20+$0x0];
	p5 =	sne.s32 s19, $0x1;
	v7 =	vsel vm0, $0x1, v0  }
.Ltmp138:
0x61c: {  	(xrf0) =	vadd.scan.msk.s32 $0xffff, v7;
	(pc) =	sbr.rel @!p5 .LBB2_265-.Ltmp138, $3  }
0x61d: {  	_ =	sdelay $0x1  }
0x61e: {  	s22 =	sadd.s32 $0xFFFFFFFF, s19;
	s23 =	simm.s32 $0x19750  }
0x61f: {  	s20 =	spop (v2sf);
	p1 =	por $0x1, $0x1;
	s19 =	simm.s32 $0x0;
	vm0 =	vge.s32 v6, v5  }
.LBB2_266:
0x620: {  	v6 =	vld [tilespmem:s23+$0x0];
	p5 =	sne.s32 s22, $0x1;
	s22 =	sadd.s32 $0xFFFFFFFF, s22;
	v8 =	vsel vm0, $0x1, v0;
	s19 =	sadd.s32 s19, s20  }
.Ltmp139:
0x621: {  	(xrf0) =	vadd.scan.msk.s32 $0xffff, v8;
	v7, _, _ =	vpop (xrf0);
	(pc) =	sbr.rel @p5 .LBB2_266-.Ltmp139, $2  }
0x622: {  	(v2sf) =	vpush v7, $0xF;
	_ =	sdelay $0x3  }
0x623: {  	s23 =	sadd.s32 $0x10, s23;
	vm0 =	vge.s32 v6, v5;
	s20 =	spop (v2sf)  }
0x624: {  	_ = 	snop  }
.LBB2_268:
0x625: {  	v5 =	vsel vm0, $0x1, v0  }
0x626: {  	(xrf0) =	vadd.scan.msk.s32 $0xffff, v5;
	_ =	sdelay $0x2  }
0x627: {  	v5, _, _ =	vpop @p2 (xrf0)  }
0x628: {  	(v2sf) =	vpush @p2 v5, $0xF;
	_ =	sdelay $0x1  }
0x629: {  	v5, _, _ =	vpop (xrf0)  }
0x62a: {  	(v2sf) =	vpush v5, $0xF;
	_ =	sdelay $0x7  }
0x62b: {  	s22 =	spop @p4 (v2sf);
	s19 =	sadd.s32 @p1 s19, s20;
	s20 =	simm.s32 $0x0  }
0x62c: {  	s22 =	smov.u32 @p4 s22;
	s20 =	smov.u32 @p1 s19  }
0x62d: {  	s19 =	sadd.s32 @p4 s20, s22;
	s22 =	simm.s32 $0x0;
	s20 =	spop @p3 (v2sf)  }
0x62e: {  	s22 =	smov.u32 @p4 s19;
	s20 =	smov.u32 @p3 s20  }
0x62f: {  	s19 =	sadd.s32 @p3 s22, s20;
	s22 =	simm.s32 $0x0;
	s20 =	spop @p2 (v2sf)  }
0x630: {  	s22 =	smov.u32 @p3 s19;
	s20 =	smov.u32 @p2 s20  }
0x631: {  	s19 =	sadd.s32 @p2 s22, s20  }
0x632: {  	s18 =	smov.u32 @p2 s19;
	s30 =	spop (v2sf)  }
0x633: {  	s19 =	simm.s32 $0x19700;
	s18 =	sadd.s32 s18, s30  }
0x634: {  	v6 =	vld [tilespmem:s19+$0x0];
	p1 =	sgt.s32 s18, $0x3F  }
.Ltmp140:
0x635: {  	s17 =	smov.u32 @p1 s21;
	(pc) =	sbr.rel @!p0 .LBB2_269-.Ltmp140, $4  }
0x636: {  	s21 =	sor.u32 $0x400, s17  }
0x637: {  	s31 =	sxor.u32 $0x80000000, s21  }
0x638: {  	p4 =	por $0x0, $0x0;
	p3 =	por $0x0, $0x0;
	s20 =	simm.s32 $0x19710;
	v5 =	vmov s31  }
0x639: {  	p2 =	por $0x0, $0x0;
	s18 =	simm.s32 $0x0;
	p1 =	por $0x0, $0x0;
	vm0 =	vge.s32 v6, v5  }
0x63a: {  	v6 =	vld [tilespmem:s20+$0x0];
	p5 =	sne.s32 s16, $0x1  }
.Ltmp141:
0x63b: {  	_ = 	snop;
	(pc) =	sbr.rel @!p5 .LBB2_271-.Ltmp141, $3  }
0x63c: {  	_ =	sdelay $0x1  }
0x63d: {  	v7 =	vsel vm0, $0x1, v0  }
0x63e: {  	s22 =	sadd.s32 $0xFFFFFFFF, s16;
	s23 =	simm.s32 $0x19720;
	p2 =	por $0x1, $0x1;
	(xrf0) =	vadd.scan.msk.s32 $0xffff, v7;
	vm0 =	vge.s32 v6, v5  }
0x63f: {  	_ = 	snop  }
0x640: {  	v6 =	vld [tilespmem:s23+$0x0];
	p5 =	sne.s32 s22, $0x1  }
.Ltmp142:
0x641: {  	_ = 	snop;
	(pc) =	sbr.rel @!p5 .LBB2_273-.Ltmp142, $3  }
0x642: {  	_ =	sdelay $0x1  }
0x643: {  	v7 =	vsel vm0, $0x1, v0;
	v8, _, _ =	vpop (xrf0)  }
0x644: {  	s22 =	sadd.s32 $0xFFFFFFFF, s22;
	s23 =	simm.s32 $0x19730;
	p3 =	por $0x1, $0x1;
	(xrf0) =	vadd.scan.msk.s32 $0xffff, v7;
	vm0 =	vge.s32 v6, v5;
	(v2sf) =	vpush v8, $0xF  }
0x645: {  	_ =	sdelay $0x4  }
0x646: {  	v8, _, _ =	vpop (xrf0)  }
0x647: {  	(v2sf) =	vpush v8, $0xF;
	_ =	sdelay $0x3  }
0x648: {  	v6 =	vld [tilespmem:s23+$0x0];
	p5 =	sne.s32 s22, $0x1  }
.Ltmp143:
0x649: {  	_ = 	snop;
	(pc) =	sbr.rel @!p5 .LBB2_275-.Ltmp143, $3  }
0x64a: {  	_ =	sdelay $0x1  }
0x64b: {  	v7 =	vsel vm0, $0x1, v0  }
0x64c: {  	s22 =	sadd.s32 $0xFFFFFFFF, s22;
	s23 =	simm.s32 $0x19740;
	p4 =	por $0x1, $0x1;
	(xrf0) =	vadd.scan.msk.s32 $0xffff, v7;
	vm0 =	vge.s32 v6, v5  }
0x64d: {  	_ =	sdelay $0x4  }
0x64e: {  	v8, _, _ =	vpop (xrf0)  }
0x64f: {  	(v2sf) =	vpush v8, $0xF;
	_ =	sdelay $0x2  }
0x650: {  	v6 =	vld [tilespmem:s23+$0x0];
	p6 =	sne.s32 s22, $0x1;
	v7 =	vsel vm0, $0x1, v0  }
.Ltmp144:
0x651: {  	(xrf0) =	vadd.scan.msk.s32 $0xffff, v7;
	(pc) =	sbr.rel @!p6 .LBB2_277-.Ltmp144, $3  }
0x652: {  	_ =	sdelay $0x1  }
0x653: {  	s24 =	sadd.s32 $0xFFFFFFFF, s22;
	s25 =	simm.s32 $0x19750  }
0x654: {  	s23 =	spop (v2sf);
	p5 =	por $0x1, $0x1;
	s22 =	simm.s32 $0x0;
	vm0 =	vge.s32 v6, v5  }
.LBB2_278:
0x655: {  	v6 =	vld [tilespmem:s25+$0x0];
	p6 =	sne.s32 s24, $0x1;
	s24 =	sadd.s32 $0xFFFFFFFF, s24;
	v8 =	vsel vm0, $0x1, v0;
	s22 =	sadd.s32 s22, s23  }
.Ltmp145:
0x656: {  	(xrf0) =	vadd.scan.msk.s32 $0xffff, v8;
	v7, _, _ =	vpop (xrf0);
	(pc) =	sbr.rel @p6 .LBB2_278-.Ltmp145, $2  }
0x657: {  	(v2sf) =	vpush v7, $0xF;
	_ =	sdelay $0x3  }
0x658: {  	s25 =	sadd.s32 $0x10, s25;
	vm0 =	vge.s32 v6, v5;
	s23 =	spop (v2sf)  }
0x659: {  	_ = 	snop  }
.LBB2_280:
0x65a: {  	v5 =	vsel vm0, $0x1, v0  }
0x65b: {  	(xrf0) =	vadd.scan.msk.s32 $0xffff, v5;
	_ =	sdelay $0x2  }
0x65c: {  	v5, _, _ =	vpop @p2 (xrf0)  }
0x65d: {  	(v2sf) =	vpush @p2 v5, $0xF;
	_ =	sdelay $0x1  }
0x65e: {  	v5, _, _ =	vpop (xrf0)  }
0x65f: {  	(v2sf) =	vpush v5, $0xF;
	_ =	sdelay $0x7  }
0x660: {  	s24 =	spop @p4 (v2sf);
	s22 =	sadd.s32 @p5 s22, s23;
	s23 =	simm.s32 $0x0  }
0x661: {  	s24 =	smov.u32 @p4 s24;
	s23 =	smov.u32 @p5 s22  }
0x662: {  	s22 =	sadd.s32 @p4 s23, s24;
	s24 =	simm.s32 $0x0;
	s23 =	spop @p3 (v2sf)  }
0x663: {  	s24 =	smov.u32 @p4 s22;
	s23 =	smov.u32 @p3 s23  }
0x664: {  	s22 =	sadd.s32 @p3 s24, s23;
	s24 =	simm.s32 $0x0;
	s23 =	spop @p2 (v2sf)  }
0x665: {  	s24 =	smov.u32 @p3 s22;
	s23 =	smov.u32 @p2 s23  }
0x666: {  	s22 =	sadd.s32 @p2 s24, s23;
	s23 =	simm.s32 $0x0  }
0x667: {  	s23 =	smov.u32 @p2 s22;
	s30 =	spop (v2sf)  }
0x668: {  	s22 =	sadd.s32 s23, s30  }
0x669: {  	v6 =	vld [tilespmem:s19+$0x0];
	p2 =	sgt.s32 s22, $0x3F  }
.Ltmp146:
0x66a: {  	s17 =	smov.u32 @p2 s21;
	(pc) =	sbr.rel @!p0 .LBB2_281-.Ltmp146, $4  }
0x66b: {  	s21 =	sor.u32 $0x200, s17  }
0x66c: {  	s31 =	sxor.u32 $0x80000000, s21  }
0x66d: {  	v5 =	vmov s31  }
0x66e: {  	vm0 =	vge.s32 v6, v5  }
0x66f: {  	v6 =	vld [tilespmem:s20+$0x0];
	p3 =	sne.s32 s16, $0x1  }
.Ltmp147:
0x670: {  	_ = 	snop;
	(pc) =	sbr.rel @!p3 .LBB2_283-.Ltmp147, $3  }
0x671: {  	_ =	sdelay $0x1  }
0x672: {  	v7 =	vsel vm0, $0x1, v0  }
0x673: {  	s19 =	sadd.s32 $0xFFFFFFFF, s16;
	s20 =	simm.s32 $0x19720;
	p2 =	por $0x1, $0x1;
	(xrf0) =	vadd.scan.msk.s32 $0xffff, v7;
	vm0 =	vge.s32 v6, v5  }
0x674: {  	_ = 	snop  }
0x675: {  	v6 =	vld [tilespmem:s20+$0x0];
	p4 =	sne.s32 s19, $0x1  }
.Ltmp148:
0x676: {  	_ = 	snop;
	(pc) =	sbr.rel @!p4 .LBB2_285-.Ltmp148, $3  }
0x677: {  	_ =	sdelay $0x1  }
0x678: {  	v7 =	vsel vm0, $0x1, v0;
	v8, _, _ =	vpop (xrf0)  }
0x679: {  	s19 =	sadd.s32 $0xFFFFFFFF, s19;
	s20 =	simm.s32 $0x19730;
	p3 =	por $0x1, $0x1;
	(xrf0) =	vadd.scan.msk.s32 $0xffff, v7;
	vm0 =	vge.s32 v6, v5;
	(v2sf) =	vpush v8, $0xF  }
0x67a: {  	_ =	sdelay $0x4  }
0x67b: {  	v8, _, _ =	vpop (xrf0)  }
0x67c: {  	(v2sf) =	vpush v8, $0xF;
	_ =	sdelay $0x3  }
0x67d: {  	v6 =	vld [tilespmem:s20+$0x0];
	p5 =	sne.s32 s19, $0x1  }
.Ltmp149:
0x67e: {  	_ = 	snop;
	(pc) =	sbr.rel @!p5 .LBB2_287-.Ltmp149, $3  }
0x67f: {  	_ =	sdelay $0x1  }
0x680: {  	v7 =	vsel vm0, $0x1, v0  }
0x681: {  	s19 =	sadd.s32 $0xFFFFFFFF, s19;
	s20 =	simm.s32 $0x19740;
	p4 =	por $0x1, $0x1;
	(xrf0) =	vadd.scan.msk.s32 $0xffff, v7;
	vm0 =	vge.s32 v6, v5  }
0x682: {  	_ =	sdelay $0x4  }
0x683: {  	v8, _, _ =	vpop (xrf0)  }
0x684: {  	(v2sf) =	vpush v8, $0xF;
	_ =	sdelay $0x2  }
0x685: {  	v6 =	vld [tilespmem:s20+$0x0];
	p5 =	sne.s32 s19, $0x1;
	v7 =	vsel vm0, $0x1, v0  }
.Ltmp150:
0x686: {  	(xrf0) =	vadd.scan.msk.s32 $0xffff, v7;
	(pc) =	sbr.rel @!p5 .LBB2_289-.Ltmp150, $3  }
0x687: {  	_ =	sdelay $0x1  }
0x688: {  	s22 =	sadd.s32 $0xFFFFFFFF, s19;
	s23 =	simm.s32 $0x19750  }
0x689: {  	s20 =	spop (v2sf);
	p1 =	por $0x1, $0x1;
	s19 =	simm.s32 $0x0;
	vm0 =	vge.s32 v6, v5  }
.LBB2_290:
0x68a: {  	v6 =	vld [tilespmem:s23+$0x0];
	p5 =	sne.s32 s22, $0x1;
	s22 =	sadd.s32 $0xFFFFFFFF, s22;
	v8 =	vsel vm0, $0x1, v0;
	s19 =	sadd.s32 s19, s20  }
.Ltmp151:
0x68b: {  	(xrf0) =	vadd.scan.msk.s32 $0xffff, v8;
	v7, _, _ =	vpop (xrf0);
	(pc) =	sbr.rel @p5 .LBB2_290-.Ltmp151, $2  }
0x68c: {  	(v2sf) =	vpush v7, $0xF;
	_ =	sdelay $0x3  }
0x68d: {  	s23 =	sadd.s32 $0x10, s23;
	vm0 =	vge.s32 v6, v5;
	s20 =	spop (v2sf)  }
0x68e: {  	_ = 	snop  }
.LBB2_292:
0x68f: {  	v5 =	vsel vm0, $0x1, v0  }
0x690: {  	(xrf0) =	vadd.scan.msk.s32 $0xffff, v5;
	_ =	sdelay $0x2  }
0x691: {  	v5, _, _ =	vpop @p2 (xrf0)  }
0x692: {  	(v2sf) =	vpush @p2 v5, $0xF;
	_ =	sdelay $0x1  }
0x693: {  	v5, _, _ =	vpop (xrf0)  }
0x694: {  	(v2sf) =	vpush v5, $0xF;
	_ =	sdelay $0x7  }
0x695: {  	s22 =	spop @p4 (v2sf);
	s19 =	sadd.s32 @p1 s19, s20;
	s20 =	simm.s32 $0x0  }
0x696: {  	s22 =	smov.u32 @p4 s22;
	s20 =	smov.u32 @p1 s19  }
0x697: {  	s19 =	sadd.s32 @p4 s20, s22;
	s22 =	simm.s32 $0x0;
	s20 =	spop @p3 (v2sf)  }
0x698: {  	s22 =	smov.u32 @p4 s19;
	s20 =	smov.u32 @p3 s20  }
0x699: {  	s19 =	sadd.s32 @p3 s22, s20;
	s22 =	simm.s32 $0x0;
	s20 =	spop @p2 (v2sf)  }
0x69a: {  	s22 =	smov.u32 @p3 s19;
	s20 =	smov.u32 @p2 s20  }
0x69b: {  	s19 =	sadd.s32 @p2 s22, s20  }
0x69c: {  	s18 =	smov.u32 @p2 s19;
	s30 =	spop (v2sf)  }
0x69d: {  	s19 =	simm.s32 $0x19700;
	s18 =	sadd.s32 s18, s30  }
0x69e: {  	v6 =	vld [tilespmem:s19+$0x0];
	p1 =	sgt.s32 s18, $0x3F  }
.Ltmp152:
0x69f: {  	s17 =	smov.u32 @p1 s21;
	(pc) =	sbr.rel @!p0 .LBB2_293-.Ltmp152, $4  }
0x6a0: {  	s21 =	sor.u32 $0x100, s17  }
0x6a1: {  	s31 =	sxor.u32 $0x80000000, s21  }
0x6a2: {  	p4 =	por $0x0, $0x0;
	p3 =	por $0x0, $0x0;
	s20 =	simm.s32 $0x19710;
	v5 =	vmov s31  }
0x6a3: {  	p2 =	por $0x0, $0x0;
	s18 =	simm.s32 $0x0;
	p1 =	por $0x0, $0x0;
	vm0 =	vge.s32 v6, v5  }
0x6a4: {  	v6 =	vld [tilespmem:s20+$0x0];
	p5 =	sne.s32 s16, $0x1  }
.Ltmp153:
0x6a5: {  	_ = 	snop;
	(pc) =	sbr.rel @!p5 .LBB2_295-.Ltmp153, $3  }
0x6a6: {  	_ =	sdelay $0x1  }
0x6a7: {  	v7 =	vsel vm0, $0x1, v0  }
0x6a8: {  	s22 =	sadd.s32 $0xFFFFFFFF, s16;
	s23 =	simm.s32 $0x19720;
	p2 =	por $0x1, $0x1;
	(xrf0) =	vadd.scan.msk.s32 $0xffff, v7;
	vm0 =	vge.s32 v6, v5  }
0x6a9: {  	_ = 	snop  }
0x6aa: {  	v6 =	vld [tilespmem:s23+$0x0];
	p5 =	sne.s32 s22, $0x1  }
.Ltmp154:
0x6ab: {  	_ = 	snop;
	(pc) =	sbr.rel @!p5 .LBB2_297-.Ltmp154, $3  }
0x6ac: {  	_ =	sdelay $0x1  }
0x6ad: {  	v7 =	vsel vm0, $0x1, v0;
	v8, _, _ =	vpop (xrf0)  }
0x6ae: {  	s22 =	sadd.s32 $0xFFFFFFFF, s22;
	s23 =	simm.s32 $0x19730;
	p3 =	por $0x1, $0x1;
	(xrf0) =	vadd.scan.msk.s32 $0xffff, v7;
	vm0 =	vge.s32 v6, v5;
	(v2sf) =	vpush v8, $0xF  }
0x6af: {  	_ =	sdelay $0x4  }
0x6b0: {  	v8, _, _ =	vpop (xrf0)  }
0x6b1: {  	(v2sf) =	vpush v8, $0xF;
	_ =	sdelay $0x3  }
0x6b2: {  	v6 =	vld [tilespmem:s23+$0x0];
	p5 =	sne.s32 s22, $0x1  }
.Ltmp155:
0x6b3: {  	_ = 	snop;
	(pc) =	sbr.rel @!p5 .LBB2_299-.Ltmp155, $3  }
0x6b4: {  	_ =	sdelay $0x1  }
0x6b5: {  	v7 =	vsel vm0, $0x1, v0  }
0x6b6: {  	s22 =	sadd.s32 $0xFFFFFFFF, s22;
	s23 =	simm.s32 $0x19740;
	p4 =	por $0x1, $0x1;
	(xrf0) =	vadd.scan.msk.s32 $0xffff, v7;
	vm0 =	vge.s32 v6, v5  }
0x6b7: {  	_ =	sdelay $0x4  }
0x6b8: {  	v8, _, _ =	vpop (xrf0)  }
0x6b9: {  	(v2sf) =	vpush v8, $0xF;
	_ =	sdelay $0x2  }
0x6ba: {  	v6 =	vld [tilespmem:s23+$0x0];
	p6 =	sne.s32 s22, $0x1;
	v7 =	vsel vm0, $0x1, v0  }
.Ltmp156:
0x6bb: {  	(xrf0) =	vadd.scan.msk.s32 $0xffff, v7;
	(pc) =	sbr.rel @!p6 .LBB2_301-.Ltmp156, $3  }
0x6bc: {  	_ =	sdelay $0x1  }
0x6bd: {  	s24 =	sadd.s32 $0xFFFFFFFF, s22;
	s25 =	simm.s32 $0x19750  }
0x6be: {  	s23 =	spop (v2sf);
	p5 =	por $0x1, $0x1;
	s22 =	simm.s32 $0x0;
	vm0 =	vge.s32 v6, v5  }
.LBB2_302:
0x6bf: {  	v6 =	vld [tilespmem:s25+$0x0];
	p6 =	sne.s32 s24, $0x1;
	s24 =	sadd.s32 $0xFFFFFFFF, s24;
	v8 =	vsel vm0, $0x1, v0;
	s22 =	sadd.s32 s22, s23  }
.Ltmp157:
0x6c0: {  	(xrf0) =	vadd.scan.msk.s32 $0xffff, v8;
	v7, _, _ =	vpop (xrf0);
	(pc) =	sbr.rel @p6 .LBB2_302-.Ltmp157, $2  }
0x6c1: {  	(v2sf) =	vpush v7, $0xF;
	_ =	sdelay $0x3  }
0x6c2: {  	s25 =	sadd.s32 $0x10, s25;
	vm0 =	vge.s32 v6, v5;
	s23 =	spop (v2sf)  }
0x6c3: {  	_ = 	snop  }
.LBB2_304:
0x6c4: {  	v5 =	vsel vm0, $0x1, v0  }
0x6c5: {  	(xrf0) =	vadd.scan.msk.s32 $0xffff, v5;
	_ =	sdelay $0x2  }
0x6c6: {  	v5, _, _ =	vpop @p2 (xrf0)  }
0x6c7: {  	(v2sf) =	vpush @p2 v5, $0xF;
	_ =	sdelay $0x1  }
0x6c8: {  	v5, _, _ =	vpop (xrf0)  }
0x6c9: {  	(v2sf) =	vpush v5, $0xF;
	_ =	sdelay $0x7  }
0x6ca: {  	s24 =	spop @p4 (v2sf);
	s22 =	sadd.s32 @p5 s22, s23;
	s23 =	simm.s32 $0x0  }
0x6cb: {  	s24 =	smov.u32 @p4 s24;
	s23 =	smov.u32 @p5 s22  }
0x6cc: {  	s22 =	sadd.s32 @p4 s23, s24;
	s24 =	simm.s32 $0x0;
	s23 =	spop @p3 (v2sf)  }
0x6cd: {  	s24 =	smov.u32 @p4 s22;
	s23 =	smov.u32 @p3 s23  }
0x6ce: {  	s22 =	sadd.s32 @p3 s24, s23;
	s24 =	simm.s32 $0x0;
	s23 =	spop @p2 (v2sf)  }
0x6cf: {  	s24 =	smov.u32 @p3 s22;
	s23 =	smov.u32 @p2 s23  }
0x6d0: {  	s22 =	sadd.s32 @p2 s24, s23;
	s23 =	simm.s32 $0x0  }
0x6d1: {  	s23 =	smov.u32 @p2 s22;
	s30 =	spop (v2sf)  }
0x6d2: {  	s22 =	sadd.s32 s23, s30  }
0x6d3: {  	v6 =	vld [tilespmem:s19+$0x0];
	p2 =	sgt.s32 s22, $0x3F  }
.Ltmp158:
0x6d4: {  	s17 =	smov.u32 @p2 s21;
	(pc) =	sbr.rel @!p0 .LBB2_305-.Ltmp158, $4  }
0x6d5: {  	s21 =	sor.u32 $0x80, s17  }
0x6d6: {  	s31 =	sxor.u32 $0x80000000, s21  }
0x6d7: {  	v5 =	vmov s31  }
0x6d8: {  	vm0 =	vge.s32 v6, v5  }
0x6d9: {  	v6 =	vld [tilespmem:s20+$0x0];
	p3 =	sne.s32 s16, $0x1  }
.Ltmp159:
0x6da: {  	_ = 	snop;
	(pc) =	sbr.rel @!p3 .LBB2_307-.Ltmp159, $3  }
0x6db: {  	_ =	sdelay $0x1  }
0x6dc: {  	v7 =	vsel vm0, $0x1, v0  }
0x6dd: {  	s19 =	sadd.s32 $0xFFFFFFFF, s16;
	s20 =	simm.s32 $0x19720;
	p2 =	por $0x1, $0x1;
	(xrf0) =	vadd.scan.msk.s32 $0xffff, v7;
	vm0 =	vge.s32 v6, v5  }
0x6de: {  	_ = 	snop  }
0x6df: {  	v6 =	vld [tilespmem:s20+$0x0];
	p4 =	sne.s32 s19, $0x1  }
.Ltmp160:
0x6e0: {  	_ = 	snop;
	(pc) =	sbr.rel @!p4 .LBB2_309-.Ltmp160, $3  }
0x6e1: {  	_ =	sdelay $0x1  }
0x6e2: {  	v7 =	vsel vm0, $0x1, v0;
	v8, _, _ =	vpop (xrf0)  }
0x6e3: {  	s19 =	sadd.s32 $0xFFFFFFFF, s19;
	s20 =	simm.s32 $0x19730;
	p3 =	por $0x1, $0x1;
	(xrf0) =	vadd.scan.msk.s32 $0xffff, v7;
	vm0 =	vge.s32 v6, v5;
	(v2sf) =	vpush v8, $0xF  }
0x6e4: {  	_ =	sdelay $0x4  }
0x6e5: {  	v8, _, _ =	vpop (xrf0)  }
0x6e6: {  	(v2sf) =	vpush v8, $0xF;
	_ =	sdelay $0x3  }
0x6e7: {  	v6 =	vld [tilespmem:s20+$0x0];
	p5 =	sne.s32 s19, $0x1  }
.Ltmp161:
0x6e8: {  	_ = 	snop;
	(pc) =	sbr.rel @!p5 .LBB2_311-.Ltmp161, $3  }
0x6e9: {  	_ =	sdelay $0x1  }
0x6ea: {  	v7 =	vsel vm0, $0x1, v0  }
0x6eb: {  	s19 =	sadd.s32 $0xFFFFFFFF, s19;
	s20 =	simm.s32 $0x19740;
	p4 =	por $0x1, $0x1;
	(xrf0) =	vadd.scan.msk.s32 $0xffff, v7;
	vm0 =	vge.s32 v6, v5  }
0x6ec: {  	_ =	sdelay $0x4  }
0x6ed: {  	v8, _, _ =	vpop (xrf0)  }
0x6ee: {  	(v2sf) =	vpush v8, $0xF;
	_ =	sdelay $0x2  }
0x6ef: {  	v6 =	vld [tilespmem:s20+$0x0];
	p5 =	sne.s32 s19, $0x1;
	v7 =	vsel vm0, $0x1, v0  }
.Ltmp162:
0x6f0: {  	(xrf0) =	vadd.scan.msk.s32 $0xffff, v7;
	(pc) =	sbr.rel @!p5 .LBB2_313-.Ltmp162, $3  }
0x6f1: {  	_ =	sdelay $0x1  }
0x6f2: {  	s22 =	sadd.s32 $0xFFFFFFFF, s19;
	s23 =	simm.s32 $0x19750  }
0x6f3: {  	s20 =	spop (v2sf);
	p1 =	por $0x1, $0x1;
	s19 =	simm.s32 $0x0;
	vm0 =	vge.s32 v6, v5  }
.LBB2_314:
0x6f4: {  	v6 =	vld [tilespmem:s23+$0x0];
	p5 =	sne.s32 s22, $0x1;
	s22 =	sadd.s32 $0xFFFFFFFF, s22;
	v8 =	vsel vm0, $0x1, v0;
	s19 =	sadd.s32 s19, s20  }
.Ltmp163:
0x6f5: {  	(xrf0) =	vadd.scan.msk.s32 $0xffff, v8;
	v7, _, _ =	vpop (xrf0);
	(pc) =	sbr.rel @p5 .LBB2_314-.Ltmp163, $2  }
0x6f6: {  	(v2sf) =	vpush v7, $0xF;
	_ =	sdelay $0x3  }
0x6f7: {  	s23 =	sadd.s32 $0x10, s23;
	vm0 =	vge.s32 v6, v5;
	s20 =	spop (v2sf)  }
0x6f8: {  	_ = 	snop  }
.LBB2_316:
0x6f9: {  	v5 =	vsel vm0, $0x1, v0  }
0x6fa: {  	(xrf0) =	vadd.scan.msk.s32 $0xffff, v5;
	_ =	sdelay $0x2  }
0x6fb: {  	v5, _, _ =	vpop @p2 (xrf0)  }
0x6fc: {  	(v2sf) =	vpush @p2 v5, $0xF;
	_ =	sdelay $0x1  }
0x6fd: {  	v5, _, _ =	vpop (xrf0)  }
0x6fe: {  	(v2sf) =	vpush v5, $0xF;
	_ =	sdelay $0x7  }
0x6ff: {  	s22 =	spop @p4 (v2sf);
	s19 =	sadd.s32 @p1 s19, s20;
	s20 =	simm.s32 $0x0  }
0x700: {  	s22 =	smov.u32 @p4 s22;
	s20 =	smov.u32 @p1 s19  }
0x701: {  	s19 =	sadd.s32 @p4 s20, s22;
	s22 =	simm.s32 $0x0;
	s20 =	spop @p3 (v2sf)  }
0x702: {  	s22 =	smov.u32 @p4 s19;
	s20 =	smov.u32 @p3 s20  }
0x703: {  	s19 =	sadd.s32 @p3 s22, s20;
	s22 =	simm.s32 $0x0;
	s20 =	spop @p2 (v2sf)  }
0x704: {  	s22 =	smov.u32 @p3 s19;
	s20 =	smov.u32 @p2 s20  }
0x705: {  	s19 =	sadd.s32 @p2 s22, s20  }
0x706: {  	s18 =	smov.u32 @p2 s19;
	s30 =	spop (v2sf)  }
0x707: {  	s19 =	simm.s32 $0x19700;
	s18 =	sadd.s32 s18, s30  }
0x708: {  	v6 =	vld [tilespmem:s19+$0x0];
	p1 =	sgt.s32 s18, $0x3F  }
.Ltmp164:
0x709: {  	s17 =	smov.u32 @p1 s21;
	(pc) =	sbr.rel @!p0 .LBB2_317-.Ltmp164, $4  }
0x70a: {  	s21 =	sor.u32 $0x40, s17  }
0x70b: {  	s31 =	sxor.u32 $0x80000000, s21  }
0x70c: {  	p4 =	por $0x0, $0x0;
	p3 =	por $0x0, $0x0;
	s20 =	simm.s32 $0x19710;
	v5 =	vmov s31  }
0x70d: {  	p2 =	por $0x0, $0x0;
	s18 =	simm.s32 $0x0;
	p1 =	por $0x0, $0x0;
	vm0 =	vge.s32 v6, v5  }
0x70e: {  	v6 =	vld [tilespmem:s20+$0x0];
	p5 =	sne.s32 s16, $0x1  }
.Ltmp165:
0x70f: {  	_ = 	snop;
	(pc) =	sbr.rel @!p5 .LBB2_319-.Ltmp165, $3  }
0x710: {  	_ =	sdelay $0x1  }
0x711: {  	v7 =	vsel vm0, $0x1, v0  }
0x712: {  	s22 =	sadd.s32 $0xFFFFFFFF, s16;
	s23 =	simm.s32 $0x19720;
	p2 =	por $0x1, $0x1;
	(xrf0) =	vadd.scan.msk.s32 $0xffff, v7;
	vm0 =	vge.s32 v6, v5  }
0x713: {  	_ = 	snop  }
0x714: {  	v6 =	vld [tilespmem:s23+$0x0];
	p5 =	sne.s32 s22, $0x1  }
.Ltmp166:
0x715: {  	_ = 	snop;
	(pc) =	sbr.rel @!p5 .LBB2_321-.Ltmp166, $3  }
0x716: {  	_ =	sdelay $0x1  }
0x717: {  	v7 =	vsel vm0, $0x1, v0;
	v8, _, _ =	vpop (xrf0)  }
0x718: {  	s22 =	sadd.s32 $0xFFFFFFFF, s22;
	s23 =	simm.s32 $0x19730;
	p3 =	por $0x1, $0x1;
	(xrf0) =	vadd.scan.msk.s32 $0xffff, v7;
	vm0 =	vge.s32 v6, v5;
	(v2sf) =	vpush v8, $0xF  }
0x719: {  	_ =	sdelay $0x4  }
0x71a: {  	v8, _, _ =	vpop (xrf0)  }
0x71b: {  	(v2sf) =	vpush v8, $0xF;
	_ =	sdelay $0x3  }
0x71c: {  	v6 =	vld [tilespmem:s23+$0x0];
	p5 =	sne.s32 s22, $0x1  }
.Ltmp167:
0x71d: {  	_ = 	snop;
	(pc) =	sbr.rel @!p5 .LBB2_323-.Ltmp167, $3  }
0x71e: {  	_ =	sdelay $0x1  }
0x71f: {  	v7 =	vsel vm0, $0x1, v0  }
0x720: {  	s22 =	sadd.s32 $0xFFFFFFFF, s22;
	s23 =	simm.s32 $0x19740;
	p4 =	por $0x1, $0x1;
	(xrf0) =	vadd.scan.msk.s32 $0xffff, v7;
	vm0 =	vge.s32 v6, v5  }
0x721: {  	_ =	sdelay $0x4  }
0x722: {  	v8, _, _ =	vpop (xrf0)  }
0x723: {  	(v2sf) =	vpush v8, $0xF;
	_ =	sdelay $0x2  }
0x724: {  	v6 =	vld [tilespmem:s23+$0x0];
	p6 =	sne.s32 s22, $0x1;
	v7 =	vsel vm0, $0x1, v0  }
.Ltmp168:
0x725: {  	(xrf0) =	vadd.scan.msk.s32 $0xffff, v7;
	(pc) =	sbr.rel @!p6 .LBB2_325-.Ltmp168, $3  }
0x726: {  	_ =	sdelay $0x1  }
0x727: {  	s24 =	sadd.s32 $0xFFFFFFFF, s22;
	s25 =	simm.s32 $0x19750  }
0x728: {  	s23 =	spop (v2sf);
	p5 =	por $0x1, $0x1;
	s22 =	simm.s32 $0x0;
	vm0 =	vge.s32 v6, v5  }
.LBB2_326:
0x729: {  	v6 =	vld [tilespmem:s25+$0x0];
	p6 =	sne.s32 s24, $0x1;
	s24 =	sadd.s32 $0xFFFFFFFF, s24;
	v8 =	vsel vm0, $0x1, v0;
	s22 =	sadd.s32 s22, s23  }
.Ltmp169:
0x72a: {  	(xrf0) =	vadd.scan.msk.s32 $0xffff, v8;
	v7, _, _ =	vpop (xrf0);
	(pc) =	sbr.rel @p6 .LBB2_326-.Ltmp169, $2  }
0x72b: {  	(v2sf) =	vpush v7, $0xF;
	_ =	sdelay $0x3  }
0x72c: {  	s25 =	sadd.s32 $0x10, s25;
	vm0 =	vge.s32 v6, v5;
	s23 =	spop (v2sf)  }
0x72d: {  	_ = 	snop  }
.LBB2_328:
0x72e: {  	v5 =	vsel vm0, $0x1, v0  }
0x72f: {  	(xrf0) =	vadd.scan.msk.s32 $0xffff, v5;
	_ =	sdelay $0x2  }
0x730: {  	v5, _, _ =	vpop @p2 (xrf0)  }
0x731: {  	(v2sf) =	vpush @p2 v5, $0xF;
	_ =	sdelay $0x1  }
0x732: {  	v5, _, _ =	vpop (xrf0)  }
0x733: {  	(v2sf) =	vpush v5, $0xF;
	_ =	sdelay $0x7  }
0x734: {  	s24 =	spop @p4 (v2sf);
	s22 =	sadd.s32 @p5 s22, s23;
	s23 =	simm.s32 $0x0  }
0x735: {  	s24 =	smov.u32 @p4 s24;
	s23 =	smov.u32 @p5 s22  }
0x736: {  	s22 =	sadd.s32 @p4 s23, s24;
	s24 =	simm.s32 $0x0;
	s23 =	spop @p3 (v2sf)  }
0x737: {  	s24 =	smov.u32 @p4 s22;
	s23 =	smov.u32 @p3 s23  }
0x738: {  	s22 =	sadd.s32 @p3 s24, s23;
	s24 =	simm.s32 $0x0;
	s23 =	spop @p2 (v2sf)  }
0x739: {  	s24 =	smov.u32 @p3 s22;
	s23 =	smov.u32 @p2 s23  }
0x73a: {  	s22 =	sadd.s32 @p2 s24, s23;
	s23 =	simm.s32 $0x0  }
0x73b: {  	s23 =	smov.u32 @p2 s22;
	s30 =	spop (v2sf)  }
0x73c: {  	s22 =	sadd.s32 s23, s30  }
0x73d: {  	v6 =	vld [tilespmem:s19+$0x0];
	p2 =	sgt.s32 s22, $0x3F  }
.Ltmp170:
0x73e: {  	s17 =	smov.u32 @p2 s21;
	(pc) =	sbr.rel @!p0 .LBB2_329-.Ltmp170, $4  }
0x73f: {  	s21 =	sor.u32 $0x20, s17  }
0x740: {  	s31 =	sxor.u32 $0x80000000, s21  }
0x741: {  	v5 =	vmov s31  }
0x742: {  	vm0 =	vge.s32 v6, v5  }
0x743: {  	v6 =	vld [tilespmem:s20+$0x0];
	p3 =	sne.s32 s16, $0x1  }
.Ltmp171:
0x744: {  	_ = 	snop;
	(pc) =	sbr.rel @!p3 .LBB2_331-.Ltmp171, $3  }
0x745: {  	_ =	sdelay $0x1  }
0x746: {  	v7 =	vsel vm0, $0x1, v0  }
0x747: {  	s19 =	sadd.s32 $0xFFFFFFFF, s16;
	s20 =	simm.s32 $0x19720;
	p2 =	por $0x1, $0x1;
	(xrf0) =	vadd.scan.msk.s32 $0xffff, v7;
	vm0 =	vge.s32 v6, v5  }
0x748: {  	_ = 	snop  }
0x749: {  	v6 =	vld [tilespmem:s20+$0x0];
	p4 =	sne.s32 s19, $0x1  }
.Ltmp172:
0x74a: {  	_ = 	snop;
	(pc) =	sbr.rel @!p4 .LBB2_333-.Ltmp172, $3  }
0x74b: {  	_ =	sdelay $0x1  }
0x74c: {  	v7 =	vsel vm0, $0x1, v0;
	v8, _, _ =	vpop (xrf0)  }
0x74d: {  	s19 =	sadd.s32 $0xFFFFFFFF, s19;
	s20 =	simm.s32 $0x19730;
	p3 =	por $0x1, $0x1;
	(xrf0) =	vadd.scan.msk.s32 $0xffff, v7;
	vm0 =	vge.s32 v6, v5;
	(v2sf) =	vpush v8, $0xF  }
0x74e: {  	_ =	sdelay $0x4  }
0x74f: {  	v8, _, _ =	vpop (xrf0)  }
0x750: {  	(v2sf) =	vpush v8, $0xF;
	_ =	sdelay $0x3  }
0x751: {  	v6 =	vld [tilespmem:s20+$0x0];
	p5 =	sne.s32 s19, $0x1  }
.Ltmp173:
0x752: {  	_ = 	snop;
	(pc) =	sbr.rel @!p5 .LBB2_335-.Ltmp173, $3  }
0x753: {  	_ =	sdelay $0x1  }
0x754: {  	v7 =	vsel vm0, $0x1, v0  }
0x755: {  	s19 =	sadd.s32 $0xFFFFFFFF, s19;
	s20 =	simm.s32 $0x19740;
	p4 =	por $0x1, $0x1;
	(xrf0) =	vadd.scan.msk.s32 $0xffff, v7;
	vm0 =	vge.s32 v6, v5  }
0x756: {  	_ =	sdelay $0x4  }
0x757: {  	v8, _, _ =	vpop (xrf0)  }
0x758: {  	(v2sf) =	vpush v8, $0xF;
	_ =	sdelay $0x2  }
0x759: {  	v6 =	vld [tilespmem:s20+$0x0];
	p5 =	sne.s32 s19, $0x1;
	v7 =	vsel vm0, $0x1, v0  }
.Ltmp174:
0x75a: {  	(xrf0) =	vadd.scan.msk.s32 $0xffff, v7;
	(pc) =	sbr.rel @!p5 .LBB2_337-.Ltmp174, $3  }
0x75b: {  	_ =	sdelay $0x1  }
0x75c: {  	s22 =	sadd.s32 $0xFFFFFFFF, s19;
	s23 =	simm.s32 $0x19750  }
0x75d: {  	s20 =	spop (v2sf);
	p1 =	por $0x1, $0x1;
	s19 =	simm.s32 $0x0;
	vm0 =	vge.s32 v6, v5  }
.LBB2_338:
0x75e: {  	v6 =	vld [tilespmem:s23+$0x0];
	p5 =	sne.s32 s22, $0x1;
	s22 =	sadd.s32 $0xFFFFFFFF, s22;
	v8 =	vsel vm0, $0x1, v0;
	s19 =	sadd.s32 s19, s20  }
.Ltmp175:
0x75f: {  	(xrf0) =	vadd.scan.msk.s32 $0xffff, v8;
	v7, _, _ =	vpop (xrf0);
	(pc) =	sbr.rel @p5 .LBB2_338-.Ltmp175, $2  }
0x760: {  	(v2sf) =	vpush v7, $0xF;
	_ =	sdelay $0x3  }
0x761: {  	s23 =	sadd.s32 $0x10, s23;
	vm0 =	vge.s32 v6, v5;
	s20 =	spop (v2sf)  }
0x762: {  	_ = 	snop  }
.LBB2_340:
0x763: {  	v5 =	vsel vm0, $0x1, v0  }
0x764: {  	(xrf0) =	vadd.scan.msk.s32 $0xffff, v5;
	_ =	sdelay $0x2  }
0x765: {  	v5, _, _ =	vpop @p2 (xrf0)  }
0x766: {  	(v2sf) =	vpush @p2 v5, $0xF;
	_ =	sdelay $0x1  }
0x767: {  	v5, _, _ =	vpop (xrf0)  }
0x768: {  	(v2sf) =	vpush v5, $0xF;
	_ =	sdelay $0x7  }
0x769: {  	s22 =	spop @p4 (v2sf);
	s19 =	sadd.s32 @p1 s19, s20;
	s20 =	simm.s32 $0x0  }
0x76a: {  	s22 =	smov.u32 @p4 s22;
	s20 =	smov.u32 @p1 s19  }
0x76b: {  	s19 =	sadd.s32 @p4 s20, s22;
	s22 =	simm.s32 $0x0;
	s20 =	spop @p3 (v2sf)  }
0x76c: {  	s22 =	smov.u32 @p4 s19;
	s20 =	smov.u32 @p3 s20  }
0x76d: {  	s19 =	sadd.s32 @p3 s22, s20;
	s22 =	simm.s32 $0x0;
	s20 =	spop @p2 (v2sf)  }
0x76e: {  	s22 =	smov.u32 @p3 s19;
	s20 =	smov.u32 @p2 s20  }
0x76f: {  	s19 =	sadd.s32 @p2 s22, s20  }
0x770: {  	s18 =	smov.u32 @p2 s19;
	s30 =	spop (v2sf)  }
0x771: {  	s19 =	simm.s32 $0x19700;
	s18 =	sadd.s32 s18, s30  }
0x772: {  	v6 =	vld [tilespmem:s19+$0x0];
	p1 =	sgt.s32 s18, $0x3F  }
.Ltmp176:
0x773: {  	s17 =	smov.u32 @p1 s21;
	(pc) =	sbr.rel @!p0 .LBB2_341-.Ltmp176, $4  }
0x774: {  	s21 =	sor.u32 $0x10, s17  }
0x775: {  	s31 =	sxor.u32 $0x80000000, s21  }
0x776: {  	p4 =	por $0x0, $0x0;
	p3 =	por $0x0, $0x0;
	s20 =	simm.s32 $0x19710;
	v5 =	vmov s31  }
0x777: {  	p2 =	por $0x0, $0x0;
	s18 =	simm.s32 $0x0;
	p1 =	por $0x0, $0x0;
	vm0 =	vge.s32 v6, v5  }
0x778: {  	v6 =	vld [tilespmem:s20+$0x0];
	p5 =	sne.s32 s16, $0x1  }
.Ltmp177:
0x779: {  	_ = 	snop;
	(pc) =	sbr.rel @!p5 .LBB2_343-.Ltmp177, $3  }
0x77a: {  	_ =	sdelay $0x1  }
0x77b: {  	v7 =	vsel vm0, $0x1, v0  }
0x77c: {  	s22 =	sadd.s32 $0xFFFFFFFF, s16;
	s23 =	simm.s32 $0x19720;
	p2 =	por $0x1, $0x1;
	(xrf0) =	vadd.scan.msk.s32 $0xffff, v7;
	vm0 =	vge.s32 v6, v5  }
0x77d: {  	_ = 	snop  }
0x77e: {  	v6 =	vld [tilespmem:s23+$0x0];
	p5 =	sne.s32 s22, $0x1  }
.Ltmp178:
0x77f: {  	_ = 	snop;
	(pc) =	sbr.rel @!p5 .LBB2_345-.Ltmp178, $3  }
0x780: {  	_ =	sdelay $0x1  }
0x781: {  	v7 =	vsel vm0, $0x1, v0;
	v8, _, _ =	vpop (xrf0)  }
0x782: {  	s22 =	sadd.s32 $0xFFFFFFFF, s22;
	s23 =	simm.s32 $0x19730;
	p3 =	por $0x1, $0x1;
	(xrf0) =	vadd.scan.msk.s32 $0xffff, v7;
	vm0 =	vge.s32 v6, v5;
	(v2sf) =	vpush v8, $0xF  }
0x783: {  	_ =	sdelay $0x4  }
0x784: {  	v8, _, _ =	vpop (xrf0)  }
0x785: {  	(v2sf) =	vpush v8, $0xF;
	_ =	sdelay $0x3  }
0x786: {  	v6 =	vld [tilespmem:s23+$0x0];
	p5 =	sne.s32 s22, $0x1  }
.Ltmp179:
0x787: {  	_ = 	snop;
	(pc) =	sbr.rel @!p5 .LBB2_347-.Ltmp179, $3  }
0x788: {  	_ =	sdelay $0x1  }
0x789: {  	v7 =	vsel vm0, $0x1, v0  }
0x78a: {  	s22 =	sadd.s32 $0xFFFFFFFF, s22;
	s23 =	simm.s32 $0x19740;
	p4 =	por $0x1, $0x1;
	(xrf0) =	vadd.scan.msk.s32 $0xffff, v7;
	vm0 =	vge.s32 v6, v5  }
0x78b: {  	_ =	sdelay $0x4  }
0x78c: {  	v8, _, _ =	vpop (xrf0)  }
0x78d: {  	(v2sf) =	vpush v8, $0xF;
	_ =	sdelay $0x2  }
0x78e: {  	v6 =	vld [tilespmem:s23+$0x0];
	p6 =	sne.s32 s22, $0x1;
	v7 =	vsel vm0, $0x1, v0  }
.Ltmp180:
0x78f: {  	(xrf0) =	vadd.scan.msk.s32 $0xffff, v7;
	(pc) =	sbr.rel @!p6 .LBB2_349-.Ltmp180, $3  }
0x790: {  	_ =	sdelay $0x1  }
0x791: {  	s24 =	sadd.s32 $0xFFFFFFFF, s22;
	s25 =	simm.s32 $0x19750  }
0x792: {  	s23 =	spop (v2sf);
	p5 =	por $0x1, $0x1;
	s22 =	simm.s32 $0x0;
	vm0 =	vge.s32 v6, v5  }
.LBB2_350:
0x793: {  	v6 =	vld [tilespmem:s25+$0x0];
	p6 =	sne.s32 s24, $0x1;
	s24 =	sadd.s32 $0xFFFFFFFF, s24;
	v8 =	vsel vm0, $0x1, v0;
	s22 =	sadd.s32 s22, s23  }
.Ltmp181:
0x794: {  	(xrf0) =	vadd.scan.msk.s32 $0xffff, v8;
	v7, _, _ =	vpop (xrf0);
	(pc) =	sbr.rel @p6 .LBB2_350-.Ltmp181, $2  }
0x795: {  	(v2sf) =	vpush v7, $0xF;
	_ =	sdelay $0x3  }
0x796: {  	s25 =	sadd.s32 $0x10, s25;
	vm0 =	vge.s32 v6, v5;
	s23 =	spop (v2sf)  }
0x797: {  	_ = 	snop  }
.LBB2_352:
0x798: {  	v5 =	vsel vm0, $0x1, v0  }
0x799: {  	(xrf0) =	vadd.scan.msk.s32 $0xffff, v5;
	_ =	sdelay $0x2  }
0x79a: {  	v5, _, _ =	vpop @p2 (xrf0)  }
0x79b: {  	(v2sf) =	vpush @p2 v5, $0xF;
	_ =	sdelay $0x1  }
0x79c: {  	v5, _, _ =	vpop (xrf0)  }
0x79d: {  	(v2sf) =	vpush v5, $0xF;
	_ =	sdelay $0x7  }
0x79e: {  	s24 =	spop @p4 (v2sf);
	s22 =	sadd.s32 @p5 s22, s23;
	s23 =	simm.s32 $0x0  }
0x79f: {  	s24 =	smov.u32 @p4 s24;
	s23 =	smov.u32 @p5 s22  }
0x7a0: {  	s22 =	sadd.s32 @p4 s23, s24;
	s24 =	simm.s32 $0x0;
	s23 =	spop @p3 (v2sf)  }
0x7a1: {  	s24 =	smov.u32 @p4 s22;
	s23 =	smov.u32 @p3 s23  }
0x7a2: {  	s22 =	sadd.s32 @p3 s24, s23;
	s24 =	simm.s32 $0x0;
	s23 =	spop @p2 (v2sf)  }
0x7a3: {  	s24 =	smov.u32 @p3 s22;
	s23 =	smov.u32 @p2 s23  }
0x7a4: {  	s22 =	sadd.s32 @p2 s24, s23;
	s23 =	simm.s32 $0x0  }
0x7a5: {  	s23 =	smov.u32 @p2 s22;
	s30 =	spop (v2sf)  }
0x7a6: {  	s22 =	sadd.s32 s23, s30  }
0x7a7: {  	v6 =	vld [tilespmem:s19+$0x0];
	p2 =	sgt.s32 s22, $0x3F  }
.Ltmp182:
0x7a8: {  	s17 =	smov.u32 @p2 s21;
	(pc) =	sbr.rel @!p0 .LBB2_353-.Ltmp182, $4  }
0x7a9: {  	s21 =	sor.u32 $0x8, s17  }
0x7aa: {  	s31 =	sxor.u32 $0x80000000, s21  }
0x7ab: {  	v5 =	vmov s31  }
0x7ac: {  	vm0 =	vge.s32 v6, v5  }
0x7ad: {  	v6 =	vld [tilespmem:s20+$0x0];
	p3 =	sne.s32 s16, $0x1  }
.Ltmp183:
0x7ae: {  	_ = 	snop;
	(pc) =	sbr.rel @!p3 .LBB2_355-.Ltmp183, $3  }
0x7af: {  	_ =	sdelay $0x1  }
0x7b0: {  	v7 =	vsel vm0, $0x1, v0  }
0x7b1: {  	s19 =	sadd.s32 $0xFFFFFFFF, s16;
	s20 =	simm.s32 $0x19720;
	p2 =	por $0x1, $0x1;
	(xrf0) =	vadd.scan.msk.s32 $0xffff, v7;
	vm0 =	vge.s32 v6, v5  }
0x7b2: {  	_ = 	snop  }
0x7b3: {  	v6 =	vld [tilespmem:s20+$0x0];
	p4 =	sne.s32 s19, $0x1  }
.Ltmp184:
0x7b4: {  	_ = 	snop;
	(pc) =	sbr.rel @!p4 .LBB2_357-.Ltmp184, $3  }
0x7b5: {  	_ =	sdelay $0x1  }
0x7b6: {  	v7 =	vsel vm0, $0x1, v0;
	v8, _, _ =	vpop (xrf0)  }
0x7b7: {  	s19 =	sadd.s32 $0xFFFFFFFF, s19;
	s20 =	simm.s32 $0x19730;
	p3 =	por $0x1, $0x1;
	(xrf0) =	vadd.scan.msk.s32 $0xffff, v7;
	vm0 =	vge.s32 v6, v5;
	(v2sf) =	vpush v8, $0xF  }
0x7b8: {  	_ =	sdelay $0x4  }
0x7b9: {  	v8, _, _ =	vpop (xrf0)  }
0x7ba: {  	(v2sf) =	vpush v8, $0xF;
	_ =	sdelay $0x3  }
0x7bb: {  	v6 =	vld [tilespmem:s20+$0x0];
	p5 =	sne.s32 s19, $0x1  }
.Ltmp185:
0x7bc: {  	_ = 	snop;
	(pc) =	sbr.rel @!p5 .LBB2_359-.Ltmp185, $3  }
0x7bd: {  	_ =	sdelay $0x1  }
0x7be: {  	v7 =	vsel vm0, $0x1, v0  }
0x7bf: {  	s19 =	sadd.s32 $0xFFFFFFFF, s19;
	s20 =	simm.s32 $0x19740;
	p4 =	por $0x1, $0x1;
	(xrf0) =	vadd.scan.msk.s32 $0xffff, v7;
	vm0 =	vge.s32 v6, v5  }
0x7c0: {  	_ =	sdelay $0x4  }
0x7c1: {  	v8, _, _ =	vpop (xrf0)  }
0x7c2: {  	(v2sf) =	vpush v8, $0xF;
	_ =	sdelay $0x2  }
0x7c3: {  	v6 =	vld [tilespmem:s20+$0x0];
	p5 =	sne.s32 s19, $0x1;
	v7 =	vsel vm0, $0x1, v0  }
.Ltmp186:
0x7c4: {  	(xrf0) =	vadd.scan.msk.s32 $0xffff, v7;
	(pc) =	sbr.rel @!p5 .LBB2_361-.Ltmp186, $3  }
0x7c5: {  	_ =	sdelay $0x1  }
0x7c6: {  	s22 =	sadd.s32 $0xFFFFFFFF, s19;
	s23 =	simm.s32 $0x19750  }
0x7c7: {  	s20 =	spop (v2sf);
	p1 =	por $0x1, $0x1;
	s19 =	simm.s32 $0x0;
	vm0 =	vge.s32 v6, v5  }
.LBB2_362:
0x7c8: {  	v6 =	vld [tilespmem:s23+$0x0];
	p5 =	sne.s32 s22, $0x1;
	s22 =	sadd.s32 $0xFFFFFFFF, s22;
	v8 =	vsel vm0, $0x1, v0;
	s19 =	sadd.s32 s19, s20  }
.Ltmp187:
0x7c9: {  	(xrf0) =	vadd.scan.msk.s32 $0xffff, v8;
	v7, _, _ =	vpop (xrf0);
	(pc) =	sbr.rel @p5 .LBB2_362-.Ltmp187, $2  }
0x7ca: {  	(v2sf) =	vpush v7, $0xF;
	_ =	sdelay $0x3  }
0x7cb: {  	s23 =	sadd.s32 $0x10, s23;
	vm0 =	vge.s32 v6, v5;
	s20 =	spop (v2sf)  }
0x7cc: {  	_ = 	snop  }
.LBB2_364:
0x7cd: {  	v5 =	vsel vm0, $0x1, v0  }
0x7ce: {  	(xrf0) =	vadd.scan.msk.s32 $0xffff, v5;
	_ =	sdelay $0x2  }
0x7cf: {  	v5, _, _ =	vpop @p2 (xrf0)  }
0x7d0: {  	(v2sf) =	vpush @p2 v5, $0xF;
	_ =	sdelay $0x1  }
0x7d1: {  	v5, _, _ =	vpop (xrf0)  }
0x7d2: {  	(v2sf) =	vpush v5, $0xF;
	_ =	sdelay $0x7  }
0x7d3: {  	s22 =	spop @p4 (v2sf);
	s19 =	sadd.s32 @p1 s19, s20;
	s20 =	simm.s32 $0x0  }
0x7d4: {  	s22 =	smov.u32 @p4 s22;
	s20 =	smov.u32 @p1 s19  }
0x7d5: {  	s19 =	sadd.s32 @p4 s20, s22;
	s22 =	simm.s32 $0x0;
	s20 =	spop @p3 (v2sf)  }
0x7d6: {  	s22 =	smov.u32 @p4 s19;
	s20 =	smov.u32 @p3 s20  }
0x7d7: {  	s19 =	sadd.s32 @p3 s22, s20;
	s22 =	simm.s32 $0x0;
	s20 =	spop @p2 (v2sf)  }
0x7d8: {  	s22 =	smov.u32 @p3 s19;
	s20 =	smov.u32 @p2 s20  }
0x7d9: {  	s19 =	sadd.s32 @p2 s22, s20  }
0x7da: {  	s18 =	smov.u32 @p2 s19;
	s30 =	spop (v2sf)  }
0x7db: {  	s19 =	simm.s32 $0x19700;
	s18 =	sadd.s32 s18, s30  }
0x7dc: {  	v6 =	vld [tilespmem:s19+$0x0];
	p1 =	sgt.s32 s18, $0x3F  }
.Ltmp188:
0x7dd: {  	s17 =	smov.u32 @p1 s21;
	(pc) =	sbr.rel @!p0 .LBB2_365-.Ltmp188, $4  }
0x7de: {  	s21 =	sor.u32 $0x4, s17  }
0x7df: {  	s31 =	sxor.u32 $0x80000000, s21  }
0x7e0: {  	p4 =	por $0x0, $0x0;
	p3 =	por $0x0, $0x0;
	s20 =	simm.s32 $0x19710;
	v5 =	vmov s31  }
0x7e1: {  	p2 =	por $0x0, $0x0;
	s18 =	simm.s32 $0x0;
	p1 =	por $0x0, $0x0;
	vm0 =	vge.s32 v6, v5  }
0x7e2: {  	v6 =	vld [tilespmem:s20+$0x0];
	p5 =	sne.s32 s16, $0x1  }
.Ltmp189:
0x7e3: {  	_ = 	snop;
	(pc) =	sbr.rel @!p5 .LBB2_367-.Ltmp189, $3  }
0x7e4: {  	_ =	sdelay $0x1  }
0x7e5: {  	v7 =	vsel vm0, $0x1, v0  }
0x7e6: {  	s22 =	sadd.s32 $0xFFFFFFFF, s16;
	s23 =	simm.s32 $0x19720;
	p2 =	por $0x1, $0x1;
	(xrf0) =	vadd.scan.msk.s32 $0xffff, v7;
	vm0 =	vge.s32 v6, v5  }
0x7e7: {  	_ = 	snop  }
0x7e8: {  	v6 =	vld [tilespmem:s23+$0x0];
	p5 =	sne.s32 s22, $0x1  }
.Ltmp190:
0x7e9: {  	_ = 	snop;
	(pc) =	sbr.rel @!p5 .LBB2_369-.Ltmp190, $3  }
0x7ea: {  	_ =	sdelay $0x1  }
0x7eb: {  	v7 =	vsel vm0, $0x1, v0;
	v8, _, _ =	vpop (xrf0)  }
0x7ec: {  	s22 =	sadd.s32 $0xFFFFFFFF, s22;
	s23 =	simm.s32 $0x19730;
	p3 =	por $0x1, $0x1;
	(xrf0) =	vadd.scan.msk.s32 $0xffff, v7;
	vm0 =	vge.s32 v6, v5;
	(v2sf) =	vpush v8, $0xF  }
0x7ed: {  	_ =	sdelay $0x4  }
0x7ee: {  	v8, _, _ =	vpop (xrf0)  }
0x7ef: {  	(v2sf) =	vpush v8, $0xF;
	_ =	sdelay $0x3  }
0x7f0: {  	v6 =	vld [tilespmem:s23+$0x0];
	p5 =	sne.s32 s22, $0x1  }
.Ltmp191:
0x7f1: {  	_ = 	snop;
	(pc) =	sbr.rel @!p5 .LBB2_371-.Ltmp191, $3  }
0x7f2: {  	_ =	sdelay $0x1  }
0x7f3: {  	v7 =	vsel vm0, $0x1, v0  }
0x7f4: {  	s22 =	sadd.s32 $0xFFFFFFFF, s22;
	s23 =	simm.s32 $0x19740;
	p4 =	por $0x1, $0x1;
	(xrf0) =	vadd.scan.msk.s32 $0xffff, v7;
	vm0 =	vge.s32 v6, v5  }
0x7f5: {  	_ =	sdelay $0x4  }
0x7f6: {  	v8, _, _ =	vpop (xrf0)  }
0x7f7: {  	(v2sf) =	vpush v8, $0xF;
	_ =	sdelay $0x2  }
0x7f8: {  	v6 =	vld [tilespmem:s23+$0x0];
	p6 =	sne.s32 s22, $0x1;
	v7 =	vsel vm0, $0x1, v0  }
.Ltmp192:
0x7f9: {  	(xrf0) =	vadd.scan.msk.s32 $0xffff, v7;
	(pc) =	sbr.rel @!p6 .LBB2_373-.Ltmp192, $3  }
0x7fa: {  	_ =	sdelay $0x1  }
0x7fb: {  	s24 =	sadd.s32 $0xFFFFFFFF, s22;
	s25 =	simm.s32 $0x19750  }
0x7fc: {  	s23 =	spop (v2sf);
	p5 =	por $0x1, $0x1;
	s22 =	simm.s32 $0x0;
	vm0 =	vge.s32 v6, v5  }
.LBB2_374:
0x7fd: {  	v6 =	vld [tilespmem:s25+$0x0];
	p6 =	sne.s32 s24, $0x1;
	s24 =	sadd.s32 $0xFFFFFFFF, s24;
	v8 =	vsel vm0, $0x1, v0;
	s22 =	sadd.s32 s22, s23  }
.Ltmp193:
0x7fe: {  	(xrf0) =	vadd.scan.msk.s32 $0xffff, v8;
	v7, _, _ =	vpop (xrf0);
	(pc) =	sbr.rel @p6 .LBB2_374-.Ltmp193, $2  }
0x7ff: {  	(v2sf) =	vpush v7, $0xF;
	_ =	sdelay $0x3  }
0x800: {  	s25 =	sadd.s32 $0x10, s25;
	vm0 =	vge.s32 v6, v5;
	s23 =	spop (v2sf)  }
0x801: {  	_ = 	snop  }
.LBB2_376:
0x802: {  	v5 =	vsel vm0, $0x1, v0  }
0x803: {  	(xrf0) =	vadd.scan.msk.s32 $0xffff, v5;
	_ =	sdelay $0x2  }
0x804: {  	v5, _, _ =	vpop @p2 (xrf0)  }
0x805: {  	(v2sf) =	vpush @p2 v5, $0xF;
	_ =	sdelay $0x1  }
0x806: {  	v5, _, _ =	vpop (xrf0)  }
0x807: {  	(v2sf) =	vpush v5, $0xF;
	_ =	sdelay $0x7  }
0x808: {  	s24 =	spop @p4 (v2sf);
	s22 =	sadd.s32 @p5 s22, s23;
	s23 =	simm.s32 $0x0  }
0x809: {  	s24 =	smov.u32 @p4 s24;
	s23 =	smov.u32 @p5 s22  }
0x80a: {  	s22 =	sadd.s32 @p4 s23, s24;
	s24 =	simm.s32 $0x0;
	s23 =	spop @p3 (v2sf)  }
0x80b: {  	s24 =	smov.u32 @p4 s22;
	s23 =	smov.u32 @p3 s23  }
0x80c: {  	s22 =	sadd.s32 @p3 s24, s23;
	s24 =	simm.s32 $0x0;
	s23 =	spop @p2 (v2sf)  }
0x80d: {  	s24 =	smov.u32 @p3 s22;
	s23 =	smov.u32 @p2 s23  }
0x80e: {  	s22 =	sadd.s32 @p2 s24, s23;
	s23 =	simm.s32 $0x0  }
0x80f: {  	s23 =	smov.u32 @p2 s22;
	s30 =	spop (v2sf)  }
0x810: {  	s22 =	sadd.s32 s23, s30  }
0x811: {  	v6 =	vld [tilespmem:s19+$0x0];
	p2 =	sgt.s32 s22, $0x3F  }
.Ltmp194:
0x812: {  	s17 =	smov.u32 @p2 s21;
	(pc) =	sbr.rel @!p0 .LBB2_377-.Ltmp194, $4  }
0x813: {  	s19 =	sor.u32 $0x2, s17  }
0x814: {  	s31 =	sxor.u32 $0x80000000, s19  }
0x815: {  	v5 =	vmov s31  }
0x816: {  	vm0 =	vge.s32 v6, v5  }
0x817: {  	v6 =	vld [tilespmem:s20+$0x0];
	p3 =	sne.s32 s16, $0x1  }
.Ltmp195:
0x818: {  	_ = 	snop;
	(pc) =	sbr.rel @!p3 .LBB2_379-.Ltmp195, $3  }
0x819: {  	_ =	sdelay $0x1  }
0x81a: {  	v7 =	vsel vm0, $0x1, v0  }
0x81b: {  	s20 =	sadd.s32 $0xFFFFFFFF, s16;
	s21 =	simm.s32 $0x19720;
	p2 =	por $0x1, $0x1;
	(xrf0) =	vadd.scan.msk.s32 $0xffff, v7;
	vm0 =	vge.s32 v6, v5  }
0x81c: {  	_ = 	snop  }
0x81d: {  	v6 =	vld [tilespmem:s21+$0x0];
	p4 =	sne.s32 s20, $0x1  }
.Ltmp196:
0x81e: {  	_ = 	snop;
	(pc) =	sbr.rel @!p4 .LBB2_381-.Ltmp196, $3  }
0x81f: {  	_ =	sdelay $0x1  }
0x820: {  	v7 =	vsel vm0, $0x1, v0;
	v8, _, _ =	vpop (xrf0)  }
0x821: {  	s20 =	sadd.s32 $0xFFFFFFFF, s20;
	s21 =	simm.s32 $0x19730;
	p3 =	por $0x1, $0x1;
	(xrf0) =	vadd.scan.msk.s32 $0xffff, v7;
	vm0 =	vge.s32 v6, v5;
	(v2sf) =	vpush v8, $0xF  }
0x822: {  	_ =	sdelay $0x4  }
0x823: {  	v8, _, _ =	vpop (xrf0)  }
0x824: {  	(v2sf) =	vpush v8, $0xF;
	_ =	sdelay $0x3  }
0x825: {  	v6 =	vld [tilespmem:s21+$0x0];
	p5 =	sne.s32 s20, $0x1  }
.Ltmp197:
0x826: {  	_ = 	snop;
	(pc) =	sbr.rel @!p5 .LBB2_383-.Ltmp197, $3  }
0x827: {  	_ =	sdelay $0x1  }
0x828: {  	v7 =	vsel vm0, $0x1, v0  }
0x829: {  	s20 =	sadd.s32 $0xFFFFFFFF, s20;
	s21 =	simm.s32 $0x19740;
	p4 =	por $0x1, $0x1;
	(xrf0) =	vadd.scan.msk.s32 $0xffff, v7;
	vm0 =	vge.s32 v6, v5  }
0x82a: {  	_ =	sdelay $0x4  }
0x82b: {  	v8, _, _ =	vpop (xrf0)  }
0x82c: {  	(v2sf) =	vpush v8, $0xF;
	_ =	sdelay $0x2  }
0x82d: {  	v6 =	vld [tilespmem:s21+$0x0];
	p5 =	sne.s32 s20, $0x1;
	v7 =	vsel vm0, $0x1, v0  }
.Ltmp198:
0x82e: {  	(xrf0) =	vadd.scan.msk.s32 $0xffff, v7;
	(pc) =	sbr.rel @!p5 .LBB2_385-.Ltmp198, $3  }
0x82f: {  	_ =	sdelay $0x1  }
0x830: {  	s22 =	sadd.s32 $0xFFFFFFFF, s20;
	s23 =	simm.s32 $0x19750  }
0x831: {  	s21 =	spop (v2sf);
	p1 =	por $0x1, $0x1;
	s20 =	simm.s32 $0x0;
	vm0 =	vge.s32 v6, v5  }
.LBB2_386:
0x832: {  	v6 =	vld [tilespmem:s23+$0x0];
	p5 =	sne.s32 s22, $0x1;
	s22 =	sadd.s32 $0xFFFFFFFF, s22;
	v8 =	vsel vm0, $0x1, v0;
	s20 =	sadd.s32 s20, s21  }
.Ltmp199:
0x833: {  	(xrf0) =	vadd.scan.msk.s32 $0xffff, v8;
	v7, _, _ =	vpop (xrf0);
	(pc) =	sbr.rel @p5 .LBB2_386-.Ltmp199, $2  }
0x834: {  	(v2sf) =	vpush v7, $0xF;
	_ =	sdelay $0x3  }
0x835: {  	s23 =	sadd.s32 $0x10, s23;
	vm0 =	vge.s32 v6, v5;
	s21 =	spop (v2sf)  }
0x836: {  	_ = 	snop  }
.LBB2_388:
0x837: {  	v5 =	vsel vm0, $0x1, v0  }
0x838: {  	(xrf0) =	vadd.scan.msk.s32 $0xffff, v5;
	_ =	sdelay $0x2  }
0x839: {  	v5, _, _ =	vpop @p2 (xrf0)  }
0x83a: {  	(v2sf) =	vpush @p2 v5, $0xF;
	_ =	sdelay $0x1  }
0x83b: {  	v5, _, _ =	vpop (xrf0)  }
0x83c: {  	(v2sf) =	vpush v5, $0xF;
	_ =	sdelay $0x7  }
0x83d: {  	s22 =	spop @p4 (v2sf);
	s20 =	sadd.s32 @p1 s20, s21;
	s21 =	simm.s32 $0x0  }
0x83e: {  	s22 =	smov.u32 @p4 s22;
	s21 =	smov.u32 @p1 s20  }
0x83f: {  	s20 =	sadd.s32 @p4 s21, s22;
	s22 =	simm.s32 $0x0;
	s21 =	spop @p3 (v2sf)  }
0x840: {  	s22 =	smov.u32 @p4 s20;
	s21 =	smov.u32 @p3 s21  }
0x841: {  	s20 =	sadd.s32 @p3 s22, s21;
	s22 =	simm.s32 $0x0;
	s21 =	spop @p2 (v2sf)  }
0x842: {  	s22 =	smov.u32 @p3 s20;
	s21 =	smov.u32 @p2 s21  }
0x843: {  	s20 =	sadd.s32 @p2 s22, s21  }
0x844: {  	s18 =	smov.u32 @p2 s20;
	s30 =	spop (v2sf)  }
0x845: {  	s20 =	simm.s32 $0x19700;
	s18 =	sadd.s32 s18, s30  }
0x846: {  	v6 =	vld [tilespmem:s20+$0x0];
	p1 =	sgt.s32 s18, $0x3F  }
.Ltmp200:
0x847: {  	s17 =	smov.u32 @p1 s19;
	(pc) =	sbr.rel @!p0 .LBB2_389-.Ltmp200, $4  }
0x848: {  	s21 =	sor.u32 $0x1, s17  }
0x849: {  	s31 =	sxor.u32 $0x80000000, s21  }
0x84a: {  	p4 =	por $0x0, $0x0;
	p3 =	por $0x0, $0x0;
	p2 =	por $0x0, $0x0;
	v5 =	vmov s31  }
0x84b: {  	s18 =	simm.s32 $0x19710;
	s19 =	simm.s32 $0x0;
	p1 =	por $0x0, $0x0;
	vm0 =	vge.s32 v6, v5  }
0x84c: {  	v6 =	vld [tilespmem:s18+$0x0];
	p0 =	sne.s32 s16, $0x1  }
.Ltmp201:
0x84d: {  	_ = 	snop;
	(pc) =	sbr.rel @!p0 .LBB2_391-.Ltmp201, $3  }
0x84e: {  	_ =	sdelay $0x1  }
0x84f: {  	v7 =	vsel vm0, $0x1, v0  }
0x850: {  	s22 =	sadd.s32 $0xFFFFFFFF, s16;
	s23 =	simm.s32 $0x19720;
	p1 =	por $0x1, $0x1;
	(xrf0) =	vadd.scan.msk.s32 $0xffff, v7;
	vm0 =	vge.s32 v6, v5  }
0x851: {  	_ = 	snop  }
0x852: {  	v6 =	vld [tilespmem:s23+$0x0];
	p0 =	sne.s32 s22, $0x1  }
.Ltmp202:
0x853: {  	_ = 	snop;
	(pc) =	sbr.rel @!p0 .LBB2_393-.Ltmp202, $3  }
0x854: {  	_ =	sdelay $0x1  }
0x855: {  	v7 =	vsel vm0, $0x1, v0;
	v8, _, _ =	vpop (xrf0)  }
0x856: {  	s22 =	sadd.s32 $0xFFFFFFFF, s22;
	s23 =	simm.s32 $0x19730;
	p2 =	por $0x1, $0x1;
	(xrf0) =	vadd.scan.msk.s32 $0xffff, v7;
	vm0 =	vge.s32 v6, v5;
	(v2sf) =	vpush v8, $0xF  }
0x857: {  	_ =	sdelay $0x4  }
0x858: {  	v8, _, _ =	vpop (xrf0)  }
0x859: {  	(v2sf) =	vpush v8, $0xF;
	_ =	sdelay $0x3  }
0x85a: {  	v6 =	vld [tilespmem:s23+$0x0];
	p0 =	sne.s32 s22, $0x1  }
.Ltmp203:
0x85b: {  	_ = 	snop;
	(pc) =	sbr.rel @!p0 .LBB2_395-.Ltmp203, $3  }
0x85c: {  	_ =	sdelay $0x1  }
0x85d: {  	v7 =	vsel vm0, $0x1, v0  }
0x85e: {  	s22 =	sadd.s32 $0xFFFFFFFF, s22;
	s23 =	simm.s32 $0x19740;
	p3 =	por $0x1, $0x1;
	(xrf0) =	vadd.scan.msk.s32 $0xffff, v7;
	vm0 =	vge.s32 v6, v5  }
0x85f: {  	_ =	sdelay $0x4  }
0x860: {  	v8, _, _ =	vpop (xrf0)  }
0x861: {  	(v2sf) =	vpush v8, $0xF;
	_ =	sdelay $0x2  }
0x862: {  	v6 =	vld [tilespmem:s23+$0x0];
	p0 =	sne.s32 s22, $0x1;
	v7 =	vsel vm0, $0x1, v0  }
.Ltmp204:
0x863: {  	(xrf0) =	vadd.scan.msk.s32 $0xffff, v7;
	(pc) =	sbr.rel @!p0 .LBB2_397-.Ltmp204, $3  }
0x864: {  	_ =	sdelay $0x1  }
0x865: {  	s24 =	sadd.s32 $0xFFFFFFFF, s22;
	s25 =	simm.s32 $0x19750  }
0x866: {  	s23 =	spop (v2sf);
	p4 =	por $0x1, $0x1;
	s22 =	simm.s32 $0x0;
	vm0 =	vge.s32 v6, v5  }
.LBB2_398:
0x867: {  	v6 =	vld [tilespmem:s25+$0x0];
	p0 =	sne.s32 s24, $0x1;
	s24 =	sadd.s32 $0xFFFFFFFF, s24;
	v8 =	vsel vm0, $0x1, v0;
	s22 =	sadd.s32 s22, s23  }
.Ltmp205:
0x868: {  	(xrf0) =	vadd.scan.msk.s32 $0xffff, v8;
	v7, _, _ =	vpop (xrf0);
	(pc) =	sbr.rel @p0 .LBB2_398-.Ltmp205, $2  }
0x869: {  	(v2sf) =	vpush v7, $0xF;
	_ =	sdelay $0x3  }
0x86a: {  	s25 =	sadd.s32 $0x10, s25;
	vm0 =	vge.s32 v6, v5;
	s23 =	spop (v2sf)  }
0x86b: {  	_ = 	snop  }
.LBB2_400:
0x86c: {  	v5 =	vsel vm0, $0x1, v0  }
0x86d: {  	(xrf0) =	vadd.scan.msk.s32 $0xffff, v5;
	_ =	sdelay $0x2  }
0x86e: {  	v5, _, _ =	vpop @p1 (xrf0)  }
0x86f: {  	(v2sf) =	vpush @p1 v5, $0xF;
	_ =	sdelay $0x1  }
0x870: {  	v5, _, _ =	vpop (xrf0)  }
0x871: {  	(v2sf) =	vpush v5, $0xF;
	_ =	sdelay $0x5  }
0x872: {  	[tilespmem:$0x19F00] =	vst v3  }
0x873: {  	[tilespmem:$0x19F80] =	vst v4  }
0x874: {  	s24 =	spop @p3 (v2sf);
	s22 =	sadd.s32 @p4 s22, s23;
	s23 =	simm.s32 $0x0;
	[tilespmem:$0x19F10] =	vst v3  }
0x875: {  	[tilespmem:$0x19F90] =	vst v4;
	s24 =	smov.u32 @p3 s24;
	s23 =	smov.u32 @p4 s22  }
0x876: {  	[tilespmem:$0x19F20] =	vst v3;
	s22 =	sadd.s32 @p3 s23, s24;
	s24 =	simm.s32 $0x0;
	s23 =	spop @p2 (v2sf)  }
0x877: {  	[tilespmem:$0x19FA0] =	vst v4;
	s24 =	smov.u32 @p3 s22;
	s23 =	smov.u32 @p2 s23  }
0x878: {  	[tilespmem:$0x19F30] =	vst v3;
	s22 =	sadd.s32 @p2 s24, s23;
	s24 =	simm.s32 $0x0;
	s23 =	spop @p1 (v2sf)  }
0x879: {  	[tilespmem:$0x19FB0] =	vst v4;
	s24 =	smov.u32 @p2 s22;
	s23 =	smov.u32 @p1 s23  }
0x87a: {  	[tilespmem:$0x19F40] =	vst v3;
	s22 =	sadd.s32 @p1 s24, s23;
	s23 =	simm.s32 $0x0  }
0x87b: {  	[tilespmem:$0x19FC0] =	vst v4;
	s23 =	smov.u32 @p1 s22;
	s30 =	spop (v2sf)  }
0x87c: {  	v6 =	vld [tilespmem:s20+$0x0];
	s22 =	sadd.s32 s23, s30  }
0x87d: {  	p0 =	sgt.s32 s22, $0x3F  }
0x87e: {  	s17 =	smov.u32 @p0 s21  }
0x87f: {  	s17 =	sxor.u32 $0x80000000, s17  }
0x880: {  	v5 =	vmov s17  }
0x881: {  	vm15 =	vge.s32 v6, v5  }
0x882: {  	v7 =	vsel vm15, $0x1, v0  }
0x883: {  	(xrf0) =	vadd.scan.msk.s32 $0xffff, v7;
	_ =	sdelay $0x5  }
0x884: {  	v7, _, _ =	vpop (xrf0)  }
0x885: {  	(v2sf) =	vpush v7, $0xF;
	_ =	sdelay $0xe  }
0x886: {  	s31 =	spop (v2sf)  }
0x887: {  	s17 =	sadd.s32 $0x0, s31  }
0x888: {  	s20 =	simm.s32 $0x18700;
	p0 =	sgt.s32 s17, $0x50  }
0x889: {  	s21 =	simm.s32 $0x18F00;
	v7 =	vld @!p0 [tilespmem:s20+$0x0]  }
0x88a: {  	p1 =	seq.s32 s16, $0x0;
	v8 =	vld @!p0 [tilespmem:s21+$0x0]  }
.Ltmp206:
0x88b: {  	_ = 	snop;
	(pc) =	sbr.rel @p1 .LBB2_403-.Ltmp206, $4  }
0x88c: {  	_ = 	snop  }
0x88d: {  	vm0 =	vge.s32 @!p0 v6, v5  }
0x88e: {  	[tilespmem:s19+$0x19F00] =	vst.msk @!p0 vm0, v7  }
0x88f: {  	[tilespmem:s19+$0x19F80] =	vst.msk @!p0 vm0, v8  }
.LBB2_401:
0x890: {  	v6 =	vld [tilespmem:s18+$0x0];
	s19 =	smov.u32 s17  }
0x891: {  	s16 =	sadd.s32 $0xFFFFFFFF, s16  }
0x892: {  	p0 =	seq.s32 s16, $0x0;
	_ =	sdelay $0x2  }
0x893: {  	vm0 =	vge.s32 v6, v5  }
0x894: {  	v7 =	vsel vm0, $0x1, v0  }
0x895: {  	(xrf0) =	vadd.scan.msk.s32 $0xffff, v7;
	_ =	sdelay $0x5  }
0x896: {  	v7, _, _ =	vpop (xrf0)  }
0x897: {  	(v2sf) =	vpush v7, $0xF;
	_ =	sdelay $0xe  }
0x898: {  	s22 =	spop (v2sf)  }
0x899: {  	s17 =	sadd.s32 s17, s22  }
0x89a: {  	s20 =	sadd.s32 $0x10, s20;
	p1 =	sgt.s32 s17, $0x50  }
0x89b: {  	s21 =	sadd.s32 $0x10, s21;
	v7 =	vld @!p1 [tilespmem:s20+$0x0]  }
0x89c: {  	v8 =	vld @!p1 [tilespmem:s21+$0x0]  }
.Ltmp207:
0x89d: {  	(pc) =	sbr.rel @!p0 .LBB2_401-.Ltmp207, $4  }
0x89e: {  	_ = 	snop  }
0x89f: {  	vm0 =	vge.s32 @!p1 v6, v5  }
0x8a0: {  	[tilespmem:s19+$0x19F00] =	vst.msk @!p1 vm0, v7  }
0x8a1: {  	s18 =	sadd.s32 $0x10, s18;
	[tilespmem:s19+$0x19F80] =	vst.msk @!p1 vm0, v8  }
.Ltmp208:
0x8a2: {  	_ = 	snop;
	(pc) =	sbr.rel .LBB2_403-.Ltmp208, $1  }
0x8a3: {  	_ =	sdelay $0x3  }
.LBB2_12:
.Ltmp209:
0x8a4: {  	(pc) =	sbr.rel .LBB2_16-.Ltmp209, $2  }
0x8a5: {  	_ =	sdelay $0x2  }
0x8a6: {  	s20 =	simm.s32 $0x0;
	s19 =	simm.s32 $0x19700;
	p2 =	por $0x0, $0x0  }
.LBB2_17:
.Ltmp210:
0x8a7: {  	(pc) =	sbr.rel .LBB2_28-.Ltmp210, $3  }
0x8a8: {  	_ =	sdelay $0x1  }
0x8a9: {  	s18 =	simm.s32 $0x0  }
0x8aa: {  	p2 =	por $0x0, $0x0;
	p3 =	por $0x0, $0x0;
	p4 =	por $0x0, $0x0  }
.LBB2_29:
.Ltmp211:
0x8ab: {  	(pc) =	sbr.rel .LBB2_40-.Ltmp211, $2  }
0x8ac: {  	_ =	sdelay $0x2  }
0x8ad: {  	s22 =	simm.s32 $0x0;
	p5 =	por $0x0, $0x0  }
.LBB2_41:
.Ltmp212:
0x8ae: {  	(pc) =	sbr.rel .LBB2_52-.Ltmp212, $3  }
0x8af: {  	_ =	sdelay $0x1  }
0x8b0: {  	s19 =	simm.s32 $0x0  }
0x8b1: {  	p2 =	por $0x0, $0x0;
	p3 =	por $0x0, $0x0;
	p4 =	por $0x0, $0x0  }
.LBB2_53:
.Ltmp213:
0x8b2: {  	(pc) =	sbr.rel .LBB2_64-.Ltmp213, $2  }
0x8b3: {  	_ =	sdelay $0x2  }
0x8b4: {  	s22 =	simm.s32 $0x0;
	p5 =	por $0x0, $0x0  }
.LBB2_65:
.Ltmp214:
0x8b5: {  	(pc) =	sbr.rel .LBB2_76-.Ltmp214, $3  }
0x8b6: {  	_ =	sdelay $0x1  }
0x8b7: {  	s19 =	simm.s32 $0x0  }
0x8b8: {  	p2 =	por $0x0, $0x0;
	p3 =	por $0x0, $0x0;
	p4 =	por $0x0, $0x0  }
.LBB2_77:
.Ltmp215:
0x8b9: {  	(pc) =	sbr.rel .LBB2_88-.Ltmp215, $2  }
0x8ba: {  	_ =	sdelay $0x2  }
0x8bb: {  	s22 =	simm.s32 $0x0;
	p5 =	por $0x0, $0x0  }
.LBB2_89:
.Ltmp216:
0x8bc: {  	(pc) =	sbr.rel .LBB2_100-.Ltmp216, $3  }
0x8bd: {  	_ =	sdelay $0x1  }
0x8be: {  	s19 =	simm.s32 $0x0  }
0x8bf: {  	p2 =	por $0x0, $0x0;
	p3 =	por $0x0, $0x0;
	p4 =	por $0x0, $0x0  }
.LBB2_101:
.Ltmp217:
0x8c0: {  	(pc) =	sbr.rel .LBB2_112-.Ltmp217, $2  }
0x8c1: {  	_ =	sdelay $0x2  }
0x8c2: {  	s22 =	simm.s32 $0x0;
	p5 =	por $0x0, $0x0  }
.LBB2_113:
.Ltmp218:
0x8c3: {  	(pc) =	sbr.rel .LBB2_124-.Ltmp218, $3  }
0x8c4: {  	_ =	sdelay $0x1  }
0x8c5: {  	s19 =	simm.s32 $0x0  }
0x8c6: {  	p2 =	por $0x0, $0x0;
	p3 =	por $0x0, $0x0;
	p4 =	por $0x0, $0x0  }
.LBB2_125:
.Ltmp219:
0x8c7: {  	(pc) =	sbr.rel .LBB2_136-.Ltmp219, $2  }
0x8c8: {  	_ =	sdelay $0x2  }
0x8c9: {  	s22 =	simm.s32 $0x0;
	p5 =	por $0x0, $0x0  }
.LBB2_137:
.Ltmp220:
0x8ca: {  	(pc) =	sbr.rel .LBB2_148-.Ltmp220, $3  }
0x8cb: {  	_ =	sdelay $0x1  }
0x8cc: {  	s19 =	simm.s32 $0x0  }
0x8cd: {  	p2 =	por $0x0, $0x0;
	p3 =	por $0x0, $0x0;
	p4 =	por $0x0, $0x0  }
.LBB2_149:
.Ltmp221:
0x8ce: {  	(pc) =	sbr.rel .LBB2_160-.Ltmp221, $2  }
0x8cf: {  	_ =	sdelay $0x2  }
0x8d0: {  	s22 =	simm.s32 $0x0;
	p5 =	por $0x0, $0x0  }
.LBB2_161:
.Ltmp222:
0x8d1: {  	(pc) =	sbr.rel .LBB2_172-.Ltmp222, $3  }
0x8d2: {  	_ =	sdelay $0x1  }
0x8d3: {  	s19 =	simm.s32 $0x0  }
0x8d4: {  	p2 =	por $0x0, $0x0;
	p3 =	por $0x0, $0x0;
	p4 =	por $0x0, $0x0  }
.LBB2_173:
.Ltmp223:
0x8d5: {  	(pc) =	sbr.rel .LBB2_184-.Ltmp223, $2  }
0x8d6: {  	_ =	sdelay $0x2  }
0x8d7: {  	s22 =	simm.s32 $0x0;
	p5 =	por $0x0, $0x0  }
.LBB2_185:
.Ltmp224:
0x8d8: {  	(pc) =	sbr.rel .LBB2_196-.Ltmp224, $3  }
0x8d9: {  	_ =	sdelay $0x1  }
0x8da: {  	s19 =	simm.s32 $0x0  }
0x8db: {  	p2 =	por $0x0, $0x0;
	p3 =	por $0x0, $0x0;
	p4 =	por $0x0, $0x0  }
.LBB2_197:
.Ltmp225:
0x8dc: {  	(pc) =	sbr.rel .LBB2_208-.Ltmp225, $2  }
0x8dd: {  	_ =	sdelay $0x2  }
0x8de: {  	s22 =	simm.s32 $0x0;
	p5 =	por $0x0, $0x0  }
.LBB2_209:
.Ltmp226:
0x8df: {  	(pc) =	sbr.rel .LBB2_220-.Ltmp226, $3  }
0x8e0: {  	_ =	sdelay $0x1  }
0x8e1: {  	s19 =	simm.s32 $0x0  }
0x8e2: {  	p2 =	por $0x0, $0x0;
	p3 =	por $0x0, $0x0;
	p4 =	por $0x0, $0x0  }
.LBB2_221:
.Ltmp227:
0x8e3: {  	(pc) =	sbr.rel .LBB2_232-.Ltmp227, $2  }
0x8e4: {  	_ =	sdelay $0x2  }
0x8e5: {  	s22 =	simm.s32 $0x0;
	p5 =	por $0x0, $0x0  }
.LBB2_233:
.Ltmp228:
0x8e6: {  	(pc) =	sbr.rel .LBB2_244-.Ltmp228, $3  }
0x8e7: {  	_ =	sdelay $0x1  }
0x8e8: {  	s19 =	simm.s32 $0x0  }
0x8e9: {  	p2 =	por $0x0, $0x0;
	p3 =	por $0x0, $0x0;
	p4 =	por $0x0, $0x0  }
.LBB2_245:
.Ltmp229:
0x8ea: {  	(pc) =	sbr.rel .LBB2_256-.Ltmp229, $2  }
0x8eb: {  	_ =	sdelay $0x2  }
0x8ec: {  	s22 =	simm.s32 $0x0;
	p5 =	por $0x0, $0x0  }
.LBB2_257:
.Ltmp230:
0x8ed: {  	(pc) =	sbr.rel .LBB2_268-.Ltmp230, $3  }
0x8ee: {  	_ =	sdelay $0x1  }
0x8ef: {  	s19 =	simm.s32 $0x0  }
0x8f0: {  	p2 =	por $0x0, $0x0;
	p3 =	por $0x0, $0x0;
	p4 =	por $0x0, $0x0  }
.LBB2_269:
.Ltmp231:
0x8f1: {  	(pc) =	sbr.rel .LBB2_280-.Ltmp231, $2  }
0x8f2: {  	_ =	sdelay $0x2  }
0x8f3: {  	s22 =	simm.s32 $0x0;
	p5 =	por $0x0, $0x0  }
.LBB2_281:
.Ltmp232:
0x8f4: {  	(pc) =	sbr.rel .LBB2_292-.Ltmp232, $3  }
0x8f5: {  	_ =	sdelay $0x1  }
0x8f6: {  	s19 =	simm.s32 $0x0  }
0x8f7: {  	p2 =	por $0x0, $0x0;
	p3 =	por $0x0, $0x0;
	p4 =	por $0x0, $0x0  }
.LBB2_293:
.Ltmp233:
0x8f8: {  	(pc) =	sbr.rel .LBB2_304-.Ltmp233, $2  }
0x8f9: {  	_ =	sdelay $0x2  }
0x8fa: {  	s22 =	simm.s32 $0x0;
	p5 =	por $0x0, $0x0  }
.LBB2_305:
.Ltmp234:
0x8fb: {  	(pc) =	sbr.rel .LBB2_316-.Ltmp234, $3  }
0x8fc: {  	_ =	sdelay $0x1  }
0x8fd: {  	s19 =	simm.s32 $0x0  }
0x8fe: {  	p2 =	por $0x0, $0x0;
	p3 =	por $0x0, $0x0;
	p4 =	por $0x0, $0x0  }
.LBB2_317:
.Ltmp235:
0x8ff: {  	(pc) =	sbr.rel .LBB2_328-.Ltmp235, $2  }
0x900: {  	_ =	sdelay $0x2  }
0x901: {  	s22 =	simm.s32 $0x0;
	p5 =	por $0x0, $0x0  }
.LBB2_329:
.Ltmp236:
0x902: {  	(pc) =	sbr.rel .LBB2_340-.Ltmp236, $3  }
0x903: {  	_ =	sdelay $0x1  }
0x904: {  	s19 =	simm.s32 $0x0  }
0x905: {  	p2 =	por $0x0, $0x0;
	p3 =	por $0x0, $0x0;
	p4 =	por $0x0, $0x0  }
.LBB2_341:
.Ltmp237:
0x906: {  	(pc) =	sbr.rel .LBB2_352-.Ltmp237, $2  }
0x907: {  	_ =	sdelay $0x2  }
0x908: {  	s22 =	simm.s32 $0x0;
	p5 =	por $0x0, $0x0  }
.LBB2_353:
.Ltmp238:
0x909: {  	(pc) =	sbr.rel .LBB2_364-.Ltmp238, $3  }
0x90a: {  	_ =	sdelay $0x1  }
0x90b: {  	s19 =	simm.s32 $0x0  }
0x90c: {  	p2 =	por $0x0, $0x0;
	p3 =	por $0x0, $0x0;
	p4 =	por $0x0, $0x0  }
.LBB2_365:
.Ltmp239:
0x90d: {  	(pc) =	sbr.rel .LBB2_376-.Ltmp239, $2  }
0x90e: {  	_ =	sdelay $0x2  }
0x90f: {  	s22 =	simm.s32 $0x0;
	p5 =	por $0x0, $0x0  }
.LBB2_377:
.Ltmp240:
0x910: {  	(pc) =	sbr.rel .LBB2_388-.Ltmp240, $3  }
0x911: {  	_ =	sdelay $0x1  }
0x912: {  	s20 =	simm.s32 $0x0  }
0x913: {  	p2 =	por $0x0, $0x0;
	p3 =	por $0x0, $0x0;
	p4 =	por $0x0, $0x0  }
.LBB2_389:
.Ltmp241:
0x914: {  	(pc) =	sbr.rel .LBB2_400-.Ltmp241, $2  }
0x915: {  	_ =	sdelay $0x2  }
0x916: {  	s22 =	simm.s32 $0x0  }
.LBB2_14:
.Ltmp242:
0x917: {  	(pc) =	sbr.rel .LBB2_16-.Ltmp242, $2  }
0x918: {  	_ =	sdelay $0x2  }
0x919: {  	s20 =	simm.s32 $0x0;
	s19 =	simm.s32 $0x19700  }
.LBB2_19:
.Ltmp243:
0x91a: {  	(pc) =	sbr.rel .LBB2_28-.Ltmp243, $2  }
0x91b: {  	_ =	sdelay $0x2  }
0x91c: {  	s18 =	simm.s32 $0x0;
	p3 =	por $0x0, $0x0;
	p4 =	por $0x0, $0x0  }
.LBB2_31:
.Ltmp244:
0x91d: {  	(pc) =	sbr.rel .LBB2_40-.Ltmp244, $2  }
0x91e: {  	_ =	sdelay $0x2  }
0x91f: {  	s22 =	simm.s32 $0x0;
	p5 =	por $0x0, $0x0  }
.LBB2_43:
.Ltmp245:
0x920: {  	(pc) =	sbr.rel .LBB2_52-.Ltmp245, $2  }
0x921: {  	_ =	sdelay $0x2  }
0x922: {  	s19 =	simm.s32 $0x0;
	p3 =	por $0x0, $0x0;
	p4 =	por $0x0, $0x0  }
.LBB2_55:
.Ltmp246:
0x923: {  	(pc) =	sbr.rel .LBB2_64-.Ltmp246, $2  }
0x924: {  	_ =	sdelay $0x2  }
0x925: {  	s22 =	simm.s32 $0x0;
	p5 =	por $0x0, $0x0  }
.LBB2_67:
.Ltmp247:
0x926: {  	(pc) =	sbr.rel .LBB2_76-.Ltmp247, $2  }
0x927: {  	_ =	sdelay $0x2  }
0x928: {  	s19 =	simm.s32 $0x0;
	p3 =	por $0x0, $0x0;
	p4 =	por $0x0, $0x0  }
.LBB2_79:
.Ltmp248:
0x929: {  	(pc) =	sbr.rel .LBB2_88-.Ltmp248, $2  }
0x92a: {  	_ =	sdelay $0x2  }
0x92b: {  	s22 =	simm.s32 $0x0;
	p5 =	por $0x0, $0x0  }
.LBB2_91:
.Ltmp249:
0x92c: {  	(pc) =	sbr.rel .LBB2_100-.Ltmp249, $2  }
0x92d: {  	_ =	sdelay $0x2  }
0x92e: {  	s19 =	simm.s32 $0x0;
	p3 =	por $0x0, $0x0;
	p4 =	por $0x0, $0x0  }
.LBB2_103:
.Ltmp250:
0x92f: {  	(pc) =	sbr.rel .LBB2_112-.Ltmp250, $2  }
0x930: {  	_ =	sdelay $0x2  }
0x931: {  	s22 =	simm.s32 $0x0;
	p5 =	por $0x0, $0x0  }
.LBB2_115:
.Ltmp251:
0x932: {  	(pc) =	sbr.rel .LBB2_124-.Ltmp251, $2  }
0x933: {  	_ =	sdelay $0x2  }
0x934: {  	s19 =	simm.s32 $0x0;
	p3 =	por $0x0, $0x0;
	p4 =	por $0x0, $0x0  }
.LBB2_127:
.Ltmp252:
0x935: {  	(pc) =	sbr.rel .LBB2_136-.Ltmp252, $2  }
0x936: {  	_ =	sdelay $0x2  }
0x937: {  	s22 =	simm.s32 $0x0;
	p5 =	por $0x0, $0x0  }
.LBB2_139:
.Ltmp253:
0x938: {  	(pc) =	sbr.rel .LBB2_148-.Ltmp253, $2  }
0x939: {  	_ =	sdelay $0x2  }
0x93a: {  	s19 =	simm.s32 $0x0;
	p3 =	por $0x0, $0x0;
	p4 =	por $0x0, $0x0  }
.LBB2_151:
.Ltmp254:
0x93b: {  	(pc) =	sbr.rel .LBB2_160-.Ltmp254, $2  }
0x93c: {  	_ =	sdelay $0x2  }
0x93d: {  	s22 =	simm.s32 $0x0;
	p5 =	por $0x0, $0x0  }
.LBB2_163:
.Ltmp255:
0x93e: {  	(pc) =	sbr.rel .LBB2_172-.Ltmp255, $2  }
0x93f: {  	_ =	sdelay $0x2  }
0x940: {  	s19 =	simm.s32 $0x0;
	p3 =	por $0x0, $0x0;
	p4 =	por $0x0, $0x0  }
.LBB2_175:
.Ltmp256:
0x941: {  	(pc) =	sbr.rel .LBB2_184-.Ltmp256, $2  }
0x942: {  	_ =	sdelay $0x2  }
0x943: {  	s22 =	simm.s32 $0x0;
	p5 =	por $0x0, $0x0  }
.LBB2_187:
.Ltmp257:
0x944: {  	(pc) =	sbr.rel .LBB2_196-.Ltmp257, $2  }
0x945: {  	_ =	sdelay $0x2  }
0x946: {  	s19 =	simm.s32 $0x0;
	p3 =	por $0x0, $0x0;
	p4 =	por $0x0, $0x0  }
.LBB2_199:
.Ltmp258:
0x947: {  	(pc) =	sbr.rel .LBB2_208-.Ltmp258, $2  }
0x948: {  	_ =	sdelay $0x2  }
0x949: {  	s22 =	simm.s32 $0x0;
	p5 =	por $0x0, $0x0  }
.LBB2_211:
.Ltmp259:
0x94a: {  	(pc) =	sbr.rel .LBB2_220-.Ltmp259, $2  }
0x94b: {  	_ =	sdelay $0x2  }
0x94c: {  	s19 =	simm.s32 $0x0;
	p3 =	por $0x0, $0x0;
	p4 =	por $0x0, $0x0  }
.LBB2_223:
.Ltmp260:
0x94d: {  	(pc) =	sbr.rel .LBB2_232-.Ltmp260, $2  }
0x94e: {  	_ =	sdelay $0x2  }
0x94f: {  	s22 =	simm.s32 $0x0;
	p5 =	por $0x0, $0x0  }
.LBB2_235:
.Ltmp261:
0x950: {  	(pc) =	sbr.rel .LBB2_244-.Ltmp261, $2  }
0x951: {  	_ =	sdelay $0x2  }
0x952: {  	s19 =	simm.s32 $0x0;
	p3 =	por $0x0, $0x0;
	p4 =	por $0x0, $0x0  }
.LBB2_247:
.Ltmp262:
0x953: {  	(pc) =	sbr.rel .LBB2_256-.Ltmp262, $2  }
0x954: {  	_ =	sdelay $0x2  }
0x955: {  	s22 =	simm.s32 $0x0;
	p5 =	por $0x0, $0x0  }
.LBB2_259:
.Ltmp263:
0x956: {  	(pc) =	sbr.rel .LBB2_268-.Ltmp263, $2  }
0x957: {  	_ =	sdelay $0x2  }
0x958: {  	s19 =	simm.s32 $0x0;
	p3 =	por $0x0, $0x0;
	p4 =	por $0x0, $0x0  }
.LBB2_271:
.Ltmp264:
0x959: {  	(pc) =	sbr.rel .LBB2_280-.Ltmp264, $2  }
0x95a: {  	_ =	sdelay $0x2  }
0x95b: {  	s22 =	simm.s32 $0x0;
	p5 =	por $0x0, $0x0  }
.LBB2_283:
.Ltmp265:
0x95c: {  	(pc) =	sbr.rel .LBB2_292-.Ltmp265, $2  }
0x95d: {  	_ =	sdelay $0x2  }
0x95e: {  	s19 =	simm.s32 $0x0;
	p3 =	por $0x0, $0x0;
	p4 =	por $0x0, $0x0  }
.LBB2_295:
.Ltmp266:
0x95f: {  	(pc) =	sbr.rel .LBB2_304-.Ltmp266, $2  }
0x960: {  	_ =	sdelay $0x2  }
0x961: {  	s22 =	simm.s32 $0x0;
	p5 =	por $0x0, $0x0  }
.LBB2_307:
.Ltmp267:
0x962: {  	(pc) =	sbr.rel .LBB2_316-.Ltmp267, $2  }
0x963: {  	_ =	sdelay $0x2  }
0x964: {  	s19 =	simm.s32 $0x0;
	p3 =	por $0x0, $0x0;
	p4 =	por $0x0, $0x0  }
.LBB2_319:
.Ltmp268:
0x965: {  	(pc) =	sbr.rel .LBB2_328-.Ltmp268, $2  }
0x966: {  	_ =	sdelay $0x2  }
0x967: {  	s22 =	simm.s32 $0x0;
	p5 =	por $0x0, $0x0  }
.LBB2_331:
.Ltmp269:
0x968: {  	(pc) =	sbr.rel .LBB2_340-.Ltmp269, $2  }
0x969: {  	_ =	sdelay $0x2  }
0x96a: {  	s19 =	simm.s32 $0x0;
	p3 =	por $0x0, $0x0;
	p4 =	por $0x0, $0x0  }
.LBB2_343:
.Ltmp270:
0x96b: {  	(pc) =	sbr.rel .LBB2_352-.Ltmp270, $2  }
0x96c: {  	_ =	sdelay $0x2  }
0x96d: {  	s22 =	simm.s32 $0x0;
	p5 =	por $0x0, $0x0  }
.LBB2_355:
.Ltmp271:
0x96e: {  	(pc) =	sbr.rel .LBB2_364-.Ltmp271, $2  }
0x96f: {  	_ =	sdelay $0x2  }
0x970: {  	s19 =	simm.s32 $0x0;
	p3 =	por $0x0, $0x0;
	p4 =	por $0x0, $0x0  }
.LBB2_367:
.Ltmp272:
0x971: {  	(pc) =	sbr.rel .LBB2_376-.Ltmp272, $2  }
0x972: {  	_ =	sdelay $0x2  }
0x973: {  	s22 =	simm.s32 $0x0;
	p5 =	por $0x0, $0x0  }
.LBB2_379:
.Ltmp273:
0x974: {  	(pc) =	sbr.rel .LBB2_388-.Ltmp273, $2  }
0x975: {  	_ =	sdelay $0x2  }
0x976: {  	s20 =	simm.s32 $0x0;
	p3 =	por $0x0, $0x0;
	p4 =	por $0x0, $0x0  }
.LBB2_391:
.Ltmp274:
0x977: {  	(pc) =	sbr.rel .LBB2_400-.Ltmp274, $2  }
0x978: {  	_ =	sdelay $0x2  }
0x979: {  	s22 =	simm.s32 $0x0  }
.LBB2_21:
.Ltmp275:
0x97a: {  	(pc) =	sbr.rel .LBB2_28-.Ltmp275, $2  }
0x97b: {  	_ =	sdelay $0x2  }
0x97c: {  	s18 =	simm.s32 $0x0;
	p4 =	por $0x0, $0x0  }
.LBB2_33:
.Ltmp276:
0x97d: {  	(pc) =	sbr.rel .LBB2_40-.Ltmp276, $2  }
0x97e: {  	_ =	sdelay $0x2  }
0x97f: {  	s22 =	simm.s32 $0x0;
	p5 =	por $0x0, $0x0  }
.LBB2_45:
.Ltmp277:
0x980: {  	(pc) =	sbr.rel .LBB2_52-.Ltmp277, $2  }
0x981: {  	_ =	sdelay $0x2  }
0x982: {  	s19 =	simm.s32 $0x0;
	p4 =	por $0x0, $0x0  }
.LBB2_57:
.Ltmp278:
0x983: {  	(pc) =	sbr.rel .LBB2_64-.Ltmp278, $2  }
0x984: {  	_ =	sdelay $0x2  }
0x985: {  	s22 =	simm.s32 $0x0;
	p5 =	por $0x0, $0x0  }
.LBB2_69:
.Ltmp279:
0x986: {  	(pc) =	sbr.rel .LBB2_76-.Ltmp279, $2  }
0x987: {  	_ =	sdelay $0x2  }
0x988: {  	s19 =	simm.s32 $0x0;
	p4 =	por $0x0, $0x0  }
.LBB2_81:
.Ltmp280:
0x989: {  	(pc) =	sbr.rel .LBB2_88-.Ltmp280, $2  }
0x98a: {  	_ =	sdelay $0x2  }
0x98b: {  	s22 =	simm.s32 $0x0;
	p5 =	por $0x0, $0x0  }
.LBB2_93:
.Ltmp281:
0x98c: {  	(pc) =	sbr.rel .LBB2_100-.Ltmp281, $2  }
0x98d: {  	_ =	sdelay $0x2  }
0x98e: {  	s19 =	simm.s32 $0x0;
	p4 =	por $0x0, $0x0  }
.LBB2_105:
.Ltmp282:
0x98f: {  	(pc) =	sbr.rel .LBB2_112-.Ltmp282, $2  }
0x990: {  	_ =	sdelay $0x2  }
0x991: {  	s22 =	simm.s32 $0x0;
	p5 =	por $0x0, $0x0  }
.LBB2_117:
.Ltmp283:
0x992: {  	(pc) =	sbr.rel .LBB2_124-.Ltmp283, $2  }
0x993: {  	_ =	sdelay $0x2  }
0x994: {  	s19 =	simm.s32 $0x0;
	p4 =	por $0x0, $0x0  }
.LBB2_129:
.Ltmp284:
0x995: {  	(pc) =	sbr.rel .LBB2_136-.Ltmp284, $2  }
0x996: {  	_ =	sdelay $0x2  }
0x997: {  	s22 =	simm.s32 $0x0;
	p5 =	por $0x0, $0x0  }
.LBB2_141:
.Ltmp285:
0x998: {  	(pc) =	sbr.rel .LBB2_148-.Ltmp285, $2  }
0x999: {  	_ =	sdelay $0x2  }
0x99a: {  	s19 =	simm.s32 $0x0;
	p4 =	por $0x0, $0x0  }
.LBB2_153:
.Ltmp286:
0x99b: {  	(pc) =	sbr.rel .LBB2_160-.Ltmp286, $2  }
0x99c: {  	_ =	sdelay $0x2  }
0x99d: {  	s22 =	simm.s32 $0x0;
	p5 =	por $0x0, $0x0  }
.LBB2_165:
.Ltmp287:
0x99e: {  	(pc) =	sbr.rel .LBB2_172-.Ltmp287, $2  }
0x99f: {  	_ =	sdelay $0x2  }
0x9a0: {  	s19 =	simm.s32 $0x0;
	p4 =	por $0x0, $0x0  }
.LBB2_177:
.Ltmp288:
0x9a1: {  	(pc) =	sbr.rel .LBB2_184-.Ltmp288, $2  }
0x9a2: {  	_ =	sdelay $0x2  }
0x9a3: {  	s22 =	simm.s32 $0x0;
	p5 =	por $0x0, $0x0  }
.LBB2_189:
.Ltmp289:
0x9a4: {  	(pc) =	sbr.rel .LBB2_196-.Ltmp289, $2  }
0x9a5: {  	_ =	sdelay $0x2  }
0x9a6: {  	s19 =	simm.s32 $0x0;
	p4 =	por $0x0, $0x0  }
.LBB2_201:
.Ltmp290:
0x9a7: {  	(pc) =	sbr.rel .LBB2_208-.Ltmp290, $2  }
0x9a8: {  	_ =	sdelay $0x2  }
0x9a9: {  	s22 =	simm.s32 $0x0;
	p5 =	por $0x0, $0x0  }
.LBB2_213:
.Ltmp291:
0x9aa: {  	(pc) =	sbr.rel .LBB2_220-.Ltmp291, $2  }
0x9ab: {  	_ =	sdelay $0x2  }
0x9ac: {  	s19 =	simm.s32 $0x0;
	p4 =	por $0x0, $0x0  }
.LBB2_225:
.Ltmp292:
0x9ad: {  	(pc) =	sbr.rel .LBB2_232-.Ltmp292, $2  }
0x9ae: {  	_ =	sdelay $0x2  }
0x9af: {  	s22 =	simm.s32 $0x0;
	p5 =	por $0x0, $0x0  }
.LBB2_237:
.Ltmp293:
0x9b0: {  	(pc) =	sbr.rel .LBB2_244-.Ltmp293, $2  }
0x9b1: {  	_ =	sdelay $0x2  }
0x9b2: {  	s19 =	simm.s32 $0x0;
	p4 =	por $0x0, $0x0  }
.LBB2_249:
.Ltmp294:
0x9b3: {  	(pc) =	sbr.rel .LBB2_256-.Ltmp294, $2  }
0x9b4: {  	_ =	sdelay $0x2  }
0x9b5: {  	s22 =	simm.s32 $0x0;
	p5 =	por $0x0, $0x0  }
.LBB2_261:
.Ltmp295:
0x9b6: {  	(pc) =	sbr.rel .LBB2_268-.Ltmp295, $2  }
0x9b7: {  	_ =	sdelay $0x2  }
0x9b8: {  	s19 =	simm.s32 $0x0;
	p4 =	por $0x0, $0x0  }
.LBB2_273:
.Ltmp296:
0x9b9: {  	(pc) =	sbr.rel .LBB2_280-.Ltmp296, $2  }
0x9ba: {  	_ =	sdelay $0x2  }
0x9bb: {  	s22 =	simm.s32 $0x0;
	p5 =	por $0x0, $0x0  }
.LBB2_285:
.Ltmp297:
0x9bc: {  	(pc) =	sbr.rel .LBB2_292-.Ltmp297, $2  }
0x9bd: {  	_ =	sdelay $0x2  }
0x9be: {  	s19 =	simm.s32 $0x0;
	p4 =	por $0x0, $0x0  }
.LBB2_297:
.Ltmp298:
0x9bf: {  	(pc) =	sbr.rel .LBB2_304-.Ltmp298, $2  }
0x9c0: {  	_ =	sdelay $0x2  }
0x9c1: {  	s22 =	simm.s32 $0x0;
	p5 =	por $0x0, $0x0  }
.LBB2_309:
.Ltmp299:
0x9c2: {  	(pc) =	sbr.rel .LBB2_316-.Ltmp299, $2  }
0x9c3: {  	_ =	sdelay $0x2  }
0x9c4: {  	s19 =	simm.s32 $0x0;
	p4 =	por $0x0, $0x0  }
.LBB2_321:
.Ltmp300:
0x9c5: {  	(pc) =	sbr.rel .LBB2_328-.Ltmp300, $2  }
0x9c6: {  	_ =	sdelay $0x2  }
0x9c7: {  	s22 =	simm.s32 $0x0;
	p5 =	por $0x0, $0x0  }
.LBB2_333:
.Ltmp301:
0x9c8: {  	(pc) =	sbr.rel .LBB2_340-.Ltmp301, $2  }
0x9c9: {  	_ =	sdelay $0x2  }
0x9ca: {  	s19 =	simm.s32 $0x0;
	p4 =	por $0x0, $0x0  }
.LBB2_345:
.Ltmp302:
0x9cb: {  	(pc) =	sbr.rel .LBB2_352-.Ltmp302, $2  }
0x9cc: {  	_ =	sdelay $0x2  }
0x9cd: {  	s22 =	simm.s32 $0x0;
	p5 =	por $0x0, $0x0  }
.LBB2_357:
.Ltmp303:
0x9ce: {  	(pc) =	sbr.rel .LBB2_364-.Ltmp303, $2  }
0x9cf: {  	_ =	sdelay $0x2  }
0x9d0: {  	s19 =	simm.s32 $0x0;
	p4 =	por $0x0, $0x0  }
.LBB2_369:
.Ltmp304:
0x9d1: {  	(pc) =	sbr.rel .LBB2_376-.Ltmp304, $2  }
0x9d2: {  	_ =	sdelay $0x2  }
0x9d3: {  	s22 =	simm.s32 $0x0;
	p5 =	por $0x0, $0x0  }
.LBB2_381:
.Ltmp305:
0x9d4: {  	(pc) =	sbr.rel .LBB2_388-.Ltmp305, $2  }
0x9d5: {  	_ =	sdelay $0x2  }
0x9d6: {  	s20 =	simm.s32 $0x0;
	p4 =	por $0x0, $0x0  }
.LBB2_393:
.Ltmp306:
0x9d7: {  	(pc) =	sbr.rel .LBB2_400-.Ltmp306, $2  }
0x9d8: {  	_ =	sdelay $0x2  }
0x9d9: {  	s22 =	simm.s32 $0x0  }
.LBB2_23:
.Ltmp307:
0x9da: {  	(pc) =	sbr.rel .LBB2_28-.Ltmp307, $2  }
0x9db: {  	_ =	sdelay $0x2  }
0x9dc: {  	s18 =	simm.s32 $0x0  }
.LBB2_35:
.Ltmp308:
0x9dd: {  	(pc) =	sbr.rel .LBB2_40-.Ltmp308, $2  }
0x9de: {  	_ =	sdelay $0x2  }
0x9df: {  	s22 =	simm.s32 $0x0;
	p5 =	por $0x0, $0x0  }
.LBB2_47:
.Ltmp309:
0x9e0: {  	(pc) =	sbr.rel .LBB2_52-.Ltmp309, $2  }
0x9e1: {  	_ =	sdelay $0x2  }
0x9e2: {  	s19 =	simm.s32 $0x0  }
.LBB2_59:
.Ltmp310:
0x9e3: {  	(pc) =	sbr.rel .LBB2_64-.Ltmp310, $2  }
0x9e4: {  	_ =	sdelay $0x2  }
0x9e5: {  	s22 =	simm.s32 $0x0;
	p5 =	por $0x0, $0x0  }
.LBB2_71:
.Ltmp311:
0x9e6: {  	(pc) =	sbr.rel .LBB2_76-.Ltmp311, $2  }
0x9e7: {  	_ =	sdelay $0x2  }
0x9e8: {  	s19 =	simm.s32 $0x0  }
.LBB2_83:
.Ltmp312:
0x9e9: {  	(pc) =	sbr.rel .LBB2_88-.Ltmp312, $2  }
0x9ea: {  	_ =	sdelay $0x2  }
0x9eb: {  	s22 =	simm.s32 $0x0;
	p5 =	por $0x0, $0x0  }
.LBB2_95:
.Ltmp313:
0x9ec: {  	(pc) =	sbr.rel .LBB2_100-.Ltmp313, $2  }
0x9ed: {  	_ =	sdelay $0x2  }
0x9ee: {  	s19 =	simm.s32 $0x0  }
.LBB2_107:
.Ltmp314:
0x9ef: {  	(pc) =	sbr.rel .LBB2_112-.Ltmp314, $2  }
0x9f0: {  	_ =	sdelay $0x2  }
0x9f1: {  	s22 =	simm.s32 $0x0;
	p5 =	por $0x0, $0x0  }
.LBB2_119:
.Ltmp315:
0x9f2: {  	(pc) =	sbr.rel .LBB2_124-.Ltmp315, $2  }
0x9f3: {  	_ =	sdelay $0x2  }
0x9f4: {  	s19 =	simm.s32 $0x0  }
.LBB2_131:
.Ltmp316:
0x9f5: {  	(pc) =	sbr.rel .LBB2_136-.Ltmp316, $2  }
0x9f6: {  	_ =	sdelay $0x2  }
0x9f7: {  	s22 =	simm.s32 $0x0;
	p5 =	por $0x0, $0x0  }
.LBB2_143:
.Ltmp317:
0x9f8: {  	(pc) =	sbr.rel .LBB2_148-.Ltmp317, $2  }
0x9f9: {  	_ =	sdelay $0x2  }
0x9fa: {  	s19 =	simm.s32 $0x0  }
.LBB2_155:
.Ltmp318:
0x9fb: {  	(pc) =	sbr.rel .LBB2_160-.Ltmp318, $2  }
0x9fc: {  	_ =	sdelay $0x2  }
0x9fd: {  	s22 =	simm.s32 $0x0;
	p5 =	por $0x0, $0x0  }
.LBB2_167:
.Ltmp319:
0x9fe: {  	(pc) =	sbr.rel .LBB2_172-.Ltmp319, $2  }
0x9ff: {  	_ =	sdelay $0x2  }
0xa00: {  	s19 =	simm.s32 $0x0  }
.LBB2_179:
.Ltmp320:
0xa01: {  	(pc) =	sbr.rel .LBB2_184-.Ltmp320, $2  }
0xa02: {  	_ =	sdelay $0x2  }
0xa03: {  	s22 =	simm.s32 $0x0;
	p5 =	por $0x0, $0x0  }
.LBB2_191:
.Ltmp321:
0xa04: {  	(pc) =	sbr.rel .LBB2_196-.Ltmp321, $2  }
0xa05: {  	_ =	sdelay $0x2  }
0xa06: {  	s19 =	simm.s32 $0x0  }
.LBB2_203:
.Ltmp322:
0xa07: {  	(pc) =	sbr.rel .LBB2_208-.Ltmp322, $2  }
0xa08: {  	_ =	sdelay $0x2  }
0xa09: {  	s22 =	simm.s32 $0x0;
	p5 =	por $0x0, $0x0  }
.LBB2_215:
.Ltmp323:
0xa0a: {  	(pc) =	sbr.rel .LBB2_220-.Ltmp323, $2  }
0xa0b: {  	_ =	sdelay $0x2  }
0xa0c: {  	s19 =	simm.s32 $0x0  }
.LBB2_227:
.Ltmp324:
0xa0d: {  	(pc) =	sbr.rel .LBB2_232-.Ltmp324, $2  }
0xa0e: {  	_ =	sdelay $0x2  }
0xa0f: {  	s22 =	simm.s32 $0x0;
	p5 =	por $0x0, $0x0  }
.LBB2_239:
.Ltmp325:
0xa10: {  	(pc) =	sbr.rel .LBB2_244-.Ltmp325, $2  }
0xa11: {  	_ =	sdelay $0x2  }
0xa12: {  	s19 =	simm.s32 $0x0  }
.LBB2_251:
.Ltmp326:
0xa13: {  	(pc) =	sbr.rel .LBB2_256-.Ltmp326, $2  }
0xa14: {  	_ =	sdelay $0x2  }
0xa15: {  	s22 =	simm.s32 $0x0;
	p5 =	por $0x0, $0x0  }
.LBB2_263:
.Ltmp327:
0xa16: {  	(pc) =	sbr.rel .LBB2_268-.Ltmp327, $2  }
0xa17: {  	_ =	sdelay $0x2  }
0xa18: {  	s19 =	simm.s32 $0x0  }
.LBB2_275:
.Ltmp328:
0xa19: {  	(pc) =	sbr.rel .LBB2_280-.Ltmp328, $2  }
0xa1a: {  	_ =	sdelay $0x2  }
0xa1b: {  	s22 =	simm.s32 $0x0;
	p5 =	por $0x0, $0x0  }
.LBB2_287:
.Ltmp329:
0xa1c: {  	(pc) =	sbr.rel .LBB2_292-.Ltmp329, $2  }
0xa1d: {  	_ =	sdelay $0x2  }
0xa1e: {  	s19 =	simm.s32 $0x0  }
.LBB2_299:
.Ltmp330:
0xa1f: {  	(pc) =	sbr.rel .LBB2_304-.Ltmp330, $2  }
0xa20: {  	_ =	sdelay $0x2  }
0xa21: {  	s22 =	simm.s32 $0x0;
	p5 =	por $0x0, $0x0  }
.LBB2_311:
.Ltmp331:
0xa22: {  	(pc) =	sbr.rel .LBB2_316-.Ltmp331, $2  }
0xa23: {  	_ =	sdelay $0x2  }
0xa24: {  	s19 =	simm.s32 $0x0  }
.LBB2_323:
.Ltmp332:
0xa25: {  	(pc) =	sbr.rel .LBB2_328-.Ltmp332, $2  }
0xa26: {  	_ =	sdelay $0x2  }
0xa27: {  	s22 =	simm.s32 $0x0;
	p5 =	por $0x0, $0x0  }
.LBB2_335:
.Ltmp333:
0xa28: {  	(pc) =	sbr.rel .LBB2_340-.Ltmp333, $2  }
0xa29: {  	_ =	sdelay $0x2  }
0xa2a: {  	s19 =	simm.s32 $0x0  }
.LBB2_347:
.Ltmp334:
0xa2b: {  	(pc) =	sbr.rel .LBB2_352-.Ltmp334, $2  }
0xa2c: {  	_ =	sdelay $0x2  }
0xa2d: {  	s22 =	simm.s32 $0x0;
	p5 =	por $0x0, $0x0  }
.LBB2_359:
.Ltmp335:
0xa2e: {  	(pc) =	sbr.rel .LBB2_364-.Ltmp335, $2  }
0xa2f: {  	_ =	sdelay $0x2  }
0xa30: {  	s19 =	simm.s32 $0x0  }
.LBB2_371:
.Ltmp336:
0xa31: {  	(pc) =	sbr.rel .LBB2_376-.Ltmp336, $2  }
0xa32: {  	_ =	sdelay $0x2  }
0xa33: {  	s22 =	simm.s32 $0x0;
	p5 =	por $0x0, $0x0  }
.LBB2_383:
.Ltmp337:
0xa34: {  	(pc) =	sbr.rel .LBB2_388-.Ltmp337, $2  }
0xa35: {  	_ =	sdelay $0x2  }
0xa36: {  	s20 =	simm.s32 $0x0  }
.LBB2_395:
.Ltmp338:
0xa37: {  	(pc) =	sbr.rel .LBB2_400-.Ltmp338, $2  }
0xa38: {  	_ =	sdelay $0x2  }
0xa39: {  	s22 =	simm.s32 $0x0  }
.LBB2_25:
.Ltmp339:
0xa3a: {  	(pc) =	sbr.rel .LBB2_28-.Ltmp339, $2  }
0xa3b: {  	_ =	sdelay $0x2  }
0xa3c: {  	s18 =	simm.s32 $0x0  }
.LBB2_37:
.Ltmp340:
0xa3d: {  	(pc) =	sbr.rel .LBB2_40-.Ltmp340, $2  }
0xa3e: {  	_ =	sdelay $0x2  }
0xa3f: {  	s22 =	simm.s32 $0x0  }
.LBB2_49:
.Ltmp341:
0xa40: {  	(pc) =	sbr.rel .LBB2_52-.Ltmp341, $2  }
0xa41: {  	_ =	sdelay $0x2  }
0xa42: {  	s19 =	simm.s32 $0x0  }
.LBB2_61:
.Ltmp342:
0xa43: {  	(pc) =	sbr.rel .LBB2_64-.Ltmp342, $2  }
0xa44: {  	_ =	sdelay $0x2  }
0xa45: {  	s22 =	simm.s32 $0x0  }
.LBB2_73:
.Ltmp343:
0xa46: {  	(pc) =	sbr.rel .LBB2_76-.Ltmp343, $2  }
0xa47: {  	_ =	sdelay $0x2  }
0xa48: {  	s19 =	simm.s32 $0x0  }
.LBB2_85:
.Ltmp344:
0xa49: {  	(pc) =	sbr.rel .LBB2_88-.Ltmp344, $2  }
0xa4a: {  	_ =	sdelay $0x2  }
0xa4b: {  	s22 =	simm.s32 $0x0  }
.LBB2_97:
.Ltmp345:
0xa4c: {  	(pc) =	sbr.rel .LBB2_100-.Ltmp345, $2  }
0xa4d: {  	_ =	sdelay $0x2  }
0xa4e: {  	s19 =	simm.s32 $0x0  }
.LBB2_109:
.Ltmp346:
0xa4f: {  	(pc) =	sbr.rel .LBB2_112-.Ltmp346, $2  }
0xa50: {  	_ =	sdelay $0x2  }
0xa51: {  	s22 =	simm.s32 $0x0  }
.LBB2_121:
.Ltmp347:
0xa52: {  	(pc) =	sbr.rel .LBB2_124-.Ltmp347, $2  }
0xa53: {  	_ =	sdelay $0x2  }
0xa54: {  	s19 =	simm.s32 $0x0  }
.LBB2_133:
.Ltmp348:
0xa55: {  	(pc) =	sbr.rel .LBB2_136-.Ltmp348, $2  }
0xa56: {  	_ =	sdelay $0x2  }
0xa57: {  	s22 =	simm.s32 $0x0  }
.LBB2_145:
.Ltmp349:
0xa58: {  	(pc) =	sbr.rel .LBB2_148-.Ltmp349, $2  }
0xa59: {  	_ =	sdelay $0x2  }
0xa5a: {  	s19 =	simm.s32 $0x0  }
.LBB2_157:
.Ltmp350:
0xa5b: {  	(pc) =	sbr.rel .LBB2_160-.Ltmp350, $2  }
0xa5c: {  	_ =	sdelay $0x2  }
0xa5d: {  	s22 =	simm.s32 $0x0  }
.LBB2_169:
.Ltmp351:
0xa5e: {  	(pc) =	sbr.rel .LBB2_172-.Ltmp351, $2  }
0xa5f: {  	_ =	sdelay $0x2  }
0xa60: {  	s19 =	simm.s32 $0x0  }
.LBB2_181:
.Ltmp352:
0xa61: {  	(pc) =	sbr.rel .LBB2_184-.Ltmp352, $2  }
0xa62: {  	_ =	sdelay $0x2  }
0xa63: {  	s22 =	simm.s32 $0x0  }
.LBB2_193:
.Ltmp353:
0xa64: {  	(pc) =	sbr.rel .LBB2_196-.Ltmp353, $2  }
0xa65: {  	_ =	sdelay $0x2  }
0xa66: {  	s19 =	simm.s32 $0x0  }
.LBB2_205:
.Ltmp354:
0xa67: {  	(pc) =	sbr.rel .LBB2_208-.Ltmp354, $2  }
0xa68: {  	_ =	sdelay $0x2  }
0xa69: {  	s22 =	simm.s32 $0x0  }
.LBB2_217:
.Ltmp355:
0xa6a: {  	(pc) =	sbr.rel .LBB2_220-.Ltmp355, $2  }
0xa6b: {  	_ =	sdelay $0x2  }
0xa6c: {  	s19 =	simm.s32 $0x0  }
.LBB2_229:
.Ltmp356:
0xa6d: {  	(pc) =	sbr.rel .LBB2_232-.Ltmp356, $2  }
0xa6e: {  	_ =	sdelay $0x2  }
0xa6f: {  	s22 =	simm.s32 $0x0  }
.LBB2_241:
.Ltmp357:
0xa70: {  	(pc) =	sbr.rel .LBB2_244-.Ltmp357, $2  }
0xa71: {  	_ =	sdelay $0x2  }
0xa72: {  	s19 =	simm.s32 $0x0  }
.LBB2_253:
.Ltmp358:
0xa73: {  	(pc) =	sbr.rel .LBB2_256-.Ltmp358, $2  }
0xa74: {  	_ =	sdelay $0x2  }
0xa75: {  	s22 =	simm.s32 $0x0  }
.LBB2_265:
.Ltmp359:
0xa76: {  	(pc) =	sbr.rel .LBB2_268-.Ltmp359, $2  }
0xa77: {  	_ =	sdelay $0x2  }
0xa78: {  	s19 =	simm.s32 $0x0  }
.LBB2_277:
.Ltmp360:
0xa79: {  	(pc) =	sbr.rel .LBB2_280-.Ltmp360, $2  }
0xa7a: {  	_ =	sdelay $0x2  }
0xa7b: {  	s22 =	simm.s32 $0x0  }
.LBB2_289:
.Ltmp361:
0xa7c: {  	(pc) =	sbr.rel .LBB2_292-.Ltmp361, $2  }
0xa7d: {  	_ =	sdelay $0x2  }
0xa7e: {  	s19 =	simm.s32 $0x0  }
.LBB2_301:
.Ltmp362:
0xa7f: {  	(pc) =	sbr.rel .LBB2_304-.Ltmp362, $2  }
0xa80: {  	_ =	sdelay $0x2  }
0xa81: {  	s22 =	simm.s32 $0x0  }
.LBB2_313:
.Ltmp363:
0xa82: {  	(pc) =	sbr.rel .LBB2_316-.Ltmp363, $2  }
0xa83: {  	_ =	sdelay $0x2  }
0xa84: {  	s19 =	simm.s32 $0x0  }
.LBB2_325:
.Ltmp364:
0xa85: {  	(pc) =	sbr.rel .LBB2_328-.Ltmp364, $2  }
0xa86: {  	_ =	sdelay $0x2  }
0xa87: {  	s22 =	simm.s32 $0x0  }
.LBB2_337:
.Ltmp365:
0xa88: {  	(pc) =	sbr.rel .LBB2_340-.Ltmp365, $2  }
0xa89: {  	_ =	sdelay $0x2  }
0xa8a: {  	s19 =	simm.s32 $0x0  }
.LBB2_349:
.Ltmp366:
0xa8b: {  	(pc) =	sbr.rel .LBB2_352-.Ltmp366, $2  }
0xa8c: {  	_ =	sdelay $0x2  }
0xa8d: {  	s22 =	simm.s32 $0x0  }
.LBB2_361:
.Ltmp367:
0xa8e: {  	(pc) =	sbr.rel .LBB2_364-.Ltmp367, $2  }
0xa8f: {  	_ =	sdelay $0x2  }
0xa90: {  	s19 =	simm.s32 $0x0  }
.LBB2_373:
.Ltmp368:
0xa91: {  	(pc) =	sbr.rel .LBB2_376-.Ltmp368, $2  }
0xa92: {  	_ =	sdelay $0x2  }
0xa93: {  	s22 =	simm.s32 $0x0  }
.LBB2_385:
.Ltmp369:
0xa94: {  	(pc) =	sbr.rel .LBB2_388-.Ltmp369, $2  }
0xa95: {  	_ =	sdelay $0x2  }
0xa96: {  	s20 =	simm.s32 $0x0  }
.LBB2_397:
.Ltmp370:
0xa97: {  	(pc) =	sbr.rel .LBB2_400-.Ltmp370, $2  }
0xa98: {  	_ =	sdelay $0x2  }
0xa99: {  	s22 =	simm.s32 $0x0  }
.LBB2_405:
0xa9a: {  	_ =	sfence.sel $0x180000  }
0xa9b: {  	[bflag:$0x0] =	sbarrier.arrive $0xFFFF  }
0xa9c: {  	p0 =	sne.s32 s4, $0x0;
	_ =	strace $0x90000047  }
0xa9d: {  	s0 =	sadd.s32 @!p0 $0x100000, s0;
	[bflag:$0x2] =	sbarrier.arrive $0xFFFF  }
0xa9e: {  	[sflag:s0] =	ssyncadd.tile.s32 @!p0 $0x1;
	_ =	shalt  }
.Lfunc_end2:
_tile_overlayer_lowered:
.L_overlay_start_2:
0xa9f: {  	(tag) =	ssettag $0x2  }
0xaa0: {  	s0 =	rddreg [dreg:$0x0];
	s2 =	stileid.u32  }
0xaa1: {  	s1 =	rddreg [dreg:$0x1];
	p0 =	sne.s32 s2, $0x0  }
0xaa2: {  	s3 =	rddreg [dreg:$0x2];
	[bflag:$0x3] =	sbarrier.arrive $0xFFFF;
	s2 =	simm.s32 @!p0 $0x1C01  }
0xaa3: {  	[timem:s3], [sflag:s2] =	dma.local @!p0 [hbm:s0], s1  }
0xaa4: {  	s0 =	simm.s32 @!p0 $0x1  }
0xaa5: {  	_ =	swait.ge @!p0 [sflag:s0], s1  }
0xaa6: {  	s1 =	ssub.s32 @!p0 $0x0, s1;
	[sflag:s0] =	ssyncset.done @!p0 $0x0  }
0xaa7: {  	[sflag:s0] =	ssyncadd.s32 @!p0 s1  }
0xaa8: {  	[bflag:$0x3] =	sbarrier.arrive $0xFFFF  }
0xaa9: {  	_ =	shalt  }

</sc_bundles>
